<compile_context>
chip_gen: v7x
topology: tpu7x:2x2x1
jax: 0.10.2.dev20260603
libtpu: 0.0.44.dev20260713+nightly
codegen_flags: <defaults>
</compile_context>

<pallas_src>
import functools

import numpy as np
import jax
import jax.numpy as jnp
from jax import lax
from jax.experimental import pallas as pl
from jax.experimental.pallas import tpu as pltpu
from jax.experimental.pallas import tpu_sc as plsc

D = 128
NCLU = 512
DOUT = 256
SC_CORES = 2
SC_SUBCORES = 16
NC4 = NCLU * 4


def _sc_cog(posT, cid):
    B, _, N = posT.shape
    RPW = N // SC_SUBCORES
    SLC = NC4 // SC_SUBCORES
    mesh = plsc.VectorSubcoreMesh(
        core_axis_name="c", subcore_axis_name="s",
        num_cores=SC_CORES, num_subcores=SC_SUBCORES)

    @functools.partial(
        pl.kernel,
        out_type=jax.ShapeDtypeStruct((B, N * 4), jnp.float32),
        mesh=mesh,
        scratch_types=[
            pltpu.VMEM((3, RPW), jnp.float32),
            pltpu.VMEM((RPW,), jnp.int32),
            pltpu.VMEM((16 * NC4,), jnp.float32),
            pltpu.VMEM((NC4,), jnp.float32),
            pltpu.VMEM((SC_SUBCORES, NC4 // SC_SUBCORES), jnp.float32),
            pltpu.VMEM((NC4 // SC_SUBCORES,), jnp.float32),
            pltpu.VMEM((NC4 // SC_SUBCORES,), jnp.float32),
            pltpu.VMEM((NC4,), jnp.float32),
            pltpu.VMEM((RPW * 4,), jnp.float32),
            pltpu.VMEM_SHARED((SC_SUBCORES, NC4), jnp.float32),
            pltpu.VMEM_SHARED((NC4,), jnp.float32),
        ],
        compiler_params=pltpu.CompilerParams(needs_layout_passes=False),
    )
    def kfn(posT_hbm, cid_hbm, cogg_hbm, posv, cidv, bins3f, binsl, partv,
            accv, cogmy, cogv, outv, bins_sh, cog_sh):
        b = lax.axis_index("c")
        s = lax.axis_index("s")
        base = s * RPW
        lane = lax.iota(jnp.int32, 16)
        zero16 = jnp.zeros((16,), jnp.float32)
        ones16 = jnp.ones((16,), jnp.float32)

        pltpu.sync_copy(posT_hbm.at[b, :, pl.ds(base, RPW)], posv)
        pltpu.sync_copy(cid_hbm.at[b, pl.ds(base, RPW)], cidv)

        def _zero(t, _):
            bins3f[pl.ds(t * 16, 16)] = zero16
            return 0
        lax.fori_loop(0, 16 * NC4 // 16, _zero, 0)

        def _scat(kk, _):
            cidk = cidv[pl.ds(kk * 16, 16)]
            fr = lane * NC4 + cidk * 4
            plsc.addupdate_scatter(bins3f, [fr], posv[0, pl.ds(kk * 16, 16)])
            plsc.addupdate_scatter(bins3f, [fr + 1],
                                   posv[1, pl.ds(kk * 16, 16)])
            plsc.addupdate_scatter(bins3f, [fr + 2],
                                   posv[2, pl.ds(kk * 16, 16)])
            plsc.addupdate_scatter(bins3f, [fr + 3], ones16)
            return 0
        lax.fori_loop(0, RPW // 16, _scat, 0)

        def _red(jc, _):
            acc = bins3f[pl.ds(jc * 16, 16)]
            for r in range(1, 16):
                acc = acc + bins3f[pl.ds(r * NC4 + jc * 16, 16)]
            binsl[pl.ds(jc * 16, 16)] = acc
            return 0
        lax.fori_loop(0, NC4 // 16, _red, 0)

        pltpu.sync_copy(binsl, bins_sh.at[s])
        plsc.subcore_barrier()

        SLCc = NC4 // SC_SUBCORES
        pltpu.sync_copy(bins_sh.at[:, pl.ds(s * SLCc, SLCc)], partv)
        divpat = jnp.bitwise_and(lane, -4) + 3
        def _cog(jc, _):
            acc = partv[0, pl.ds(jc * 16, 16)]
            for r in range(1, 16):
                acc = acc + partv[r, pl.ds(jc * 16, 16)]
            accv[pl.ds(jc * 16, 16)] = acc
            dv = plsc.load_gather(accv, [divpat + jc * 16])
            dv = jnp.maximum(dv, 1.0)
            cogmy[pl.ds(jc * 16, 16)] = acc / dv
            return 0
        lax.fori_loop(0, SLCc // 16, _cog, 0)
        pltpu.sync_copy(cogmy, cog_sh.at[pl.ds(s * SLCc, SLCc)])
        plsc.subcore_barrier()

        pltpu.sync_copy(cog_sh, cogv)
        def _gat(kk, _):
            cidk = cidv[pl.ds(kk * 16, 16)]
            fr = cidk * 4
            ro = (lane + kk * 16) * 4
            for comp in range(4):
                g = plsc.load_gather(cogv, [fr + comp])
                plsc.store_scatter(outv, [ro + comp], g)
            return 0
        lax.fori_loop(0, RPW // 16, _gat, 0)
        pltpu.sync_copy(outv, cogg_hbm.at[b, pl.ds(base * 4, RPW * 4)])

    return kfn(posT, cid)


R1 = 1024


def _rows_body(pos_ref, feat_ref, cogg_ref, w1a_ref, b1a_ref, w1b_ref,
               b1b_ref, w2a_ref, b2a_ref, w2b_ref, b2b_ref, wq_ref, wk_ref,
               wv_ref, hpos_ref, q_ref, kv_ref):
    p = pos_ref[0]
    cg = cogg_ref[0][:, :3]
    lp = p - cg
    n = jnp.sqrt(jnp.sum(lp * lp, axis=1, keepdims=True))
    e1 = jnp.concatenate(
        [lp, n, jnp.zeros((R1, 4), jnp.float32)], axis=1)
    f = feat_ref[0]
    a1 = jnp.maximum(
        jnp.dot(e1, w1a_ref[...], preferred_element_type=jnp.float32)
        + b1a_ref[...], 0.0)
    hp = f + jnp.dot(a1, w1b_ref[...],
                     preferred_element_type=jnp.float32) + b1b_ref[...]
    a2 = jnp.maximum(
        jnp.dot(e1, w2a_ref[...], preferred_element_type=jnp.float32)
        + b2a_ref[...], 0.0)
    hg = f + jnp.dot(a2, w2b_ref[...],
                     preferred_element_type=jnp.float32) + b2b_ref[...]
    hpos_ref[0] = hp
    q_ref[0] = (jnp.dot(hg, wq_ref[...], preferred_element_type=jnp.float32)
                * (1.0 / np.sqrt(D))).astype(jnp.bfloat16)
    kv_ref[0] = jnp.concatenate(
        [jnp.dot(hg, wk_ref[...], preferred_element_type=jnp.float32),
         jnp.dot(hp, wv_ref[...], preferred_element_type=jnp.float32)],
        axis=1).astype(jnp.bfloat16)


def _tc_rows(pos, feat, cogg, w1a_p, b1a, w1b, b1b, w2a_p, b2a, w2b, b2b,
             wq, wk, wv):
    B, N, _ = pos.shape
    grid = (B, N // R1)
    row3 = lambda b, i: (b, i, 0)
    cst = lambda b, i: (0, 0)
    wspec = lambda shp: pl.BlockSpec(shp, cst)
    out = pl.pallas_call(
        _rows_body,
        grid=grid,
        in_specs=[
            pl.BlockSpec((1, R1, 3), row3),
            pl.BlockSpec((1, R1, D), row3),
            pl.BlockSpec((1, R1, 4), row3),
            wspec((8, D)), wspec((1, D)), wspec((D, D)), wspec((1, D)),
            wspec((8, D)), wspec((1, D)), wspec((D, D)), wspec((1, D)),
            wspec((D, D)), wspec((D, D)), wspec((D, D)),
        ],
        out_specs=[pl.BlockSpec((1, R1, D), row3)] * 2
        + [pl.BlockSpec((1, R1, 2 * D), row3)],
        out_shape=[jax.ShapeDtypeStruct((B, N, D), jnp.float32),
                   jax.ShapeDtypeStruct((B, N, D), jnp.bfloat16),
                   jax.ShapeDtypeStruct((B, N, 2 * D), jnp.bfloat16)],
    )(pos, feat, cogg, w1a_p, b1a, w1b, b1b, w2a_p, b2a, w2b, b2b, wq, wk, wv)
    return out


RB = 1024
CBK = 256
WSUB = 6
WINC = CBK * WSUB
NCBS = 4096 // CBK


def _attn_body(lo_ref, nw_ref, q_ref, kv0_ref, kv1_ref, kv2_ref, kv3_ref,
               kv4_ref, kv5_ref, hpos_ref, rs_ref, wo_ref, bo_ref, g_ref,
               be_ref, wtd_ref, btd_ref, f2_ref, st_ref, m_s, l_s, acc_s,
               st_s):
    b = pl.program_id(0)
    i = pl.program_id(1)
    j = pl.program_id(2)
    nb = nw_ref[b, i]

    @pl.when(j < nb)
    def _():
        q = q_ref[0]
        kv = jnp.concatenate(
            [kv0_ref[0], kv1_ref[0], kv2_ref[0], kv3_ref[0], kv4_ref[0],
             kv5_ref[0]], axis=0)
        kk = kv[:, :D]
        vv = kv[:, D:]
        s = lax.dot_general(q, kk, (((1,), (1,)), ((), ())),
                            preferred_element_type=jnp.float32)
        ilane = jax.lax.broadcasted_iota(jnp.int32, (1, WINC), 1)
        sub = ilane // CBK
        cblk = lo_ref[b, i] + j * WSUB + sub
        colabs = (jnp.minimum(cblk, NCBS - 1) * CBK
                  + (ilane - sub * CBK)).astype(jnp.float32)
        valid = cblk < NCBS
        rs = rs_ref[0]
        ss = rs[:, 0:1]
        se = rs[:, 1:2]
        mask = jnp.logical_and(
            valid, jnp.logical_and(colabs >= ss, colabs < se))
        s = jnp.where(mask, s, -1e9)

        def _epilogue(o):
            o = lax.dot_general(o, wo_ref[...], (((1,), (0,)), ((), ())),
                                preferred_element_type=jnp.float32)
            o = o + bo_ref[...] + hpos_ref[0]
            mu = jnp.mean(o, axis=1, keepdims=True)
            oc = o - mu
            var = jnp.mean(oc * oc, axis=1, keepdims=True)
            ob = oc * lax.rsqrt(var + 1e-5) * g_ref[...] + be_ref[...]
            f2 = lax.dot_general(ob, wtd_ref[...], (((1,), (0,)), ((), ())),
                                 preferred_element_type=jnp.float32)
            f2 = f2 + btd_ref[...]
            f2_ref[0] = f2

            @pl.when(jnp.logical_and(b == 0, i == 0))
            def _():
                st_s[...] = jnp.zeros((8, DOUT), jnp.float32)

            st_s[0:1, :] = st_s[0:1, :] + jnp.sum(f2, axis=0, keepdims=True)
            st_s[1:2, :] = st_s[1:2, :] + jnp.sum(f2 * f2, axis=0,
                                                  keepdims=True)
            st_ref[...] = st_s[...]

        @pl.when(nb == 1)
        def _():
            m1 = jnp.max(s, axis=1, keepdims=True)
            p1 = jnp.exp(s - m1)
            l1 = jnp.sum(p1, axis=1, keepdims=True)
            acc = lax.dot_general(
                p1.astype(jnp.bfloat16), vv, (((1,), (0,)), ((), ())),
                preferred_element_type=jnp.float32)
            _epilogue(acc / l1)

        @pl.when(nb > 1)
        def _():
            @pl.when(j == 0)
            def _():
                m_s[...] = jnp.full((RB, 128), -1e30, jnp.float32)
                l_s[...] = jnp.zeros((RB, 128), jnp.float32)
                acc_s[...] = jnp.zeros((RB, D), jnp.float32)

            m_curr = jnp.max(s, axis=1, keepdims=True)
            m_prev = m_s[:, :1]
            m_new = jnp.maximum(m_prev, m_curr)
            alpha = jnp.exp(m_prev - m_new)
            p_ = jnp.exp(s - m_new)
            l_new = l_s[:, :1] * alpha + jnp.sum(p_, axis=1, keepdims=True)
            acc_s[...] = acc_s[...] * alpha + lax.dot_general(
                p_.astype(jnp.bfloat16), vv, (((1,), (0,)), ((), ())),
                preferred_element_type=jnp.float32)
            m_s[...] = jnp.broadcast_to(m_new, (RB, 128))
            l_s[...] = jnp.broadcast_to(l_new, (RB, 128))

            @pl.when(j == nb - 1)
            def _():
                _epilogue(acc_s[...] / l_s[:, :1])


def _tc_attn(q, kv, hpos, rowseg, lo, nw, wo, bo, ln1_g, ln1_b, wtd, btd):
    B, N, _ = q.shape
    NR = N // RB
    MAXJ = -(-N // WINC)
    grid = (B, NR, MAXJ)

    def qmap(b, i, j, lo_r, nw_r):
        return (b, i, 0)

    def kvmap(t):
        def _m(b, i, j, lo_r, nw_r):
            jj = jnp.minimum(lo_r[b, i] + j * WSUB + t, NCBS - 1)
            return (b, jj, 0)
        return _m

    def rsmap(b, i, j, lo_r, nw_r):
        return (b * NR + i, 0, 0)

    cst = lambda b, i, j, lo_r, nw_r: (0, 0)
    wspec = lambda shp: pl.BlockSpec(shp, cst)
    grid_spec = pltpu.PrefetchScalarGridSpec(
        num_scalar_prefetch=2,
        grid=grid,
        in_specs=[pl.BlockSpec((1, RB, D), qmap)]
        + [pl.BlockSpec((1, CBK, 2 * D), kvmap(t)) for t in range(WSUB)]
        + [pl.BlockSpec((1, RB, D), qmap),
           pl.BlockSpec((1, RB, 2), rsmap)]
        + [wspec((D, D)), wspec((1, D)), wspec((1, D)), wspec((1, D)),
           wspec((D, DOUT)), wspec((1, DOUT))],
        out_specs=[
            pl.BlockSpec((1, RB, DOUT), qmap),
            pl.BlockSpec((8, DOUT), cst),
        ],
        scratch_shapes=[
            pltpu.VMEM((RB, 128), jnp.float32),
            pltpu.VMEM((RB, 128), jnp.float32),
            pltpu.VMEM((RB, D), jnp.float32),
            pltpu.VMEM((8, DOUT), jnp.float32),
        ],
    )
    f2, st = pl.pallas_call(
        _attn_body,
        grid_spec=grid_spec,
        out_shape=[
            jax.ShapeDtypeStruct((B, N, DOUT), jnp.float32),
            jax.ShapeDtypeStruct((8, DOUT), jnp.float32),
        ],
    )(lo, nw, q, kv, kv, kv, kv, kv, kv, hpos, rowseg, wo, bo, ln1_g, ln1_b,
      wtd, btd)
    return f2, st


def _sc_down(f2f, kidx2, fpsf, posf, scale, shift):
    BN = f2f.shape[0]
    P = fpsf.shape[0]
    NW = SC_CORES * SC_SUBCORES
    PW = P // NW
    NG = PW // 8
    mesh = plsc.VectorSubcoreMesh(
        core_axis_name="c", subcore_axis_name="s",
        num_cores=SC_CORES, num_subcores=SC_SUBCORES)

    @functools.partial(
        pl.kernel,
        out_type=(jax.ShapeDtypeStruct((P * DOUT,), jnp.float32),
                  jax.ShapeDtypeStruct((P * 3,), jnp.float32)),
        mesh=mesh,
        scratch_types=[
            pltpu.VMEM((NG, 128), jnp.int32),
            pltpu.VMEM((128, DOUT), jnp.float32),
            pltpu.VMEM((128, DOUT), jnp.float32),
            pltpu.VMEM((DOUT,), jnp.float32),
            pltpu.VMEM((DOUT,), jnp.float32),
            pltpu.VMEM((PW * DOUT,), jnp.float32),
            pltpu.VMEM((PW,), jnp.int32),
            pltpu.VMEM((BN * 3,), jnp.float32),
            pltpu.VMEM((PW * 3,), jnp.float32),
            pltpu.SemaphoreType.DMA,
            pltpu.SemaphoreType.DMA,
        ],
        compiler_params=pltpu.CompilerParams(needs_layout_passes=False),
    )
    def kfn(f2_hbm, kidx_hbm, fps_hbm, pos_hbm, scale_hbm, shift_hbm,
            featd_hbm, posd_hbm, kidxv, rows0, rows1, scalev, shiftv, outv,
            fpsv, posv, outp, sem0, sem1):
        c = lax.axis_index("c")
        s = lax.axis_index("s")
        wid = c * SC_SUBCORES + s
        lane = lax.iota(jnp.int32, 16)

        pltpu.sync_copy(kidx_hbm.at[pl.ds(wid * NG, NG)], kidxv)
        pltpu.sync_copy(scale_hbm, scalev)
        pltpu.sync_copy(shift_hbm, shiftv)
        pltpu.sync_copy(fps_hbm.at[pl.ds(wid * PW, PW)], fpsv)
        pltpu.sync_copy(pos_hbm, posv)

        def _process(g, rbuf):
            for p in range(8):
                def _chunk(ch, _, p=p):
                    cs = ch * 16
                    mx = rbuf[p * 16, pl.ds(cs, 16)]
                    mn = mx
                    for r in range(1, 16):
                        vv = rbuf[p * 16 + r, pl.ds(cs, 16)]
                        mx = jnp.maximum(mx, vv)
                        mn = jnp.minimum(mn, vv)
                    sc = scalev[pl.ds(cs, 16)]
                    sh = shiftv[pl.ds(cs, 16)]
                    val = jnp.maximum(sc * mx + sh, sc * mn + sh)
                    val = jnp.maximum(val, 0.0)
                    outv[pl.ds((g * 8 + p) * DOUT + cs, 16)] = val
                    return 0
                lax.fori_loop(0, DOUT // 16, _chunk, 0)

        pltpu.async_copy(f2_hbm.at[kidxv.at[0]], rows0, sem0)
        def _outer(t, _):
            g0 = t * 2
            pltpu.make_async_copy(f2_hbm.at[kidxv.at[g0]], rows0, sem0).wait()
            pltpu.async_copy(f2_hbm.at[kidxv.at[g0 + 1]], rows1, sem1)
            _process(g0, rows0)
            pltpu.make_async_copy(
                f2_hbm.at[kidxv.at[g0 + 1]], rows1, sem1).wait()
            @pl.when(t + 1 < NG // 2)
            def _():
                pltpu.async_copy(f2_hbm.at[kidxv.at[g0 + 2]], rows0, sem0)
            _process(g0 + 1, rows1)
            return 0
        lax.fori_loop(0, NG // 2, _outer, 0)
        pltpu.sync_copy(outv, featd_hbm.at[pl.ds(wid * PW * DOUT, PW * DOUT)])

        for jf in range(PW // 16):
            idx = fpsv[pl.ds(jf * 16, 16)]
            ro = (lane + jf * 16) * 3
            fr = idx * 3
            for comp in range(3):
                g = plsc.load_gather(posv, [fr + comp])
                plsc.store_scatter(outp, [ro + comp], g)
        pltpu.sync_copy(outp, posd_hbm.at[pl.ds(wid * PW * 3, PW * 3)])

    return kfn(f2f, kidx2, fpsf, posf, scale, shift)


def kernel(pos, feat, cluster_idx, fps_idx, k_idx, w1a, b1a, w1b, b1b, w2a,
           b2a, w2b, b2b, wq, wk, wv, wo, bo, ln1_g, ln1_b, wtd, btd, bn_g,
           bn_b):
    B, N, _ = pos.shape
    ND = N // 4
    cid = cluster_idx.astype(jnp.int32)
    posT = jnp.transpose(pos, (0, 2, 1))

    cogg = _sc_cog(posT, cid).reshape(B, N, 4)

    w1a_p = jnp.concatenate([w1a, jnp.zeros((4, D), jnp.float32)], axis=0)
    w2a_p = jnp.concatenate([w2a[3:6], jnp.zeros((5, D), jnp.float32)],
                            axis=0)
    hpos, q, kv = _tc_rows(
        pos, feat, cogg, w1a_p, b1a.reshape(1, D), w1b, b1b.reshape(1, D),
        w2a_p, b2a.reshape(1, D), w2b, b2b.reshape(1, D), wq, wk, wv)

    NR = N // RB
    ar = jnp.arange(N, dtype=jnp.int32)[None, :]
    chg_lo = jnp.concatenate(
        [jnp.ones((B, 1), bool), cid[:, 1:] != cid[:, :-1]], axis=1)
    ss = lax.cummax(jnp.where(chg_lo, ar, 0), axis=1)
    endcand = jnp.where(
        jnp.concatenate([chg_lo[:, 1:], jnp.ones((B, 1), bool)], axis=1),
        ar + 1, N)
    se = lax.cummin(endcand[:, ::-1], axis=1)[:, ::-1]
    rowseg = jnp.stack(
        [ss.astype(jnp.float32), se.astype(jnp.float32)],
        axis=-1).reshape(B * NR, RB, 2)
    lo = (ss[:, ::RB] // CBK).astype(jnp.int32)
    nw = ((se[:, RB - 1::RB] - lo * CBK + WINC - 1) // WINC).astype(jnp.int32)

    f2, st = _tc_attn(q, kv, hpos, rowseg, lo, nw, wo,
                      bo.reshape(1, D), ln1_g.reshape(1, D),
                      ln1_b.reshape(1, D), wtd, btd.reshape(1, DOUT))

    cnt = B * N
    m = st[0] / cnt
    var = st[1] / cnt - m * m
    scale = bn_g / jnp.sqrt(var + 1e-5)
    shift = bn_b - m * scale

    boff = (jnp.arange(B, dtype=jnp.int32) * N)[:, None, None]
    kflat = (k_idx.astype(jnp.int32) + boff).reshape(-1, 128)
    fpsf = (fps_idx.astype(jnp.int32) + boff[:, :, 0]).reshape(-1)
    f2f = f2.reshape(B * N, DOUT)
    posf = pos.reshape(-1)

    featd, posd = _sc_down(f2f, kflat, fpsf, posf, scale, shift)
    pos_down = posd.reshape(B, ND, 3)
    feat_down = featd.reshape(B, ND, DOUT)
    return pos_down, feat_down

# --- scband reference (transcript-rebuilt; emitter-appended) ---
"""Pipeline reference for scband-dlptdown-layer-74586402062450 (READ-ONLY COPY).

The authoritative reference and input builder live on the scoring server;
editing this copy changes nothing except your own understanding.
"""

import jax, jax.numpy as jnp
import numpy as np

D = 128
NC = 512
DO = 256

def setup_inputs(seed: int = 0) -> dict:
    key = jax.random.key(seed)
    ks = jax.random.split(key, 24)
    B, N = 2, 4096
    s = 0.05
    inp = {}
    inp['pos'] = jax.random.normal(ks[0], (B, N, 3), dtype=jnp.float32)
    inp['feat'] = jax.random.normal(ks[1], (B, N, D), dtype=jnp.float32)
    inp['cluster_idx'] = jnp.sort(jax.random.randint(ks[2], (B, N), 0, NC), axis=-1)
    inp['fps_idx'] = jax.random.randint(ks[3], (B, N // 4), 0, N)
    inp['k_idx'] = jax.random.randint(ks[4], (B, N // 4, 16), 0, N)
    inp['w1a'] = jax.random.normal(ks[5], (4, D)) * s
    inp['b1a'] = jnp.zeros((D,), jnp.float32)
    inp['w1b'] = jax.random.normal(ks[6], (D, D)) * s
    inp['b1b'] = jnp.zeros((D,), jnp.float32)
    inp['w2a'] = jax.random.normal(ks[7], (6, D)) * s
    inp['b2a'] = jnp.zeros((D,), jnp.float32)
    inp['w2b'] = jax.random.normal(ks[8], (D, D)) * s
    inp['b2b'] = jnp.zeros((D,), jnp.float32)
    inp['wq'] = jax.random.normal(ks[9], (D, D)) * s
    inp['wk'] = jax.random.normal(ks[10], (D, D)) * s
    inp['wv'] = jax.random.normal(ks[11], (D, D)) * s
    inp['wo'] = jax.random.normal(ks[12], (D, D)) * s
    inp['bo'] = jnp.zeros((D,), jnp.float32)
    inp['ln1_g'] = jnp.ones((D,), jnp.float32)
    inp['ln1_b'] = jnp.zeros((D,), jnp.float32)
    inp['wtd'] = jax.random.normal(ks[13], (D, DO)) * s
    inp['btd'] = jnp.zeros((DO,), jnp.float32)
    inp['bn_g'] = jnp.ones((DO,), jnp.float32)
    inp['bn_b'] = jnp.zeros((DO,), jnp.float32)
    return inp

def _dlpt_down(pos, feat, cluster_idx, fps_idx, k_idx, w1a, b1a, w1b, b1b, w2a, b2a, w2b, b2b, wq, wk, wv, wo, bo, ln1_g, ln1_b, wtd, btd, bn_g, bn_b):
    # --- LPE block: per-cluster centering + position/geometry embeddings ---
    def lpe_b(p, f, cid):
        cnt = jax.ops.segment_sum(jnp.ones((p.shape[0],), jnp.float32), cid, num_segments=NC)
        cnt = jnp.maximum(cnt, 1.0)
        cog = jax.ops.segment_sum(p, cid, num_segments=NC) / cnt[:, None]
        local_p = p - cog[cid]
        n = jnp.linalg.norm(local_p, axis=1, keepdims=True)
        e1 = jnp.concatenate([local_p, n], axis=1)
        embed_pos = jax.nn.relu(e1 @ w1a + b1a) @ w1b + b1b
        h_pos = f + embed_pos
        avg = jax.ops.segment_sum(local_p, cid, num_segments=NC) / cnt[:, None]
        e2 = jnp.concatenate([avg[cid], local_p], axis=1)
        embed_geo = jax.nn.relu(e2 @ w2a + b2a) @ w2b + b2b
        h_geo = f + embed_geo
        return h_pos, h_geo
    h_pos, h_geo = jax.vmap(lpe_b)(pos, feat, cluster_idx)
    # --- DLSA block: cluster-masked self-attention (identical math to per-cluster loops) ---
    Q = (h_geo @ wq) / np.sqrt(D)
    K = h_geo @ wk
    V = h_pos @ wv
    mask = cluster_idx[:, :, None] == cluster_idx[:, None, :]
    scores = jnp.einsum('bnd,bmd->bnm', Q, K)
    scores = jnp.where(mask, scores, -1e9)
    attn = jax.nn.softmax(scores, axis=-1)
    out = jnp.einsum('bnm,bmd->bnd', attn, V) @ wo + bo
    # residual + LN1 (DLPTBlock returns feat_out, per the original code path)
    feat_out = h_pos + out
    mu = feat_out.mean(-1, keepdims=True)
    var = feat_out.var(-1, keepdims=True)
    feat_out = (feat_out - mu) / jnp.sqrt(var + 1e-5) * ln1_g + ln1_b
    # --- TransitionDown: linear -> BN (batch stats) -> ReLU -> FPS gather -> kNN max-pool ---
    f2 = feat_out @ wtd + btd
    m = f2.mean(axis=(0, 1))
    v = f2.var(axis=(0, 1))
    f2 = (f2 - m) / jnp.sqrt(v + 1e-5) * bn_g + bn_b
    f2 = jax.nn.relu(f2)
    pos_down = jnp.take_along_axis(pos, fps_idx[:, :, None], axis=1)
    feat_knn = jax.vmap(lambda f, idx: f[idx])(f2, k_idx)
    feat_down = jnp.max(feat_knn, axis=2)
    return pos_down, feat_down

def reference(pos, feat, cluster_idx, fps_idx, k_idx, w1a, b1a, w1b, b1b, w2a, b2a, w2b, b2b, wq, wk, wv, wo, bo, ln1_g, ln1_b, wtd, btd, bn_g, bn_b):
    return _dlpt_down(pos, feat, cluster_idx, fps_idx, k_idx, w1a, b1a, w1b, b1b, w2a, b2a, w2b, b2b, wq, wk, wv, wo, bo, ln1_g, ln1_b, wtd, btd, bn_g, bn_b)

if __name__ == "__main__":
    import jax
    _d = setup_inputs()
    print(jax.jit(kernel)(*tuple(_d.values())))

</pallas_src>

<mosaic_0001>
#map = affine_map<(d0, d1) -> (0, 0, 0)>
#map1 = affine_map<(d0, d1) -> (0, 0)>
module attributes {stable_mosaic.version = 14 : i64} {
  func.func @kfn(%arg0: i32, %arg1: i32, %arg2: memref<2x3x4096xf32, #tpu.memory_space<hbm>>, %arg3: memref<2x4096xi32, #tpu.memory_space<hbm>>, %arg4: memref<2x16384xf32, #tpu.memory_space<hbm>>, %arg5: memref<3x256xf32, #tpu.memory_space<vmem>>, %arg6: memref<256xi32, #tpu.memory_space<vmem>>, %arg7: memref<32768xf32, #tpu.memory_space<vmem>>, %arg8: memref<2048xf32, #tpu.memory_space<vmem>>, %arg9: memref<16x128xf32, #tpu.memory_space<vmem>>, %arg10: memref<128xf32, #tpu.memory_space<vmem>>, %arg11: memref<128xf32, #tpu.memory_space<vmem>>, %arg12: memref<2048xf32, #tpu.memory_space<vmem>>, %arg13: memref<1024xf32, #tpu.memory_space<vmem>>, %arg14: memref<16x2048xf32, #tpu.memory_space<vmem_shared>>, %arg15: memref<2048xf32, #tpu.memory_space<vmem_shared>>) attributes {dimension_semantics = [#tpu.dimension_semantics<core_parallel>, #tpu.dimension_semantics<subcore_parallel>], iteration_bounds = array<i64: 2, 16>, scalar_prefetch = 0 : i64, scratch_operands = 11 : i64, tpu.core_type = #tpu.core_type<sc_vector_subcore>, window_params = [{transform_indices = #map}, {transform_indices = #map1}, {transform_indices = #map1}]} {
    %mul3A = arith.constant 256 : i32
    %mul3A_0 = arith.muli %arg1, %mul3A : i32
    %iota3A = tpu.iota {dimensions = array<i32: 0>} : vector<16xi32>
    %broadcast_in_dim3A = arith.constant 0.000000e+00 : f32
    %broadcast_in_dim3A_1 = vector.broadcast %broadcast_in_dim3A : f32 to vector<16xf32>
    %broadcast_in_dim3A_2 = arith.constant 1.000000e+00 : f32
    %broadcast_in_dim3A_3 = vector.broadcast %broadcast_in_dim3A_2 : f32 to vector<16xf32>
    "tpu.region"() ({
      %run_scoped3A = tpu.sem_alloc : memref<!tpu.dma_semaphore, #tpu.memory_space<semaphore_mem>>
      %dma_start3A = arith.constant 0 : i32
      %dma_start3A_49 = tpu.memref_slice %arg2[%arg0, %dma_start3A, %mul3A_0] : memref<2x3x4096xf32, #tpu.memory_space<hbm>> -> memref<1x3x256xf32, #tpu.memory_space<hbm>>
      %dma_start3A_50 = tpu.memref_squeeze %dma_start3A_49 : memref<1x3x256xf32, #tpu.memory_space<hbm>> -> memref<3x256xf32, #tpu.memory_space<hbm>>
      %dma_start3A_51 = arith.constant 0 : i32
      %dma_start3A_52 = tpu.memref_slice %arg2[%arg0, %dma_start3A_51, %mul3A_0] : memref<2x3x4096xf32, #tpu.memory_space<hbm>> -> memref<1x3x256xf32, #tpu.memory_space<hbm>>
      %dma_start3A_53 = tpu.memref_squeeze %dma_start3A_52 : memref<1x3x256xf32, #tpu.memory_space<hbm>> -> memref<3x256xf32, #tpu.memory_space<hbm>>
      tpu.enqueue_dma source(%dma_start3A_53 : memref<3x256xf32, #tpu.memory_space<hbm>>) target(%arg5 : memref<3x256xf32, #tpu.memory_space<vmem>>) target_semaphore(%run_scoped3A : memref<!tpu.dma_semaphore, #tpu.memory_space<semaphore_mem>>)
      %dma_wait3A = arith.constant 0 : i32
      %dma_wait3A_54 = tpu.memref_slice %arg2[%arg0, %dma_wait3A, %mul3A_0] : memref<2x3x4096xf32, #tpu.memory_space<hbm>> -> memref<1x3x256xf32, #tpu.memory_space<hbm>>
      %dma_wait3A_55 = tpu.memref_squeeze %dma_wait3A_54 : memref<1x3x256xf32, #tpu.memory_space<hbm>> -> memref<3x256xf32, #tpu.memory_space<hbm>>
      %dma_wait3A_56 = arith.constant 0 : i32
      %dma_wait3A_57 = tpu.memref_slice %arg2[%arg0, %dma_wait3A_56, %mul3A_0] : memref<2x3x4096xf32, #tpu.memory_space<hbm>> -> memref<1x3x256xf32, #tpu.memory_space<hbm>>
      %dma_wait3A_58 = tpu.memref_squeeze %dma_wait3A_57 : memref<1x3x256xf32, #tpu.memory_space<hbm>> -> memref<3x256xf32, #tpu.memory_space<hbm>>
      tpu.wait_dma2 semaphore(%run_scoped3A : memref<!tpu.dma_semaphore, #tpu.memory_space<semaphore_mem>>) src(%dma_wait3A_58 : memref<3x256xf32, #tpu.memory_space<hbm>>) dst(%arg5 : memref<3x256xf32, #tpu.memory_space<vmem>>)
      tpu.yield
    }) : () -> ()
    "tpu.region"() ({
      %run_scoped3A = tpu.sem_alloc : memref<!tpu.dma_semaphore, #tpu.memory_space<semaphore_mem>>
      %dma_start3A = tpu.memref_slice %arg3[%arg0, %mul3A_0] : memref<2x4096xi32, #tpu.memory_space<hbm>> -> memref<1x256xi32, #tpu.memory_space<hbm>>
      %dma_start3A_49 = tpu.memref_squeeze %dma_start3A : memref<1x256xi32, #tpu.memory_space<hbm>> -> memref<256xi32, #tpu.memory_space<hbm>>
      %dma_start3A_50 = tpu.memref_slice %arg3[%arg0, %mul3A_0] : memref<2x4096xi32, #tpu.memory_space<hbm>> -> memref<1x256xi32, #tpu.memory_space<hbm>>
      %dma_start3A_51 = tpu.memref_squeeze %dma_start3A_50 : memref<1x256xi32, #tpu.memory_space<hbm>> -> memref<256xi32, #tpu.memory_space<hbm>>
      tpu.enqueue_dma source(%dma_start3A_51 : memref<256xi32, #tpu.memory_space<hbm>>) target(%arg6 : memref<256xi32, #tpu.memory_space<vmem>>) target_semaphore(%run_scoped3A : memref<!tpu.dma_semaphore, #tpu.memory_space<semaphore_mem>>)
      %dma_wait3A = tpu.memref_slice %arg3[%arg0, %mul3A_0] : memref<2x4096xi32, #tpu.memory_space<hbm>> -> memref<1x256xi32, #tpu.memory_space<hbm>>
      %dma_wait3A_52 = tpu.memref_squeeze %dma_wait3A : memref<1x256xi32, #tpu.memory_space<hbm>> -> memref<256xi32, #tpu.memory_space<hbm>>
      %dma_wait3A_53 = tpu.memref_slice %arg3[%arg0, %mul3A_0] : memref<2x4096xi32, #tpu.memory_space<hbm>> -> memref<1x256xi32, #tpu.memory_space<hbm>>
      %dma_wait3A_54 = tpu.memref_squeeze %dma_wait3A_53 : memref<1x256xi32, #tpu.memory_space<hbm>> -> memref<256xi32, #tpu.memory_space<hbm>>
      tpu.wait_dma2 semaphore(%run_scoped3A : memref<!tpu.dma_semaphore, #tpu.memory_space<semaphore_mem>>) src(%dma_wait3A_54 : memref<256xi32, #tpu.memory_space<hbm>>) dst(%arg6 : memref<256xi32, #tpu.memory_space<vmem>>)
      tpu.yield
    }) : () -> ()
    %scan3A = arith.constant 0 : i32
    %scan3A_4 = arith.constant 0 : i32
    %scan3A_5 = arith.constant 2048 : i32
    %scan3A_6 = arith.addi %scan3A_4, %scan3A_5 : i32
    %scan3A_7 = arith.constant 1 : i32
    %scan3A_8 = scf.for %scan3A_49 = %scan3A_4 to %scan3A_6 step %scan3A_7 iter_args(%scan3A_50 = %scan3A) -> (i32)  : i32 {
      %mul3A_51 = arith.constant 16 : i32
      %mul3A_52 = arith.muli %scan3A_49, %mul3A_51 : i32
      %swap3A = arith.index_cast %mul3A_52 : i32 to index
      %swap3A_53 = tpu.vector_load %arg7[%swap3A] {strides = array<i32>} : memref<32768xf32, #tpu.memory_space<vmem>>, vector<16xf32>,
      tpu.vector_store %arg7[%swap3A], %broadcast_in_dim3A_1 {strides = array<i32>} : memref<32768xf32, #tpu.memory_space<vmem>>, vector<16xf32>,
      %scan3A_54 = arith.constant 0 : i32
      scf.yield %scan3A_54 : i32
    }
    %scan3A_9 = arith.constant 2048 : i32
    %scan3A_10 = arith.constant 0 : i32
    %scan3A_11 = arith.constant 0 : i32
    %scan3A_12 = arith.constant 16 : i32
    %scan3A_13 = arith.addi %scan3A_11, %scan3A_12 : i32
    %scan3A_14 = arith.constant 1 : i32
    %scan3A_15 = scf.for %scan3A_49 = %scan3A_11 to %scan3A_13 step %scan3A_14 iter_args(%scan3A_50 = %scan3A_10) -> (i32)  : i32 {
      %mul3A_51 = arith.constant 16 : i32
      %mul3A_52 = arith.muli %scan3A_49, %mul3A_51 : i32
      %get3A = arith.index_cast %mul3A_52 : i32 to index
      %get3A_53 = tpu.vector_load %arg6[%get3A] {strides = array<i32>} : memref<256xi32, #tpu.memory_space<vmem>>, vector<16xi32>,
      %mul3A_54 = arith.constant 2048 : i32
      %mul3A_55 = vector.broadcast %mul3A_54 : i32 to vector<16xi32>
      %mul3A_56 = arith.muli %iota3A, %mul3A_55 : vector<16xi32>
      %mul3A_57 = arith.constant 4 : i32
      %mul3A_58 = vector.broadcast %mul3A_57 : i32 to vector<16xi32>
      %mul3A_59 = arith.muli %get3A_53, %mul3A_58 : vector<16xi32>
      %add3A_60 = arith.addi %mul3A_56, %mul3A_59 : vector<16xi32>
      %mul3A_61 = arith.constant 16 : i32
      %mul3A_62 = arith.muli %scan3A_49, %mul3A_61 : i32
      %get3A_63 = arith.constant 0 : i32
      %get3A_64 = arith.index_cast %get3A_63 : i32 to index
      %get3A_65 = arith.index_cast %mul3A_62 : i32 to index
      %get3A_66 = tpu.vector_load %arg5[%get3A_64, %get3A_65] {strides = array<i32>} : memref<3x256xf32, #tpu.memory_space<vmem>>, vector<16xf32>,
      tpu.vector_store_idx %arg7[%add3A_60], %get3A_66 {add = true} : memref<32768xf32, #tpu.memory_space<vmem>>[vector<16xi32>], vector<16xf32>,
      %add3A_67 = arith.constant 1 : i32
      %add3A_68 = vector.broadcast %add3A_67 : i32 to vector<16xi32>
      %add3A_69 = arith.addi %add3A_60, %add3A_68 : vector<16xi32>
      %mul3A_70 = arith.constant 16 : i32
      %mul3A_71 = arith.muli %scan3A_49, %mul3A_70 : i32
      %get3A_72 = arith.constant 1 : i32
      %get3A_73 = arith.index_cast %get3A_72 : i32 to index
      %get3A_74 = arith.index_cast %mul3A_71 : i32 to index
      %get3A_75 = tpu.vector_load %arg5[%get3A_73, %get3A_74] {strides = array<i32>} : memref<3x256xf32, #tpu.memory_space<vmem>>, vector<16xf32>,
      tpu.vector_store_idx %arg7[%add3A_69], %get3A_75 {add = true} : memref<32768xf32, #tpu.memory_space<vmem>>[vector<16xi32>], vector<16xf32>,
      %add3A_76 = arith.constant 2 : i32
      %add3A_77 = vector.broadcast %add3A_76 : i32 to vector<16xi32>
      %add3A_78 = arith.addi %add3A_60, %add3A_77 : vector<16xi32>
      %mul3A_79 = arith.constant 16 : i32
      %mul3A_80 = arith.muli %scan3A_49, %mul3A_79 : i32
      %get3A_81 = arith.constant 2 : i32
      %get3A_82 = arith.index_cast %get3A_81 : i32 to index
      %get3A_83 = arith.index_cast %mul3A_80 : i32 to index
      %get3A_84 = tpu.vector_load %arg5[%get3A_82, %get3A_83] {strides = array<i32>} : memref<3x256xf32, #tpu.memory_space<vmem>>, vector<16xf32>,
      tpu.vector_store_idx %arg7[%add3A_78], %get3A_84 {add = true} : memref<32768xf32, #tpu.memory_space<vmem>>[vector<16xi32>], vector<16xf32>,
      %add3A_85 = arith.constant 3 : i32
      %add3A_86 = vector.broadcast %add3A_85 : i32 to vector<16xi32>
      %add3A_87 = arith.addi %add3A_60, %add3A_86 : vector<16xi32>
      tpu.vector_store_idx %arg7[%add3A_87], %broadcast_in_dim3A_3 {add = true} : memref<32768xf32, #tpu.memory_space<vmem>>[vector<16xi32>], vector<16xf32>,
      %scan3A_88 = arith.constant 0 : i32
      scf.yield %scan3A_88 : i32
    }
    %scan3A_16 = arith.constant 16 : i32
    %scan3A_17 = arith.constant 0 : i32
    %scan3A_18 = arith.constant 0 : i32
    %scan3A_19 = arith.constant 128 : i32
    %scan3A_20 = arith.addi %scan3A_18, %scan3A_19 : i32
    %scan3A_21 = arith.constant 1 : i32
    %scan3A_22 = scf.for %scan3A_49 = %scan3A_18 to %scan3A_20 step %scan3A_21 iter_args(%scan3A_50 = %scan3A_17) -> (i32)  : i32 {
      %mul3A_51 = arith.constant 16 : i32
      %mul3A_52 = arith.muli %scan3A_49, %mul3A_51 : i32
      %get3A = arith.index_cast %mul3A_52 : i32 to index
      %get3A_53 = tpu.vector_load %arg7[%get3A] {strides = array<i32>} : memref<32768xf32, #tpu.memory_space<vmem>>, vector<16xf32>,
      %mul3A_54 = arith.constant 16 : i32
      %mul3A_55 = arith.muli %scan3A_49, %mul3A_54 : i32
      %add3A_56 = arith.constant 2048 : i32
      %add3A_57 = arith.addi %add3A_56, %mul3A_55 : i32
      %get3A_58 = arith.index_cast %add3A_57 : i32 to index
      %get3A_59 = tpu.vector_load %arg7[%get3A_58] {strides = array<i32>} : memref<32768xf32, #tpu.memory_space<vmem>>, vector<16xf32>,
      %add3A_60 = arith.addf %get3A_53, %get3A_59 : vector<16xf32>
      %mul3A_61 = arith.constant 16 : i32
      %mul3A_62 = arith.muli %scan3A_49, %mul3A_61 : i32
      %add3A_63 = arith.constant 4096 : i32
      %add3A_64 = arith.addi %add3A_63, %mul3A_62 : i32
      %get3A_65 = arith.index_cast %add3A_64 : i32 to index
      %get3A_66 = tpu.vector_load %arg7[%get3A_65] {strides = array<i32>} : memref<32768xf32, #tpu.memory_space<vmem>>, vector<16xf32>,
      %add3A_67 = arith.addf %add3A_60, %get3A_66 : vector<16xf32>
      %mul3A_68 = arith.constant 16 : i32
      %mul3A_69 = arith.muli %scan3A_49, %mul3A_68 : i32
      %add3A_70 = arith.constant 6144 : i32
      %add3A_71 = arith.addi %add3A_70, %mul3A_69 : i32
      %get3A_72 = arith.index_cast %add3A_71 : i32 to index
      %get3A_73 = tpu.vector_load %arg7[%get3A_72] {strides = array<i32>} : memref<32768xf32, #tpu.memory_space<vmem>>, vector<16xf32>,
      %add3A_74 = arith.addf %add3A_67, %get3A_73 : vector<16xf32>
      %mul3A_75 = arith.constant 16 : i32
      %mul3A_76 = arith.muli %scan3A_49, %mul3A_75 : i32
      %add3A_77 = arith.constant 8192 : i32
      %add3A_78 = arith.addi %add3A_77, %mul3A_76 : i32
      %get3A_79 = arith.index_cast %add3A_78 : i32 to index
      %get3A_80 = tpu.vector_load %arg7[%get3A_79] {strides = array<i32>} : memref<32768xf32, #tpu.memory_space<vmem>>, vector<16xf32>,
      %add3A_81 = arith.addf %add3A_74, %get3A_80 : vector<16xf32>
      %mul3A_82 = arith.constant 16 : i32
      %mul3A_83 = arith.muli %scan3A_49, %mul3A_82 : i32
      %add3A_84 = arith.constant 10240 : i32
      %add3A_85 = arith.addi %add3A_84, %mul3A_83 : i32
      %get3A_86 = arith.index_cast %add3A_85 : i32 to index
      %get3A_87 = tpu.vector_load %arg7[%get3A_86] {strides = array<i32>} : memref<32768xf32, #tpu.memory_space<vmem>>, vector<16xf32>,
      %add3A_88 = arith.addf %add3A_81, %get3A_87 : vector<16xf32>
      %mul3A_89 = arith.constant 16 : i32
      %mul3A_90 = arith.muli %scan3A_49, %mul3A_89 : i32
      %add3A_91 = arith.constant 12288 : i32
      %add3A_92 = arith.addi %add3A_91, %mul3A_90 : i32
      %get3A_93 = arith.index_cast %add3A_92 : i32 to index
      %get3A_94 = tpu.vector_load %arg7[%get3A_93] {strides = array<i32>} : memref<32768xf32, #tpu.memory_space<vmem>>, vector<16xf32>,
      %add3A_95 = arith.addf %add3A_88, %get3A_94 : vector<16xf32>
      %mul3A_96 = arith.constant 16 : i32
      %mul3A_97 = arith.muli %scan3A_49, %mul3A_96 : i32
      %add3A_98 = arith.constant 14336 : i32
      %add3A_99 = arith.addi %add3A_98, %mul3A_97 : i32
      %get3A_100 = arith.index_cast %add3A_99 : i32 to index
      %get3A_101 = tpu.vector_load %arg7[%get3A_100] {strides = array<i32>} : memref<32768xf32, #tpu.memory_space<vmem>>, vector<16xf32>,
      %add3A_102 = arith.addf %add3A_95, %get3A_101 : vector<16xf32>
      %mul3A_103 = arith.constant 16 : i32
      %mul3A_104 = arith.muli %scan3A_49, %mul3A_103 : i32
      %add3A_105 = arith.constant 16384 : i32
      %add3A_106 = arith.addi %add3A_105, %mul3A_104 : i32
      %get3A_107 = arith.index_cast %add3A_106 : i32 to index
      %get3A_108 = tpu.vector_load %arg7[%get3A_107] {strides = array<i32>} : memref<32768xf32, #tpu.memory_space<vmem>>, vector<16xf32>,
      %add3A_109 = arith.addf %add3A_102, %get3A_108 : vector<16xf32>
      %mul3A_110 = arith.constant 16 : i32
      %mul3A_111 = arith.muli %scan3A_49, %mul3A_110 : i32
      %add3A_112 = arith.constant 18432 : i32
      %add3A_113 = arith.addi %add3A_112, %mul3A_111 : i32
      %get3A_114 = arith.index_cast %add3A_113 : i32 to index
      %get3A_115 = tpu.vector_load %arg7[%get3A_114] {strides = array<i32>} : memref<32768xf32, #tpu.memory_space<vmem>>, vector<16xf32>,
      %add3A_116 = arith.addf %add3A_109, %get3A_115 : vector<16xf32>
      %mul3A_117 = arith.constant 16 : i32
      %mul3A_118 = arith.muli %scan3A_49, %mul3A_117 : i32
      %add3A_119 = arith.constant 20480 : i32
      %add3A_120 = arith.addi %add3A_119, %mul3A_118 : i32
      %get3A_121 = arith.index_cast %add3A_120 : i32 to index
      %get3A_122 = tpu.vector_load %arg7[%get3A_121] {strides = array<i32>} : memref<32768xf32, #tpu.memory_space<vmem>>, vector<16xf32>,
      %add3A_123 = arith.addf %add3A_116, %get3A_122 : vector<16xf32>
      %mul3A_124 = arith.constant 16 : i32
      %mul3A_125 = arith.muli %scan3A_49, %mul3A_124 : i32
      %add3A_126 = arith.constant 22528 : i32
      %add3A_127 = arith.addi %add3A_126, %mul3A_125 : i32
      %get3A_128 = arith.index_cast %add3A_127 : i32 to index
      %get3A_129 = tpu.vector_load %arg7[%get3A_128] {strides = array<i32>} : memref<32768xf32, #tpu.memory_space<vmem>>, vector<16xf32>,
      %add3A_130 = arith.addf %add3A_123, %get3A_129 : vector<16xf32>
      %mul3A_131 = arith.constant 16 : i32
      %mul3A_132 = arith.muli %scan3A_49, %mul3A_131 : i32
      %add3A_133 = arith.constant 24576 : i32
      %add3A_134 = arith.addi %add3A_133, %mul3A_132 : i32
      %get3A_135 = arith.index_cast %add3A_134 : i32 to index
      %get3A_136 = tpu.vector_load %arg7[%get3A_135] {strides = array<i32>} : memref<32768xf32, #tpu.memory_space<vmem>>, vector<16xf32>,
      %add3A_137 = arith.addf %add3A_130, %get3A_136 : vector<16xf32>
      %mul3A_138 = arith.constant 16 : i32
      %mul3A_139 = arith.muli %scan3A_49, %mul3A_138 : i32
      %add3A_140 = arith.constant 26624 : i32
      %add3A_141 = arith.addi %add3A_140, %mul3A_139 : i32
      %get3A_142 = arith.index_cast %add3A_141 : i32 to index
      %get3A_143 = tpu.vector_load %arg7[%get3A_142] {strides = array<i32>} : memref<32768xf32, #tpu.memory_space<vmem>>, vector<16xf32>,
      %add3A_144 = arith.addf %add3A_137, %get3A_143 : vector<16xf32>
      %mul3A_145 = arith.constant 16 : i32
      %mul3A_146 = arith.muli %scan3A_49, %mul3A_145 : i32
      %add3A_147 = arith.constant 28672 : i32
      %add3A_148 = arith.addi %add3A_147, %mul3A_146 : i32
      %get3A_149 = arith.index_cast %add3A_148 : i32 to index
      %get3A_150 = tpu.vector_load %arg7[%get3A_149] {strides = array<i32>} : memref<32768xf32, #tpu.memory_space<vmem>>, vector<16xf32>,
      %add3A_151 = arith.addf %add3A_144, %get3A_150 : vector<16xf32>
      %mul3A_152 = arith.constant 16 : i32
      %mul3A_153 = arith.muli %scan3A_49, %mul3A_152 : i32
      %add3A_154 = arith.constant 30720 : i32
      %add3A_155 = arith.addi %add3A_154, %mul3A_153 : i32
      %get3A_156 = arith.index_cast %add3A_155 : i32 to index
      %get3A_157 = tpu.vector_load %arg7[%get3A_156] {strides = array<i32>} : memref<32768xf32, #tpu.memory_space<vmem>>, vector<16xf32>,
      %add3A_158 = arith.addf %add3A_151, %get3A_157 : vector<16xf32>
      %mul3A_159 = arith.constant 16 : i32
      %mul3A_160 = arith.muli %scan3A_49, %mul3A_159 : i32
      %swap3A = arith.index_cast %mul3A_160 : i32 to index
      %swap3A_161 = tpu.vector_load %arg8[%swap3A] {strides = array<i32>} : memref<2048xf32, #tpu.memory_space<vmem>>, vector<16xf32>,
      tpu.vector_store %arg8[%swap3A], %add3A_158 {strides = array<i32>} : memref<2048xf32, #tpu.memory_space<vmem>>, vector<16xf32>,
      %scan3A_162 = arith.constant 0 : i32
      scf.yield %scan3A_162 : i32
    }
    %scan3A_23 = arith.constant 128 : i32
    "tpu.region"() ({
      %run_scoped3A = tpu.sem_alloc : memref<!tpu.dma_semaphore, #tpu.memory_space<semaphore_mem>>
      %dma_start3A = arith.constant 0 : i32
      %dma_start3A_49 = tpu.memref_slice %arg14[%arg1, %dma_start3A] : memref<16x2048xf32, #tpu.memory_space<vmem_shared>> -> memref<1x2048xf32, #tpu.memory_space<vmem_shared>>
      %dma_start3A_50 = tpu.memref_squeeze %dma_start3A_49 : memref<1x2048xf32, #tpu.memory_space<vmem_shared>> -> memref<2048xf32, #tpu.memory_space<vmem_shared>>
      %dma_start3A_51 = arith.constant 0 : i32
      %dma_start3A_52 = tpu.memref_slice %arg14[%arg1, %dma_start3A_51] : memref<16x2048xf32, #tpu.memory_space<vmem_shared>> -> memref<1x2048xf32, #tpu.memory_space<vmem_shared>>
      %dma_start3A_53 = tpu.memref_squeeze %dma_start3A_52 : memref<1x2048xf32, #tpu.memory_space<vmem_shared>> -> memref<2048xf32, #tpu.memory_space<vmem_shared>>
      tpu.enqueue_dma source(%arg8 : memref<2048xf32, #tpu.memory_space<vmem>>) target(%dma_start3A_53 : memref<2048xf32, #tpu.memory_space<vmem_shared>>) target_semaphore(%run_scoped3A : memref<!tpu.dma_semaphore, #tpu.memory_space<semaphore_mem>>)
      %dma_wait3A = arith.constant 0 : i32
      %dma_wait3A_54 = tpu.memref_slice %arg14[%arg1, %dma_wait3A] : memref<16x2048xf32, #tpu.memory_space<vmem_shared>> -> memref<1x2048xf32, #tpu.memory_space<vmem_shared>>
      %dma_wait3A_55 = tpu.memref_squeeze %dma_wait3A_54 : memref<1x2048xf32, #tpu.memory_space<vmem_shared>> -> memref<2048xf32, #tpu.memory_space<vmem_shared>>
      %dma_wait3A_56 = arith.constant 0 : i32
      %dma_wait3A_57 = tpu.memref_slice %arg14[%arg1, %dma_wait3A_56] : memref<16x2048xf32, #tpu.memory_space<vmem_shared>> -> memref<1x2048xf32, #tpu.memory_space<vmem_shared>>
      %dma_wait3A_58 = tpu.memref_squeeze %dma_wait3A_57 : memref<1x2048xf32, #tpu.memory_space<vmem_shared>> -> memref<2048xf32, #tpu.memory_space<vmem_shared>>
      tpu.wait_dma2 semaphore(%run_scoped3A : memref<!tpu.dma_semaphore, #tpu.memory_space<semaphore_mem>>) src(%arg8 : memref<2048xf32, #tpu.memory_space<vmem>>) dst(%dma_wait3A_58 : memref<2048xf32, #tpu.memory_space<vmem_shared>>)
      tpu.yield
    }) : () -> ()
    %barrier3A = arith.constant 0 : index
    tpu.barrier barrier_id(%barrier3A)
    %mul3A_24 = arith.constant 128 : i32
    %mul3A_25 = arith.muli %arg1, %mul3A_24 : i32
    "tpu.region"() ({
      %run_scoped3A = tpu.sem_alloc : memref<!tpu.dma_semaphore, #tpu.memory_space<semaphore_mem>>
      %dma_start3A = arith.constant 0 : i32
      %dma_start3A_49 = tpu.memref_slice %arg14[%dma_start3A, %mul3A_25] : memref<16x2048xf32, #tpu.memory_space<vmem_shared>> -> memref<16x128xf32, #tpu.memory_space<vmem_shared>>
      %dma_start3A_50 = arith.constant 0 : i32
      %dma_start3A_51 = tpu.memref_slice %arg14[%dma_start3A_50, %mul3A_25] : memref<16x2048xf32, #tpu.memory_space<vmem_shared>> -> memref<16x128xf32, #tpu.memory_space<vmem_shared>>
      tpu.enqueue_dma source(%dma_start3A_51 : memref<16x128xf32, #tpu.memory_space<vmem_shared>>) target(%arg9 : memref<16x128xf32, #tpu.memory_space<vmem>>) target_semaphore(%run_scoped3A : memref<!tpu.dma_semaphore, #tpu.memory_space<semaphore_mem>>)
      %dma_wait3A = arith.constant 0 : i32
      %dma_wait3A_52 = tpu.memref_slice %arg14[%dma_wait3A, %mul3A_25] : memref<16x2048xf32, #tpu.memory_space<vmem_shared>> -> memref<16x128xf32, #tpu.memory_space<vmem_shared>>
      %dma_wait3A_53 = arith.constant 0 : i32
      %dma_wait3A_54 = tpu.memref_slice %arg14[%dma_wait3A_53, %mul3A_25] : memref<16x2048xf32, #tpu.memory_space<vmem_shared>> -> memref<16x128xf32, #tpu.memory_space<vmem_shared>>
      tpu.wait_dma2 semaphore(%run_scoped3A : memref<!tpu.dma_semaphore, #tpu.memory_space<semaphore_mem>>) src(%dma_wait3A_54 : memref<16x128xf32, #tpu.memory_space<vmem_shared>>) dst(%arg9 : memref<16x128xf32, #tpu.memory_space<vmem>>)
      tpu.yield
    }) : () -> ()
    %and3A = arith.constant -4 : i32
    %and3A_26 = vector.broadcast %and3A : i32 to vector<16xi32>
    %and3A_27 = arith.andi %iota3A, %and3A_26 : vector<16xi32>
    %add3A = arith.constant 3 : i32
    %add3A_28 = vector.broadcast %add3A : i32 to vector<16xi32>
    %add3A_29 = arith.addi %and3A_27, %add3A_28 : vector<16xi32>
    %scan3A_30 = arith.constant 0 : i32
    %scan3A_31 = arith.constant 0 : i32
    %scan3A_32 = arith.constant 8 : i32
    %scan3A_33 = arith.addi %scan3A_31, %scan3A_32 : i32
    %scan3A_34 = arith.constant 1 : i32
    %scan3A_35 = scf.for %scan3A_49 = %scan3A_31 to %scan3A_33 step %scan3A_34 iter_args(%scan3A_50 = %scan3A_30) -> (i32)  : i32 {
      %mul3A_51 = arith.constant 16 : i32
      %mul3A_52 = arith.muli %scan3A_49, %mul3A_51 : i32
      %get3A = arith.constant 0 : i32
      %get3A_53 = arith.index_cast %get3A : i32 to index
      %get3A_54 = arith.index_cast %mul3A_52 : i32 to index
      %get3A_55 = tpu.vector_load %arg9[%get3A_53, %get3A_54] {strides = array<i32>} : memref<16x128xf32, #tpu.memory_space<vmem>>, vector<16xf32>,
      %mul3A_56 = arith.constant 16 : i32
      %mul3A_57 = arith.muli %scan3A_49, %mul3A_56 : i32
      %get3A_58 = arith.constant 1 : i32
      %get3A_59 = arith.index_cast %get3A_58 : i32 to index
      %get3A_60 = arith.index_cast %mul3A_57 : i32 to index
      %get3A_61 = tpu.vector_load %arg9[%get3A_59, %get3A_60] {strides = array<i32>} : memref<16x128xf32, #tpu.memory_space<vmem>>, vector<16xf32>,
      %add3A_62 = arith.addf %get3A_55, %get3A_61 : vector<16xf32>
      %mul3A_63 = arith.constant 16 : i32
      %mul3A_64 = arith.muli %scan3A_49, %mul3A_63 : i32
      %get3A_65 = arith.constant 2 : i32
      %get3A_66 = arith.index_cast %get3A_65 : i32 to index
      %get3A_67 = arith.index_cast %mul3A_64 : i32 to index
      %get3A_68 = tpu.vector_load %arg9[%get3A_66, %get3A_67] {strides = array<i32>} : memref<16x128xf32, #tpu.memory_space<vmem>>, vector<16xf32>,
      %add3A_69 = arith.addf %add3A_62, %get3A_68 : vector<16xf32>
      %mul3A_70 = arith.constant 16 : i32
      %mul3A_71 = arith.muli %scan3A_49, %mul3A_70 : i32
      %get3A_72 = arith.constant 3 : i32
      %get3A_73 = arith.index_cast %get3A_72 : i32 to index
      %get3A_74 = arith.index_cast %mul3A_71 : i32 to index
      %get3A_75 = tpu.vector_load %arg9[%get3A_73, %get3A_74] {strides = array<i32>} : memref<16x128xf32, #tpu.memory_space<vmem>>, vector<16xf32>,
      %add3A_76 = arith.addf %add3A_69, %get3A_75 : vector<16xf32>
      %mul3A_77 = arith.constant 16 : i32
      %mul3A_78 = arith.muli %scan3A_49, %mul3A_77 : i32
      %get3A_79 = arith.constant 4 : i32
      %get3A_80 = arith.index_cast %get3A_79 : i32 to index
      %get3A_81 = arith.index_cast %mul3A_78 : i32 to index
      %get3A_82 = tpu.vector_load %arg9[%get3A_80, %get3A_81] {strides = array<i32>} : memref<16x128xf32, #tpu.memory_space<vmem>>, vector<16xf32>,
      %add3A_83 = arith.addf %add3A_76, %get3A_82 : vector<16xf32>
      %mul3A_84 = arith.constant 16 : i32
      %mul3A_85 = arith.muli %scan3A_49, %mul3A_84 : i32
      %get3A_86 = arith.constant 5 : i32
      %get3A_87 = arith.index_cast %get3A_86 : i32 to index
      %get3A_88 = arith.index_cast %mul3A_85 : i32 to index
      %get3A_89 = tpu.vector_load %arg9[%get3A_87, %get3A_88] {strides = array<i32>} : memref<16x128xf32, #tpu.memory_space<vmem>>, vector<16xf32>,
      %add3A_90 = arith.addf %add3A_83, %get3A_89 : vector<16xf32>
      %mul3A_91 = arith.constant 16 : i32
      %mul3A_92 = arith.muli %scan3A_49, %mul3A_91 : i32
      %get3A_93 = arith.constant 6 : i32
      %get3A_94 = arith.index_cast %get3A_93 : i32 to index
      %get3A_95 = arith.index_cast %mul3A_92 : i32 to index
      %get3A_96 = tpu.vector_load %arg9[%get3A_94, %get3A_95] {strides = array<i32>} : memref<16x128xf32, #tpu.memory_space<vmem>>, vector<16xf32>,
      %add3A_97 = arith.addf %add3A_90, %get3A_96 : vector<16xf32>
      %mul3A_98 = arith.constant 16 : i32
      %mul3A_99 = arith.muli %scan3A_49, %mul3A_98 : i32
      %get3A_100 = arith.constant 7 : i32
      %get3A_101 = arith.index_cast %get3A_100 : i32 to index
      %get3A_102 = arith.index_cast %mul3A_99 : i32 to index
      %get3A_103 = tpu.vector_load %arg9[%get3A_101, %get3A_102] {strides = array<i32>} : memref<16x128xf32, #tpu.memory_space<vmem>>, vector<16xf32>,
      %add3A_104 = arith.addf %add3A_97, %get3A_103 : vector<16xf32>
      %mul3A_105 = arith.constant 16 : i32
      %mul3A_106 = arith.muli %scan3A_49, %mul3A_105 : i32
      %get3A_107 = arith.constant 8 : i32
      %get3A_108 = arith.index_cast %get3A_107 : i32 to index
      %get3A_109 = arith.index_cast %mul3A_106 : i32 to index
      %get3A_110 = tpu.vector_load %arg9[%get3A_108, %get3A_109] {strides = array<i32>} : memref<16x128xf32, #tpu.memory_space<vmem>>, vector<16xf32>,
      %add3A_111 = arith.addf %add3A_104, %get3A_110 : vector<16xf32>
      %mul3A_112 = arith.constant 16 : i32
      %mul3A_113 = arith.muli %scan3A_49, %mul3A_112 : i32
      %get3A_114 = arith.constant 9 : i32
      %get3A_115 = arith.index_cast %get3A_114 : i32 to index
      %get3A_116 = arith.index_cast %mul3A_113 : i32 to index
      %get3A_117 = tpu.vector_load %arg9[%get3A_115, %get3A_116] {strides = array<i32>} : memref<16x128xf32, #tpu.memory_space<vmem>>, vector<16xf32>,
      %add3A_118 = arith.addf %add3A_111, %get3A_117 : vector<16xf32>
      %mul3A_119 = arith.constant 16 : i32
      %mul3A_120 = arith.muli %scan3A_49, %mul3A_119 : i32
      %get3A_121 = arith.constant 10 : i32
      %get3A_122 = arith.index_cast %get3A_121 : i32 to index
      %get3A_123 = arith.index_cast %mul3A_120 : i32 to index
      %get3A_124 = tpu.vector_load %arg9[%get3A_122, %get3A_123] {strides = array<i32>} : memref<16x128xf32, #tpu.memory_space<vmem>>, vector<16xf32>,
      %add3A_125 = arith.addf %add3A_118, %get3A_124 : vector<16xf32>
      %mul3A_126 = arith.constant 16 : i32
      %mul3A_127 = arith.muli %scan3A_49, %mul3A_126 : i32
      %get3A_128 = arith.constant 11 : i32
      %get3A_129 = arith.index_cast %get3A_128 : i32 to index
      %get3A_130 = arith.index_cast %mul3A_127 : i32 to index
      %get3A_131 = tpu.vector_load %arg9[%get3A_129, %get3A_130] {strides = array<i32>} : memref<16x128xf32, #tpu.memory_space<vmem>>, vector<16xf32>,
      %add3A_132 = arith.addf %add3A_125, %get3A_131 : vector<16xf32>
      %mul3A_133 = arith.constant 16 : i32
      %mul3A_134 = arith.muli %scan3A_49, %mul3A_133 : i32
      %get3A_135 = arith.constant 12 : i32
      %get3A_136 = arith.index_cast %get3A_135 : i32 to index
      %get3A_137 = arith.index_cast %mul3A_134 : i32 to index
      %get3A_138 = tpu.vector_load %arg9[%get3A_136, %get3A_137] {strides = array<i32>} : memref<16x128xf32, #tpu.memory_space<vmem>>, vector<16xf32>,
      %add3A_139 = arith.addf %add3A_132, %get3A_138 : vector<16xf32>
      %mul3A_140 = arith.constant 16 : i32
      %mul3A_141 = arith.muli %scan3A_49, %mul3A_140 : i32
      %get3A_142 = arith.constant 13 : i32
      %get3A_143 = arith.index_cast %get3A_142 : i32 to index
      %get3A_144 = arith.index_cast %mul3A_141 : i32 to index
      %get3A_145 = tpu.vector_load %arg9[%get3A_143, %get3A_144] {strides = array<i32>} : memref<16x128xf32, #tpu.memory_space<vmem>>, vector<16xf32>,
      %add3A_146 = arith.addf %add3A_139, %get3A_145 : vector<16xf32>
      %mul3A_147 = arith.constant 16 : i32
      %mul3A_148 = arith.muli %scan3A_49, %mul3A_147 : i32
      %get3A_149 = arith.constant 14 : i32
      %get3A_150 = arith.index_cast %get3A_149 : i32 to index
      %get3A_151 = arith.index_cast %mul3A_148 : i32 to index
      %get3A_152 = tpu.vector_load %arg9[%get3A_150, %get3A_151] {strides = array<i32>} : memref<16x128xf32, #tpu.memory_space<vmem>>, vector<16xf32>,
      %add3A_153 = arith.addf %add3A_146, %get3A_152 : vector<16xf32>
      %mul3A_154 = arith.constant 16 : i32
      %mul3A_155 = arith.muli %scan3A_49, %mul3A_154 : i32
      %get3A_156 = arith.constant 15 : i32
      %get3A_157 = arith.index_cast %get3A_156 : i32 to index
      %get3A_158 = arith.index_cast %mul3A_155 : i32 to index
      %get3A_159 = tpu.vector_load %arg9[%get3A_157, %get3A_158] {strides = array<i32>} : memref<16x128xf32, #tpu.memory_space<vmem>>, vector<16xf32>,
      %add3A_160 = arith.addf %add3A_153, %get3A_159 : vector<16xf32>
      %mul3A_161 = arith.constant 16 : i32
      %mul3A_162 = arith.muli %scan3A_49, %mul3A_161 : i32
      %swap3A = arith.index_cast %mul3A_162 : i32 to index
      %swap3A_163 = tpu.vector_load %arg10[%swap3A] {strides = array<i32>} : memref<128xf32, #tpu.memory_space<vmem>>, vector<16xf32>,
      tpu.vector_store %arg10[%swap3A], %add3A_160 {strides = array<i32>} : memref<128xf32, #tpu.memory_space<vmem>>, vector<16xf32>,
      %mul3A_164 = arith.constant 16 : i32
      %mul3A_165 = arith.muli %scan3A_49, %mul3A_164 : i32
      %add3A_166 = vector.broadcast %mul3A_165 : i32 to vector<16xi32>
      %add3A_167 = arith.addi %add3A_29, %add3A_166 : vector<16xi32>
      %gather3A = tpu.vector_load_idx %arg10[%add3A_167] : memref<128xf32, #tpu.memory_space<vmem>>[vector<16xi32>], vector<16xf32>,
      %max3A = arith.constant 1.000000e+00 : f32
      %max3A_168 = vector.broadcast %max3A : f32 to vector<16xf32>
      %max3A_169 = arith.maximumf %gather3A, %max3A_168 : vector<16xf32>
      %div3A = arith.divf %add3A_160, %max3A_169 : vector<16xf32>
      %mul3A_170 = arith.constant 16 : i32
      %mul3A_171 = arith.muli %scan3A_49, %mul3A_170 : i32
      %swap3A_172 = arith.index_cast %mul3A_171 : i32 to index
      %swap3A_173 = tpu.vector_load %arg11[%swap3A_172] {strides = array<i32>} : memref<128xf32, #tpu.memory_space<vmem>>, vector<16xf32>,
      tpu.vector_store %arg11[%swap3A_172], %div3A {strides = array<i32>} : memref<128xf32, #tpu.memory_space<vmem>>, vector<16xf32>,
      %scan3A_174 = arith.constant 0 : i32
      scf.yield %scan3A_174 : i32
    }
    %scan3A_36 = arith.constant 8 : i32
    %mul3A_37 = arith.constant 128 : i32
    %mul3A_38 = arith.muli %arg1, %mul3A_37 : i32
    "tpu.region"() ({
      %run_scoped3A = tpu.sem_alloc : memref<!tpu.dma_semaphore, #tpu.memory_space<semaphore_mem>>
      %dma_start3A = tpu.memref_slice %arg15[%mul3A_38] : memref<2048xf32, #tpu.memory_space<vmem_shared>> -> memref<128xf32, #tpu.memory_space<vmem_shared>>
      %dma_start3A_49 = tpu.memref_slice %arg15[%mul3A_38] : memref<2048xf32, #tpu.memory_space<vmem_shared>> -> memref<128xf32, #tpu.memory_space<vmem_shared>>
      tpu.enqueue_dma source(%arg11 : memref<128xf32, #tpu.memory_space<vmem>>) target(%dma_start3A_49 : memref<128xf32, #tpu.memory_space<vmem_shared>>) target_semaphore(%run_scoped3A : memref<!tpu.dma_semaphore, #tpu.memory_space<semaphore_mem>>)
      %dma_wait3A = tpu.memref_slice %arg15[%mul3A_38] : memref<2048xf32, #tpu.memory_space<vmem_shared>> -> memref<128xf32, #tpu.memory_space<vmem_shared>>
      %dma_wait3A_50 = tpu.memref_slice %arg15[%mul3A_38] : memref<2048xf32, #tpu.memory_space<vmem_shared>> -> memref<128xf32, #tpu.memory_space<vmem_shared>>
      tpu.wait_dma2 semaphore(%run_scoped3A : memref<!tpu.dma_semaphore, #tpu.memory_space<semaphore_mem>>) src(%arg11 : memref<128xf32, #tpu.memory_space<vmem>>) dst(%dma_wait3A_50 : memref<128xf32, #tpu.memory_space<vmem_shared>>)
      tpu.yield
    }) : () -> ()
    %barrier3A_39 = arith.constant 0 : index
    tpu.barrier barrier_id(%barrier3A_39)
    "tpu.region"() ({
      %run_scoped3A = tpu.sem_alloc : memref<!tpu.dma_semaphore, #tpu.memory_space<semaphore_mem>>
      tpu.enqueue_dma source(%arg15 : memref<2048xf32, #tpu.memory_space<vmem_shared>>) target(%arg12 : memref<2048xf32, #tpu.memory_space<vmem>>) target_semaphore(%run_scoped3A : memref<!tpu.dma_semaphore, #tpu.memory_space<semaphore_mem>>)
      tpu.wait_dma2 semaphore(%run_scoped3A : memref<!tpu.dma_semaphore, #tpu.memory_space<semaphore_mem>>) src(%arg15 : memref<2048xf32, #tpu.memory_space<vmem_shared>>) dst(%arg12 : memref<2048xf32, #tpu.memory_space<vmem>>)
      tpu.yield
    }) : () -> ()
    %scan3A_40 = arith.constant 0 : i32
    %scan3A_41 = arith.constant 0 : i32
    %scan3A_42 = arith.constant 16 : i32
    %scan3A_43 = arith.addi %scan3A_41, %scan3A_42 : i32
    %scan3A_44 = arith.constant 1 : i32
    %scan3A_45 = scf.for %scan3A_49 = %scan3A_41 to %scan3A_43 step %scan3A_44 iter_args(%scan3A_50 = %scan3A_40) -> (i32)  : i32 {
      %mul3A_51 = arith.constant 16 : i32
      %mul3A_52 = arith.muli %scan3A_49, %mul3A_51 : i32
      %get3A = arith.index_cast %mul3A_52 : i32 to index
      %get3A_53 = tpu.vector_load %arg6[%get3A] {strides = array<i32>} : memref<256xi32, #tpu.memory_space<vmem>>, vector<16xi32>,
      %mul3A_54 = arith.constant 4 : i32
      %mul3A_55 = vector.broadcast %mul3A_54 : i32 to vector<16xi32>
      %mul3A_56 = arith.muli %get3A_53, %mul3A_55 : vector<16xi32>
      %mul3A_57 = arith.constant 16 : i32
      %mul3A_58 = arith.muli %scan3A_49, %mul3A_57 : i32
      %add3A_59 = vector.broadcast %mul3A_58 : i32 to vector<16xi32>
      %add3A_60 = arith.addi %iota3A, %add3A_59 : vector<16xi32>
      %mul3A_61 = arith.constant 4 : i32
      %mul3A_62 = vector.broadcast %mul3A_61 : i32 to vector<16xi32>
      %mul3A_63 = arith.muli %add3A_60, %mul3A_62 : vector<16xi32>
      %add3A_64 = arith.constant 0 : i32
      %add3A_65 = vector.broadcast %add3A_64 : i32 to vector<16xi32>
      %add3A_66 = arith.addi %mul3A_56, %add3A_65 : vector<16xi32>
      %gather3A = tpu.vector_load_idx %arg12[%add3A_66] : memref<2048xf32, #tpu.memory_space<vmem>>[vector<16xi32>], vector<16xf32>,
      %add3A_67 = arith.constant 0 : i32
      %add3A_68 = vector.broadcast %add3A_67 : i32 to vector<16xi32>
      %add3A_69 = arith.addi %mul3A_63, %add3A_68 : vector<16xi32>
      tpu.vector_store_idx %arg13[%add3A_69], %gather3A : memref<1024xf32, #tpu.memory_space<vmem>>[vector<16xi32>], vector<16xf32>,
      %add3A_70 = arith.constant 1 : i32
      %add3A_71 = vector.broadcast %add3A_70 : i32 to vector<16xi32>
      %add3A_72 = arith.addi %mul3A_56, %add3A_71 : vector<16xi32>
      %gather3A_73 = tpu.vector_load_idx %arg12[%add3A_72] : memref<2048xf32, #tpu.memory_space<vmem>>[vector<16xi32>], vector<16xf32>,
      %add3A_74 = arith.constant 1 : i32
      %add3A_75 = vector.broadcast %add3A_74 : i32 to vector<16xi32>
      %add3A_76 = arith.addi %mul3A_63, %add3A_75 : vector<16xi32>
      tpu.vector_store_idx %arg13[%add3A_76], %gather3A_73 : memref<1024xf32, #tpu.memory_space<vmem>>[vector<16xi32>], vector<16xf32>,
      %add3A_77 = arith.constant 2 : i32
      %add3A_78 = vector.broadcast %add3A_77 : i32 to vector<16xi32>
      %add3A_79 = arith.addi %mul3A_56, %add3A_78 : vector<16xi32>
      %gather3A_80 = tpu.vector_load_idx %arg12[%add3A_79] : memref<2048xf32, #tpu.memory_space<vmem>>[vector<16xi32>], vector<16xf32>,
      %add3A_81 = arith.constant 2 : i32
      %add3A_82 = vector.broadcast %add3A_81 : i32 to vector<16xi32>
      %add3A_83 = arith.addi %mul3A_63, %add3A_82 : vector<16xi32>
      tpu.vector_store_idx %arg13[%add3A_83], %gather3A_80 : memref<1024xf32, #tpu.memory_space<vmem>>[vector<16xi32>], vector<16xf32>,
      %add3A_84 = arith.constant 3 : i32
      %add3A_85 = vector.broadcast %add3A_84 : i32 to vector<16xi32>
      %add3A_86 = arith.addi %mul3A_56, %add3A_85 : vector<16xi32>
      %gather3A_87 = tpu.vector_load_idx %arg12[%add3A_86] : memref<2048xf32, #tpu.memory_space<vmem>>[vector<16xi32>], vector<16xf32>,
      %add3A_88 = arith.constant 3 : i32
      %add3A_89 = vector.broadcast %add3A_88 : i32 to vector<16xi32>
      %add3A_90 = arith.addi %mul3A_63, %add3A_89 : vector<16xi32>
      tpu.vector_store_idx %arg13[%add3A_90], %gather3A_87 : memref<1024xf32, #tpu.memory_space<vmem>>[vector<16xi32>], vector<16xf32>,
      %scan3A_91 = arith.constant 0 : i32
      scf.yield %scan3A_91 : i32
    }
    %scan3A_46 = arith.constant 16 : i32
    %mul3A_47 = arith.constant 4 : i32
    %mul3A_48 = arith.muli %mul3A_0, %mul3A_47 : i32
    "tpu.region"() ({
      %run_scoped3A = tpu.sem_alloc : memref<!tpu.dma_semaphore, #tpu.memory_space<semaphore_mem>>
      %dma_start3A = tpu.memref_slice %arg4[%arg0, %mul3A_48] : memref<2x16384xf32, #tpu.memory_space<hbm>> -> memref<1x1024xf32, #tpu.memory_space<hbm>>
      %dma_start3A_49 = tpu.memref_squeeze %dma_start3A : memref<1x1024xf32, #tpu.memory_space<hbm>> -> memref<1024xf32, #tpu.memory_space<hbm>>
      %dma_start3A_50 = tpu.memref_slice %arg4[%arg0, %mul3A_48] : memref<2x16384xf32, #tpu.memory_space<hbm>> -> memref<1x1024xf32, #tpu.memory_space<hbm>>
      %dma_start3A_51 = tpu.memref_squeeze %dma_start3A_50 : memref<1x1024xf32, #tpu.memory_space<hbm>> -> memref<1024xf32, #tpu.memory_space<hbm>>
      tpu.enqueue_dma source(%arg13 : memref<1024xf32, #tpu.memory_space<vmem>>) target(%dma_start3A_51 : memref<1024xf32, #tpu.memory_space<hbm>>) target_semaphore(%run_scoped3A : memref<!tpu.dma_semaphore, #tpu.memory_space<semaphore_mem>>)
      %dma_wait3A = tpu.memref_slice %arg4[%arg0, %mul3A_48] : memref<2x16384xf32, #tpu.memory_space<hbm>> -> memref<1x1024xf32, #tpu.memory_space<hbm>>
      %dma_wait3A_52 = tpu.memref_squeeze %dma_wait3A : memref<1x1024xf32, #tpu.memory_space<hbm>> -> memref<1024xf32, #tpu.memory_space<hbm>>
      %dma_wait3A_53 = tpu.memref_slice %arg4[%arg0, %mul3A_48] : memref<2x16384xf32, #tpu.memory_space<hbm>> -> memref<1x1024xf32, #tpu.memory_space<hbm>>
      %dma_wait3A_54 = tpu.memref_squeeze %dma_wait3A_53 : memref<1x1024xf32, #tpu.memory_space<hbm>> -> memref<1024xf32, #tpu.memory_space<hbm>>
      tpu.wait_dma2 semaphore(%run_scoped3A : memref<!tpu.dma_semaphore, #tpu.memory_space<semaphore_mem>>) src(%arg13 : memref<1024xf32, #tpu.memory_space<vmem>>) dst(%dma_wait3A_54 : memref<1024xf32, #tpu.memory_space<hbm>>)
      tpu.yield
    }) : () -> ()
    return
  }
}

#map = affine_map<(d0, d1) -> (0, 0)>
#map1 = affine_map<(d0, d1) -> (0)>
module attributes {stable_mosaic.version = 14 : i64} {
  func.func @kfn(%arg0: i32, %arg1: i32, %arg2: memref<8192x256xf32, #tpu.memory_space<hbm>>, %arg3: memref<256x128xi32, #tpu.memory_space<hbm>>, %arg4: memref<2048xi32, #tpu.memory_space<hbm>>, %arg5: memref<24576xf32, #tpu.memory_space<hbm>>, %arg6: memref<256xf32, #tpu.memory_space<hbm>>, %arg7: memref<256xf32, #tpu.memory_space<hbm>>, %arg8: memref<524288xf32, #tpu.memory_space<hbm>>, %arg9: memref<6144xf32, #tpu.memory_space<hbm>>, %arg10: memref<8x128xi32, #tpu.memory_space<vmem>>, %arg11: memref<128x256xf32, #tpu.memory_space<vmem>>, %arg12: memref<128x256xf32, #tpu.memory_space<vmem>>, %arg13: memref<256xf32, #tpu.memory_space<vmem>>, %arg14: memref<256xf32, #tpu.memory_space<vmem>>, %arg15: memref<16384xf32, #tpu.memory_space<vmem>>, %arg16: memref<64xi32, #tpu.memory_space<vmem>>, %arg17: memref<24576xf32, #tpu.memory_space<vmem>>, %arg18: memref<192xf32, #tpu.memory_space<vmem>>, %arg19: memref<!tpu.dma_semaphore, #tpu.memory_space<semaphore_mem>>, %arg20: memref<!tpu.dma_semaphore, #tpu.memory_space<semaphore_mem>>) attributes {dimension_semantics = [#tpu.dimension_semantics<core_parallel>, #tpu.dimension_semantics<subcore_parallel>], iteration_bounds = array<i64: 2, 16>, scalar_prefetch = 0 : i64, scratch_operands = 11 : i64, tpu.core_type = #tpu.core_type<sc_vector_subcore>, window_params = [{transform_indices = #map}, {transform_indices = #map}, {transform_indices = #map1}, {transform_indices = #map1}, {transform_indices = #map1}, {transform_indices = #map1}, {transform_indices = #map1}, {transform_indices = #map1}]} {
    %mul3A = arith.constant 16 : i32
    %mul3A_0 = arith.muli %arg0, %mul3A : i32
    %add3A = arith.addi %mul3A_0, %arg1 : i32
    %iota3A = tpu.iota {dimensions = array<i32: 0>} : vector<16xi32>
    %mul3A_1 = arith.constant 8 : i32
    %mul3A_2 = arith.muli %add3A, %mul3A_1 : i32
    "tpu.region"() ({
      %run_scoped3A = tpu.sem_alloc : memref<!tpu.dma_semaphore, #tpu.memory_space<semaphore_mem>>
      %dma_start3A_151 = arith.constant 0 : i32
      %dma_start3A_152 = tpu.memref_slice %arg3[%mul3A_2, %dma_start3A_151] : memref<256x128xi32, #tpu.memory_space<hbm>> -> memref<8x128xi32, #tpu.memory_space<hbm>>
      %dma_start3A_153 = arith.constant 0 : i32
      %dma_start3A_154 = tpu.memref_slice %arg3[%mul3A_2, %dma_start3A_153] : memref<256x128xi32, #tpu.memory_space<hbm>> -> memref<8x128xi32, #tpu.memory_space<hbm>>
      tpu.enqueue_dma source(%dma_start3A_154 : memref<8x128xi32, #tpu.memory_space<hbm>>) target(%arg10 : memref<8x128xi32, #tpu.memory_space<vmem>>) target_semaphore(%run_scoped3A : memref<!tpu.dma_semaphore, #tpu.memory_space<semaphore_mem>>)
      %dma_wait3A = arith.constant 0 : i32
      %dma_wait3A_155 = tpu.memref_slice %arg3[%mul3A_2, %dma_wait3A] : memref<256x128xi32, #tpu.memory_space<hbm>> -> memref<8x128xi32, #tpu.memory_space<hbm>>
      %dma_wait3A_156 = arith.constant 0 : i32
      %dma_wait3A_157 = tpu.memref_slice %arg3[%mul3A_2, %dma_wait3A_156] : memref<256x128xi32, #tpu.memory_space<hbm>> -> memref<8x128xi32, #tpu.memory_space<hbm>>
      tpu.wait_dma2 semaphore(%run_scoped3A : memref<!tpu.dma_semaphore, #tpu.memory_space<semaphore_mem>>) src(%dma_wait3A_157 : memref<8x128xi32, #tpu.memory_space<hbm>>) dst(%arg10 : memref<8x128xi32, #tpu.memory_space<vmem>>)
      tpu.yield
    }) : () -> ()
    "tpu.region"() ({
      %run_scoped3A = tpu.sem_alloc : memref<!tpu.dma_semaphore, #tpu.memory_space<semaphore_mem>>
      tpu.enqueue_dma source(%arg6 : memref<256xf32, #tpu.memory_space<hbm>>) target(%arg13 : memref<256xf32, #tpu.memory_space<vmem>>) target_semaphore(%run_scoped3A : memref<!tpu.dma_semaphore, #tpu.memory_space<semaphore_mem>>)
      tpu.wait_dma2 semaphore(%run_scoped3A : memref<!tpu.dma_semaphore, #tpu.memory_space<semaphore_mem>>) src(%arg6 : memref<256xf32, #tpu.memory_space<hbm>>) dst(%arg13 : memref<256xf32, #tpu.memory_space<vmem>>)
      tpu.yield
    }) : () -> ()
    "tpu.region"() ({
      %run_scoped3A = tpu.sem_alloc : memref<!tpu.dma_semaphore, #tpu.memory_space<semaphore_mem>>
      tpu.enqueue_dma source(%arg7 : memref<256xf32, #tpu.memory_space<hbm>>) target(%arg14 : memref<256xf32, #tpu.memory_space<vmem>>) target_semaphore(%run_scoped3A : memref<!tpu.dma_semaphore, #tpu.memory_space<semaphore_mem>>)
      tpu.wait_dma2 semaphore(%run_scoped3A : memref<!tpu.dma_semaphore, #tpu.memory_space<semaphore_mem>>) src(%arg7 : memref<256xf32, #tpu.memory_space<hbm>>) dst(%arg14 : memref<256xf32, #tpu.memory_space<vmem>>)
      tpu.yield
    }) : () -> ()
    %mul3A_3 = arith.constant 64 : i32
    %mul3A_4 = arith.muli %add3A, %mul3A_3 : i32
    "tpu.region"() ({
      %run_scoped3A = tpu.sem_alloc : memref<!tpu.dma_semaphore, #tpu.memory_space<semaphore_mem>>
      %dma_start3A_151 = tpu.memref_slice %arg4[%mul3A_4] : memref<2048xi32, #tpu.memory_space<hbm>> -> memref<64xi32, #tpu.memory_space<hbm>>
      %dma_start3A_152 = tpu.memref_slice %arg4[%mul3A_4] : memref<2048xi32, #tpu.memory_space<hbm>> -> memref<64xi32, #tpu.memory_space<hbm>>
      tpu.enqueue_dma source(%dma_start3A_152 : memref<64xi32, #tpu.memory_space<hbm>>) target(%arg16 : memref<64xi32, #tpu.memory_space<vmem>>) target_semaphore(%run_scoped3A : memref<!tpu.dma_semaphore, #tpu.memory_space<semaphore_mem>>)
      %dma_wait3A = tpu.memref_slice %arg4[%mul3A_4] : memref<2048xi32, #tpu.memory_space<hbm>> -> memref<64xi32, #tpu.memory_space<hbm>>
      %dma_wait3A_153 = tpu.memref_slice %arg4[%mul3A_4] : memref<2048xi32, #tpu.memory_space<hbm>> -> memref<64xi32, #tpu.memory_space<hbm>>
      tpu.wait_dma2 semaphore(%run_scoped3A : memref<!tpu.dma_semaphore, #tpu.memory_space<semaphore_mem>>) src(%dma_wait3A_153 : memref<64xi32, #tpu.memory_space<hbm>>) dst(%arg16 : memref<64xi32, #tpu.memory_space<vmem>>)
      tpu.yield
    }) : () -> ()
    "tpu.region"() ({
      %run_scoped3A = tpu.sem_alloc : memref<!tpu.dma_semaphore, #tpu.memory_space<semaphore_mem>>
      tpu.enqueue_dma source(%arg5 : memref<24576xf32, #tpu.memory_space<hbm>>) target(%arg17 : memref<24576xf32, #tpu.memory_space<vmem>>) target_semaphore(%run_scoped3A : memref<!tpu.dma_semaphore, #tpu.memory_space<semaphore_mem>>)
      tpu.wait_dma2 semaphore(%run_scoped3A : memref<!tpu.dma_semaphore, #tpu.memory_space<semaphore_mem>>) src(%arg5 : memref<24576xf32, #tpu.memory_space<hbm>>) dst(%arg17 : memref<24576xf32, #tpu.memory_space<vmem>>)
      tpu.yield
    }) : () -> ()
    %dma_start3A = arith.constant 0 : i32
    %dma_start3A_5 = arith.constant 0 : i32
    %dma_start3A_6 = tpu.memref_slice %arg10[%dma_start3A, %dma_start3A_5] : memref<8x128xi32, #tpu.memory_space<vmem>> -> memref<1x128xi32, #tpu.memory_space<vmem>>
    %dma_start3A_7 = tpu.memref_squeeze %dma_start3A_6 : memref<1x128xi32, #tpu.memory_space<vmem>> -> memref<128xi32, #tpu.memory_space<vmem>>
    %dma_start3A_8 = arith.constant 0 : i32
    %dma_start3A_9 = arith.constant 0 : i32
    %dma_start3A_10 = tpu.memref_slice %arg2[%dma_start3A_8, %dma_start3A_9] : memref<8192x256xf32, #tpu.memory_space<hbm>> -> memref<8192x256xf32, #tpu.memory_space<hbm>>
    tpu.enqueue_indirect_dma source(%dma_start3A_10 : memref<8192x256xf32, #tpu.memory_space<hbm>>) target(%arg11 : memref<128x256xf32, #tpu.memory_space<vmem>>) offsets(%dma_start3A_7 : memref<128xi32, #tpu.memory_space<vmem>>) semaphore(%arg19 : memref<!tpu.dma_semaphore, #tpu.memory_space<semaphore_mem>>)
    %scan3A = arith.constant 0 : i32
    %scan3A_11 = arith.constant 0 : i32
    %scan3A_12 = arith.constant 4 : i32
    %scan3A_13 = arith.addi %scan3A_11, %scan3A_12 : i32
    %scan3A_14 = arith.constant 1 : i32
    %scan3A_15 = scf.for %scan3A_151 = %scan3A_11 to %scan3A_13 step %scan3A_14 iter_args(%scan3A_152 = %scan3A) -> (i32)  : i32 {
      %mul3A_153 = arith.constant 2 : i32
      %mul3A_154 = arith.muli %scan3A_151, %mul3A_153 : i32
      %dma_wait3A = arith.constant 0 : i32
      %dma_wait3A_155 = tpu.memref_slice %arg10[%mul3A_154, %dma_wait3A] : memref<8x128xi32, #tpu.memory_space<vmem>> -> memref<1x128xi32, #tpu.memory_space<vmem>>
      %dma_wait3A_156 = tpu.memref_squeeze %dma_wait3A_155 : memref<1x128xi32, #tpu.memory_space<vmem>> -> memref<128xi32, #tpu.memory_space<vmem>>
      %dma_wait3A_157 = arith.constant 0 : i32
      %dma_wait3A_158 = arith.constant 0 : i32
      %dma_wait3A_159 = tpu.memref_slice %arg2[%dma_wait3A_157, %dma_wait3A_158] : memref<8192x256xf32, #tpu.memory_space<hbm>> -> memref<8192x256xf32, #tpu.memory_space<hbm>>
      tpu.wait_indirect_dma semaphore(%arg19 : memref<!tpu.dma_semaphore, #tpu.memory_space<semaphore_mem>>) src(%dma_wait3A_159 : memref<8192x256xf32, #tpu.memory_space<hbm>>) dst(%arg11 : memref<128x256xf32, #tpu.memory_space<vmem>>)
      %add3A_160 = arith.constant 1 : i32
      %add3A_161 = arith.addi %mul3A_154, %add3A_160 : i32
      %dma_start3A_162 = arith.constant 0 : i32
      %dma_start3A_163 = tpu.memref_slice %arg10[%add3A_161, %dma_start3A_162] : memref<8x128xi32, #tpu.memory_space<vmem>> -> memref<1x128xi32, #tpu.memory_space<vmem>>
      %dma_start3A_164 = tpu.memref_squeeze %dma_start3A_163 : memref<1x128xi32, #tpu.memory_space<vmem>> -> memref<128xi32, #tpu.memory_space<vmem>>
      %dma_start3A_165 = arith.constant 0 : i32
      %dma_start3A_166 = arith.constant 0 : i32
      %dma_start3A_167 = tpu.memref_slice %arg2[%dma_start3A_165, %dma_start3A_166] : memref<8192x256xf32, #tpu.memory_space<hbm>> -> memref<8192x256xf32, #tpu.memory_space<hbm>>
      tpu.enqueue_indirect_dma source(%dma_start3A_167 : memref<8192x256xf32, #tpu.memory_space<hbm>>) target(%arg12 : memref<128x256xf32, #tpu.memory_space<vmem>>) offsets(%dma_start3A_164 : memref<128xi32, #tpu.memory_space<vmem>>) semaphore(%arg20 : memref<!tpu.dma_semaphore, #tpu.memory_space<semaphore_mem>>)
      %scan3A_168 = arith.constant 0 : i32
      %scan3A_169 = arith.constant 0 : i32
      %scan3A_170 = arith.constant 16 : i32
      %scan3A_171 = arith.addi %scan3A_169, %scan3A_170 : i32
      %scan3A_172 = arith.constant 1 : i32
      %scan3A_173 = scf.for %scan3A_295 = %scan3A_169 to %scan3A_171 step %scan3A_172 iter_args(%scan3A_296 = %scan3A_168) -> (i32)  : i32 {
        %mul3A_297 = arith.constant 16 : i32
        %mul3A_298 = arith.muli %scan3A_295, %mul3A_297 : i32
        %get3A_299 = arith.constant 0 : i32
        %get3A_300 = arith.index_cast %get3A_299 : i32 to index
        %get3A_301 = arith.index_cast %mul3A_298 : i32 to index
        %get3A_302 = tpu.vector_load %arg11[%get3A_300, %get3A_301] {strides = array<i32>} : memref<128x256xf32, #tpu.memory_space<vmem>>, vector<16xf32>,
        %get3A_303 = arith.constant 1 : i32
        %get3A_304 = arith.index_cast %get3A_303 : i32 to index
        %get3A_305 = arith.index_cast %mul3A_298 : i32 to index
        %get3A_306 = tpu.vector_load %arg11[%get3A_304, %get3A_305] {strides = array<i32>} : memref<128x256xf32, #tpu.memory_space<vmem>>, vector<16xf32>,
        %max3A = arith.maximumf %get3A_302, %get3A_306 : vector<16xf32>
        %min3A = arith.minimumf %get3A_302, %get3A_306 : vector<16xf32>
        %get3A_307 = arith.constant 2 : i32
        %get3A_308 = arith.index_cast %get3A_307 : i32 to index
        %get3A_309 = arith.index_cast %mul3A_298 : i32 to index
        %get3A_310 = tpu.vector_load %arg11[%get3A_308, %get3A_309] {strides = array<i32>} : memref<128x256xf32, #tpu.memory_space<vmem>>, vector<16xf32>,
        %max3A_311 = arith.maximumf %max3A, %get3A_310 : vector<16xf32>
        %min3A_312 = arith.minimumf %min3A, %get3A_310 : vector<16xf32>
        %get3A_313 = arith.constant 3 : i32
        %get3A_314 = arith.index_cast %get3A_313 : i32 to index
        %get3A_315 = arith.index_cast %mul3A_298 : i32 to index
        %get3A_316 = tpu.vector_load %arg11[%get3A_314, %get3A_315] {strides = array<i32>} : memref<128x256xf32, #tpu.memory_space<vmem>>, vector<16xf32>,
        %max3A_317 = arith.maximumf %max3A_311, %get3A_316 : vector<16xf32>
        %min3A_318 = arith.minimumf %min3A_312, %get3A_316 : vector<16xf32>
        %get3A_319 = arith.constant 4 : i32
        %get3A_320 = arith.index_cast %get3A_319 : i32 to index
        %get3A_321 = arith.index_cast %mul3A_298 : i32 to index
        %get3A_322 = tpu.vector_load %arg11[%get3A_320, %get3A_321] {strides = array<i32>} : memref<128x256xf32, #tpu.memory_space<vmem>>, vector<16xf32>,
        %max3A_323 = arith.maximumf %max3A_317, %get3A_322 : vector<16xf32>
        %min3A_324 = arith.minimumf %min3A_318, %get3A_322 : vector<16xf32>
        %get3A_325 = arith.constant 5 : i32
        %get3A_326 = arith.index_cast %get3A_325 : i32 to index
        %get3A_327 = arith.index_cast %mul3A_298 : i32 to index
        %get3A_328 = tpu.vector_load %arg11[%get3A_326, %get3A_327] {strides = array<i32>} : memref<128x256xf32, #tpu.memory_space<vmem>>, vector<16xf32>,
        %max3A_329 = arith.maximumf %max3A_323, %get3A_328 : vector<16xf32>
        %min3A_330 = arith.minimumf %min3A_324, %get3A_328 : vector<16xf32>
        %get3A_331 = arith.constant 6 : i32
        %get3A_332 = arith.index_cast %get3A_331 : i32 to index
        %get3A_333 = arith.index_cast %mul3A_298 : i32 to index
        %get3A_334 = tpu.vector_load %arg11[%get3A_332, %get3A_333] {strides = array<i32>} : memref<128x256xf32, #tpu.memory_space<vmem>>, vector<16xf32>,
        %max3A_335 = arith.maximumf %max3A_329, %get3A_334 : vector<16xf32>
        %min3A_336 = arith.minimumf %min3A_330, %get3A_334 : vector<16xf32>
        %get3A_337 = arith.constant 7 : i32
        %get3A_338 = arith.index_cast %get3A_337 : i32 to index
        %get3A_339 = arith.index_cast %mul3A_298 : i32 to index
        %get3A_340 = tpu.vector_load %arg11[%get3A_338, %get3A_339] {strides = array<i32>} : memref<128x256xf32, #tpu.memory_space<vmem>>, vector<16xf32>,
        %max3A_341 = arith.maximumf %max3A_335, %get3A_340 : vector<16xf32>
        %min3A_342 = arith.minimumf %min3A_336, %get3A_340 : vector<16xf32>
        %get3A_343 = arith.constant 8 : i32
        %get3A_344 = arith.index_cast %get3A_343 : i32 to index
        %get3A_345 = arith.index_cast %mul3A_298 : i32 to index
        %get3A_346 = tpu.vector_load %arg11[%get3A_344, %get3A_345] {strides = array<i32>} : memref<128x256xf32, #tpu.memory_space<vmem>>, vector<16xf32>,
        %max3A_347 = arith.maximumf %max3A_341, %get3A_346 : vector<16xf32>
        %min3A_348 = arith.minimumf %min3A_342, %get3A_346 : vector<16xf32>
        %get3A_349 = arith.constant 9 : i32
        %get3A_350 = arith.index_cast %get3A_349 : i32 to index
        %get3A_351 = arith.index_cast %mul3A_298 : i32 to index
        %get3A_352 = tpu.vector_load %arg11[%get3A_350, %get3A_351] {strides = array<i32>} : memref<128x256xf32, #tpu.memory_space<vmem>>, vector<16xf32>,
        %max3A_353 = arith.maximumf %max3A_347, %get3A_352 : vector<16xf32>
        %min3A_354 = arith.minimumf %min3A_348, %get3A_352 : vector<16xf32>
        %get3A_355 = arith.constant 10 : i32
        %get3A_356 = arith.index_cast %get3A_355 : i32 to index
        %get3A_357 = arith.index_cast %mul3A_298 : i32 to index
        %get3A_358 = tpu.vector_load %arg11[%get3A_356, %get3A_357] {strides = array<i32>} : memref<128x256xf32, #tpu.memory_space<vmem>>, vector<16xf32>,
        %max3A_359 = arith.maximumf %max3A_353, %get3A_358 : vector<16xf32>
        %min3A_360 = arith.minimumf %min3A_354, %get3A_358 : vector<16xf32>
        %get3A_361 = arith.constant 11 : i32
        %get3A_362 = arith.index_cast %get3A_361 : i32 to index
        %get3A_363 = arith.index_cast %mul3A_298 : i32 to index
        %get3A_364 = tpu.vector_load %arg11[%get3A_362, %get3A_363] {strides = array<i32>} : memref<128x256xf32, #tpu.memory_space<vmem>>, vector<16xf32>,
        %max3A_365 = arith.maximumf %max3A_359, %get3A_364 : vector<16xf32>
        %min3A_366 = arith.minimumf %min3A_360, %get3A_364 : vector<16xf32>
        %get3A_367 = arith.constant 12 : i32
        %get3A_368 = arith.index_cast %get3A_367 : i32 to index
        %get3A_369 = arith.index_cast %mul3A_298 : i32 to index
        %get3A_370 = tpu.vector_load %arg11[%get3A_368, %get3A_369] {strides = array<i32>} : memref<128x256xf32, #tpu.memory_space<vmem>>, vector<16xf32>,
        %max3A_371 = arith.maximumf %max3A_365, %get3A_370 : vector<16xf32>
        %min3A_372 = arith.minimumf %min3A_366, %get3A_370 : vector<16xf32>
        %get3A_373 = arith.constant 13 : i32
        %get3A_374 = arith.index_cast %get3A_373 : i32 to index
        %get3A_375 = arith.index_cast %mul3A_298 : i32 to index
        %get3A_376 = tpu.vector_load %arg11[%get3A_374, %get3A_375] {strides = array<i32>} : memref<128x256xf32, #tpu.memory_space<vmem>>, vector<16xf32>,
        %max3A_377 = arith.maximumf %max3A_371, %get3A_376 : vector<16xf32>
        %min3A_378 = arith.minimumf %min3A_372, %get3A_376 : vector<16xf32>
        %get3A_379 = arith.constant 14 : i32
        %get3A_380 = arith.index_cast %get3A_379 : i32 to index
        %get3A_381 = arith.index_cast %mul3A_298 : i32 to index
        %get3A_382 = tpu.vector_load %arg11[%get3A_380, %get3A_381] {strides = array<i32>} : memref<128x256xf32, #tpu.memory_space<vmem>>, vector<16xf32>,
        %max3A_383 = arith.maximumf %max3A_377, %get3A_382 : vector<16xf32>
        %min3A_384 = arith.minimumf %min3A_378, %get3A_382 : vector<16xf32>
        %get3A_385 = arith.constant 15 : i32
        %get3A_386 = arith.index_cast %get3A_385 : i32 to index
        %get3A_387 = arith.index_cast %mul3A_298 : i32 to index
        %get3A_388 = tpu.vector_load %arg11[%get3A_386, %get3A_387] {strides = array<i32>} : memref<128x256xf32, #tpu.memory_space<vmem>>, vector<16xf32>,
        %max3A_389 = arith.maximumf %max3A_383, %get3A_388 : vector<16xf32>
        %min3A_390 = arith.minimumf %min3A_384, %get3A_388 : vector<16xf32>
        %get3A_391 = arith.index_cast %mul3A_298 : i32 to index
        %get3A_392 = tpu.vector_load %arg13[%get3A_391] {strides = array<i32>} : memref<256xf32, #tpu.memory_space<vmem>>, vector<16xf32>,
        %get3A_393 = arith.index_cast %mul3A_298 : i32 to index
        %get3A_394 = tpu.vector_load %arg14[%get3A_393] {strides = array<i32>} : memref<256xf32, #tpu.memory_space<vmem>>, vector<16xf32>,
        %mul3A_395 = arith.mulf %get3A_392, %max3A_389 : vector<16xf32>
        %add3A_396 = arith.addf %mul3A_395, %get3A_394 : vector<16xf32>
        %mul3A_397 = arith.mulf %get3A_392, %min3A_390 : vector<16xf32>
        %add3A_398 = arith.addf %mul3A_397, %get3A_394 : vector<16xf32>
        %max3A_399 = arith.maximumf %add3A_396, %add3A_398 : vector<16xf32>
        %max3A_400 = arith.constant 0.000000e+00 : f32
        %max3A_401 = vector.broadcast %max3A_400 : f32 to vector<16xf32>
        %max3A_402 = arith.maximumf %max3A_399, %max3A_401 : vector<16xf32>
        %mul3A_403 = arith.constant 8 : i32
        %mul3A_404 = arith.muli %mul3A_154, %mul3A_403 : i32
        %add3A_405 = arith.constant 0 : i32
        %add3A_406 = arith.addi %mul3A_404, %add3A_405 : i32
        %mul3A_407 = arith.constant 256 : i32
        %mul3A_408 = arith.muli %add3A_406, %mul3A_407 : i32
        %add3A_409 = arith.addi %mul3A_408, %mul3A_298 : i32
        %swap3A = arith.index_cast %add3A_409 : i32 to index
        %swap3A_410 = tpu.vector_load %arg15[%swap3A] {strides = array<i32>} : memref<16384xf32, #tpu.memory_space<vmem>>, vector<16xf32>,
        tpu.vector_store %arg15[%swap3A], %max3A_402 {strides = array<i32>} : memref<16384xf32, #tpu.memory_space<vmem>>, vector<16xf32>,
        %scan3A_411 = arith.constant 0 : i32
        scf.yield %scan3A_411 : i32
      }
      %scan3A_174 = arith.constant 16 : i32
      %scan3A_175 = arith.constant 0 : i32
      %scan3A_176 = arith.constant 0 : i32
      %scan3A_177 = arith.constant 16 : i32
      %scan3A_178 = arith.addi %scan3A_176, %scan3A_177 : i32
      %scan3A_179 = arith.constant 1 : i32
      %scan3A_180 = scf.for %scan3A_295 = %scan3A_176 to %scan3A_178 step %scan3A_179 iter_args(%scan3A_296 = %scan3A_175) -> (i32)  : i32 {
        %mul3A_297 = arith.constant 16 : i32
        %mul3A_298 = arith.muli %scan3A_295, %mul3A_297 : i32
        %get3A_299 = arith.constant 16 : i32
        %get3A_300 = arith.index_cast %get3A_299 : i32 to index
        %get3A_301 = arith.index_cast %mul3A_298 : i32 to index
        %get3A_302 = tpu.vector_load %arg11[%get3A_300, %get3A_301] {strides = array<i32>} : memref<128x256xf32, #tpu.memory_space<vmem>>, vector<16xf32>,
        %get3A_303 = arith.constant 17 : i32
        %get3A_304 = arith.index_cast %get3A_303 : i32 to index
        %get3A_305 = arith.index_cast %mul3A_298 : i32 to index
        %get3A_306 = tpu.vector_load %arg11[%get3A_304, %get3A_305] {strides = array<i32>} : memref<128x256xf32, #tpu.memory_space<vmem>>, vector<16xf32>,
        %max3A = arith.maximumf %get3A_302, %get3A_306 : vector<16xf32>
        %min3A = arith.minimumf %get3A_302, %get3A_306 : vector<16xf32>
        %get3A_307 = arith.constant 18 : i32
        %get3A_308 = arith.index_cast %get3A_307 : i32 to index
        %get3A_309 = arith.index_cast %mul3A_298 : i32 to index
        %get3A_310 = tpu.vector_load %arg11[%get3A_308, %get3A_309] {strides = array<i32>} : memref<128x256xf32, #tpu.memory_space<vmem>>, vector<16xf32>,
        %max3A_311 = arith.maximumf %max3A, %get3A_310 : vector<16xf32>
        %min3A_312 = arith.minimumf %min3A, %get3A_310 : vector<16xf32>
        %get3A_313 = arith.constant 19 : i32
        %get3A_314 = arith.index_cast %get3A_313 : i32 to index
        %get3A_315 = arith.index_cast %mul3A_298 : i32 to index
        %get3A_316 = tpu.vector_load %arg11[%get3A_314, %get3A_315] {strides = array<i32>} : memref<128x256xf32, #tpu.memory_space<vmem>>, vector<16xf32>,
        %max3A_317 = arith.maximumf %max3A_311, %get3A_316 : vector<16xf32>
        %min3A_318 = arith.minimumf %min3A_312, %get3A_316 : vector<16xf32>
        %get3A_319 = arith.constant 20 : i32
        %get3A_320 = arith.index_cast %get3A_319 : i32 to index
        %get3A_321 = arith.index_cast %mul3A_298 : i32 to index
        %get3A_322 = tpu.vector_load %arg11[%get3A_320, %get3A_321] {strides = array<i32>} : memref<128x256xf32, #tpu.memory_space<vmem>>, vector<16xf32>,
        %max3A_323 = arith.maximumf %max3A_317, %get3A_322 : vector<16xf32>
        %min3A_324 = arith.minimumf %min3A_318, %get3A_322 : vector<16xf32>
        %get3A_325 = arith.constant 21 : i32
        %get3A_326 = arith.index_cast %get3A_325 : i32 to index
        %get3A_327 = arith.index_cast %mul3A_298 : i32 to index
        %get3A_328 = tpu.vector_load %arg11[%get3A_326, %get3A_327] {strides = array<i32>} : memref<128x256xf32, #tpu.memory_space<vmem>>, vector<16xf32>,
        %max3A_329 = arith.maximumf %max3A_323, %get3A_328 : vector<16xf32>
        %min3A_330 = arith.minimumf %min3A_324, %get3A_328 : vector<16xf32>
        %get3A_331 = arith.constant 22 : i32
        %get3A_332 = arith.index_cast %get3A_331 : i32 to index
        %get3A_333 = arith.index_cast %mul3A_298 : i32 to index
        %get3A_334 = tpu.vector_load %arg11[%get3A_332, %get3A_333] {strides = array<i32>} : memref<128x256xf32, #tpu.memory_space<vmem>>, vector<16xf32>,
        %max3A_335 = arith.maximumf %max3A_329, %get3A_334 : vector<16xf32>
        %min3A_336 = arith.minimumf %min3A_330, %get3A_334 : vector<16xf32>
        %get3A_337 = arith.constant 23 : i32
        %get3A_338 = arith.index_cast %get3A_337 : i32 to index
        %get3A_339 = arith.index_cast %mul3A_298 : i32 to index
        %get3A_340 = tpu.vector_load %arg11[%get3A_338, %get3A_339] {strides = array<i32>} : memref<128x256xf32, #tpu.memory_space<vmem>>, vector<16xf32>,
        %max3A_341 = arith.maximumf %max3A_335, %get3A_340 : vector<16xf32>
        %min3A_342 = arith.minimumf %min3A_336, %get3A_340 : vector<16xf32>
        %get3A_343 = arith.constant 24 : i32
        %get3A_344 = arith.index_cast %get3A_343 : i32 to index
        %get3A_345 = arith.index_cast %mul3A_298 : i32 to index
        %get3A_346 = tpu.vector_load %arg11[%get3A_344, %get3A_345] {strides = array<i32>} : memref<128x256xf32, #tpu.memory_space<vmem>>, vector<16xf32>,
        %max3A_347 = arith.maximumf %max3A_341, %get3A_346 : vector<16xf32>
        %min3A_348 = arith.minimumf %min3A_342, %get3A_346 : vector<16xf32>
        %get3A_349 = arith.constant 25 : i32
        %get3A_350 = arith.index_cast %get3A_349 : i32 to index
        %get3A_351 = arith.index_cast %mul3A_298 : i32 to index
        %get3A_352 = tpu.vector_load %arg11[%get3A_350, %get3A_351] {strides = array<i32>} : memref<128x256xf32, #tpu.memory_space<vmem>>, vector<16xf32>,
        %max3A_353 = arith.maximumf %max3A_347, %get3A_352 : vector<16xf32>
        %min3A_354 = arith.minimumf %min3A_348, %get3A_352 : vector<16xf32>
        %get3A_355 = arith.constant 26 : i32
        %get3A_356 = arith.index_cast %get3A_355 : i32 to index
        %get3A_357 = arith.index_cast %mul3A_298 : i32 to index
        %get3A_358 = tpu.vector_load %arg11[%get3A_356, %get3A_357] {strides = array<i32>} : memref<128x256xf32, #tpu.memory_space<vmem>>, vector<16xf32>,
        %max3A_359 = arith.maximumf %max3A_353, %get3A_358 : vector<16xf32>
        %min3A_360 = arith.minimumf %min3A_354, %get3A_358 : vector<16xf32>
        %get3A_361 = arith.constant 27 : i32
        %get3A_362 = arith.index_cast %get3A_361 : i32 to index
        %get3A_363 = arith.index_cast %mul3A_298 : i32 to index
        %get3A_364 = tpu.vector_load %arg11[%get3A_362, %get3A_363] {strides = array<i32>} : memref<128x256xf32, #tpu.memory_space<vmem>>, vector<16xf32>,
        %max3A_365 = arith.maximumf %max3A_359, %get3A_364 : vector<16xf32>
        %min3A_366 = arith.minimumf %min3A_360, %get3A_364 : vector<16xf32>
        %get3A_367 = arith.constant 28 : i32
        %get3A_368 = arith.index_cast %get3A_367 : i32 to index
        %get3A_369 = arith.index_cast %mul3A_298 : i32 to index
        %get3A_370 = tpu.vector_load %arg11[%get3A_368, %get3A_369] {strides = array<i32>} : memref<128x256xf32, #tpu.memory_space<vmem>>, vector<16xf32>,
        %max3A_371 = arith.maximumf %max3A_365, %get3A_370 : vector<16xf32>
        %min3A_372 = arith.minimumf %min3A_366, %get3A_370 : vector<16xf32>
        %get3A_373 = arith.constant 29 : i32
        %get3A_374 = arith.index_cast %get3A_373 : i32 to index
        %get3A_375 = arith.index_cast %mul3A_298 : i32 to index
        %get3A_376 = tpu.vector_load %arg11[%get3A_374, %get3A_375] {strides = array<i32>} : memref<128x256xf32, #tpu.memory_space<vmem>>, vector<16xf32>,
        %max3A_377 = arith.maximumf %max3A_371, %get3A_376 : vector<16xf32>
        %min3A_378 = arith.minimumf %min3A_372, %get3A_376 : vector<16xf32>
        %get3A_379 = arith.constant 30 : i32
        %get3A_380 = arith.index_cast %get3A_379 : i32 to index
        %get3A_381 = arith.index_cast %mul3A_298 : i32 to index
        %get3A_382 = tpu.vector_load %arg11[%get3A_380, %get3A_381] {strides = array<i32>} : memref<128x256xf32, #tpu.memory_space<vmem>>, vector<16xf32>,
        %max3A_383 = arith.maximumf %max3A_377, %get3A_382 : vector<16xf32>
        %min3A_384 = arith.minimumf %min3A_378, %get3A_382 : vector<16xf32>
        %get3A_385 = arith.constant 31 : i32
        %get3A_386 = arith.index_cast %get3A_385 : i32 to index
        %get3A_387 = arith.index_cast %mul3A_298 : i32 to index
        %get3A_388 = tpu.vector_load %arg11[%get3A_386, %get3A_387] {strides = array<i32>} : memref<128x256xf32, #tpu.memory_space<vmem>>, vector<16xf32>,
        %max3A_389 = arith.maximumf %max3A_383, %get3A_388 : vector<16xf32>
        %min3A_390 = arith.minimumf %min3A_384, %get3A_388 : vector<16xf32>
        %get3A_391 = arith.index_cast %mul3A_298 : i32 to index
        %get3A_392 = tpu.vector_load %arg13[%get3A_391] {strides = array<i32>} : memref<256xf32, #tpu.memory_space<vmem>>, vector<16xf32>,
        %get3A_393 = arith.index_cast %mul3A_298 : i32 to index
        %get3A_394 = tpu.vector_load %arg14[%get3A_393] {strides = array<i32>} : memref<256xf32, #tpu.memory_space<vmem>>, vector<16xf32>,
        %mul3A_395 = arith.mulf %get3A_392, %max3A_389 : vector<16xf32>
        %add3A_396 = arith.addf %mul3A_395, %get3A_394 : vector<16xf32>
        %mul3A_397 = arith.mulf %get3A_392, %min3A_390 : vector<16xf32>
        %add3A_398 = arith.addf %mul3A_397, %get3A_394 : vector<16xf32>
        %max3A_399 = arith.maximumf %add3A_396, %add3A_398 : vector<16xf32>
        %max3A_400 = arith.constant 0.000000e+00 : f32
        %max3A_401 = vector.broadcast %max3A_400 : f32 to vector<16xf32>
        %max3A_402 = arith.maximumf %max3A_399, %max3A_401 : vector<16xf32>
        %mul3A_403 = arith.constant 8 : i32
        %mul3A_404 = arith.muli %mul3A_154, %mul3A_403 : i32
        %add3A_405 = arith.constant 1 : i32
        %add3A_406 = arith.addi %mul3A_404, %add3A_405 : i32
        %mul3A_407 = arith.constant 256 : i32
        %mul3A_408 = arith.muli %add3A_406, %mul3A_407 : i32
        %add3A_409 = arith.addi %mul3A_408, %mul3A_298 : i32
        %swap3A = arith.index_cast %add3A_409 : i32 to index
        %swap3A_410 = tpu.vector_load %arg15[%swap3A] {strides = array<i32>} : memref<16384xf32, #tpu.memory_space<vmem>>, vector<16xf32>,
        tpu.vector_store %arg15[%swap3A], %max3A_402 {strides = array<i32>} : memref<16384xf32, #tpu.memory_space<vmem>>, vector<16xf32>,
        %scan3A_411 = arith.constant 0 : i32
        scf.yield %scan3A_411 : i32
      }
      %scan3A_181 = arith.constant 16 : i32
      %scan3A_182 = arith.constant 0 : i32
      %scan3A_183 = arith.constant 0 : i32
      %scan3A_184 = arith.constant 16 : i32
      %scan3A_185 = arith.addi %scan3A_183, %scan3A_184 : i32
      %scan3A_186 = arith.constant 1 : i32
      %scan3A_187 = scf.for %scan3A_295 = %scan3A_183 to %scan3A_185 step %scan3A_186 iter_args(%scan3A_296 = %scan3A_182) -> (i32)  : i32 {
        %mul3A_297 = arith.constant 16 : i32
        %mul3A_298 = arith.muli %scan3A_295, %mul3A_297 : i32
        %get3A_299 = arith.constant 32 : i32
        %get3A_300 = arith.index_cast %get3A_299 : i32 to index
        %get3A_301 = arith.index_cast %mul3A_298 : i32 to index
        %get3A_302 = tpu.vector_load %arg11[%get3A_300, %get3A_301] {strides = array<i32>} : memref<128x256xf32, #tpu.memory_space<vmem>>, vector<16xf32>,
        %get3A_303 = arith.constant 33 : i32
        %get3A_304 = arith.index_cast %get3A_303 : i32 to index
        %get3A_305 = arith.index_cast %mul3A_298 : i32 to index
        %get3A_306 = tpu.vector_load %arg11[%get3A_304, %get3A_305] {strides = array<i32>} : memref<128x256xf32, #tpu.memory_space<vmem>>, vector<16xf32>,
        %max3A = arith.maximumf %get3A_302, %get3A_306 : vector<16xf32>
        %min3A = arith.minimumf %get3A_302, %get3A_306 : vector<16xf32>
        %get3A_307 = arith.constant 34 : i32
        %get3A_308 = arith.index_cast %get3A_307 : i32 to index
        %get3A_309 = arith.index_cast %mul3A_298 : i32 to index
        %get3A_310 = tpu.vector_load %arg11[%get3A_308, %get3A_309] {strides = array<i32>} : memref<128x256xf32, #tpu.memory_space<vmem>>, vector<16xf32>,
        %max3A_311 = arith.maximumf %max3A, %get3A_310 : vector<16xf32>
        %min3A_312 = arith.minimumf %min3A, %get3A_310 : vector<16xf32>
        %get3A_313 = arith.constant 35 : i32
        %get3A_314 = arith.index_cast %get3A_313 : i32 to index
        %get3A_315 = arith.index_cast %mul3A_298 : i32 to index
        %get3A_316 = tpu.vector_load %arg11[%get3A_314, %get3A_315] {strides = array<i32>} : memref<128x256xf32, #tpu.memory_space<vmem>>, vector<16xf32>,
        %max3A_317 = arith.maximumf %max3A_311, %get3A_316 : vector<16xf32>
        %min3A_318 = arith.minimumf %min3A_312, %get3A_316 : vector<16xf32>
        %get3A_319 = arith.constant 36 : i32
        %get3A_320 = arith.index_cast %get3A_319 : i32 to index
        %get3A_321 = arith.index_cast %mul3A_298 : i32 to index
        %get3A_322 = tpu.vector_load %arg11[%get3A_320, %get3A_321] {strides = array<i32>} : memref<128x256xf32, #tpu.memory_space<vmem>>, vector<16xf32>,
        %max3A_323 = arith.maximumf %max3A_317, %get3A_322 : vector<16xf32>
        %min3A_324 = arith.minimumf %min3A_318, %get3A_322 : vector<16xf32>
        %get3A_325 = arith.constant 37 : i32
        %get3A_326 = arith.index_cast %get3A_325 : i32 to index
        %get3A_327 = arith.index_cast %mul3A_298 : i32 to index
        %get3A_328 = tpu.vector_load %arg11[%get3A_326, %get3A_327] {strides = array<i32>} : memref<128x256xf32, #tpu.memory_space<vmem>>, vector<16xf32>,
        %max3A_329 = arith.maximumf %max3A_323, %get3A_328 : vector<16xf32>
        %min3A_330 = arith.minimumf %min3A_324, %get3A_328 : vector<16xf32>
        %get3A_331 = arith.constant 38 : i32
        %get3A_332 = arith.index_cast %get3A_331 : i32 to index
        %get3A_333 = arith.index_cast %mul3A_298 : i32 to index
        %get3A_334 = tpu.vector_load %arg11[%get3A_332, %get3A_333] {strides = array<i32>} : memref<128x256xf32, #tpu.memory_space<vmem>>, vector<16xf32>,
        %max3A_335 = arith.maximumf %max3A_329, %get3A_334 : vector<16xf32>
        %min3A_336 = arith.minimumf %min3A_330, %get3A_334 : vector<16xf32>
        %get3A_337 = arith.constant 39 : i32
        %get3A_338 = arith.index_cast %get3A_337 : i32 to index
        %get3A_339 = arith.index_cast %mul3A_298 : i32 to index
        %get3A_340 = tpu.vector_load %arg11[%get3A_338, %get3A_339] {strides = array<i32>} : memref<128x256xf32, #tpu.memory_space<vmem>>, vector<16xf32>,
        %max3A_341 = arith.maximumf %max3A_335, %get3A_340 : vector<16xf32>
        %min3A_342 = arith.minimumf %min3A_336, %get3A_340 : vector<16xf32>
        %get3A_343 = arith.constant 40 : i32
        %get3A_344 = arith.index_cast %get3A_343 : i32 to index
        %get3A_345 = arith.index_cast %mul3A_298 : i32 to index
        %get3A_346 = tpu.vector_load %arg11[%get3A_344, %get3A_345] {strides = array<i32>} : memref<128x256xf32, #tpu.memory_space<vmem>>, vector<16xf32>,
        %max3A_347 = arith.maximumf %max3A_341, %get3A_346 : vector<16xf32>
        %min3A_348 = arith.minimumf %min3A_342, %get3A_346 : vector<16xf32>
        %get3A_349 = arith.constant 41 : i32
        %get3A_350 = arith.index_cast %get3A_349 : i32 to index
        %get3A_351 = arith.index_cast %mul3A_298 : i32 to index
        %get3A_352 = tpu.vector_load %arg11[%get3A_350, %get3A_351] {strides = array<i32>} : memref<128x256xf32, #tpu.memory_space<vmem>>, vector<16xf32>,
        %max3A_353 = arith.maximumf %max3A_347, %get3A_352 : vector<16xf32>
        %min3A_354 = arith.minimumf %min3A_348, %get3A_352 : vector<16xf32>
        %get3A_355 = arith.constant 42 : i32
        %get3A_356 = arith.index_cast %get3A_355 : i32 to index
        %get3A_357 = arith.index_cast %mul3A_298 : i32 to index
        %get3A_358 = tpu.vector_load %arg11[%get3A_356, %get3A_357] {strides = array<i32>} : memref<128x256xf32, #tpu.memory_space<vmem>>, vector<16xf32>,
        %max3A_359 = arith.maximumf %max3A_353, %get3A_358 : vector<16xf32>
        %min3A_360 = arith.minimumf %min3A_354, %get3A_358 : vector<16xf32>
        %get3A_361 = arith.constant 43 : i32
        %get3A_362 = arith.index_cast %get3A_361 : i32 to index
        %get3A_363 = arith.index_cast %mul3A_298 : i32 to index
        %get3A_364 = tpu.vector_load %arg11[%get3A_362, %get3A_363] {strides = array<i32>} : memref<128x256xf32, #tpu.memory_space<vmem>>, vector<16xf32>,
        %max3A_365 = arith.maximumf %max3A_359, %get3A_364 : vector<16xf32>
        %min3A_366 = arith.minimumf %min3A_360, %get3A_364 : vector<16xf32>
        %get3A_367 = arith.constant 44 : i32
        %get3A_368 = arith.index_cast %get3A_367 : i32 to index
        %get3A_369 = arith.index_cast %mul3A_298 : i32 to index
        %get3A_370 = tpu.vector_load %arg11[%get3A_368, %get3A_369] {strides = array<i32>} : memref<128x256xf32, #tpu.memory_space<vmem>>, vector<16xf32>,
        %max3A_371 = arith.maximumf %max3A_365, %get3A_370 : vector<16xf32>
        %min3A_372 = arith.minimumf %min3A_366, %get3A_370 : vector<16xf32>
        %get3A_373 = arith.constant 45 : i32
        %get3A_374 = arith.index_cast %get3A_373 : i32 to index
        %get3A_375 = arith.index_cast %mul3A_298 : i32 to index
        %get3A_376 = tpu.vector_load %arg11[%get3A_374, %get3A_375] {strides = array<i32>} : memref<128x256xf32, #tpu.memory_space<vmem>>, vector<16xf32>,
        %max3A_377 = arith.maximumf %max3A_371, %get3A_376 : vector<16xf32>
        %min3A_378 = arith.minimumf %min3A_372, %get3A_376 : vector<16xf32>
        %get3A_379 = arith.constant 46 : i32
        %get3A_380 = arith.index_cast %get3A_379 : i32 to index
        %get3A_381 = arith.index_cast %mul3A_298 : i32 to index
        %get3A_382 = tpu.vector_load %arg11[%get3A_380, %get3A_381] {strides = array<i32>} : memref<128x256xf32, #tpu.memory_space<vmem>>, vector<16xf32>,
        %max3A_383 = arith.maximumf %max3A_377, %get3A_382 : vector<16xf32>
        %min3A_384 = arith.minimumf %min3A_378, %get3A_382 : vector<16xf32>
        %get3A_385 = arith.constant 47 : i32
        %get3A_386 = arith.index_cast %get3A_385 : i32 to index
        %get3A_387 = arith.index_cast %mul3A_298 : i32 to index
        %get3A_388 = tpu.vector_load %arg11[%get3A_386, %get3A_387] {strides = array<i32>} : memref<128x256xf32, #tpu.memory_space<vmem>>, vector<16xf32>,
        %max3A_389 = arith.maximumf %max3A_383, %get3A_388 : vector<16xf32>
        %min3A_390 = arith.minimumf %min3A_384, %get3A_388 : vector<16xf32>
        %get3A_391 = arith.index_cast %mul3A_298 : i32 to index
        %get3A_392 = tpu.vector_load %arg13[%get3A_391] {strides = array<i32>} : memref<256xf32, #tpu.memory_space<vmem>>, vector<16xf32>,
        %get3A_393 = arith.index_cast %mul3A_298 : i32 to index
        %get3A_394 = tpu.vector_load %arg14[%get3A_393] {strides = array<i32>} : memref<256xf32, #tpu.memory_space<vmem>>, vector<16xf32>,
        %mul3A_395 = arith.mulf %get3A_392, %max3A_389 : vector<16xf32>
        %add3A_396 = arith.addf %mul3A_395, %get3A_394 : vector<16xf32>
        %mul3A_397 = arith.mulf %get3A_392, %min3A_390 : vector<16xf32>
        %add3A_398 = arith.addf %mul3A_397, %get3A_394 : vector<16xf32>
        %max3A_399 = arith.maximumf %add3A_396, %add3A_398 : vector<16xf32>
        %max3A_400 = arith.constant 0.000000e+00 : f32
        %max3A_401 = vector.broadcast %max3A_400 : f32 to vector<16xf32>
        %max3A_402 = arith.maximumf %max3A_399, %max3A_401 : vector<16xf32>
        %mul3A_403 = arith.constant 8 : i32
        %mul3A_404 = arith.muli %mul3A_154, %mul3A_403 : i32
        %add3A_405 = arith.constant 2 : i32
        %add3A_406 = arith.addi %mul3A_404, %add3A_405 : i32
        %mul3A_407 = arith.constant 256 : i32
        %mul3A_408 = arith.muli %add3A_406, %mul3A_407 : i32
        %add3A_409 = arith.addi %mul3A_408, %mul3A_298 : i32
        %swap3A = arith.index_cast %add3A_409 : i32 to index
        %swap3A_410 = tpu.vector_load %arg15[%swap3A] {strides = array<i32>} : memref<16384xf32, #tpu.memory_space<vmem>>, vector<16xf32>,
        tpu.vector_store %arg15[%swap3A], %max3A_402 {strides = array<i32>} : memref<16384xf32, #tpu.memory_space<vmem>>, vector<16xf32>,
        %scan3A_411 = arith.constant 0 : i32
        scf.yield %scan3A_411 : i32
      }
      %scan3A_188 = arith.constant 16 : i32
      %scan3A_189 = arith.constant 0 : i32
      %scan3A_190 = arith.constant 0 : i32
      %scan3A_191 = arith.constant 16 : i32
      %scan3A_192 = arith.addi %scan3A_190, %scan3A_191 : i32
      %scan3A_193 = arith.constant 1 : i32
      %scan3A_194 = scf.for %scan3A_295 = %scan3A_190 to %scan3A_192 step %scan3A_193 iter_args(%scan3A_296 = %scan3A_189) -> (i32)  : i32 {
        %mul3A_297 = arith.constant 16 : i32
        %mul3A_298 = arith.muli %scan3A_295, %mul3A_297 : i32
        %get3A_299 = arith.constant 48 : i32
        %get3A_300 = arith.index_cast %get3A_299 : i32 to index
        %get3A_301 = arith.index_cast %mul3A_298 : i32 to index
        %get3A_302 = tpu.vector_load %arg11[%get3A_300, %get3A_301] {strides = array<i32>} : memref<128x256xf32, #tpu.memory_space<vmem>>, vector<16xf32>,
        %get3A_303 = arith.constant 49 : i32
        %get3A_304 = arith.index_cast %get3A_303 : i32 to index
        %get3A_305 = arith.index_cast %mul3A_298 : i32 to index
        %get3A_306 = tpu.vector_load %arg11[%get3A_304, %get3A_305] {strides = array<i32>} : memref<128x256xf32, #tpu.memory_space<vmem>>, vector<16xf32>,
        %max3A = arith.maximumf %get3A_302, %get3A_306 : vector<16xf32>
        %min3A = arith.minimumf %get3A_302, %get3A_306 : vector<16xf32>
        %get3A_307 = arith.constant 50 : i32
        %get3A_308 = arith.index_cast %get3A_307 : i32 to index
        %get3A_309 = arith.index_cast %mul3A_298 : i32 to index
        %get3A_310 = tpu.vector_load %arg11[%get3A_308, %get3A_309] {strides = array<i32>} : memref<128x256xf32, #tpu.memory_space<vmem>>, vector<16xf32>,
        %max3A_311 = arith.maximumf %max3A, %get3A_310 : vector<16xf32>
        %min3A_312 = arith.minimumf %min3A, %get3A_310 : vector<16xf32>
        %get3A_313 = arith.constant 51 : i32
        %get3A_314 = arith.index_cast %get3A_313 : i32 to index
        %get3A_315 = arith.index_cast %mul3A_298 : i32 to index
        %get3A_316 = tpu.vector_load %arg11[%get3A_314, %get3A_315] {strides = array<i32>} : memref<128x256xf32, #tpu.memory_space<vmem>>, vector<16xf32>,
        %max3A_317 = arith.maximumf %max3A_311, %get3A_316 : vector<16xf32>
        %min3A_318 = arith.minimumf %min3A_312, %get3A_316 : vector<16xf32>
        %get3A_319 = arith.constant 52 : i32
        %get3A_320 = arith.index_cast %get3A_319 : i32 to index
        %get3A_321 = arith.index_cast %mul3A_298 : i32 to index
        %get3A_322 = tpu.vector_load %arg11[%get3A_320, %get3A_321] {strides = array<i32>} : memref<128x256xf32, #tpu.memory_space<vmem>>, vector<16xf32>,
        %max3A_323 = arith.maximumf %max3A_317, %get3A_322 : vector<16xf32>
        %min3A_324 = arith.minimumf %min3A_318, %get3A_322 : vector<16xf32>
        %get3A_325 = arith.constant 53 : i32
        %get3A_326 = arith.index_cast %get3A_325 : i32 to index
        %get3A_327 = arith.index_cast %mul3A_298 : i32 to index
        %get3A_328 = tpu.vector_load %arg11[%get3A_326, %get3A_327] {strides = array<i32>} : memref<128x256xf32, #tpu.memory_space<vmem>>, vector<16xf32>,
        %max3A_329 = arith.maximumf %max3A_323, %get3A_328 : vector<16xf32>
        %min3A_330 = arith.minimumf %min3A_324, %get3A_328 : vector<16xf32>
        %get3A_331 = arith.constant 54 : i32
        %get3A_332 = arith.index_cast %get3A_331 : i32 to index
        %get3A_333 = arith.index_cast %mul3A_298 : i32 to index
        %get3A_334 = tpu.vector_load %arg11[%get3A_332, %get3A_333] {strides = array<i32>} : memref<128x256xf32, #tpu.memory_space<vmem>>, vector<16xf32>,
        %max3A_335 = arith.maximumf %max3A_329, %get3A_334 : vector<16xf32>
        %min3A_336 = arith.minimumf %min3A_330, %get3A_334 : vector<16xf32>
        %get3A_337 = arith.constant 55 : i32
        %get3A_338 = arith.index_cast %get3A_337 : i32 to index
        %get3A_339 = arith.index_cast %mul3A_298 : i32 to index
        %get3A_340 = tpu.vector_load %arg11[%get3A_338, %get3A_339] {strides = array<i32>} : memref<128x256xf32, #tpu.memory_space<vmem>>, vector<16xf32>,
        %max3A_341 = arith.maximumf %max3A_335, %get3A_340 : vector<16xf32>
        %min3A_342 = arith.minimumf %min3A_336, %get3A_340 : vector<16xf32>
        %get3A_343 = arith.constant 56 : i32
        %get3A_344 = arith.index_cast %get3A_343 : i32 to index
        %get3A_345 = arith.index_cast %mul3A_298 : i32 to index
        %get3A_346 = tpu.vector_load %arg11[%get3A_344, %get3A_345] {strides = array<i32>} : memref<128x256xf32, #tpu.memory_space<vmem>>, vector<16xf32>,
        %max3A_347 = arith.maximumf %max3A_341, %get3A_346 : vector<16xf32>
        %min3A_348 = arith.minimumf %min3A_342, %get3A_346 : vector<16xf32>
        %get3A_349 = arith.constant 57 : i32
        %get3A_350 = arith.index_cast %get3A_349 : i32 to index
        %get3A_351 = arith.index_cast %mul3A_298 : i32 to index
        %get3A_352 = tpu.vector_load %arg11[%get3A_350, %get3A_351] {strides = array<i32>} : memref<128x256xf32, #tpu.memory_space<vmem>>, vector<16xf32>,
        %max3A_353 = arith.maximumf %max3A_347, %get3A_352 : vector<16xf32>
        %min3A_354 = arith.minimumf %min3A_348, %get3A_352 : vector<16xf32>
        %get3A_355 = arith.constant 58 : i32
        %get3A_356 = arith.index_cast %get3A_355 : i32 to index
        %get3A_357 = arith.index_cast %mul3A_298 : i32 to index
        %get3A_358 = tpu.vector_load %arg11[%get3A_356, %get3A_357] {strides = array<i32>} : memref<128x256xf32, #tpu.memory_space<vmem>>, vector<16xf32>,
        %max3A_359 = arith.maximumf %max3A_353, %get3A_358 : vector<16xf32>
        %min3A_360 = arith.minimumf %min3A_354, %get3A_358 : vector<16xf32>
        %get3A_361 = arith.constant 59 : i32
        %get3A_362 = arith.index_cast %get3A_361 : i32 to index
        %get3A_363 = arith.index_cast %mul3A_298 : i32 to index
        %get3A_364 = tpu.vector_load %arg11[%get3A_362, %get3A_363] {strides = array<i32>} : memref<128x256xf32, #tpu.memory_space<vmem>>, vector<16xf32>,
        %max3A_365 = arith.maximumf %max3A_359, %get3A_364 : vector<16xf32>
        %min3A_366 = arith.minimumf %min3A_360, %get3A_364 : vector<16xf32>
        %get3A_367 = arith.constant 60 : i32
        %get3A_368 = arith.index_cast %get3A_367 : i32 to index
        %get3A_369 = arith.index_cast %mul3A_298 : i32 to index
        %get3A_370 = tpu.vector_load %arg11[%get3A_368, %get3A_369] {strides = array<i32>} : memref<128x256xf32, #tpu.memory_space<vmem>>, vector<16xf32>,
        %max3A_371 = arith.maximumf %max3A_365, %get3A_370 : vector<16xf32>
        %min3A_372 = arith.minimumf %min3A_366, %get3A_370 : vector<16xf32>
        %get3A_373 = arith.constant 61 : i32
        %get3A_374 = arith.index_cast %get3A_373 : i32 to index
        %get3A_375 = arith.index_cast %mul3A_298 : i32 to index
        %get3A_376 = tpu.vector_load %arg11[%get3A_374, %get3A_375] {strides = array<i32>} : memref<128x256xf32, #tpu.memory_space<vmem>>, vector<16xf32>,
        %max3A_377 = arith.maximumf %max3A_371, %get3A_376 : vector<16xf32>
        %min3A_378 = arith.minimumf %min3A_372, %get3A_376 : vector<16xf32>
        %get3A_379 = arith.constant 62 : i32
        %get3A_380 = arith.index_cast %get3A_379 : i32 to index
        %get3A_381 = arith.index_cast %mul3A_298 : i32 to index
        %get3A_382 = tpu.vector_load %arg11[%get3A_380, %get3A_381] {strides = array<i32>} : memref<128x256xf32, #tpu.memory_space<vmem>>, vector<16xf32>,
        %max3A_383 = arith.maximumf %max3A_377, %get3A_382 : vector<16xf32>
        %min3A_384 = arith.minimumf %min3A_378, %get3A_382 : vector<16xf32>
        %get3A_385 = arith.constant 63 : i32
        %get3A_386 = arith.index_cast %get3A_385 : i32 to index
        %get3A_387 = arith.index_cast %mul3A_298 : i32 to index
        %get3A_388 = tpu.vector_load %arg11[%get3A_386, %get3A_387] {strides = array<i32>} : memref<128x256xf32, #tpu.memory_space<vmem>>, vector<16xf32>,
        %max3A_389 = arith.maximumf %max3A_383, %get3A_388 : vector<16xf32>
        %min3A_390 = arith.minimumf %min3A_384, %get3A_388 : vector<16xf32>
        %get3A_391 = arith.index_cast %mul3A_298 : i32 to index
        %get3A_392 = tpu.vector_load %arg13[%get3A_391] {strides = array<i32>} : memref<256xf32, #tpu.memory_space<vmem>>, vector<16xf32>,
        %get3A_393 = arith.index_cast %mul3A_298 : i32 to index
        %get3A_394 = tpu.vector_load %arg14[%get3A_393] {strides = array<i32>} : memref<256xf32, #tpu.memory_space<vmem>>, vector<16xf32>,
        %mul3A_395 = arith.mulf %get3A_392, %max3A_389 : vector<16xf32>
        %add3A_396 = arith.addf %mul3A_395, %get3A_394 : vector<16xf32>
        %mul3A_397 = arith.mulf %get3A_392, %min3A_390 : vector<16xf32>
        %add3A_398 = arith.addf %mul3A_397, %get3A_394 : vector<16xf32>
        %max3A_399 = arith.maximumf %add3A_396, %add3A_398 : vector<16xf32>
        %max3A_400 = arith.constant 0.000000e+00 : f32
        %max3A_401 = vector.broadcast %max3A_400 : f32 to vector<16xf32>
        %max3A_402 = arith.maximumf %max3A_399, %max3A_401 : vector<16xf32>
        %mul3A_403 = arith.constant 8 : i32
        %mul3A_404 = arith.muli %mul3A_154, %mul3A_403 : i32
        %add3A_405 = arith.constant 3 : i32
        %add3A_406 = arith.addi %mul3A_404, %add3A_405 : i32
        %mul3A_407 = arith.constant 256 : i32
        %mul3A_408 = arith.muli %add3A_406, %mul3A_407 : i32
        %add3A_409 = arith.addi %mul3A_408, %mul3A_298 : i32
        %swap3A = arith.index_cast %add3A_409 : i32 to index
        %swap3A_410 = tpu.vector_load %arg15[%swap3A] {strides = array<i32>} : memref<16384xf32, #tpu.memory_space<vmem>>, vector<16xf32>,
        tpu.vector_store %arg15[%swap3A], %max3A_402 {strides = array<i32>} : memref<16384xf32, #tpu.memory_space<vmem>>, vector<16xf32>,
        %scan3A_411 = arith.constant 0 : i32
        scf.yield %scan3A_411 : i32
      }
      %scan3A_195 = arith.constant 16 : i32
      %scan3A_196 = arith.constant 0 : i32
      %scan3A_197 = arith.constant 0 : i32
      %scan3A_198 = arith.constant 16 : i32
      %scan3A_199 = arith.addi %scan3A_197, %scan3A_198 : i32
      %scan3A_200 = arith.constant 1 : i32
      %scan3A_201 = scf.for %scan3A_295 = %scan3A_197 to %scan3A_199 step %scan3A_200 iter_args(%scan3A_296 = %scan3A_196) -> (i32)  : i32 {
        %mul3A_297 = arith.constant 16 : i32
        %mul3A_298 = arith.muli %scan3A_295, %mul3A_297 : i32
        %get3A_299 = arith.constant 64 : i32
        %get3A_300 = arith.index_cast %get3A_299 : i32 to index
        %get3A_301 = arith.index_cast %mul3A_298 : i32 to index
        %get3A_302 = tpu.vector_load %arg11[%get3A_300, %get3A_301] {strides = array<i32>} : memref<128x256xf32, #tpu.memory_space<vmem>>, vector<16xf32>,
        %get3A_303 = arith.constant 65 : i32
        %get3A_304 = arith.index_cast %get3A_303 : i32 to index
        %get3A_305 = arith.index_cast %mul3A_298 : i32 to index
        %get3A_306 = tpu.vector_load %arg11[%get3A_304, %get3A_305] {strides = array<i32>} : memref<128x256xf32, #tpu.memory_space<vmem>>, vector<16xf32>,
        %max3A = arith.maximumf %get3A_302, %get3A_306 : vector<16xf32>
        %min3A = arith.minimumf %get3A_302, %get3A_306 : vector<16xf32>
        %get3A_307 = arith.constant 66 : i32
        %get3A_308 = arith.index_cast %get3A_307 : i32 to index
        %get3A_309 = arith.index_cast %mul3A_298 : i32 to index
        %get3A_310 = tpu.vector_load %arg11[%get3A_308, %get3A_309] {strides = array<i32>} : memref<128x256xf32, #tpu.memory_space<vmem>>, vector<16xf32>,
        %max3A_311 = arith.maximumf %max3A, %get3A_310 : vector<16xf32>
        %min3A_312 = arith.minimumf %min3A, %get3A_310 : vector<16xf32>
        %get3A_313 = arith.constant 67 : i32
        %get3A_314 = arith.index_cast %get3A_313 : i32 to index
        %get3A_315 = arith.index_cast %mul3A_298 : i32 to index
        %get3A_316 = tpu.vector_load %arg11[%get3A_314, %get3A_315] {strides = array<i32>} : memref<128x256xf32, #tpu.memory_space<vmem>>, vector<16xf32>,
        %max3A_317 = arith.maximumf %max3A_311, %get3A_316 : vector<16xf32>
        %min3A_318 = arith.minimumf %min3A_312, %get3A_316 : vector<16xf32>
        %get3A_319 = arith.constant 68 : i32
        %get3A_320 = arith.index_cast %get3A_319 : i32 to index
        %get3A_321 = arith.index_cast %mul3A_298 : i32 to index
        %get3A_322 = tpu.vector_load %arg11[%get3A_320, %get3A_321] {strides = array<i32>} : memref<128x256xf32, #tpu.memory_space<vmem>>, vector<16xf32>,
        %max3A_323 = arith.maximumf %max3A_317, %get3A_322 : vector<16xf32>
        %min3A_324 = arith.minimumf %min3A_318, %get3A_322 : vector<16xf32>
        %get3A_325 = arith.constant 69 : i32
        %get3A_326 = arith.index_cast %get3A_325 : i32 to index
        %get3A_327 = arith.index_cast %mul3A_298 : i32 to index
        %get3A_328 = tpu.vector_load %arg11[%get3A_326, %get3A_327] {strides = array<i32>} : memref<128x256xf32, #tpu.memory_space<vmem>>, vector<16xf32>,
        %max3A_329 = arith.maximumf %max3A_323, %get3A_328 : vector<16xf32>
        %min3A_330 = arith.minimumf %min3A_324, %get3A_328 : vector<16xf32>
        %get3A_331 = arith.constant 70 : i32
        %get3A_332 = arith.index_cast %get3A_331 : i32 to index
        %get3A_333 = arith.index_cast %mul3A_298 : i32 to index
        %get3A_334 = tpu.vector_load %arg11[%get3A_332, %get3A_333] {strides = array<i32>} : memref<128x256xf32, #tpu.memory_space<vmem>>, vector<16xf32>,
        %max3A_335 = arith.maximumf %max3A_329, %get3A_334 : vector<16xf32>
        %min3A_336 = arith.minimumf %min3A_330, %get3A_334 : vector<16xf32>
        %get3A_337 = arith.constant 71 : i32
        %get3A_338 = arith.index_cast %get3A_337 : i32 to index
        %get3A_339 = arith.index_cast %mul3A_298 : i32 to index
        %get3A_340 = tpu.vector_load %arg11[%get3A_338, %get3A_339] {strides = array<i32>} : memref<128x256xf32, #tpu.memory_space<vmem>>, vector<16xf32>,
        %max3A_341 = arith.maximumf %max3A_335, %get3A_340 : vector<16xf32>
        %min3A_342 = arith.minimumf %min3A_336, %get3A_340 : vector<16xf32>
        %get3A_343 = arith.constant 72 : i32
        %get3A_344 = arith.index_cast %get3A_343 : i32 to index
        %get3A_345 = arith.index_cast %mul3A_298 : i32 to index
        %get3A_346 = tpu.vector_load %arg11[%get3A_344, %get3A_345] {strides = array<i32>} : memref<128x256xf32, #tpu.memory_space<vmem>>, vector<16xf32>,
        %max3A_347 = arith.maximumf %max3A_341, %get3A_346 : vector<16xf32>
        %min3A_348 = arith.minimumf %min3A_342, %get3A_346 : vector<16xf32>
        %get3A_349 = arith.constant 73 : i32
        %get3A_350 = arith.index_cast %get3A_349 : i32 to index
        %get3A_351 = arith.index_cast %mul3A_298 : i32 to index
        %get3A_352 = tpu.vector_load %arg11[%get3A_350, %get3A_351] {strides = array<i32>} : memref<128x256xf32, #tpu.memory_space<vmem>>, vector<16xf32>,
        %max3A_353 = arith.maximumf %max3A_347, %get3A_352 : vector<16xf32>
        %min3A_354 = arith.minimumf %min3A_348, %get3A_352 : vector<16xf32>
        %get3A_355 = arith.constant 74 : i32
        %get3A_356 = arith.index_cast %get3A_355 : i32 to index
        %get3A_357 = arith.index_cast %mul3A_298 : i32 to index
        %get3A_358 = tpu.vector_load %arg11[%get3A_356, %get3A_357] {strides = array<i32>} : memref<128x256xf32, #tpu.memory_space<vmem>>, vector<16xf32>,
        %max3A_359 = arith.maximumf %max3A_353, %get3A_358 : vector<16xf32>
        %min3A_360 = arith.minimumf %min3A_354, %get3A_358 : vector<16xf32>
        %get3A_361 = arith.constant 75 : i32
        %get3A_362 = arith.index_cast %get3A_361 : i32 to index
        %get3A_363 = arith.index_cast %mul3A_298 : i32 to index
        %get3A_364 = tpu.vector_load %arg11[%get3A_362, %get3A_363] {strides = array<i32>} : memref<128x256xf32, #tpu.memory_space<vmem>>, vector<16xf32>,
        %max3A_365 = arith.maximumf %max3A_359, %get3A_364 : vector<16xf32>
        %min3A_366 = arith.minimumf %min3A_360, %get3A_364 : vector<16xf32>
        %get3A_367 = arith.constant 76 : i32
        %get3A_368 = arith.index_cast %get3A_367 : i32 to index
        %get3A_369 = arith.index_cast %mul3A_298 : i32 to index
        %get3A_370 = tpu.vector_load %arg11[%get3A_368, %get3A_369] {strides = array<i32>} : memref<128x256xf32, #tpu.memory_space<vmem>>, vector<16xf32>,
        %max3A_371 = arith.maximumf %max3A_365, %get3A_370 : vector<16xf32>
        %min3A_372 = arith.minimumf %min3A_366, %get3A_370 : vector<16xf32>
        %get3A_373 = arith.constant 77 : i32
        %get3A_374 = arith.index_cast %get3A_373 : i32 to index
        %get3A_375 = arith.index_cast %mul3A_298 : i32 to index
        %get3A_376 = tpu.vector_load %arg11[%get3A_374, %get3A_375] {strides = array<i32>} : memref<128x256xf32, #tpu.memory_space<vmem>>, vector<16xf32>,
        %max3A_377 = arith.maximumf %max3A_371, %get3A_376 : vector<16xf32>
        %min3A_378 = arith.minimumf %min3A_372, %get3A_376 : vector<16xf32>
        %get3A_379 = arith.constant 78 : i32
        %get3A_380 = arith.index_cast %get3A_379 : i32 to index
        %get3A_381 = arith.index_cast %mul3A_298 : i32 to index
        %get3A_382 = tpu.vector_load %arg11[%get3A_380, %get3A_381] {strides = array<i32>} : memref<128x256xf32, #tpu.memory_space<vmem>>, vector<16xf32>,
        %max3A_383 = arith.maximumf %max3A_377, %get3A_382 : vector<16xf32>
        %min3A_384 = arith.minimumf %min3A_378, %get3A_382 : vector<16xf32>
        %get3A_385 = arith.constant 79 : i32
        %get3A_386 = arith.index_cast %get3A_385 : i32 to index
        %get3A_387 = arith.index_cast %mul3A_298 : i32 to index
        %get3A_388 = tpu.vector_load %arg11[%get3A_386, %get3A_387] {strides = array<i32>} : memref<128x256xf32, #tpu.memory_space<vmem>>, vector<16xf32>,
        %max3A_389 = arith.maximumf %max3A_383, %get3A_388 : vector<16xf32>
        %min3A_390 = arith.minimumf %min3A_384, %get3A_388 : vector<16xf32>
        %get3A_391 = arith.index_cast %mul3A_298 : i32 to index
        %get3A_392 = tpu.vector_load %arg13[%get3A_391] {strides = array<i32>} : memref<256xf32, #tpu.memory_space<vmem>>, vector<16xf32>,
        %get3A_393 = arith.index_cast %mul3A_298 : i32 to index
        %get3A_394 = tpu.vector_load %arg14[%get3A_393] {strides = array<i32>} : memref<256xf32, #tpu.memory_space<vmem>>, vector<16xf32>,
        %mul3A_395 = arith.mulf %get3A_392, %max3A_389 : vector<16xf32>
        %add3A_396 = arith.addf %mul3A_395, %get3A_394 : vector<16xf32>
        %mul3A_397 = arith.mulf %get3A_392, %min3A_390 : vector<16xf32>
        %add3A_398 = arith.addf %mul3A_397, %get3A_394 : vector<16xf32>
        %max3A_399 = arith.maximumf %add3A_396, %add3A_398 : vector<16xf32>
        %max3A_400 = arith.constant 0.000000e+00 : f32
        %max3A_401 = vector.broadcast %max3A_400 : f32 to vector<16xf32>
        %max3A_402 = arith.maximumf %max3A_399, %max3A_401 : vector<16xf32>
        %mul3A_403 = arith.constant 8 : i32
        %mul3A_404 = arith.muli %mul3A_154, %mul3A_403 : i32
        %add3A_405 = arith.constant 4 : i32
        %add3A_406 = arith.addi %mul3A_404, %add3A_405 : i32
        %mul3A_407 = arith.constant 256 : i32
        %mul3A_408 = arith.muli %add3A_406, %mul3A_407 : i32
        %add3A_409 = arith.addi %mul3A_408, %mul3A_298 : i32
        %swap3A = arith.index_cast %add3A_409 : i32 to index
        %swap3A_410 = tpu.vector_load %arg15[%swap3A] {strides = array<i32>} : memref<16384xf32, #tpu.memory_space<vmem>>, vector<16xf32>,
        tpu.vector_store %arg15[%swap3A], %max3A_402 {strides = array<i32>} : memref<16384xf32, #tpu.memory_space<vmem>>, vector<16xf32>,
        %scan3A_411 = arith.constant 0 : i32
        scf.yield %scan3A_411 : i32
      }
      %scan3A_202 = arith.constant 16 : i32
      %scan3A_203 = arith.constant 0 : i32
      %scan3A_204 = arith.constant 0 : i32
      %scan3A_205 = arith.constant 16 : i32
      %scan3A_206 = arith.addi %scan3A_204, %scan3A_205 : i32
      %scan3A_207 = arith.constant 1 : i32
      %scan3A_208 = scf.for %scan3A_295 = %scan3A_204 to %scan3A_206 step %scan3A_207 iter_args(%scan3A_296 = %scan3A_203) -> (i32)  : i32 {
        %mul3A_297 = arith.constant 16 : i32
        %mul3A_298 = arith.muli %scan3A_295, %mul3A_297 : i32
        %get3A_299 = arith.constant 80 : i32
        %get3A_300 = arith.index_cast %get3A_299 : i32 to index
        %get3A_301 = arith.index_cast %mul3A_298 : i32 to index
        %get3A_302 = tpu.vector_load %arg11[%get3A_300, %get3A_301] {strides = array<i32>} : memref<128x256xf32, #tpu.memory_space<vmem>>, vector<16xf32>,
        %get3A_303 = arith.constant 81 : i32
        %get3A_304 = arith.index_cast %get3A_303 : i32 to index
        %get3A_305 = arith.index_cast %mul3A_298 : i32 to index
        %get3A_306 = tpu.vector_load %arg11[%get3A_304, %get3A_305] {strides = array<i32>} : memref<128x256xf32, #tpu.memory_space<vmem>>, vector<16xf32>,
        %max3A = arith.maximumf %get3A_302, %get3A_306 : vector<16xf32>
        %min3A = arith.minimumf %get3A_302, %get3A_306 : vector<16xf32>
        %get3A_307 = arith.constant 82 : i32
        %get3A_308 = arith.index_cast %get3A_307 : i32 to index
        %get3A_309 = arith.index_cast %mul3A_298 : i32 to index
        %get3A_310 = tpu.vector_load %arg11[%get3A_308, %get3A_309] {strides = array<i32>} : memref<128x256xf32, #tpu.memory_space<vmem>>, vector<16xf32>,
        %max3A_311 = arith.maximumf %max3A, %get3A_310 : vector<16xf32>
        %min3A_312 = arith.minimumf %min3A, %get3A_310 : vector<16xf32>
        %get3A_313 = arith.constant 83 : i32
        %get3A_314 = arith.index_cast %get3A_313 : i32 to index
        %get3A_315 = arith.index_cast %mul3A_298 : i32 to index
        %get3A_316 = tpu.vector_load %arg11[%get3A_314, %get3A_315] {strides = array<i32>} : memref<128x256xf32, #tpu.memory_space<vmem>>, vector<16xf32>,
        %max3A_317 = arith.maximumf %max3A_311, %get3A_316 : vector<16xf32>
        %min3A_318 = arith.minimumf %min3A_312, %get3A_316 : vector<16xf32>
        %get3A_319 = arith.constant 84 : i32
        %get3A_320 = arith.index_cast %get3A_319 : i32 to index
        %get3A_321 = arith.index_cast %mul3A_298 : i32 to index
        %get3A_322 = tpu.vector_load %arg11[%get3A_320, %get3A_321] {strides = array<i32>} : memref<128x256xf32, #tpu.memory_space<vmem>>, vector<16xf32>,
        %max3A_323 = arith.maximumf %max3A_317, %get3A_322 : vector<16xf32>
        %min3A_324 = arith.minimumf %min3A_318, %get3A_322 : vector<16xf32>
        %get3A_325 = arith.constant 85 : i32
        %get3A_326 = arith.index_cast %get3A_325 : i32 to index
        %get3A_327 = arith.index_cast %mul3A_298 : i32 to index
        %get3A_328 = tpu.vector_load %arg11[%get3A_326, %get3A_327] {strides = array<i32>} : memref<128x256xf32, #tpu.memory_space<vmem>>, vector<16xf32>,
        %max3A_329 = arith.maximumf %max3A_323, %get3A_328 : vector<16xf32>
        %min3A_330 = arith.minimumf %min3A_324, %get3A_328 : vector<16xf32>
        %get3A_331 = arith.constant 86 : i32
        %get3A_332 = arith.index_cast %get3A_331 : i32 to index
        %get3A_333 = arith.index_cast %mul3A_298 : i32 to index
        %get3A_334 = tpu.vector_load %arg11[%get3A_332, %get3A_333] {strides = array<i32>} : memref<128x256xf32, #tpu.memory_space<vmem>>, vector<16xf32>,
        %max3A_335 = arith.maximumf %max3A_329, %get3A_334 : vector<16xf32>
        %min3A_336 = arith.minimumf %min3A_330, %get3A_334 : vector<16xf32>
        %get3A_337 = arith.constant 87 : i32
        %get3A_338 = arith.index_cast %get3A_337 : i32 to index
        %get3A_339 = arith.index_cast %mul3A_298 : i32 to index
        %get3A_340 = tpu.vector_load %arg11[%get3A_338, %get3A_339] {strides = array<i32>} : memref<128x256xf32, #tpu.memory_space<vmem>>, vector<16xf32>,
        %max3A_341 = arith.maximumf %max3A_335, %get3A_340 : vector<16xf32>
        %min3A_342 = arith.minimumf %min3A_336, %get3A_340 : vector<16xf32>
        %get3A_343 = arith.constant 88 : i32
        %get3A_344 = arith.index_cast %get3A_343 : i32 to index
        %get3A_345 = arith.index_cast %mul3A_298 : i32 to index
        %get3A_346 = tpu.vector_load %arg11[%get3A_344, %get3A_345] {strides = array<i32>} : memref<128x256xf32, #tpu.memory_space<vmem>>, vector<16xf32>,
        %max3A_347 = arith.maximumf %max3A_341, %get3A_346 : vector<16xf32>
        %min3A_348 = arith.minimumf %min3A_342, %get3A_346 : vector<16xf32>
        %get3A_349 = arith.constant 89 : i32
        %get3A_350 = arith.index_cast %get3A_349 : i32 to index
        %get3A_351 = arith.index_cast %mul3A_298 : i32 to index
        %get3A_352 = tpu.vector_load %arg11[%get3A_350, %get3A_351] {strides = array<i32>} : memref<128x256xf32, #tpu.memory_space<vmem>>, vector<16xf32>,
        %max3A_353 = arith.maximumf %max3A_347, %get3A_352 : vector<16xf32>
        %min3A_354 = arith.minimumf %min3A_348, %get3A_352 : vector<16xf32>
        %get3A_355 = arith.constant 90 : i32
        %get3A_356 = arith.index_cast %get3A_355 : i32 to index
        %get3A_357 = arith.index_cast %mul3A_298 : i32 to index
        %get3A_358 = tpu.vector_load %arg11[%get3A_356, %get3A_357] {strides = array<i32>} : memref<128x256xf32, #tpu.memory_space<vmem>>, vector<16xf32>,
        %max3A_359 = arith.maximumf %max3A_353, %get3A_358 : vector<16xf32>
        %min3A_360 = arith.minimumf %min3A_354, %get3A_358 : vector<16xf32>
        %get3A_361 = arith.constant 91 : i32
        %get3A_362 = arith.index_cast %get3A_361 : i32 to index
        %get3A_363 = arith.index_cast %mul3A_298 : i32 to index
        %get3A_364 = tpu.vector_load %arg11[%get3A_362, %get3A_363] {strides = array<i32>} : memref<128x256xf32, #tpu.memory_space<vmem>>, vector<16xf32>,
        %max3A_365 = arith.maximumf %max3A_359, %get3A_364 : vector<16xf32>
        %min3A_366 = arith.minimumf %min3A_360, %get3A_364 : vector<16xf32>
        %get3A_367 = arith.constant 92 : i32
        %get3A_368 = arith.index_cast %get3A_367 : i32 to index
        %get3A_369 = arith.index_cast %mul3A_298 : i32 to index
        %get3A_370 = tpu.vector_load %arg11[%get3A_368, %get3A_369] {strides = array<i32>} : memref<128x256xf32, #tpu.memory_space<vmem>>, vector<16xf32>,
        %max3A_371 = arith.maximumf %max3A_365, %get3A_370 : vector<16xf32>
        %min3A_372 = arith.minimumf %min3A_366, %get3A_370 : vector<16xf32>
        %get3A_373 = arith.constant 93 : i32
        %get3A_374 = arith.index_cast %get3A_373 : i32 to index
        %get3A_375 = arith.index_cast %mul3A_298 : i32 to index
        %get3A_376 = tpu.vector_load %arg11[%get3A_374, %get3A_375] {strides = array<i32>} : memref<128x256xf32, #tpu.memory_space<vmem>>, vector<16xf32>,
        %max3A_377 = arith.maximumf %max3A_371, %get3A_376 : vector<16xf32>
        %min3A_378 = arith.minimumf %min3A_372, %get3A_376 : vector<16xf32>
        %get3A_379 = arith.constant 94 : i32
        %get3A_380 = arith.index_cast %get3A_379 : i32 to index
        %get3A_381 = arith.index_cast %mul3A_298 : i32 to index
        %get3A_382 = tpu.vector_load %arg11[%get3A_380, %get3A_381] {strides = array<i32>} : memref<128x256xf32, #tpu.memory_space<vmem>>, vector<16xf32>,
        %max3A_383 = arith.maximumf %max3A_377, %get3A_382 : vector<16xf32>
        %min3A_384 = arith.minimumf %min3A_378, %get3A_382 : vector<16xf32>
        %get3A_385 = arith.constant 95 : i32
        %get3A_386 = arith.index_cast %get3A_385 : i32 to index
        %get3A_387 = arith.index_cast %mul3A_298 : i32 to index
        %get3A_388 = tpu.vector_load %arg11[%get3A_386, %get3A_387] {strides = array<i32>} : memref<128x256xf32, #tpu.memory_space<vmem>>, vector<16xf32>,
        %max3A_389 = arith.maximumf %max3A_383, %get3A_388 : vector<16xf32>
        %min3A_390 = arith.minimumf %min3A_384, %get3A_388 : vector<16xf32>
        %get3A_391 = arith.index_cast %mul3A_298 : i32 to index
        %get3A_392 = tpu.vector_load %arg13[%get3A_391] {strides = array<i32>} : memref<256xf32, #tpu.memory_space<vmem>>, vector<16xf32>,
        %get3A_393 = arith.index_cast %mul3A_298 : i32 to index
        %get3A_394 = tpu.vector_load %arg14[%get3A_393] {strides = array<i32>} : memref<256xf32, #tpu.memory_space<vmem>>, vector<16xf32>,
        %mul3A_395 = arith.mulf %get3A_392, %max3A_389 : vector<16xf32>
        %add3A_396 = arith.addf %mul3A_395, %get3A_394 : vector<16xf32>
        %mul3A_397 = arith.mulf %get3A_392, %min3A_390 : vector<16xf32>
        %add3A_398 = arith.addf %mul3A_397, %get3A_394 : vector<16xf32>
        %max3A_399 = arith.maximumf %add3A_396, %add3A_398 : vector<16xf32>
        %max3A_400 = arith.constant 0.000000e+00 : f32
        %max3A_401 = vector.broadcast %max3A_400 : f32 to vector<16xf32>
        %max3A_402 = arith.maximumf %max3A_399, %max3A_401 : vector<16xf32>
        %mul3A_403 = arith.constant 8 : i32
        %mul3A_404 = arith.muli %mul3A_154, %mul3A_403 : i32
        %add3A_405 = arith.constant 5 : i32
        %add3A_406 = arith.addi %mul3A_404, %add3A_405 : i32
        %mul3A_407 = arith.constant 256 : i32
        %mul3A_408 = arith.muli %add3A_406, %mul3A_407 : i32
        %add3A_409 = arith.addi %mul3A_408, %mul3A_298 : i32
        %swap3A = arith.index_cast %add3A_409 : i32 to index
        %swap3A_410 = tpu.vector_load %arg15[%swap3A] {strides = array<i32>} : memref<16384xf32, #tpu.memory_space<vmem>>, vector<16xf32>,
        tpu.vector_store %arg15[%swap3A], %max3A_402 {strides = array<i32>} : memref<16384xf32, #tpu.memory_space<vmem>>, vector<16xf32>,
        %scan3A_411 = arith.constant 0 : i32
        scf.yield %scan3A_411 : i32
      }
      %scan3A_209 = arith.constant 16 : i32
      %scan3A_210 = arith.constant 0 : i32
      %scan3A_211 = arith.constant 0 : i32
      %scan3A_212 = arith.constant 16 : i32
      %scan3A_213 = arith.addi %scan3A_211, %scan3A_212 : i32
      %scan3A_214 = arith.constant 1 : i32
      %scan3A_215 = scf.for %scan3A_295 = %scan3A_211 to %scan3A_213 step %scan3A_214 iter_args(%scan3A_296 = %scan3A_210) -> (i32)  : i32 {
        %mul3A_297 = arith.constant 16 : i32
        %mul3A_298 = arith.muli %scan3A_295, %mul3A_297 : i32
        %get3A_299 = arith.constant 96 : i32
        %get3A_300 = arith.index_cast %get3A_299 : i32 to index
        %get3A_301 = arith.index_cast %mul3A_298 : i32 to index
        %get3A_302 = tpu.vector_load %arg11[%get3A_300, %get3A_301] {strides = array<i32>} : memref<128x256xf32, #tpu.memory_space<vmem>>, vector<16xf32>,
        %get3A_303 = arith.constant 97 : i32
        %get3A_304 = arith.index_cast %get3A_303 : i32 to index
        %get3A_305 = arith.index_cast %mul3A_298 : i32 to index
        %get3A_306 = tpu.vector_load %arg11[%get3A_304, %get3A_305] {strides = array<i32>} : memref<128x256xf32, #tpu.memory_space<vmem>>, vector<16xf32>,
        %max3A = arith.maximumf %get3A_302, %get3A_306 : vector<16xf32>
        %min3A = arith.minimumf %get3A_302, %get3A_306 : vector<16xf32>
        %get3A_307 = arith.constant 98 : i32
        %get3A_308 = arith.index_cast %get3A_307 : i32 to index
        %get3A_309 = arith.index_cast %mul3A_298 : i32 to index
        %get3A_310 = tpu.vector_load %arg11[%get3A_308, %get3A_309] {strides = array<i32>} : memref<128x256xf32, #tpu.memory_space<vmem>>, vector<16xf32>,
        %max3A_311 = arith.maximumf %max3A, %get3A_310 : vector<16xf32>
        %min3A_312 = arith.minimumf %min3A, %get3A_310 : vector<16xf32>
        %get3A_313 = arith.constant 99 : i32
        %get3A_314 = arith.index_cast %get3A_313 : i32 to index
        %get3A_315 = arith.index_cast %mul3A_298 : i32 to index
        %get3A_316 = tpu.vector_load %arg11[%get3A_314, %get3A_315] {strides = array<i32>} : memref<128x256xf32, #tpu.memory_space<vmem>>, vector<16xf32>,
        %max3A_317 = arith.maximumf %max3A_311, %get3A_316 : vector<16xf32>
        %min3A_318 = arith.minimumf %min3A_312, %get3A_316 : vector<16xf32>
        %get3A_319 = arith.constant 100 : i32
        %get3A_320 = arith.index_cast %get3A_319 : i32 to index
        %get3A_321 = arith.index_cast %mul3A_298 : i32 to index
        %get3A_322 = tpu.vector_load %arg11[%get3A_320, %get3A_321] {strides = array<i32>} : memref<128x256xf32, #tpu.memory_space<vmem>>, vector<16xf32>,
        %max3A_323 = arith.maximumf %max3A_317, %get3A_322 : vector<16xf32>
        %min3A_324 = arith.minimumf %min3A_318, %get3A_322 : vector<16xf32>
        %get3A_325 = arith.constant 101 : i32
        %get3A_326 = arith.index_cast %get3A_325 : i32 to index
        %get3A_327 = arith.index_cast %mul3A_298 : i32 to index
        %get3A_328 = tpu.vector_load %arg11[%get3A_326, %get3A_327] {strides = array<i32>} : memref<128x256xf32, #tpu.memory_space<vmem>>, vector<16xf32>,
        %max3A_329 = arith.maximumf %max3A_323, %get3A_328 : vector<16xf32>
        %min3A_330 = arith.minimumf %min3A_324, %get3A_328 : vector<16xf32>
        %get3A_331 = arith.constant 102 : i32
        %get3A_332 = arith.index_cast %get3A_331 : i32 to index
        %get3A_333 = arith.index_cast %mul3A_298 : i32 to index
        %get3A_334 = tpu.vector_load %arg11[%get3A_332, %get3A_333] {strides = array<i32>} : memref<128x256xf32, #tpu.memory_space<vmem>>, vector<16xf32>,
        %max3A_335 = arith.maximumf %max3A_329, %get3A_334 : vector<16xf32>
        %min3A_336 = arith.minimumf %min3A_330, %get3A_334 : vector<16xf32>
        %get3A_337 = arith.constant 103 : i32
        %get3A_338 = arith.index_cast %get3A_337 : i32 to index
        %get3A_339 = arith.index_cast %mul3A_298 : i32 to index
        %get3A_340 = tpu.vector_load %arg11[%get3A_338, %get3A_339] {strides = array<i32>} : memref<128x256xf32, #tpu.memory_space<vmem>>, vector<16xf32>,
        %max3A_341 = arith.maximumf %max3A_335, %get3A_340 : vector<16xf32>
        %min3A_342 = arith.minimumf %min3A_336, %get3A_340 : vector<16xf32>
        %get3A_343 = arith.constant 104 : i32
        %get3A_344 = arith.index_cast %get3A_343 : i32 to index
        %get3A_345 = arith.index_cast %mul3A_298 : i32 to index
        %get3A_346 = tpu.vector_load %arg11[%get3A_344, %get3A_345] {strides = array<i32>} : memref<128x256xf32, #tpu.memory_space<vmem>>, vector<16xf32>,
        %max3A_347 = arith.maximumf %max3A_341, %get3A_346 : vector<16xf32>
        %min3A_348 = arith.minimumf %min3A_342, %get3A_346 : vector<16xf32>
        %get3A_349 = arith.constant 105 : i32
        %get3A_350 = arith.index_cast %get3A_349 : i32 to index
        %get3A_351 = arith.index_cast %mul3A_298 : i32 to index
        %get3A_352 = tpu.vector_load %arg11[%get3A_350, %get3A_351] {strides = array<i32>} : memref<128x256xf32, #tpu.memory_space<vmem>>, vector<16xf32>,
        %max3A_353 = arith.maximumf %max3A_347, %get3A_352 : vector<16xf32>
        %min3A_354 = arith.minimumf %min3A_348, %get3A_352 : vector<16xf32>
        %get3A_355 = arith.constant 106 : i32
        %get3A_356 = arith.index_cast %get3A_355 : i32 to index
        %get3A_357 = arith.index_cast %mul3A_298 : i32 to index
        %get3A_358 = tpu.vector_load %arg11[%get3A_356, %get3A_357] {strides = array<i32>} : memref<128x256xf32, #tpu.memory_space<vmem>>, vector<16xf32>,
        %max3A_359 = arith.maximumf %max3A_353, %get3A_358 : vector<16xf32>
        %min3A_360 = arith.minimumf %min3A_354, %get3A_358 : vector<16xf32>
        %get3A_361 = arith.constant 107 : i32
        %get3A_362 = arith.index_cast %get3A_361 : i32 to index
        %get3A_363 = arith.index_cast %mul3A_298 : i32 to index
        %get3A_364 = tpu.vector_load %arg11[%get3A_362, %get3A_363] {strides = array<i32>} : memref<128x256xf32, #tpu.memory_space<vmem>>, vector<16xf32>,
        %max3A_365 = arith.maximumf %max3A_359, %get3A_364 : vector<16xf32>
        %min3A_366 = arith.minimumf %min3A_360, %get3A_364 : vector<16xf32>
        %get3A_367 = arith.constant 108 : i32
        %get3A_368 = arith.index_cast %get3A_367 : i32 to index
        %get3A_369 = arith.index_cast %mul3A_298 : i32 to index
        %get3A_370 = tpu.vector_load %arg11[%get3A_368, %get3A_369] {strides = array<i32>} : memref<128x256xf32, #tpu.memory_space<vmem>>, vector<16xf32>,
        %max3A_371 = arith.maximumf %max3A_365, %get3A_370 : vector<16xf32>
        %min3A_372 = arith.minimumf %min3A_366, %get3A_370 : vector<16xf32>
        %get3A_373 = arith.constant 109 : i32
        %get3A_374 = arith.index_cast %get3A_373 : i32 to index
        %get3A_375 = arith.index_cast %mul3A_298 : i32 to index
        %get3A_376 = tpu.vector_load %arg11[%get3A_374, %get3A_375] {strides = array<i32>} : memref<128x256xf32, #tpu.memory_space<vmem>>, vector<16xf32>,
        %max3A_377 = arith.maximumf %max3A_371, %get3A_376 : vector<16xf32>
        %min3A_378 = arith.minimumf %min3A_372, %get3A_376 : vector<16xf32>
        %get3A_379 = arith.constant 110 : i32
        %get3A_380 = arith.index_cast %get3A_379 : i32 to index
        %get3A_381 = arith.index_cast %mul3A_298 : i32 to index
        %get3A_382 = tpu.vector_load %arg11[%get3A_380, %get3A_381] {strides = array<i32>} : memref<128x256xf32, #tpu.memory_space<vmem>>, vector<16xf32>,
        %max3A_383 = arith.maximumf %max3A_377, %get3A_382 : vector<16xf32>
        %min3A_384 = arith.minimumf %min3A_378, %get3A_382 : vector<16xf32>
        %get3A_385 = arith.constant 111 : i32
        %get3A_386 = arith.index_cast %get3A_385 : i32 to index
        %get3A_387 = arith.index_cast %mul3A_298 : i32 to index
        %get3A_388 = tpu.vector_load %arg11[%get3A_386, %get3A_387] {strides = array<i32>} : memref<128x256xf32, #tpu.memory_space<vmem>>, vector<16xf32>,
        %max3A_389 = arith.maximumf %max3A_383, %get3A_388 : vector<16xf32>
        %min3A_390 = arith.minimumf %min3A_384, %get3A_388 : vector<16xf32>
        %get3A_391 = arith.index_cast %mul3A_298 : i32 to index
        %get3A_392 = tpu.vector_load %arg13[%get3A_391] {strides = array<i32>} : memref<256xf32, #tpu.memory_space<vmem>>, vector<16xf32>,
        %get3A_393 = arith.index_cast %mul3A_298 : i32 to index
        %get3A_394 = tpu.vector_load %arg14[%get3A_393] {strides = array<i32>} : memref<256xf32, #tpu.memory_space<vmem>>, vector<16xf32>,
        %mul3A_395 = arith.mulf %get3A_392, %max3A_389 : vector<16xf32>
        %add3A_396 = arith.addf %mul3A_395, %get3A_394 : vector<16xf32>
        %mul3A_397 = arith.mulf %get3A_392, %min3A_390 : vector<16xf32>
        %add3A_398 = arith.addf %mul3A_397, %get3A_394 : vector<16xf32>
        %max3A_399 = arith.maximumf %add3A_396, %add3A_398 : vector<16xf32>
        %max3A_400 = arith.constant 0.000000e+00 : f32
        %max3A_401 = vector.broadcast %max3A_400 : f32 to vector<16xf32>
        %max3A_402 = arith.maximumf %max3A_399, %max3A_401 : vector<16xf32>
        %mul3A_403 = arith.constant 8 : i32
        %mul3A_404 = arith.muli %mul3A_154, %mul3A_403 : i32
        %add3A_405 = arith.constant 6 : i32
        %add3A_406 = arith.addi %mul3A_404, %add3A_405 : i32
        %mul3A_407 = arith.constant 256 : i32
        %mul3A_408 = arith.muli %add3A_406, %mul3A_407 : i32
        %add3A_409 = arith.addi %mul3A_408, %mul3A_298 : i32
        %swap3A = arith.index_cast %add3A_409 : i32 to index
        %swap3A_410 = tpu.vector_load %arg15[%swap3A] {strides = array<i32>} : memref<16384xf32, #tpu.memory_space<vmem>>, vector<16xf32>,
        tpu.vector_store %arg15[%swap3A], %max3A_402 {strides = array<i32>} : memref<16384xf32, #tpu.memory_space<vmem>>, vector<16xf32>,
        %scan3A_411 = arith.constant 0 : i32
        scf.yield %scan3A_411 : i32
      }
      %scan3A_216 = arith.constant 16 : i32
      %scan3A_217 = arith.constant 0 : i32
      %scan3A_218 = arith.constant 0 : i32
      %scan3A_219 = arith.constant 16 : i32
      %scan3A_220 = arith.addi %scan3A_218, %scan3A_219 : i32
      %scan3A_221 = arith.constant 1 : i32
      %scan3A_222 = scf.for %scan3A_295 = %scan3A_218 to %scan3A_220 step %scan3A_221 iter_args(%scan3A_296 = %scan3A_217) -> (i32)  : i32 {
        %mul3A_297 = arith.constant 16 : i32
        %mul3A_298 = arith.muli %scan3A_295, %mul3A_297 : i32
        %get3A_299 = arith.constant 112 : i32
        %get3A_300 = arith.index_cast %get3A_299 : i32 to index
        %get3A_301 = arith.index_cast %mul3A_298 : i32 to index
        %get3A_302 = tpu.vector_load %arg11[%get3A_300, %get3A_301] {strides = array<i32>} : memref<128x256xf32, #tpu.memory_space<vmem>>, vector<16xf32>,
        %get3A_303 = arith.constant 113 : i32
        %get3A_304 = arith.index_cast %get3A_303 : i32 to index
        %get3A_305 = arith.index_cast %mul3A_298 : i32 to index
        %get3A_306 = tpu.vector_load %arg11[%get3A_304, %get3A_305] {strides = array<i32>} : memref<128x256xf32, #tpu.memory_space<vmem>>, vector<16xf32>,
        %max3A = arith.maximumf %get3A_302, %get3A_306 : vector<16xf32>
        %min3A = arith.minimumf %get3A_302, %get3A_306 : vector<16xf32>
        %get3A_307 = arith.constant 114 : i32
        %get3A_308 = arith.index_cast %get3A_307 : i32 to index
        %get3A_309 = arith.index_cast %mul3A_298 : i32 to index
        %get3A_310 = tpu.vector_load %arg11[%get3A_308, %get3A_309] {strides = array<i32>} : memref<128x256xf32, #tpu.memory_space<vmem>>, vector<16xf32>,
        %max3A_311 = arith.maximumf %max3A, %get3A_310 : vector<16xf32>
        %min3A_312 = arith.minimumf %min3A, %get3A_310 : vector<16xf32>
        %get3A_313 = arith.constant 115 : i32
        %get3A_314 = arith.index_cast %get3A_313 : i32 to index
        %get3A_315 = arith.index_cast %mul3A_298 : i32 to index
        %get3A_316 = tpu.vector_load %arg11[%get3A_314, %get3A_315] {strides = array<i32>} : memref<128x256xf32, #tpu.memory_space<vmem>>, vector<16xf32>,
        %max3A_317 = arith.maximumf %max3A_311, %get3A_316 : vector<16xf32>
        %min3A_318 = arith.minimumf %min3A_312, %get3A_316 : vector<16xf32>
        %get3A_319 = arith.constant 116 : i32
        %get3A_320 = arith.index_cast %get3A_319 : i32 to index
        %get3A_321 = arith.index_cast %mul3A_298 : i32 to index
        %get3A_322 = tpu.vector_load %arg11[%get3A_320, %get3A_321] {strides = array<i32>} : memref<128x256xf32, #tpu.memory_space<vmem>>, vector<16xf32>,
        %max3A_323 = arith.maximumf %max3A_317, %get3A_322 : vector<16xf32>
        %min3A_324 = arith.minimumf %min3A_318, %get3A_322 : vector<16xf32>
        %get3A_325 = arith.constant 117 : i32
        %get3A_326 = arith.index_cast %get3A_325 : i32 to index
        %get3A_327 = arith.index_cast %mul3A_298 : i32 to index
        %get3A_328 = tpu.vector_load %arg11[%get3A_326, %get3A_327] {strides = array<i32>} : memref<128x256xf32, #tpu.memory_space<vmem>>, vector<16xf32>,
        %max3A_329 = arith.maximumf %max3A_323, %get3A_328 : vector<16xf32>
        %min3A_330 = arith.minimumf %min3A_324, %get3A_328 : vector<16xf32>
        %get3A_331 = arith.constant 118 : i32
        %get3A_332 = arith.index_cast %get3A_331 : i32 to index
        %get3A_333 = arith.index_cast %mul3A_298 : i32 to index
        %get3A_334 = tpu.vector_load %arg11[%get3A_332, %get3A_333] {strides = array<i32>} : memref<128x256xf32, #tpu.memory_space<vmem>>, vector<16xf32>,
        %max3A_335 = arith.maximumf %max3A_329, %get3A_334 : vector<16xf32>
        %min3A_336 = arith.minimumf %min3A_330, %get3A_334 : vector<16xf32>
        %get3A_337 = arith.constant 119 : i32
        %get3A_338 = arith.index_cast %get3A_337 : i32 to index
        %get3A_339 = arith.index_cast %mul3A_298 : i32 to index
        %get3A_340 = tpu.vector_load %arg11[%get3A_338, %get3A_339] {strides = array<i32>} : memref<128x256xf32, #tpu.memory_space<vmem>>, vector<16xf32>,
        %max3A_341 = arith.maximumf %max3A_335, %get3A_340 : vector<16xf32>
        %min3A_342 = arith.minimumf %min3A_336, %get3A_340 : vector<16xf32>
        %get3A_343 = arith.constant 120 : i32
        %get3A_344 = arith.index_cast %get3A_343 : i32 to index
        %get3A_345 = arith.index_cast %mul3A_298 : i32 to index
        %get3A_346 = tpu.vector_load %arg11[%get3A_344, %get3A_345] {strides = array<i32>} : memref<128x256xf32, #tpu.memory_space<vmem>>, vector<16xf32>,
        %max3A_347 = arith.maximumf %max3A_341, %get3A_346 : vector<16xf32>
        %min3A_348 = arith.minimumf %min3A_342, %get3A_346 : vector<16xf32>
        %get3A_349 = arith.constant 121 : i32
        %get3A_350 = arith.index_cast %get3A_349 : i32 to index
        %get3A_351 = arith.index_cast %mul3A_298 : i32 to index
        %get3A_352 = tpu.vector_load %arg11[%get3A_350, %get3A_351] {strides = array<i32>} : memref<128x256xf32, #tpu.memory_space<vmem>>, vector<16xf32>,
        %max3A_353 = arith.maximumf %max3A_347, %get3A_352 : vector<16xf32>
        %min3A_354 = arith.minimumf %min3A_348, %get3A_352 : vector<16xf32>
        %get3A_355 = arith.constant 122 : i32
        %get3A_356 = arith.index_cast %get3A_355 : i32 to index
        %get3A_357 = arith.index_cast %mul3A_298 : i32 to index
        %get3A_358 = tpu.vector_load %arg11[%get3A_356, %get3A_357] {strides = array<i32>} : memref<128x256xf32, #tpu.memory_space<vmem>>, vector<16xf32>,
        %max3A_359 = arith.maximumf %max3A_353, %get3A_358 : vector<16xf32>
        %min3A_360 = arith.minimumf %min3A_354, %get3A_358 : vector<16xf32>
        %get3A_361 = arith.constant 123 : i32
        %get3A_362 = arith.index_cast %get3A_361 : i32 to index
        %get3A_363 = arith.index_cast %mul3A_298 : i32 to index
        %get3A_364 = tpu.vector_load %arg11[%get3A_362, %get3A_363] {strides = array<i32>} : memref<128x256xf32, #tpu.memory_space<vmem>>, vector<16xf32>,
        %max3A_365 = arith.maximumf %max3A_359, %get3A_364 : vector<16xf32>
        %min3A_366 = arith.minimumf %min3A_360, %get3A_364 : vector<16xf32>
        %get3A_367 = arith.constant 124 : i32
        %get3A_368 = arith.index_cast %get3A_367 : i32 to index
        %get3A_369 = arith.index_cast %mul3A_298 : i32 to index
        %get3A_370 = tpu.vector_load %arg11[%get3A_368, %get3A_369] {strides = array<i32>} : memref<128x256xf32, #tpu.memory_space<vmem>>, vector<16xf32>,
        %max3A_371 = arith.maximumf %max3A_365, %get3A_370 : vector<16xf32>
        %min3A_372 = arith.minimumf %min3A_366, %get3A_370 : vector<16xf32>
        %get3A_373 = arith.constant 125 : i32
        %get3A_374 = arith.index_cast %get3A_373 : i32 to index
        %get3A_375 = arith.index_cast %mul3A_298 : i32 to index
        %get3A_376 = tpu.vector_load %arg11[%get3A_374, %get3A_375] {strides = array<i32>} : memref<128x256xf32, #tpu.memory_space<vmem>>, vector<16xf32>,
        %max3A_377 = arith.maximumf %max3A_371, %get3A_376 : vector<16xf32>
        %min3A_378 = arith.minimumf %min3A_372, %get3A_376 : vector<16xf32>
        %get3A_379 = arith.constant 126 : i32
        %get3A_380 = arith.index_cast %get3A_379 : i32 to index
        %get3A_381 = arith.index_cast %mul3A_298 : i32 to index
        %get3A_382 = tpu.vector_load %arg11[%get3A_380, %get3A_381] {strides = array<i32>} : memref<128x256xf32, #tpu.memory_space<vmem>>, vector<16xf32>,
        %max3A_383 = arith.maximumf %max3A_377, %get3A_382 : vector<16xf32>
        %min3A_384 = arith.minimumf %min3A_378, %get3A_382 : vector<16xf32>
        %get3A_385 = arith.constant 127 : i32
        %get3A_386 = arith.index_cast %get3A_385 : i32 to index
        %get3A_387 = arith.index_cast %mul3A_298 : i32 to index
        %get3A_388 = tpu.vector_load %arg11[%get3A_386, %get3A_387] {strides = array<i32>} : memref<128x256xf32, #tpu.memory_space<vmem>>, vector<16xf32>,
        %max3A_389 = arith.maximumf %max3A_383, %get3A_388 : vector<16xf32>
        %min3A_390 = arith.minimumf %min3A_384, %get3A_388 : vector<16xf32>
        %get3A_391 = arith.index_cast %mul3A_298 : i32 to index
        %get3A_392 = tpu.vector_load %arg13[%get3A_391] {strides = array<i32>} : memref<256xf32, #tpu.memory_space<vmem>>, vector<16xf32>,
        %get3A_393 = arith.index_cast %mul3A_298 : i32 to index
        %get3A_394 = tpu.vector_load %arg14[%get3A_393] {strides = array<i32>} : memref<256xf32, #tpu.memory_space<vmem>>, vector<16xf32>,
        %mul3A_395 = arith.mulf %get3A_392, %max3A_389 : vector<16xf32>
        %add3A_396 = arith.addf %mul3A_395, %get3A_394 : vector<16xf32>
        %mul3A_397 = arith.mulf %get3A_392, %min3A_390 : vector<16xf32>
        %add3A_398 = arith.addf %mul3A_397, %get3A_394 : vector<16xf32>
        %max3A_399 = arith.maximumf %add3A_396, %add3A_398 : vector<16xf32>
        %max3A_400 = arith.constant 0.000000e+00 : f32
        %max3A_401 = vector.broadcast %max3A_400 : f32 to vector<16xf32>
        %max3A_402 = arith.maximumf %max3A_399, %max3A_401 : vector<16xf32>
        %mul3A_403 = arith.constant 8 : i32
        %mul3A_404 = arith.muli %mul3A_154, %mul3A_403 : i32
        %add3A_405 = arith.constant 7 : i32
        %add3A_406 = arith.addi %mul3A_404, %add3A_405 : i32
        %mul3A_407 = arith.constant 256 : i32
        %mul3A_408 = arith.muli %add3A_406, %mul3A_407 : i32
        %add3A_409 = arith.addi %mul3A_408, %mul3A_298 : i32
        %swap3A = arith.index_cast %add3A_409 : i32 to index
        %swap3A_410 = tpu.vector_load %arg15[%swap3A] {strides = array<i32>} : memref<16384xf32, #tpu.memory_space<vmem>>, vector<16xf32>,
        tpu.vector_store %arg15[%swap3A], %max3A_402 {strides = array<i32>} : memref<16384xf32, #tpu.memory_space<vmem>>, vector<16xf32>,
        %scan3A_411 = arith.constant 0 : i32
        scf.yield %scan3A_411 : i32
      }
      %scan3A_223 = arith.constant 16 : i32
      %add3A_224 = arith.constant 1 : i32
      %add3A_225 = arith.addi %mul3A_154, %add3A_224 : i32
      %dma_wait3A_226 = arith.constant 0 : i32
      %dma_wait3A_227 = tpu.memref_slice %arg10[%add3A_225, %dma_wait3A_226] : memref<8x128xi32, #tpu.memory_space<vmem>> -> memref<1x128xi32, #tpu.memory_space<vmem>>
      %dma_wait3A_228 = tpu.memref_squeeze %dma_wait3A_227 : memref<1x128xi32, #tpu.memory_space<vmem>> -> memref<128xi32, #tpu.memory_space<vmem>>
      %dma_wait3A_229 = arith.constant 0 : i32
      %dma_wait3A_230 = arith.constant 0 : i32
      %dma_wait3A_231 = tpu.memref_slice %arg2[%dma_wait3A_229, %dma_wait3A_230] : memref<8192x256xf32, #tpu.memory_space<hbm>> -> memref<8192x256xf32, #tpu.memory_space<hbm>>
      tpu.wait_indirect_dma semaphore(%arg20 : memref<!tpu.dma_semaphore, #tpu.memory_space<semaphore_mem>>) src(%dma_wait3A_231 : memref<8192x256xf32, #tpu.memory_space<hbm>>) dst(%arg12 : memref<128x256xf32, #tpu.memory_space<vmem>>)
      %add3A_232 = arith.constant 1 : i32
      %add3A_233 = arith.addi %scan3A_151, %add3A_232 : i32
      %lt3A = arith.constant 4 : i32
      %lt3A_234 = arith.cmpi slt, %add3A_233, %lt3A : i32
      %convert_element_type3A = arith.extui %lt3A_234 : i1 to i32
      %cond3A = arith.constant 0 : i32
      %cond3A_235 = arith.cmpi ne, %convert_element_type3A, %cond3A : i32
      scf.if %cond3A_235 {
        %add3A_295 = arith.constant 2 : i32
        %add3A_296 = arith.addi %mul3A_154, %add3A_295 : i32
        %dma_start3A_297 = arith.constant 0 : i32
        %dma_start3A_298 = tpu.memref_slice %arg10[%add3A_296, %dma_start3A_297] : memref<8x128xi32, #tpu.memory_space<vmem>> -> memref<1x128xi32, #tpu.memory_space<vmem>>
        %dma_start3A_299 = tpu.memref_squeeze %dma_start3A_298 : memref<1x128xi32, #tpu.memory_space<vmem>> -> memref<128xi32, #tpu.memory_space<vmem>>
        %dma_start3A_300 = arith.constant 0 : i32
        %dma_start3A_301 = arith.constant 0 : i32
        %dma_start3A_302 = tpu.memref_slice %arg2[%dma_start3A_300, %dma_start3A_301] : memref<8192x256xf32, #tpu.memory_space<hbm>> -> memref<8192x256xf32, #tpu.memory_space<hbm>>
        tpu.enqueue_indirect_dma source(%dma_start3A_302 : memref<8192x256xf32, #tpu.memory_space<hbm>>) target(%arg11 : memref<128x256xf32, #tpu.memory_space<vmem>>) offsets(%dma_start3A_299 : memref<128xi32, #tpu.memory_space<vmem>>) semaphore(%arg19 : memref<!tpu.dma_semaphore, #tpu.memory_space<semaphore_mem>>)
      } else {
      }
      %add3A_236 = arith.constant 1 : i32
      %add3A_237 = arith.addi %mul3A_154, %add3A_236 : i32
      %scan3A_238 = arith.constant 0 : i32
      %scan3A_239 = arith.constant 0 : i32
      %scan3A_240 = arith.constant 16 : i32
      %scan3A_241 = arith.addi %scan3A_239, %scan3A_240 : i32
      %scan3A_242 = arith.constant 1 : i32
      %scan3A_243 = scf.for %scan3A_295 = %scan3A_239 to %scan3A_241 step %scan3A_242 iter_args(%scan3A_296 = %scan3A_238) -> (i32)  : i32 {
        %mul3A_297 = arith.constant 16 : i32
        %mul3A_298 = arith.muli %scan3A_295, %mul3A_297 : i32
        %get3A_299 = arith.constant 0 : i32
        %get3A_300 = arith.index_cast %get3A_299 : i32 to index
        %get3A_301 = arith.index_cast %mul3A_298 : i32 to index
        %get3A_302 = tpu.vector_load %arg12[%get3A_300, %get3A_301] {strides = array<i32>} : memref<128x256xf32, #tpu.memory_space<vmem>>, vector<16xf32>,
        %get3A_303 = arith.constant 1 : i32
        %get3A_304 = arith.index_cast %get3A_303 : i32 to index
        %get3A_305 = arith.index_cast %mul3A_298 : i32 to index
        %get3A_306 = tpu.vector_load %arg12[%get3A_304, %get3A_305] {strides = array<i32>} : memref<128x256xf32, #tpu.memory_space<vmem>>, vector<16xf32>,
        %max3A = arith.maximumf %get3A_302, %get3A_306 : vector<16xf32>
        %min3A = arith.minimumf %get3A_302, %get3A_306 : vector<16xf32>
        %get3A_307 = arith.constant 2 : i32
        %get3A_308 = arith.index_cast %get3A_307 : i32 to index
        %get3A_309 = arith.index_cast %mul3A_298 : i32 to index
        %get3A_310 = tpu.vector_load %arg12[%get3A_308, %get3A_309] {strides = array<i32>} : memref<128x256xf32, #tpu.memory_space<vmem>>, vector<16xf32>,
        %max3A_311 = arith.maximumf %max3A, %get3A_310 : vector<16xf32>
        %min3A_312 = arith.minimumf %min3A, %get3A_310 : vector<16xf32>
        %get3A_313 = arith.constant 3 : i32
        %get3A_314 = arith.index_cast %get3A_313 : i32 to index
        %get3A_315 = arith.index_cast %mul3A_298 : i32 to index
        %get3A_316 = tpu.vector_load %arg12[%get3A_314, %get3A_315] {strides = array<i32>} : memref<128x256xf32, #tpu.memory_space<vmem>>, vector<16xf32>,
        %max3A_317 = arith.maximumf %max3A_311, %get3A_316 : vector<16xf32>
        %min3A_318 = arith.minimumf %min3A_312, %get3A_316 : vector<16xf32>
        %get3A_319 = arith.constant 4 : i32
        %get3A_320 = arith.index_cast %get3A_319 : i32 to index
        %get3A_321 = arith.index_cast %mul3A_298 : i32 to index
        %get3A_322 = tpu.vector_load %arg12[%get3A_320, %get3A_321] {strides = array<i32>} : memref<128x256xf32, #tpu.memory_space<vmem>>, vector<16xf32>,
        %max3A_323 = arith.maximumf %max3A_317, %get3A_322 : vector<16xf32>
        %min3A_324 = arith.minimumf %min3A_318, %get3A_322 : vector<16xf32>
        %get3A_325 = arith.constant 5 : i32
        %get3A_326 = arith.index_cast %get3A_325 : i32 to index
        %get3A_327 = arith.index_cast %mul3A_298 : i32 to index
        %get3A_328 = tpu.vector_load %arg12[%get3A_326, %get3A_327] {strides = array<i32>} : memref<128x256xf32, #tpu.memory_space<vmem>>, vector<16xf32>,
        %max3A_329 = arith.maximumf %max3A_323, %get3A_328 : vector<16xf32>
        %min3A_330 = arith.minimumf %min3A_324, %get3A_328 : vector<16xf32>
        %get3A_331 = arith.constant 6 : i32
        %get3A_332 = arith.index_cast %get3A_331 : i32 to index
        %get3A_333 = arith.index_cast %mul3A_298 : i32 to index
        %get3A_334 = tpu.vector_load %arg12[%get3A_332, %get3A_333] {strides = array<i32>} : memref<128x256xf32, #tpu.memory_space<vmem>>, vector<16xf32>,
        %max3A_335 = arith.maximumf %max3A_329, %get3A_334 : vector<16xf32>
        %min3A_336 = arith.minimumf %min3A_330, %get3A_334 : vector<16xf32>
        %get3A_337 = arith.constant 7 : i32
        %get3A_338 = arith.index_cast %get3A_337 : i32 to index
        %get3A_339 = arith.index_cast %mul3A_298 : i32 to index
        %get3A_340 = tpu.vector_load %arg12[%get3A_338, %get3A_339] {strides = array<i32>} : memref<128x256xf32, #tpu.memory_space<vmem>>, vector<16xf32>,
        %max3A_341 = arith.maximumf %max3A_335, %get3A_340 : vector<16xf32>
        %min3A_342 = arith.minimumf %min3A_336, %get3A_340 : vector<16xf32>
        %get3A_343 = arith.constant 8 : i32
        %get3A_344 = arith.index_cast %get3A_343 : i32 to index
        %get3A_345 = arith.index_cast %mul3A_298 : i32 to index
        %get3A_346 = tpu.vector_load %arg12[%get3A_344, %get3A_345] {strides = array<i32>} : memref<128x256xf32, #tpu.memory_space<vmem>>, vector<16xf32>,
        %max3A_347 = arith.maximumf %max3A_341, %get3A_346 : vector<16xf32>
        %min3A_348 = arith.minimumf %min3A_342, %get3A_346 : vector<16xf32>
        %get3A_349 = arith.constant 9 : i32
        %get3A_350 = arith.index_cast %get3A_349 : i32 to index
        %get3A_351 = arith.index_cast %mul3A_298 : i32 to index
        %get3A_352 = tpu.vector_load %arg12[%get3A_350, %get3A_351] {strides = array<i32>} : memref<128x256xf32, #tpu.memory_space<vmem>>, vector<16xf32>,
        %max3A_353 = arith.maximumf %max3A_347, %get3A_352 : vector<16xf32>
        %min3A_354 = arith.minimumf %min3A_348, %get3A_352 : vector<16xf32>
        %get3A_355 = arith.constant 10 : i32
        %get3A_356 = arith.index_cast %get3A_355 : i32 to index
        %get3A_357 = arith.index_cast %mul3A_298 : i32 to index
        %get3A_358 = tpu.vector_load %arg12[%get3A_356, %get3A_357] {strides = array<i32>} : memref<128x256xf32, #tpu.memory_space<vmem>>, vector<16xf32>,
        %max3A_359 = arith.maximumf %max3A_353, %get3A_358 : vector<16xf32>
        %min3A_360 = arith.minimumf %min3A_354, %get3A_358 : vector<16xf32>
        %get3A_361 = arith.constant 11 : i32
        %get3A_362 = arith.index_cast %get3A_361 : i32 to index
        %get3A_363 = arith.index_cast %mul3A_298 : i32 to index
        %get3A_364 = tpu.vector_load %arg12[%get3A_362, %get3A_363] {strides = array<i32>} : memref<128x256xf32, #tpu.memory_space<vmem>>, vector<16xf32>,
        %max3A_365 = arith.maximumf %max3A_359, %get3A_364 : vector<16xf32>
        %min3A_366 = arith.minimumf %min3A_360, %get3A_364 : vector<16xf32>
        %get3A_367 = arith.constant 12 : i32
        %get3A_368 = arith.index_cast %get3A_367 : i32 to index
        %get3A_369 = arith.index_cast %mul3A_298 : i32 to index
        %get3A_370 = tpu.vector_load %arg12[%get3A_368, %get3A_369] {strides = array<i32>} : memref<128x256xf32, #tpu.memory_space<vmem>>, vector<16xf32>,
        %max3A_371 = arith.maximumf %max3A_365, %get3A_370 : vector<16xf32>
        %min3A_372 = arith.minimumf %min3A_366, %get3A_370 : vector<16xf32>
        %get3A_373 = arith.constant 13 : i32
        %get3A_374 = arith.index_cast %get3A_373 : i32 to index
        %get3A_375 = arith.index_cast %mul3A_298 : i32 to index
        %get3A_376 = tpu.vector_load %arg12[%get3A_374, %get3A_375] {strides = array<i32>} : memref<128x256xf32, #tpu.memory_space<vmem>>, vector<16xf32>,
        %max3A_377 = arith.maximumf %max3A_371, %get3A_376 : vector<16xf32>
        %min3A_378 = arith.minimumf %min3A_372, %get3A_376 : vector<16xf32>
        %get3A_379 = arith.constant 14 : i32
        %get3A_380 = arith.index_cast %get3A_379 : i32 to index
        %get3A_381 = arith.index_cast %mul3A_298 : i32 to index
        %get3A_382 = tpu.vector_load %arg12[%get3A_380, %get3A_381] {strides = array<i32>} : memref<128x256xf32, #tpu.memory_space<vmem>>, vector<16xf32>,
        %max3A_383 = arith.maximumf %max3A_377, %get3A_382 : vector<16xf32>
        %min3A_384 = arith.minimumf %min3A_378, %get3A_382 : vector<16xf32>
        %get3A_385 = arith.constant 15 : i32
        %get3A_386 = arith.index_cast %get3A_385 : i32 to index
        %get3A_387 = arith.index_cast %mul3A_298 : i32 to index
        %get3A_388 = tpu.vector_load %arg12[%get3A_386, %get3A_387] {strides = array<i32>} : memref<128x256xf32, #tpu.memory_space<vmem>>, vector<16xf32>,
        %max3A_389 = arith.maximumf %max3A_383, %get3A_388 : vector<16xf32>
        %min3A_390 = arith.minimumf %min3A_384, %get3A_388 : vector<16xf32>
        %get3A_391 = arith.index_cast %mul3A_298 : i32 to index
        %get3A_392 = tpu.vector_load %arg13[%get3A_391] {strides = array<i32>} : memref<256xf32, #tpu.memory_space<vmem>>, vector<16xf32>,
        %get3A_393 = arith.index_cast %mul3A_298 : i32 to index
        %get3A_394 = tpu.vector_load %arg14[%get3A_393] {strides = array<i32>} : memref<256xf32, #tpu.memory_space<vmem>>, vector<16xf32>,
        %mul3A_395 = arith.mulf %get3A_392, %max3A_389 : vector<16xf32>
        %add3A_396 = arith.addf %mul3A_395, %get3A_394 : vector<16xf32>
        %mul3A_397 = arith.mulf %get3A_392, %min3A_390 : vector<16xf32>
        %add3A_398 = arith.addf %mul3A_397, %get3A_394 : vector<16xf32>
        %max3A_399 = arith.maximumf %add3A_396, %add3A_398 : vector<16xf32>
        %max3A_400 = arith.constant 0.000000e+00 : f32
        %max3A_401 = vector.broadcast %max3A_400 : f32 to vector<16xf32>
        %max3A_402 = arith.maximumf %max3A_399, %max3A_401 : vector<16xf32>
        %mul3A_403 = arith.constant 8 : i32
        %mul3A_404 = arith.muli %add3A_237, %mul3A_403 : i32
        %add3A_405 = arith.constant 0 : i32
        %add3A_406 = arith.addi %mul3A_404, %add3A_405 : i32
        %mul3A_407 = arith.constant 256 : i32
        %mul3A_408 = arith.muli %add3A_406, %mul3A_407 : i32
        %add3A_409 = arith.addi %mul3A_408, %mul3A_298 : i32
        %swap3A = arith.index_cast %add3A_409 : i32 to index
        %swap3A_410 = tpu.vector_load %arg15[%swap3A] {strides = array<i32>} : memref<16384xf32, #tpu.memory_space<vmem>>, vector<16xf32>,
        tpu.vector_store %arg15[%swap3A], %max3A_402 {strides = array<i32>} : memref<16384xf32, #tpu.memory_space<vmem>>, vector<16xf32>,
        %scan3A_411 = arith.constant 0 : i32
        scf.yield %scan3A_411 : i32
      }
      %scan3A_244 = arith.constant 16 : i32
      %scan3A_245 = arith.constant 0 : i32
      %scan3A_246 = arith.constant 0 : i32
      %scan3A_247 = arith.constant 16 : i32
      %scan3A_248 = arith.addi %scan3A_246, %scan3A_247 : i32
      %scan3A_249 = arith.constant 1 : i32
      %scan3A_250 = scf.for %scan3A_295 = %scan3A_246 to %scan3A_248 step %scan3A_249 iter_args(%scan3A_296 = %scan3A_245) -> (i32)  : i32 {
        %mul3A_297 = arith.constant 16 : i32
        %mul3A_298 = arith.muli %scan3A_295, %mul3A_297 : i32
        %get3A_299 = arith.constant 16 : i32
        %get3A_300 = arith.index_cast %get3A_299 : i32 to index
        %get3A_301 = arith.index_cast %mul3A_298 : i32 to index
        %get3A_302 = tpu.vector_load %arg12[%get3A_300, %get3A_301] {strides = array<i32>} : memref<128x256xf32, #tpu.memory_space<vmem>>, vector<16xf32>,
        %get3A_303 = arith.constant 17 : i32
        %get3A_304 = arith.index_cast %get3A_303 : i32 to index
        %get3A_305 = arith.index_cast %mul3A_298 : i32 to index
        %get3A_306 = tpu.vector_load %arg12[%get3A_304, %get3A_305] {strides = array<i32>} : memref<128x256xf32, #tpu.memory_space<vmem>>, vector<16xf32>,
        %max3A = arith.maximumf %get3A_302, %get3A_306 : vector<16xf32>
        %min3A = arith.minimumf %get3A_302, %get3A_306 : vector<16xf32>
        %get3A_307 = arith.constant 18 : i32
        %get3A_308 = arith.index_cast %get3A_307 : i32 to index
        %get3A_309 = arith.index_cast %mul3A_298 : i32 to index
        %get3A_310 = tpu.vector_load %arg12[%get3A_308, %get3A_309] {strides = array<i32>} : memref<128x256xf32, #tpu.memory_space<vmem>>, vector<16xf32>,
        %max3A_311 = arith.maximumf %max3A, %get3A_310 : vector<16xf32>
        %min3A_312 = arith.minimumf %min3A, %get3A_310 : vector<16xf32>
        %get3A_313 = arith.constant 19 : i32
        %get3A_314 = arith.index_cast %get3A_313 : i32 to index
        %get3A_315 = arith.index_cast %mul3A_298 : i32 to index
        %get3A_316 = tpu.vector_load %arg12[%get3A_314, %get3A_315] {strides = array<i32>} : memref<128x256xf32, #tpu.memory_space<vmem>>, vector<16xf32>,
        %max3A_317 = arith.maximumf %max3A_311, %get3A_316 : vector<16xf32>
        %min3A_318 = arith.minimumf %min3A_312, %get3A_316 : vector<16xf32>
        %get3A_319 = arith.constant 20 : i32
        %get3A_320 = arith.index_cast %get3A_319 : i32 to index
        %get3A_321 = arith.index_cast %mul3A_298 : i32 to index
        %get3A_322 = tpu.vector_load %arg12[%get3A_320, %get3A_321] {strides = array<i32>} : memref<128x256xf32, #tpu.memory_space<vmem>>, vector<16xf32>,
        %max3A_323 = arith.maximumf %max3A_317, %get3A_322 : vector<16xf32>
        %min3A_324 = arith.minimumf %min3A_318, %get3A_322 : vector<16xf32>
        %get3A_325 = arith.constant 21 : i32
        %get3A_326 = arith.index_cast %get3A_325 : i32 to index
        %get3A_327 = arith.index_cast %mul3A_298 : i32 to index
        %get3A_328 = tpu.vector_load %arg12[%get3A_326, %get3A_327] {strides = array<i32>} : memref<128x256xf32, #tpu.memory_space<vmem>>, vector<16xf32>,
        %max3A_329 = arith.maximumf %max3A_323, %get3A_328 : vector<16xf32>
        %min3A_330 = arith.minimumf %min3A_324, %get3A_328 : vector<16xf32>
        %get3A_331 = arith.constant 22 : i32
        %get3A_332 = arith.index_cast %get3A_331 : i32 to index
        %get3A_333 = arith.index_cast %mul3A_298 : i32 to index
        %get3A_334 = tpu.vector_load %arg12[%get3A_332, %get3A_333] {strides = array<i32>} : memref<128x256xf32, #tpu.memory_space<vmem>>, vector<16xf32>,
        %max3A_335 = arith.maximumf %max3A_329, %get3A_334 : vector<16xf32>
        %min3A_336 = arith.minimumf %min3A_330, %get3A_334 : vector<16xf32>
        %get3A_337 = arith.constant 23 : i32
        %get3A_338 = arith.index_cast %get3A_337 : i32 to index
        %get3A_339 = arith.index_cast %mul3A_298 : i32 to index
        %get3A_340 = tpu.vector_load %arg12[%get3A_338, %get3A_339] {strides = array<i32>} : memref<128x256xf32, #tpu.memory_space<vmem>>, vector<16xf32>,
        %max3A_341 = arith.maximumf %max3A_335, %get3A_340 : vector<16xf32>
        %min3A_342 = arith.minimumf %min3A_336, %get3A_340 : vector<16xf32>
        %get3A_343 = arith.constant 24 : i32
        %get3A_344 = arith.index_cast %get3A_343 : i32 to index
        %get3A_345 = arith.index_cast %mul3A_298 : i32 to index
        %get3A_346 = tpu.vector_load %arg12[%get3A_344, %get3A_345] {strides = array<i32>} : memref<128x256xf32, #tpu.memory_space<vmem>>, vector<16xf32>,
        %max3A_347 = arith.maximumf %max3A_341, %get3A_346 : vector<16xf32>
        %min3A_348 = arith.minimumf %min3A_342, %get3A_346 : vector<16xf32>
        %get3A_349 = arith.constant 25 : i32
        %get3A_350 = arith.index_cast %get3A_349 : i32 to index
        %get3A_351 = arith.index_cast %mul3A_298 : i32 to index
        %get3A_352 = tpu.vector_load %arg12[%get3A_350, %get3A_351] {strides = array<i32>} : memref<128x256xf32, #tpu.memory_space<vmem>>, vector<16xf32>,
        %max3A_353 = arith.maximumf %max3A_347, %get3A_352 : vector<16xf32>
        %min3A_354 = arith.minimumf %min3A_348, %get3A_352 : vector<16xf32>
        %get3A_355 = arith.constant 26 : i32
        %get3A_356 = arith.index_cast %get3A_355 : i32 to index
        %get3A_357 = arith.index_cast %mul3A_298 : i32 to index
        %get3A_358 = tpu.vector_load %arg12[%get3A_356, %get3A_357] {strides = array<i32>} : memref<128x256xf32, #tpu.memory_space<vmem>>, vector<16xf32>,
        %max3A_359 = arith.maximumf %max3A_353, %get3A_358 : vector<16xf32>
        %min3A_360 = arith.minimumf %min3A_354, %get3A_358 : vector<16xf32>
        %get3A_361 = arith.constant 27 : i32
        %get3A_362 = arith.index_cast %get3A_361 : i32 to index
        %get3A_363 = arith.index_cast %mul3A_298 : i32 to index
        %get3A_364 = tpu.vector_load %arg12[%get3A_362, %get3A_363] {strides = array<i32>} : memref<128x256xf32, #tpu.memory_space<vmem>>, vector<16xf32>,
        %max3A_365 = arith.maximumf %max3A_359, %get3A_364 : vector<16xf32>
        %min3A_366 = arith.minimumf %min3A_360, %get3A_364 : vector<16xf32>
        %get3A_367 = arith.constant 28 : i32
        %get3A_368 = arith.index_cast %get3A_367 : i32 to index
        %get3A_369 = arith.index_cast %mul3A_298 : i32 to index
        %get3A_370 = tpu.vector_load %arg12[%get3A_368, %get3A_369] {strides = array<i32>} : memref<128x256xf32, #tpu.memory_space<vmem>>, vector<16xf32>,
        %max3A_371 = arith.maximumf %max3A_365, %get3A_370 : vector<16xf32>
        %min3A_372 = arith.minimumf %min3A_366, %get3A_370 : vector<16xf32>
        %get3A_373 = arith.constant 29 : i32
        %get3A_374 = arith.index_cast %get3A_373 : i32 to index
        %get3A_375 = arith.index_cast %mul3A_298 : i32 to index
        %get3A_376 = tpu.vector_load %arg12[%get3A_374, %get3A_375] {strides = array<i32>} : memref<128x256xf32, #tpu.memory_space<vmem>>, vector<16xf32>,
        %max3A_377 = arith.maximumf %max3A_371, %get3A_376 : vector<16xf32>
        %min3A_378 = arith.minimumf %min3A_372, %get3A_376 : vector<16xf32>
        %get3A_379 = arith.constant 30 : i32
        %get3A_380 = arith.index_cast %get3A_379 : i32 to index
        %get3A_381 = arith.index_cast %mul3A_298 : i32 to index
        %get3A_382 = tpu.vector_load %arg12[%get3A_380, %get3A_381] {strides = array<i32>} : memref<128x256xf32, #tpu.memory_space<vmem>>, vector<16xf32>,
        %max3A_383 = arith.maximumf %max3A_377, %get3A_382 : vector<16xf32>
        %min3A_384 = arith.minimumf %min3A_378, %get3A_382 : vector<16xf32>
        %get3A_385 = arith.constant 31 : i32
        %get3A_386 = arith.index_cast %get3A_385 : i32 to index
        %get3A_387 = arith.index_cast %mul3A_298 : i32 to index
        %get3A_388 = tpu.vector_load %arg12[%get3A_386, %get3A_387] {strides = array<i32>} : memref<128x256xf32, #tpu.memory_space<vmem>>, vector<16xf32>,
        %max3A_389 = arith.maximumf %max3A_383, %get3A_388 : vector<16xf32>
        %min3A_390 = arith.minimumf %min3A_384, %get3A_388 : vector<16xf32>
        %get3A_391 = arith.index_cast %mul3A_298 : i32 to index
        %get3A_392 = tpu.vector_load %arg13[%get3A_391] {strides = array<i32>} : memref<256xf32, #tpu.memory_space<vmem>>, vector<16xf32>,
        %get3A_393 = arith.index_cast %mul3A_298 : i32 to index
        %get3A_394 = tpu.vector_load %arg14[%get3A_393] {strides = array<i32>} : memref<256xf32, #tpu.memory_space<vmem>>, vector<16xf32>,
        %mul3A_395 = arith.mulf %get3A_392, %max3A_389 : vector<16xf32>
        %add3A_396 = arith.addf %mul3A_395, %get3A_394 : vector<16xf32>
        %mul3A_397 = arith.mulf %get3A_392, %min3A_390 : vector<16xf32>
        %add3A_398 = arith.addf %mul3A_397, %get3A_394 : vector<16xf32>
        %max3A_399 = arith.maximumf %add3A_396, %add3A_398 : vector<16xf32>
        %max3A_400 = arith.constant 0.000000e+00 : f32
        %max3A_401 = vector.broadcast %max3A_400 : f32 to vector<16xf32>
        %max3A_402 = arith.maximumf %max3A_399, %max3A_401 : vector<16xf32>
        %mul3A_403 = arith.constant 8 : i32
        %mul3A_404 = arith.muli %add3A_237, %mul3A_403 : i32
        %add3A_405 = arith.constant 1 : i32
        %add3A_406 = arith.addi %mul3A_404, %add3A_405 : i32
        %mul3A_407 = arith.constant 256 : i32
        %mul3A_408 = arith.muli %add3A_406, %mul3A_407 : i32
        %add3A_409 = arith.addi %mul3A_408, %mul3A_298 : i32
        %swap3A = arith.index_cast %add3A_409 : i32 to index
        %swap3A_410 = tpu.vector_load %arg15[%swap3A] {strides = array<i32>} : memref<16384xf32, #tpu.memory_space<vmem>>, vector<16xf32>,
        tpu.vector_store %arg15[%swap3A], %max3A_402 {strides = array<i32>} : memref<16384xf32, #tpu.memory_space<vmem>>, vector<16xf32>,
        %scan3A_411 = arith.constant 0 : i32
        scf.yield %scan3A_411 : i32
      }
      %scan3A_251 = arith.constant 16 : i32
      %scan3A_252 = arith.constant 0 : i32
      %scan3A_253 = arith.constant 0 : i32
      %scan3A_254 = arith.constant 16 : i32
      %scan3A_255 = arith.addi %scan3A_253, %scan3A_254 : i32
      %scan3A_256 = arith.constant 1 : i32
      %scan3A_257 = scf.for %scan3A_295 = %scan3A_253 to %scan3A_255 step %scan3A_256 iter_args(%scan3A_296 = %scan3A_252) -> (i32)  : i32 {
        %mul3A_297 = arith.constant 16 : i32
        %mul3A_298 = arith.muli %scan3A_295, %mul3A_297 : i32
        %get3A_299 = arith.constant 32 : i32
        %get3A_300 = arith.index_cast %get3A_299 : i32 to index
        %get3A_301 = arith.index_cast %mul3A_298 : i32 to index
        %get3A_302 = tpu.vector_load %arg12[%get3A_300, %get3A_301] {strides = array<i32>} : memref<128x256xf32, #tpu.memory_space<vmem>>, vector<16xf32>,
        %get3A_303 = arith.constant 33 : i32
        %get3A_304 = arith.index_cast %get3A_303 : i32 to index
        %get3A_305 = arith.index_cast %mul3A_298 : i32 to index
        %get3A_306 = tpu.vector_load %arg12[%get3A_304, %get3A_305] {strides = array<i32>} : memref<128x256xf32, #tpu.memory_space<vmem>>, vector<16xf32>,
        %max3A = arith.maximumf %get3A_302, %get3A_306 : vector<16xf32>
        %min3A = arith.minimumf %get3A_302, %get3A_306 : vector<16xf32>
        %get3A_307 = arith.constant 34 : i32
        %get3A_308 = arith.index_cast %get3A_307 : i32 to index
        %get3A_309 = arith.index_cast %mul3A_298 : i32 to index
        %get3A_310 = tpu.vector_load %arg12[%get3A_308, %get3A_309] {strides = array<i32>} : memref<128x256xf32, #tpu.memory_space<vmem>>, vector<16xf32>,
        %max3A_311 = arith.maximumf %max3A, %get3A_310 : vector<16xf32>
        %min3A_312 = arith.minimumf %min3A, %get3A_310 : vector<16xf32>
        %get3A_313 = arith.constant 35 : i32
        %get3A_314 = arith.index_cast %get3A_313 : i32 to index
        %get3A_315 = arith.index_cast %mul3A_298 : i32 to index
        %get3A_316 = tpu.vector_load %arg12[%get3A_314, %get3A_315] {strides = array<i32>} : memref<128x256xf32, #tpu.memory_space<vmem>>, vector<16xf32>,
        %max3A_317 = arith.maximumf %max3A_311, %get3A_316 : vector<16xf32>
        %min3A_318 = arith.minimumf %min3A_312, %get3A_316 : vector<16xf32>
        %get3A_319 = arith.constant 36 : i32
        %get3A_320 = arith.index_cast %get3A_319 : i32 to index
        %get3A_321 = arith.index_cast %mul3A_298 : i32 to index
        %get3A_322 = tpu.vector_load %arg12[%get3A_320, %get3A_321] {strides = array<i32>} : memref<128x256xf32, #tpu.memory_space<vmem>>, vector<16xf32>,
        %max3A_323 = arith.maximumf %max3A_317, %get3A_322 : vector<16xf32>
        %min3A_324 = arith.minimumf %min3A_318, %get3A_322 : vector<16xf32>
        %get3A_325 = arith.constant 37 : i32
        %get3A_326 = arith.index_cast %get3A_325 : i32 to index
        %get3A_327 = arith.index_cast %mul3A_298 : i32 to index
        %get3A_328 = tpu.vector_load %arg12[%get3A_326, %get3A_327] {strides = array<i32>} : memref<128x256xf32, #tpu.memory_space<vmem>>, vector<16xf32>,
        %max3A_329 = arith.maximumf %max3A_323, %get3A_328 : vector<16xf32>
        %min3A_330 = arith.minimumf %min3A_324, %get3A_328 : vector<16xf32>
        %get3A_331 = arith.constant 38 : i32
        %get3A_332 = arith.index_cast %get3A_331 : i32 to index
        %get3A_333 = arith.index_cast %mul3A_298 : i32 to index
        %get3A_334 = tpu.vector_load %arg12[%get3A_332, %get3A_333] {strides = array<i32>} : memref<128x256xf32, #tpu.memory_space<vmem>>, vector<16xf32>,
        %max3A_335 = arith.maximumf %max3A_329, %get3A_334 : vector<16xf32>
        %min3A_336 = arith.minimumf %min3A_330, %get3A_334 : vector<16xf32>
        %get3A_337 = arith.constant 39 : i32
        %get3A_338 = arith.index_cast %get3A_337 : i32 to index
        %get3A_339 = arith.index_cast %mul3A_298 : i32 to index
        %get3A_340 = tpu.vector_load %arg12[%get3A_338, %get3A_339] {strides = array<i32>} : memref<128x256xf32, #tpu.memory_space<vmem>>, vector<16xf32>,
        %max3A_341 = arith.maximumf %max3A_335, %get3A_340 : vector<16xf32>
        %min3A_342 = arith.minimumf %min3A_336, %get3A_340 : vector<16xf32>
        %get3A_343 = arith.constant 40 : i32
        %get3A_344 = arith.index_cast %get3A_343 : i32 to index
        %get3A_345 = arith.index_cast %mul3A_298 : i32 to index
        %get3A_346 = tpu.vector_load %arg12[%get3A_344, %get3A_345] {strides = array<i32>} : memref<128x256xf32, #tpu.memory_space<vmem>>, vector<16xf32>,
        %max3A_347 = arith.maximumf %max3A_341, %get3A_346 : vector<16xf32>
        %min3A_348 = arith.minimumf %min3A_342, %get3A_346 : vector<16xf32>
        %get3A_349 = arith.constant 41 : i32
        %get3A_350 = arith.index_cast %get3A_349 : i32 to index
        %get3A_351 = arith.index_cast %mul3A_298 : i32 to index
        %get3A_352 = tpu.vector_load %arg12[%get3A_350, %get3A_351] {strides = array<i32>} : memref<128x256xf32, #tpu.memory_space<vmem>>, vector<16xf32>,
        %max3A_353 = arith.maximumf %max3A_347, %get3A_352 : vector<16xf32>
        %min3A_354 = arith.minimumf %min3A_348, %get3A_352 : vector<16xf32>
        %get3A_355 = arith.constant 42 : i32
        %get3A_356 = arith.index_cast %get3A_355 : i32 to index
        %get3A_357 = arith.index_cast %mul3A_298 : i32 to index
        %get3A_358 = tpu.vector_load %arg12[%get3A_356, %get3A_357] {strides = array<i32>} : memref<128x256xf32, #tpu.memory_space<vmem>>, vector<16xf32>,
        %max3A_359 = arith.maximumf %max3A_353, %get3A_358 : vector<16xf32>
        %min3A_360 = arith.minimumf %min3A_354, %get3A_358 : vector<16xf32>
        %get3A_361 = arith.constant 43 : i32
        %get3A_362 = arith.index_cast %get3A_361 : i32 to index
        %get3A_363 = arith.index_cast %mul3A_298 : i32 to index
        %get3A_364 = tpu.vector_load %arg12[%get3A_362, %get3A_363] {strides = array<i32>} : memref<128x256xf32, #tpu.memory_space<vmem>>, vector<16xf32>,
        %max3A_365 = arith.maximumf %max3A_359, %get3A_364 : vector<16xf32>
        %min3A_366 = arith.minimumf %min3A_360, %get3A_364 : vector<16xf32>
        %get3A_367 = arith.constant 44 : i32
        %get3A_368 = arith.index_cast %get3A_367 : i32 to index
        %get3A_369 = arith.index_cast %mul3A_298 : i32 to index
        %get3A_370 = tpu.vector_load %arg12[%get3A_368, %get3A_369] {strides = array<i32>} : memref<128x256xf32, #tpu.memory_space<vmem>>, vector<16xf32>,
        %max3A_371 = arith.maximumf %max3A_365, %get3A_370 : vector<16xf32>
        %min3A_372 = arith.minimumf %min3A_366, %get3A_370 : vector<16xf32>
        %get3A_373 = arith.constant 45 : i32
        %get3A_374 = arith.index_cast %get3A_373 : i32 to index
        %get3A_375 = arith.index_cast %mul3A_298 : i32 to index
        %get3A_376 = tpu.vector_load %arg12[%get3A_374, %get3A_375] {strides = array<i32>} : memref<128x256xf32, #tpu.memory_space<vmem>>, vector<16xf32>,
        %max3A_377 = arith.maximumf %max3A_371, %get3A_376 : vector<16xf32>
        %min3A_378 = arith.minimumf %min3A_372, %get3A_376 : vector<16xf32>
        %get3A_379 = arith.constant 46 : i32
        %get3A_380 = arith.index_cast %get3A_379 : i32 to index
        %get3A_381 = arith.index_cast %mul3A_298 : i32 to index
        %get3A_382 = tpu.vector_load %arg12[%get3A_380, %get3A_381] {strides = array<i32>} : memref<128x256xf32, #tpu.memory_space<vmem>>, vector<16xf32>,
        %max3A_383 = arith.maximumf %max3A_377, %get3A_382 : vector<16xf32>
        %min3A_384 = arith.minimumf %min3A_378, %get3A_382 : vector<16xf32>
        %get3A_385 = arith.constant 47 : i32
        %get3A_386 = arith.index_cast %get3A_385 : i32 to index
        %get3A_387 = arith.index_cast %mul3A_298 : i32 to index
        %get3A_388 = tpu.vector_load %arg12[%get3A_386, %get3A_387] {strides = array<i32>} : memref<128x256xf32, #tpu.memory_space<vmem>>, vector<16xf32>,
        %max3A_389 = arith.maximumf %max3A_383, %get3A_388 : vector<16xf32>
        %min3A_390 = arith.minimumf %min3A_384, %get3A_388 : vector<16xf32>
        %get3A_391 = arith.index_cast %mul3A_298 : i32 to index
        %get3A_392 = tpu.vector_load %arg13[%get3A_391] {strides = array<i32>} : memref<256xf32, #tpu.memory_space<vmem>>, vector<16xf32>,
        %get3A_393 = arith.index_cast %mul3A_298 : i32 to index
        %get3A_394 = tpu.vector_load %arg14[%get3A_393] {strides = array<i32>} : memref<256xf32, #tpu.memory_space<vmem>>, vector<16xf32>,
        %mul3A_395 = arith.mulf %get3A_392, %max3A_389 : vector<16xf32>
        %add3A_396 = arith.addf %mul3A_395, %get3A_394 : vector<16xf32>
        %mul3A_397 = arith.mulf %get3A_392, %min3A_390 : vector<16xf32>
        %add3A_398 = arith.addf %mul3A_397, %get3A_394 : vector<16xf32>
        %max3A_399 = arith.maximumf %add3A_396, %add3A_398 : vector<16xf32>
        %max3A_400 = arith.constant 0.000000e+00 : f32
        %max3A_401 = vector.broadcast %max3A_400 : f32 to vector<16xf32>
        %max3A_402 = arith.maximumf %max3A_399, %max3A_401 : vector<16xf32>
        %mul3A_403 = arith.constant 8 : i32
        %mul3A_404 = arith.muli %add3A_237, %mul3A_403 : i32
        %add3A_405 = arith.constant 2 : i32
        %add3A_406 = arith.addi %mul3A_404, %add3A_405 : i32
        %mul3A_407 = arith.constant 256 : i32
        %mul3A_408 = arith.muli %add3A_406, %mul3A_407 : i32
        %add3A_409 = arith.addi %mul3A_408, %mul3A_298 : i32
        %swap3A = arith.index_cast %add3A_409 : i32 to index
        %swap3A_410 = tpu.vector_load %arg15[%swap3A] {strides = array<i32>} : memref<16384xf32, #tpu.memory_space<vmem>>, vector<16xf32>,
        tpu.vector_store %arg15[%swap3A], %max3A_402 {strides = array<i32>} : memref<16384xf32, #tpu.memory_space<vmem>>, vector<16xf32>,
        %scan3A_411 = arith.constant 0 : i32
        scf.yield %scan3A_411 : i32
      }
      %scan3A_258 = arith.constant 16 : i32
      %scan3A_259 = arith.constant 0 : i32
      %scan3A_260 = arith.constant 0 : i32
      %scan3A_261 = arith.constant 16 : i32
      %scan3A_262 = arith.addi %scan3A_260, %scan3A_261 : i32
      %scan3A_263 = arith.constant 1 : i32
      %scan3A_264 = scf.for %scan3A_295 = %scan3A_260 to %scan3A_262 step %scan3A_263 iter_args(%scan3A_296 = %scan3A_259) -> (i32)  : i32 {
        %mul3A_297 = arith.constant 16 : i32
        %mul3A_298 = arith.muli %scan3A_295, %mul3A_297 : i32
        %get3A_299 = arith.constant 48 : i32
        %get3A_300 = arith.index_cast %get3A_299 : i32 to index
        %get3A_301 = arith.index_cast %mul3A_298 : i32 to index
        %get3A_302 = tpu.vector_load %arg12[%get3A_300, %get3A_301] {strides = array<i32>} : memref<128x256xf32, #tpu.memory_space<vmem>>, vector<16xf32>,
        %get3A_303 = arith.constant 49 : i32
        %get3A_304 = arith.index_cast %get3A_303 : i32 to index
        %get3A_305 = arith.index_cast %mul3A_298 : i32 to index
        %get3A_306 = tpu.vector_load %arg12[%get3A_304, %get3A_305] {strides = array<i32>} : memref<128x256xf32, #tpu.memory_space<vmem>>, vector<16xf32>,
        %max3A = arith.maximumf %get3A_302, %get3A_306 : vector<16xf32>
        %min3A = arith.minimumf %get3A_302, %get3A_306 : vector<16xf32>
        %get3A_307 = arith.constant 50 : i32
        %get3A_308 = arith.index_cast %get3A_307 : i32 to index
        %get3A_309 = arith.index_cast %mul3A_298 : i32 to index
        %get3A_310 = tpu.vector_load %arg12[%get3A_308, %get3A_309] {strides = array<i32>} : memref<128x256xf32, #tpu.memory_space<vmem>>, vector<16xf32>,
        %max3A_311 = arith.maximumf %max3A, %get3A_310 : vector<16xf32>
        %min3A_312 = arith.minimumf %min3A, %get3A_310 : vector<16xf32>
        %get3A_313 = arith.constant 51 : i32
        %get3A_314 = arith.index_cast %get3A_313 : i32 to index
        %get3A_315 = arith.index_cast %mul3A_298 : i32 to index
        %get3A_316 = tpu.vector_load %arg12[%get3A_314, %get3A_315] {strides = array<i32>} : memref<128x256xf32, #tpu.memory_space<vmem>>, vector<16xf32>,
        %max3A_317 = arith.maximumf %max3A_311, %get3A_316 : vector<16xf32>
        %min3A_318 = arith.minimumf %min3A_312, %get3A_316 : vector<16xf32>
        %get3A_319 = arith.constant 52 : i32
        %get3A_320 = arith.index_cast %get3A_319 : i32 to index
        %get3A_321 = arith.index_cast %mul3A_298 : i32 to index
        %get3A_322 = tpu.vector_load %arg12[%get3A_320, %get3A_321] {strides = array<i32>} : memref<128x256xf32, #tpu.memory_space<vmem>>, vector<16xf32>,
        %max3A_323 = arith.maximumf %max3A_317, %get3A_322 : vector<16xf32>
        %min3A_324 = arith.minimumf %min3A_318, %get3A_322 : vector<16xf32>
        %get3A_325 = arith.constant 53 : i32
        %get3A_326 = arith.index_cast %get3A_325 : i32 to index
        %get3A_327 = arith.index_cast %mul3A_298 : i32 to index
        %get3A_328 = tpu.vector_load %arg12[%get3A_326, %get3A_327] {strides = array<i32>} : memref<128x256xf32, #tpu.memory_space<vmem>>, vector<16xf32>,
        %max3A_329 = arith.maximumf %max3A_323, %get3A_328 : vector<16xf32>
        %min3A_330 = arith.minimumf %min3A_324, %get3A_328 : vector<16xf32>
        %get3A_331 = arith.constant 54 : i32
        %get3A_332 = arith.index_cast %get3A_331 : i32 to index
        %get3A_333 = arith.index_cast %mul3A_298 : i32 to index
        %get3A_334 = tpu.vector_load %arg12[%get3A_332, %get3A_333] {strides = array<i32>} : memref<128x256xf32, #tpu.memory_space<vmem>>, vector<16xf32>,
        %max3A_335 = arith.maximumf %max3A_329, %get3A_334 : vector<16xf32>
        %min3A_336 = arith.minimumf %min3A_330, %get3A_334 : vector<16xf32>
        %get3A_337 = arith.constant 55 : i32
        %get3A_338 = arith.index_cast %get3A_337 : i32 to index
        %get3A_339 = arith.index_cast %mul3A_298 : i32 to index
        %get3A_340 = tpu.vector_load %arg12[%get3A_338, %get3A_339] {strides = array<i32>} : memref<128x256xf32, #tpu.memory_space<vmem>>, vector<16xf32>,
        %max3A_341 = arith.maximumf %max3A_335, %get3A_340 : vector<16xf32>
        %min3A_342 = arith.minimumf %min3A_336, %get3A_340 : vector<16xf32>
        %get3A_343 = arith.constant 56 : i32
        %get3A_344 = arith.index_cast %get3A_343 : i32 to index
        %get3A_345 = arith.index_cast %mul3A_298 : i32 to index
        %get3A_346 = tpu.vector_load %arg12[%get3A_344, %get3A_345] {strides = array<i32>} : memref<128x256xf32, #tpu.memory_space<vmem>>, vector<16xf32>,
        %max3A_347 = arith.maximumf %max3A_341, %get3A_346 : vector<16xf32>
        %min3A_348 = arith.minimumf %min3A_342, %get3A_346 : vector<16xf32>
        %get3A_349 = arith.constant 57 : i32
        %get3A_350 = arith.index_cast %get3A_349 : i32 to index
        %get3A_351 = arith.index_cast %mul3A_298 : i32 to index
        %get3A_352 = tpu.vector_load %arg12[%get3A_350, %get3A_351] {strides = array<i32>} : memref<128x256xf32, #tpu.memory_space<vmem>>, vector<16xf32>,
        %max3A_353 = arith.maximumf %max3A_347, %get3A_352 : vector<16xf32>
        %min3A_354 = arith.minimumf %min3A_348, %get3A_352 : vector<16xf32>
        %get3A_355 = arith.constant 58 : i32
        %get3A_356 = arith.index_cast %get3A_355 : i32 to index
        %get3A_357 = arith.index_cast %mul3A_298 : i32 to index
        %get3A_358 = tpu.vector_load %arg12[%get3A_356, %get3A_357] {strides = array<i32>} : memref<128x256xf32, #tpu.memory_space<vmem>>, vector<16xf32>,
        %max3A_359 = arith.maximumf %max3A_353, %get3A_358 : vector<16xf32>
        %min3A_360 = arith.minimumf %min3A_354, %get3A_358 : vector<16xf32>
        %get3A_361 = arith.constant 59 : i32
        %get3A_362 = arith.index_cast %get3A_361 : i32 to index
        %get3A_363 = arith.index_cast %mul3A_298 : i32 to index
        %get3A_364 = tpu.vector_load %arg12[%get3A_362, %get3A_363] {strides = array<i32>} : memref<128x256xf32, #tpu.memory_space<vmem>>, vector<16xf32>,
        %max3A_365 = arith.maximumf %max3A_359, %get3A_364 : vector<16xf32>
        %min3A_366 = arith.minimumf %min3A_360, %get3A_364 : vector<16xf32>
        %get3A_367 = arith.constant 60 : i32
        %get3A_368 = arith.index_cast %get3A_367 : i32 to index
        %get3A_369 = arith.index_cast %mul3A_298 : i32 to index
        %get3A_370 = tpu.vector_load %arg12[%get3A_368, %get3A_369] {strides = array<i32>} : memref<128x256xf32, #tpu.memory_space<vmem>>, vector<16xf32>,
        %max3A_371 = arith.maximumf %max3A_365, %get3A_370 : vector<16xf32>
        %min3A_372 = arith.minimumf %min3A_366, %get3A_370 : vector<16xf32>
        %get3A_373 = arith.constant 61 : i32
        %get3A_374 = arith.index_cast %get3A_373 : i32 to index
        %get3A_375 = arith.index_cast %mul3A_298 : i32 to index
        %get3A_376 = tpu.vector_load %arg12[%get3A_374, %get3A_375] {strides = array<i32>} : memref<128x256xf32, #tpu.memory_space<vmem>>, vector<16xf32>,
        %max3A_377 = arith.maximumf %max3A_371, %get3A_376 : vector<16xf32>
        %min3A_378 = arith.minimumf %min3A_372, %get3A_376 : vector<16xf32>
        %get3A_379 = arith.constant 62 : i32
        %get3A_380 = arith.index_cast %get3A_379 : i32 to index
        %get3A_381 = arith.index_cast %mul3A_298 : i32 to index
        %get3A_382 = tpu.vector_load %arg12[%get3A_380, %get3A_381] {strides = array<i32>} : memref<128x256xf32, #tpu.memory_space<vmem>>, vector<16xf32>,
        %max3A_383 = arith.maximumf %max3A_377, %get3A_382 : vector<16xf32>
        %min3A_384 = arith.minimumf %min3A_378, %get3A_382 : vector<16xf32>
        %get3A_385 = arith.constant 63 : i32
        %get3A_386 = arith.index_cast %get3A_385 : i32 to index
        %get3A_387 = arith.index_cast %mul3A_298 : i32 to index
        %get3A_388 = tpu.vector_load %arg12[%get3A_386, %get3A_387] {strides = array<i32>} : memref<128x256xf32, #tpu.memory_space<vmem>>, vector<16xf32>,
        %max3A_389 = arith.maximumf %max3A_383, %get3A_388 : vector<16xf32>
        %min3A_390 = arith.minimumf %min3A_384, %get3A_388 : vector<16xf32>
        %get3A_391 = arith.index_cast %mul3A_298 : i32 to index
        %get3A_392 = tpu.vector_load %arg13[%get3A_391] {strides = array<i32>} : memref<256xf32, #tpu.memory_space<vmem>>, vector<16xf32>,
        %get3A_393 = arith.index_cast %mul3A_298 : i32 to index
        %get3A_394 = tpu.vector_load %arg14[%get3A_393] {strides = array<i32>} : memref<256xf32, #tpu.memory_space<vmem>>, vector<16xf32>,
        %mul3A_395 = arith.mulf %get3A_392, %max3A_389 : vector<16xf32>
        %add3A_396 = arith.addf %mul3A_395, %get3A_394 : vector<16xf32>
        %mul3A_397 = arith.mulf %get3A_392, %min3A_390 : vector<16xf32>
        %add3A_398 = arith.addf %mul3A_397, %get3A_394 : vector<16xf32>
        %max3A_399 = arith.maximumf %add3A_396, %add3A_398 : vector<16xf32>
        %max3A_400 = arith.constant 0.000000e+00 : f32
        %max3A_401 = vector.broadcast %max3A_400 : f32 to vector<16xf32>
        %max3A_402 = arith.maximumf %max3A_399, %max3A_401 : vector<16xf32>
        %mul3A_403 = arith.constant 8 : i32
        %mul3A_404 = arith.muli %add3A_237, %mul3A_403 : i32
        %add3A_405 = arith.constant 3 : i32
        %add3A_406 = arith.addi %mul3A_404, %add3A_405 : i32
        %mul3A_407 = arith.constant 256 : i32
        %mul3A_408 = arith.muli %add3A_406, %mul3A_407 : i32
        %add3A_409 = arith.addi %mul3A_408, %mul3A_298 : i32
        %swap3A = arith.index_cast %add3A_409 : i32 to index
        %swap3A_410 = tpu.vector_load %arg15[%swap3A] {strides = array<i32>} : memref<16384xf32, #tpu.memory_space<vmem>>, vector<16xf32>,
        tpu.vector_store %arg15[%swap3A], %max3A_402 {strides = array<i32>} : memref<16384xf32, #tpu.memory_space<vmem>>, vector<16xf32>,
        %scan3A_411 = arith.constant 0 : i32
        scf.yield %scan3A_411 : i32
      }
      %scan3A_265 = arith.constant 16 : i32
      %scan3A_266 = arith.constant 0 : i32
      %scan3A_267 = arith.constant 0 : i32
      %scan3A_268 = arith.constant 16 : i32
      %scan3A_269 = arith.addi %scan3A_267, %scan3A_268 : i32
      %scan3A_270 = arith.constant 1 : i32
      %scan3A_271 = scf.for %scan3A_295 = %scan3A_267 to %scan3A_269 step %scan3A_270 iter_args(%scan3A_296 = %scan3A_266) -> (i32)  : i32 {
        %mul3A_297 = arith.constant 16 : i32
        %mul3A_298 = arith.muli %scan3A_295, %mul3A_297 : i32
        %get3A_299 = arith.constant 64 : i32
        %get3A_300 = arith.index_cast %get3A_299 : i32 to index
        %get3A_301 = arith.index_cast %mul3A_298 : i32 to index
        %get3A_302 = tpu.vector_load %arg12[%get3A_300, %get3A_301] {strides = array<i32>} : memref<128x256xf32, #tpu.memory_space<vmem>>, vector<16xf32>,
        %get3A_303 = arith.constant 65 : i32
        %get3A_304 = arith.index_cast %get3A_303 : i32 to index
        %get3A_305 = arith.index_cast %mul3A_298 : i32 to index
        %get3A_306 = tpu.vector_load %arg12[%get3A_304, %get3A_305] {strides = array<i32>} : memref<128x256xf32, #tpu.memory_space<vmem>>, vector<16xf32>,
        %max3A = arith.maximumf %get3A_302, %get3A_306 : vector<16xf32>
        %min3A = arith.minimumf %get3A_302, %get3A_306 : vector<16xf32>
        %get3A_307 = arith.constant 66 : i32
        %get3A_308 = arith.index_cast %get3A_307 : i32 to index
        %get3A_309 = arith.index_cast %mul3A_298 : i32 to index
        %get3A_310 = tpu.vector_load %arg12[%get3A_308, %get3A_309] {strides = array<i32>} : memref<128x256xf32, #tpu.memory_space<vmem>>, vector<16xf32>,
        %max3A_311 = arith.maximumf %max3A, %get3A_310 : vector<16xf32>
        %min3A_312 = arith.minimumf %min3A, %get3A_310 : vector<16xf32>
        %get3A_313 = arith.constant 67 : i32
        %get3A_314 = arith.index_cast %get3A_313 : i32 to index
        %get3A_315 = arith.index_cast %mul3A_298 : i32 to index
        %get3A_316 = tpu.vector_load %arg12[%get3A_314, %get3A_315] {strides = array<i32>} : memref<128x256xf32, #tpu.memory_space<vmem>>, vector<16xf32>,
        %max3A_317 = arith.maximumf %max3A_311, %get3A_316 : vector<16xf32>
        %min3A_318 = arith.minimumf %min3A_312, %get3A_316 : vector<16xf32>
        %get3A_319 = arith.constant 68 : i32
        %get3A_320 = arith.index_cast %get3A_319 : i32 to index
        %get3A_321 = arith.index_cast %mul3A_298 : i32 to index
        %get3A_322 = tpu.vector_load %arg12[%get3A_320, %get3A_321] {strides = array<i32>} : memref<128x256xf32, #tpu.memory_space<vmem>>, vector<16xf32>,
        %max3A_323 = arith.maximumf %max3A_317, %get3A_322 : vector<16xf32>
        %min3A_324 = arith.minimumf %min3A_318, %get3A_322 : vector<16xf32>
        %get3A_325 = arith.constant 69 : i32
        %get3A_326 = arith.index_cast %get3A_325 : i32 to index
        %get3A_327 = arith.index_cast %mul3A_298 : i32 to index
        %get3A_328 = tpu.vector_load %arg12[%get3A_326, %get3A_327] {strides = array<i32>} : memref<128x256xf32, #tpu.memory_space<vmem>>, vector<16xf32>,
        %max3A_329 = arith.maximumf %max3A_323, %get3A_328 : vector<16xf32>
        %min3A_330 = arith.minimumf %min3A_324, %get3A_328 : vector<16xf32>
        %get3A_331 = arith.constant 70 : i32
        %get3A_332 = arith.index_cast %get3A_331 : i32 to index
        %get3A_333 = arith.index_cast %mul3A_298 : i32 to index
        %get3A_334 = tpu.vector_load %arg12[%get3A_332, %get3A_333] {strides = array<i32>} : memref<128x256xf32, #tpu.memory_space<vmem>>, vector<16xf32>,
        %max3A_335 = arith.maximumf %max3A_329, %get3A_334 : vector<16xf32>
        %min3A_336 = arith.minimumf %min3A_330, %get3A_334 : vector<16xf32>
        %get3A_337 = arith.constant 71 : i32
        %get3A_338 = arith.index_cast %get3A_337 : i32 to index
        %get3A_339 = arith.index_cast %mul3A_298 : i32 to index
        %get3A_340 = tpu.vector_load %arg12[%get3A_338, %get3A_339] {strides = array<i32>} : memref<128x256xf32, #tpu.memory_space<vmem>>, vector<16xf32>,
        %max3A_341 = arith.maximumf %max3A_335, %get3A_340 : vector<16xf32>
        %min3A_342 = arith.minimumf %min3A_336, %get3A_340 : vector<16xf32>
        %get3A_343 = arith.constant 72 : i32
        %get3A_344 = arith.index_cast %get3A_343 : i32 to index
        %get3A_345 = arith.index_cast %mul3A_298 : i32 to index
        %get3A_346 = tpu.vector_load %arg12[%get3A_344, %get3A_345] {strides = array<i32>} : memref<128x256xf32, #tpu.memory_space<vmem>>, vector<16xf32>,
        %max3A_347 = arith.maximumf %max3A_341, %get3A_346 : vector<16xf32>
        %min3A_348 = arith.minimumf %min3A_342, %get3A_346 : vector<16xf32>
        %get3A_349 = arith.constant 73 : i32
        %get3A_350 = arith.index_cast %get3A_349 : i32 to index
        %get3A_351 = arith.index_cast %mul3A_298 : i32 to index
        %get3A_352 = tpu.vector_load %arg12[%get3A_350, %get3A_351] {strides = array<i32>} : memref<128x256xf32, #tpu.memory_space<vmem>>, vector<16xf32>,
        %max3A_353 = arith.maximumf %max3A_347, %get3A_352 : vector<16xf32>
        %min3A_354 = arith.minimumf %min3A_348, %get3A_352 : vector<16xf32>
        %get3A_355 = arith.constant 74 : i32
        %get3A_356 = arith.index_cast %get3A_355 : i32 to index
        %get3A_357 = arith.index_cast %mul3A_298 : i32 to index
        %get3A_358 = tpu.vector_load %arg12[%get3A_356, %get3A_357] {strides = array<i32>} : memref<128x256xf32, #tpu.memory_space<vmem>>, vector<16xf32>,
        %max3A_359 = arith.maximumf %max3A_353, %get3A_358 : vector<16xf32>
        %min3A_360 = arith.minimumf %min3A_354, %get3A_358 : vector<16xf32>
        %get3A_361 = arith.constant 75 : i32
        %get3A_362 = arith.index_cast %get3A_361 : i32 to index
        %get3A_363 = arith.index_cast %mul3A_298 : i32 to index
        %get3A_364 = tpu.vector_load %arg12[%get3A_362, %get3A_363] {strides = array<i32>} : memref<128x256xf32, #tpu.memory_space<vmem>>, vector<16xf32>,
        %max3A_365 = arith.maximumf %max3A_359, %get3A_364 : vector<16xf32>
        %min3A_366 = arith.minimumf %min3A_360, %get3A_364 : vector<16xf32>
        %get3A_367 = arith.constant 76 : i32
        %get3A_368 = arith.index_cast %get3A_367 : i32 to index
        %get3A_369 = arith.index_cast %mul3A_298 : i32 to index
        %get3A_370 = tpu.vector_load %arg12[%get3A_368, %get3A_369] {strides = array<i32>} : memref<128x256xf32, #tpu.memory_space<vmem>>, vector<16xf32>,
        %max3A_371 = arith.maximumf %max3A_365, %get3A_370 : vector<16xf32>
        %min3A_372 = arith.minimumf %min3A_366, %get3A_370 : vector<16xf32>
        %get3A_373 = arith.constant 77 : i32
        %get3A_374 = arith.index_cast %get3A_373 : i32 to index
        %get3A_375 = arith.index_cast %mul3A_298 : i32 to index
        %get3A_376 = tpu.vector_load %arg12[%get3A_374, %get3A_375] {strides = array<i32>} : memref<128x256xf32, #tpu.memory_space<vmem>>, vector<16xf32>,
        %max3A_377 = arith.maximumf %max3A_371, %get3A_376 : vector<16xf32>
        %min3A_378 = arith.minimumf %min3A_372, %get3A_376 : vector<16xf32>
        %get3A_379 = arith.constant 78 : i32
        %get3A_380 = arith.index_cast %get3A_379 : i32 to index
        %get3A_381 = arith.index_cast %mul3A_298 : i32 to index
        %get3A_382 = tpu.vector_load %arg12[%get3A_380, %get3A_381] {strides = array<i32>} : memref<128x256xf32, #tpu.memory_space<vmem>>, vector<16xf32>,
        %max3A_383 = arith.maximumf %max3A_377, %get3A_382 : vector<16xf32>
        %min3A_384 = arith.minimumf %min3A_378, %get3A_382 : vector<16xf32>
        %get3A_385 = arith.constant 79 : i32
        %get3A_386 = arith.index_cast %get3A_385 : i32 to index
        %get3A_387 = arith.index_cast %mul3A_298 : i32 to index
        %get3A_388 = tpu.vector_load %arg12[%get3A_386, %get3A_387] {strides = array<i32>} : memref<128x256xf32, #tpu.memory_space<vmem>>, vector<16xf32>,
        %max3A_389 = arith.maximumf %max3A_383, %get3A_388 : vector<16xf32>
        %min3A_390 = arith.minimumf %min3A_384, %get3A_388 : vector<16xf32>
        %get3A_391 = arith.index_cast %mul3A_298 : i32 to index
        %get3A_392 = tpu.vector_load %arg13[%get3A_391] {strides = array<i32>} : memref<256xf32, #tpu.memory_space<vmem>>, vector<16xf32>,
        %get3A_393 = arith.index_cast %mul3A_298 : i32 to index
        %get3A_394 = tpu.vector_load %arg14[%get3A_393] {strides = array<i32>} : memref<256xf32, #tpu.memory_space<vmem>>, vector<16xf32>,
        %mul3A_395 = arith.mulf %get3A_392, %max3A_389 : vector<16xf32>
        %add3A_396 = arith.addf %mul3A_395, %get3A_394 : vector<16xf32>
        %mul3A_397 = arith.mulf %get3A_392, %min3A_390 : vector<16xf32>
        %add3A_398 = arith.addf %mul3A_397, %get3A_394 : vector<16xf32>
        %max3A_399 = arith.maximumf %add3A_396, %add3A_398 : vector<16xf32>
        %max3A_400 = arith.constant 0.000000e+00 : f32
        %max3A_401 = vector.broadcast %max3A_400 : f32 to vector<16xf32>
        %max3A_402 = arith.maximumf %max3A_399, %max3A_401 : vector<16xf32>
        %mul3A_403 = arith.constant 8 : i32
        %mul3A_404 = arith.muli %add3A_237, %mul3A_403 : i32
        %add3A_405 = arith.constant 4 : i32
        %add3A_406 = arith.addi %mul3A_404, %add3A_405 : i32
        %mul3A_407 = arith.constant 256 : i32
        %mul3A_408 = arith.muli %add3A_406, %mul3A_407 : i32
        %add3A_409 = arith.addi %mul3A_408, %mul3A_298 : i32
        %swap3A = arith.index_cast %add3A_409 : i32 to index
        %swap3A_410 = tpu.vector_load %arg15[%swap3A] {strides = array<i32>} : memref<16384xf32, #tpu.memory_space<vmem>>, vector<16xf32>,
        tpu.vector_store %arg15[%swap3A], %max3A_402 {strides = array<i32>} : memref<16384xf32, #tpu.memory_space<vmem>>, vector<16xf32>,
        %scan3A_411 = arith.constant 0 : i32
        scf.yield %scan3A_411 : i32
      }
      %scan3A_272 = arith.constant 16 : i32
      %scan3A_273 = arith.constant 0 : i32
      %scan3A_274 = arith.constant 0 : i32
      %scan3A_275 = arith.constant 16 : i32
      %scan3A_276 = arith.addi %scan3A_274, %scan3A_275 : i32
      %scan3A_277 = arith.constant 1 : i32
      %scan3A_278 = scf.for %scan3A_295 = %scan3A_274 to %scan3A_276 step %scan3A_277 iter_args(%scan3A_296 = %scan3A_273) -> (i32)  : i32 {
        %mul3A_297 = arith.constant 16 : i32
        %mul3A_298 = arith.muli %scan3A_295, %mul3A_297 : i32
        %get3A_299 = arith.constant 80 : i32
        %get3A_300 = arith.index_cast %get3A_299 : i32 to index
        %get3A_301 = arith.index_cast %mul3A_298 : i32 to index
        %get3A_302 = tpu.vector_load %arg12[%get3A_300, %get3A_301] {strides = array<i32>} : memref<128x256xf32, #tpu.memory_space<vmem>>, vector<16xf32>,
        %get3A_303 = arith.constant 81 : i32
        %get3A_304 = arith.index_cast %get3A_303 : i32 to index
        %get3A_305 = arith.index_cast %mul3A_298 : i32 to index
        %get3A_306 = tpu.vector_load %arg12[%get3A_304, %get3A_305] {strides = array<i32>} : memref<128x256xf32, #tpu.memory_space<vmem>>, vector<16xf32>,
        %max3A = arith.maximumf %get3A_302, %get3A_306 : vector<16xf32>
        %min3A = arith.minimumf %get3A_302, %get3A_306 : vector<16xf32>
        %get3A_307 = arith.constant 82 : i32
        %get3A_308 = arith.index_cast %get3A_307 : i32 to index
        %get3A_309 = arith.index_cast %mul3A_298 : i32 to index
        %get3A_310 = tpu.vector_load %arg12[%get3A_308, %get3A_309] {strides = array<i32>} : memref<128x256xf32, #tpu.memory_space<vmem>>, vector<16xf32>,
        %max3A_311 = arith.maximumf %max3A, %get3A_310 : vector<16xf32>
        %min3A_312 = arith.minimumf %min3A, %get3A_310 : vector<16xf32>
        %get3A_313 = arith.constant 83 : i32
        %get3A_314 = arith.index_cast %get3A_313 : i32 to index
        %get3A_315 = arith.index_cast %mul3A_298 : i32 to index
        %get3A_316 = tpu.vector_load %arg12[%get3A_314, %get3A_315] {strides = array<i32>} : memref<128x256xf32, #tpu.memory_space<vmem>>, vector<16xf32>,
        %max3A_317 = arith.maximumf %max3A_311, %get3A_316 : vector<16xf32>
        %min3A_318 = arith.minimumf %min3A_312, %get3A_316 : vector<16xf32>
        %get3A_319 = arith.constant 84 : i32
        %get3A_320 = arith.index_cast %get3A_319 : i32 to index
        %get3A_321 = arith.index_cast %mul3A_298 : i32 to index
        %get3A_322 = tpu.vector_load %arg12[%get3A_320, %get3A_321] {strides = array<i32>} : memref<128x256xf32, #tpu.memory_space<vmem>>, vector<16xf32>,
        %max3A_323 = arith.maximumf %max3A_317, %get3A_322 : vector<16xf32>
        %min3A_324 = arith.minimumf %min3A_318, %get3A_322 : vector<16xf32>
        %get3A_325 = arith.constant 85 : i32
        %get3A_326 = arith.index_cast %get3A_325 : i32 to index
        %get3A_327 = arith.index_cast %mul3A_298 : i32 to index
        %get3A_328 = tpu.vector_load %arg12[%get3A_326, %get3A_327] {strides = array<i32>} : memref<128x256xf32, #tpu.memory_space<vmem>>, vector<16xf32>,
        %max3A_329 = arith.maximumf %max3A_323, %get3A_328 : vector<16xf32>
        %min3A_330 = arith.minimumf %min3A_324, %get3A_328 : vector<16xf32>
        %get3A_331 = arith.constant 86 : i32
        %get3A_332 = arith.index_cast %get3A_331 : i32 to index
        %get3A_333 = arith.index_cast %mul3A_298 : i32 to index
        %get3A_334 = tpu.vector_load %arg12[%get3A_332, %get3A_333] {strides = array<i32>} : memref<128x256xf32, #tpu.memory_space<vmem>>, vector<16xf32>,
        %max3A_335 = arith.maximumf %max3A_329, %get3A_334 : vector<16xf32>
        %min3A_336 = arith.minimumf %min3A_330, %get3A_334 : vector<16xf32>
        %get3A_337 = arith.constant 87 : i32
        %get3A_338 = arith.index_cast %get3A_337 : i32 to index
        %get3A_339 = arith.index_cast %mul3A_298 : i32 to index
        %get3A_340 = tpu.vector_load %arg12[%get3A_338, %get3A_339] {strides = array<i32>} : memref<128x256xf32, #tpu.memory_space<vmem>>, vector<16xf32>,
        %max3A_341 = arith.maximumf %max3A_335, %get3A_340 : vector<16xf32>
        %min3A_342 = arith.minimumf %min3A_336, %get3A_340 : vector<16xf32>
        %get3A_343 = arith.constant 88 : i32
        %get3A_344 = arith.index_cast %get3A_343 : i32 to index
        %get3A_345 = arith.index_cast %mul3A_298 : i32 to index
        %get3A_346 = tpu.vector_load %arg12[%get3A_344, %get3A_345] {strides = array<i32>} : memref<128x256xf32, #tpu.memory_space<vmem>>, vector<16xf32>,
        %max3A_347 = arith.maximumf %max3A_341, %get3A_346 : vector<16xf32>
        %min3A_348 = arith.minimumf %min3A_342, %get3A_346 : vector<16xf32>
        %get3A_349 = arith.constant 89 : i32
        %get3A_350 = arith.index_cast %get3A_349 : i32 to index
        %get3A_351 = arith.index_cast %mul3A_298 : i32 to index
        %get3A_352 = tpu.vector_load %arg12[%get3A_350, %get3A_351] {strides = array<i32>} : memref<128x256xf32, #tpu.memory_space<vmem>>, vector<16xf32>,
        %max3A_353 = arith.maximumf %max3A_347, %get3A_352 : vector<16xf32>
        %min3A_354 = arith.minimumf %min3A_348, %get3A_352 : vector<16xf32>
        %get3A_355 = arith.constant 90 : i32
        %get3A_356 = arith.index_cast %get3A_355 : i32 to index
        %get3A_357 = arith.index_cast %mul3A_298 : i32 to index
        %get3A_358 = tpu.vector_load %arg12[%get3A_356, %get3A_357] {strides = array<i32>} : memref<128x256xf32, #tpu.memory_space<vmem>>, vector<16xf32>,
        %max3A_359 = arith.maximumf %max3A_353, %get3A_358 : vector<16xf32>
        %min3A_360 = arith.minimumf %min3A_354, %get3A_358 : vector<16xf32>
        %get3A_361 = arith.constant 91 : i32
        %get3A_362 = arith.index_cast %get3A_361 : i32 to index
        %get3A_363 = arith.index_cast %mul3A_298 : i32 to index
        %get3A_364 = tpu.vector_load %arg12[%get3A_362, %get3A_363] {strides = array<i32>} : memref<128x256xf32, #tpu.memory_space<vmem>>, vector<16xf32>,
        %max3A_365 = arith.maximumf %max3A_359, %get3A_364 : vector<16xf32>
        %min3A_366 = arith.minimumf %min3A_360, %get3A_364 : vector<16xf32>
        %get3A_367 = arith.constant 92 : i32
        %get3A_368 = arith.index_cast %get3A_367 : i32 to index
        %get3A_369 = arith.index_cast %mul3A_298 : i32 to index
        %get3A_370 = tpu.vector_load %arg12[%get3A_368, %get3A_369] {strides = array<i32>} : memref<128x256xf32, #tpu.memory_space<vmem>>, vector<16xf32>,
        %max3A_371 = arith.maximumf %max3A_365, %get3A_370 : vector<16xf32>
        %min3A_372 = arith.minimumf %min3A_366, %get3A_370 : vector<16xf32>
        %get3A_373 = arith.constant 93 : i32
        %get3A_374 = arith.index_cast %get3A_373 : i32 to index
        %get3A_375 = arith.index_cast %mul3A_298 : i32 to index
        %get3A_376 = tpu.vector_load %arg12[%get3A_374, %get3A_375] {strides = array<i32>} : memref<128x256xf32, #tpu.memory_space<vmem>>, vector<16xf32>,
        %max3A_377 = arith.maximumf %max3A_371, %get3A_376 : vector<16xf32>
        %min3A_378 = arith.minimumf %min3A_372, %get3A_376 : vector<16xf32>
        %get3A_379 = arith.constant 94 : i32
        %get3A_380 = arith.index_cast %get3A_379 : i32 to index
        %get3A_381 = arith.index_cast %mul3A_298 : i32 to index
        %get3A_382 = tpu.vector_load %arg12[%get3A_380, %get3A_381] {strides = array<i32>} : memref<128x256xf32, #tpu.memory_space<vmem>>, vector<16xf32>,
        %max3A_383 = arith.maximumf %max3A_377, %get3A_382 : vector<16xf32>
        %min3A_384 = arith.minimumf %min3A_378, %get3A_382 : vector<16xf32>
        %get3A_385 = arith.constant 95 : i32
        %get3A_386 = arith.index_cast %get3A_385 : i32 to index
        %get3A_387 = arith.index_cast %mul3A_298 : i32 to index
        %get3A_388 = tpu.vector_load %arg12[%get3A_386, %get3A_387] {strides = array<i32>} : memref<128x256xf32, #tpu.memory_space<vmem>>, vector<16xf32>,
        %max3A_389 = arith.maximumf %max3A_383, %get3A_388 : vector<16xf32>
        %min3A_390 = arith.minimumf %min3A_384, %get3A_388 : vector<16xf32>
        %get3A_391 = arith.index_cast %mul3A_298 : i32 to index
        %get3A_392 = tpu.vector_load %arg13[%get3A_391] {strides = array<i32>} : memref<256xf32, #tpu.memory_space<vmem>>, vector<16xf32>,
        %get3A_393 = arith.index_cast %mul3A_298 : i32 to index
        %get3A_394 = tpu.vector_load %arg14[%get3A_393] {strides = array<i32>} : memref<256xf32, #tpu.memory_space<vmem>>, vector<16xf32>,
        %mul3A_395 = arith.mulf %get3A_392, %max3A_389 : vector<16xf32>
        %add3A_396 = arith.addf %mul3A_395, %get3A_394 : vector<16xf32>
        %mul3A_397 = arith.mulf %get3A_392, %min3A_390 : vector<16xf32>
        %add3A_398 = arith.addf %mul3A_397, %get3A_394 : vector<16xf32>
        %max3A_399 = arith.maximumf %add3A_396, %add3A_398 : vector<16xf32>
        %max3A_400 = arith.constant 0.000000e+00 : f32
        %max3A_401 = vector.broadcast %max3A_400 : f32 to vector<16xf32>
        %max3A_402 = arith.maximumf %max3A_399, %max3A_401 : vector<16xf32>
        %mul3A_403 = arith.constant 8 : i32
        %mul3A_404 = arith.muli %add3A_237, %mul3A_403 : i32
        %add3A_405 = arith.constant 5 : i32
        %add3A_406 = arith.addi %mul3A_404, %add3A_405 : i32
        %mul3A_407 = arith.constant 256 : i32
        %mul3A_408 = arith.muli %add3A_406, %mul3A_407 : i32
        %add3A_409 = arith.addi %mul3A_408, %mul3A_298 : i32
        %swap3A = arith.index_cast %add3A_409 : i32 to index
        %swap3A_410 = tpu.vector_load %arg15[%swap3A] {strides = array<i32>} : memref<16384xf32, #tpu.memory_space<vmem>>, vector<16xf32>,
        tpu.vector_store %arg15[%swap3A], %max3A_402 {strides = array<i32>} : memref<16384xf32, #tpu.memory_space<vmem>>, vector<16xf32>,
        %scan3A_411 = arith.constant 0 : i32
        scf.yield %scan3A_411 : i32
      }
      %scan3A_279 = arith.constant 16 : i32
      %scan3A_280 = arith.constant 0 : i32
      %scan3A_281 = arith.constant 0 : i32
      %scan3A_282 = arith.constant 16 : i32
      %scan3A_283 = arith.addi %scan3A_281, %scan3A_282 : i32
      %scan3A_284 = arith.constant 1 : i32
      %scan3A_285 = scf.for %scan3A_295 = %scan3A_281 to %scan3A_283 step %scan3A_284 iter_args(%scan3A_296 = %scan3A_280) -> (i32)  : i32 {
        %mul3A_297 = arith.constant 16 : i32
        %mul3A_298 = arith.muli %scan3A_295, %mul3A_297 : i32
        %get3A_299 = arith.constant 96 : i32
        %get3A_300 = arith.index_cast %get3A_299 : i32 to index
        %get3A_301 = arith.index_cast %mul3A_298 : i32 to index
        %get3A_302 = tpu.vector_load %arg12[%get3A_300, %get3A_301] {strides = array<i32>} : memref<128x256xf32, #tpu.memory_space<vmem>>, vector<16xf32>,
        %get3A_303 = arith.constant 97 : i32
        %get3A_304 = arith.index_cast %get3A_303 : i32 to index
        %get3A_305 = arith.index_cast %mul3A_298 : i32 to index
        %get3A_306 = tpu.vector_load %arg12[%get3A_304, %get3A_305] {strides = array<i32>} : memref<128x256xf32, #tpu.memory_space<vmem>>, vector<16xf32>,
        %max3A = arith.maximumf %get3A_302, %get3A_306 : vector<16xf32>
        %min3A = arith.minimumf %get3A_302, %get3A_306 : vector<16xf32>
        %get3A_307 = arith.constant 98 : i32
        %get3A_308 = arith.index_cast %get3A_307 : i32 to index
        %get3A_309 = arith.index_cast %mul3A_298 : i32 to index
        %get3A_310 = tpu.vector_load %arg12[%get3A_308, %get3A_309] {strides = array<i32>} : memref<128x256xf32, #tpu.memory_space<vmem>>, vector<16xf32>,
        %max3A_311 = arith.maximumf %max3A, %get3A_310 : vector<16xf32>
        %min3A_312 = arith.minimumf %min3A, %get3A_310 : vector<16xf32>
        %get3A_313 = arith.constant 99 : i32
        %get3A_314 = arith.index_cast %get3A_313 : i32 to index
        %get3A_315 = arith.index_cast %mul3A_298 : i32 to index
        %get3A_316 = tpu.vector_load %arg12[%get3A_314, %get3A_315] {strides = array<i32>} : memref<128x256xf32, #tpu.memory_space<vmem>>, vector<16xf32>,
        %max3A_317 = arith.maximumf %max3A_311, %get3A_316 : vector<16xf32>
        %min3A_318 = arith.minimumf %min3A_312, %get3A_316 : vector<16xf32>
        %get3A_319 = arith.constant 100 : i32
        %get3A_320 = arith.index_cast %get3A_319 : i32 to index
        %get3A_321 = arith.index_cast %mul3A_298 : i32 to index
        %get3A_322 = tpu.vector_load %arg12[%get3A_320, %get3A_321] {strides = array<i32>} : memref<128x256xf32, #tpu.memory_space<vmem>>, vector<16xf32>,
        %max3A_323 = arith.maximumf %max3A_317, %get3A_322 : vector<16xf32>
        %min3A_324 = arith.minimumf %min3A_318, %get3A_322 : vector<16xf32>
        %get3A_325 = arith.constant 101 : i32
        %get3A_326 = arith.index_cast %get3A_325 : i32 to index
        %get3A_327 = arith.index_cast %mul3A_298 : i32 to index
        %get3A_328 = tpu.vector_load %arg12[%get3A_326, %get3A_327] {strides = array<i32>} : memref<128x256xf32, #tpu.memory_space<vmem>>, vector<16xf32>,
        %max3A_329 = arith.maximumf %max3A_323, %get3A_328 : vector<16xf32>
        %min3A_330 = arith.minimumf %min3A_324, %get3A_328 : vector<16xf32>
        %get3A_331 = arith.constant 102 : i32
        %get3A_332 = arith.index_cast %get3A_331 : i32 to index
        %get3A_333 = arith.index_cast %mul3A_298 : i32 to index
        %get3A_334 = tpu.vector_load %arg12[%get3A_332, %get3A_333] {strides = array<i32>} : memref<128x256xf32, #tpu.memory_space<vmem>>, vector<16xf32>,
        %max3A_335 = arith.maximumf %max3A_329, %get3A_334 : vector<16xf32>
        %min3A_336 = arith.minimumf %min3A_330, %get3A_334 : vector<16xf32>
        %get3A_337 = arith.constant 103 : i32
        %get3A_338 = arith.index_cast %get3A_337 : i32 to index
        %get3A_339 = arith.index_cast %mul3A_298 : i32 to index
        %get3A_340 = tpu.vector_load %arg12[%get3A_338, %get3A_339] {strides = array<i32>} : memref<128x256xf32, #tpu.memory_space<vmem>>, vector<16xf32>,
        %max3A_341 = arith.maximumf %max3A_335, %get3A_340 : vector<16xf32>
        %min3A_342 = arith.minimumf %min3A_336, %get3A_340 : vector<16xf32>
        %get3A_343 = arith.constant 104 : i32
        %get3A_344 = arith.index_cast %get3A_343 : i32 to index
        %get3A_345 = arith.index_cast %mul3A_298 : i32 to index
        %get3A_346 = tpu.vector_load %arg12[%get3A_344, %get3A_345] {strides = array<i32>} : memref<128x256xf32, #tpu.memory_space<vmem>>, vector<16xf32>,
        %max3A_347 = arith.maximumf %max3A_341, %get3A_346 : vector<16xf32>
        %min3A_348 = arith.minimumf %min3A_342, %get3A_346 : vector<16xf32>
        %get3A_349 = arith.constant 105 : i32
        %get3A_350 = arith.index_cast %get3A_349 : i32 to index
        %get3A_351 = arith.index_cast %mul3A_298 : i32 to index
        %get3A_352 = tpu.vector_load %arg12[%get3A_350, %get3A_351] {strides = array<i32>} : memref<128x256xf32, #tpu.memory_space<vmem>>, vector<16xf32>,
        %max3A_353 = arith.maximumf %max3A_347, %get3A_352 : vector<16xf32>
        %min3A_354 = arith.minimumf %min3A_348, %get3A_352 : vector<16xf32>
        %get3A_355 = arith.constant 106 : i32
        %get3A_356 = arith.index_cast %get3A_355 : i32 to index
        %get3A_357 = arith.index_cast %mul3A_298 : i32 to index
        %get3A_358 = tpu.vector_load %arg12[%get3A_356, %get3A_357] {strides = array<i32>} : memref<128x256xf32, #tpu.memory_space<vmem>>, vector<16xf32>,
        %max3A_359 = arith.maximumf %max3A_353, %get3A_358 : vector<16xf32>
        %min3A_360 = arith.minimumf %min3A_354, %get3A_358 : vector<16xf32>
        %get3A_361 = arith.constant 107 : i32
        %get3A_362 = arith.index_cast %get3A_361 : i32 to index
        %get3A_363 = arith.index_cast %mul3A_298 : i32 to index
        %get3A_364 = tpu.vector_load %arg12[%get3A_362, %get3A_363] {strides = array<i32>} : memref<128x256xf32, #tpu.memory_space<vmem>>, vector<16xf32>,
        %max3A_365 = arith.maximumf %max3A_359, %get3A_364 : vector<16xf32>
        %min3A_366 = arith.minimumf %min3A_360, %get3A_364 : vector<16xf32>
        %get3A_367 = arith.constant 108 : i32
        %get3A_368 = arith.index_cast %get3A_367 : i32 to index
        %get3A_369 = arith.index_cast %mul3A_298 : i32 to index
        %get3A_370 = tpu.vector_load %arg12[%get3A_368, %get3A_369] {strides = array<i32>} : memref<128x256xf32, #tpu.memory_space<vmem>>, vector<16xf32>,
        %max3A_371 = arith.maximumf %max3A_365, %get3A_370 : vector<16xf32>
        %min3A_372 = arith.minimumf %min3A_366, %get3A_370 : vector<16xf32>
        %get3A_373 = arith.constant 109 : i32
        %get3A_374 = arith.index_cast %get3A_373 : i32 to index
        %get3A_375 = arith.index_cast %mul3A_298 : i32 to index
        %get3A_376 = tpu.vector_load %arg12[%get3A_374, %get3A_375] {strides = array<i32>} : memref<128x256xf32, #tpu.memory_space<vmem>>, vector<16xf32>,
        %max3A_377 = arith.maximumf %max3A_371, %get3A_376 : vector<16xf32>
        %min3A_378 = arith.minimumf %min3A_372, %get3A_376 : vector<16xf32>
        %get3A_379 = arith.constant 110 : i32
        %get3A_380 = arith.index_cast %get3A_379 : i32 to index
        %get3A_381 = arith.index_cast %mul3A_298 : i32 to index
        %get3A_382 = tpu.vector_load %arg12[%get3A_380, %get3A_381] {strides = array<i32>} : memref<128x256xf32, #tpu.memory_space<vmem>>, vector<16xf32>,
        %max3A_383 = arith.maximumf %max3A_377, %get3A_382 : vector<16xf32>
        %min3A_384 = arith.minimumf %min3A_378, %get3A_382 : vector<16xf32>
        %get3A_385 = arith.constant 111 : i32
        %get3A_386 = arith.index_cast %get3A_385 : i32 to index
        %get3A_387 = arith.index_cast %mul3A_298 : i32 to index
        %get3A_388 = tpu.vector_load %arg12[%get3A_386, %get3A_387] {strides = array<i32>} : memref<128x256xf32, #tpu.memory_space<vmem>>, vector<16xf32>,
        %max3A_389 = arith.maximumf %max3A_383, %get3A_388 : vector<16xf32>
        %min3A_390 = arith.minimumf %min3A_384, %get3A_388 : vector<16xf32>
        %get3A_391 = arith.index_cast %mul3A_298 : i32 to index
        %get3A_392 = tpu.vector_load %arg13[%get3A_391] {strides = array<i32>} : memref<256xf32, #tpu.memory_space<vmem>>, vector<16xf32>,
        %get3A_393 = arith.index_cast %mul3A_298 : i32 to index
        %get3A_394 = tpu.vector_load %arg14[%get3A_393] {strides = array<i32>} : memref<256xf32, #tpu.memory_space<vmem>>, vector<16xf32>,
        %mul3A_395 = arith.mulf %get3A_392, %max3A_389 : vector<16xf32>
        %add3A_396 = arith.addf %mul3A_395, %get3A_394 : vector<16xf32>
        %mul3A_397 = arith.mulf %get3A_392, %min3A_390 : vector<16xf32>
        %add3A_398 = arith.addf %mul3A_397, %get3A_394 : vector<16xf32>
        %max3A_399 = arith.maximumf %add3A_396, %add3A_398 : vector<16xf32>
        %max3A_400 = arith.constant 0.000000e+00 : f32
        %max3A_401 = vector.broadcast %max3A_400 : f32 to vector<16xf32>
        %max3A_402 = arith.maximumf %max3A_399, %max3A_401 : vector<16xf32>
        %mul3A_403 = arith.constant 8 : i32
        %mul3A_404 = arith.muli %add3A_237, %mul3A_403 : i32
        %add3A_405 = arith.constant 6 : i32
        %add3A_406 = arith.addi %mul3A_404, %add3A_405 : i32
        %mul3A_407 = arith.constant 256 : i32
        %mul3A_408 = arith.muli %add3A_406, %mul3A_407 : i32
        %add3A_409 = arith.addi %mul3A_408, %mul3A_298 : i32
        %swap3A = arith.index_cast %add3A_409 : i32 to index
        %swap3A_410 = tpu.vector_load %arg15[%swap3A] {strides = array<i32>} : memref<16384xf32, #tpu.memory_space<vmem>>, vector<16xf32>,
        tpu.vector_store %arg15[%swap3A], %max3A_402 {strides = array<i32>} : memref<16384xf32, #tpu.memory_space<vmem>>, vector<16xf32>,
        %scan3A_411 = arith.constant 0 : i32
        scf.yield %scan3A_411 : i32
      }
      %scan3A_286 = arith.constant 16 : i32
      %scan3A_287 = arith.constant 0 : i32
      %scan3A_288 = arith.constant 0 : i32
      %scan3A_289 = arith.constant 16 : i32
      %scan3A_290 = arith.addi %scan3A_288, %scan3A_289 : i32
      %scan3A_291 = arith.constant 1 : i32
      %scan3A_292 = scf.for %scan3A_295 = %scan3A_288 to %scan3A_290 step %scan3A_291 iter_args(%scan3A_296 = %scan3A_287) -> (i32)  : i32 {
        %mul3A_297 = arith.constant 16 : i32
        %mul3A_298 = arith.muli %scan3A_295, %mul3A_297 : i32
        %get3A_299 = arith.constant 112 : i32
        %get3A_300 = arith.index_cast %get3A_299 : i32 to index
        %get3A_301 = arith.index_cast %mul3A_298 : i32 to index
        %get3A_302 = tpu.vector_load %arg12[%get3A_300, %get3A_301] {strides = array<i32>} : memref<128x256xf32, #tpu.memory_space<vmem>>, vector<16xf32>,
        %get3A_303 = arith.constant 113 : i32
        %get3A_304 = arith.index_cast %get3A_303 : i32 to index
        %get3A_305 = arith.index_cast %mul3A_298 : i32 to index
        %get3A_306 = tpu.vector_load %arg12[%get3A_304, %get3A_305] {strides = array<i32>} : memref<128x256xf32, #tpu.memory_space<vmem>>, vector<16xf32>,
        %max3A = arith.maximumf %get3A_302, %get3A_306 : vector<16xf32>
        %min3A = arith.minimumf %get3A_302, %get3A_306 : vector<16xf32>
        %get3A_307 = arith.constant 114 : i32
        %get3A_308 = arith.index_cast %get3A_307 : i32 to index
        %get3A_309 = arith.index_cast %mul3A_298 : i32 to index
        %get3A_310 = tpu.vector_load %arg12[%get3A_308, %get3A_309] {strides = array<i32>} : memref<128x256xf32, #tpu.memory_space<vmem>>, vector<16xf32>,
        %max3A_311 = arith.maximumf %max3A, %get3A_310 : vector<16xf32>
        %min3A_312 = arith.minimumf %min3A, %get3A_310 : vector<16xf32>
        %get3A_313 = arith.constant 115 : i32
        %get3A_314 = arith.index_cast %get3A_313 : i32 to index
        %get3A_315 = arith.index_cast %mul3A_298 : i32 to index
        %get3A_316 = tpu.vector_load %arg12[%get3A_314, %get3A_315] {strides = array<i32>} : memref<128x256xf32, #tpu.memory_space<vmem>>, vector<16xf32>,
        %max3A_317 = arith.maximumf %max3A_311, %get3A_316 : vector<16xf32>
        %min3A_318 = arith.minimumf %min3A_312, %get3A_316 : vector<16xf32>
        %get3A_319 = arith.constant 116 : i32
        %get3A_320 = arith.index_cast %get3A_319 : i32 to index
        %get3A_321 = arith.index_cast %mul3A_298 : i32 to index
        %get3A_322 = tpu.vector_load %arg12[%get3A_320, %get3A_321] {strides = array<i32>} : memref<128x256xf32, #tpu.memory_space<vmem>>, vector<16xf32>,
        %max3A_323 = arith.maximumf %max3A_317, %get3A_322 : vector<16xf32>
        %min3A_324 = arith.minimumf %min3A_318, %get3A_322 : vector<16xf32>
        %get3A_325 = arith.constant 117 : i32
        %get3A_326 = arith.index_cast %get3A_325 : i32 to index
        %get3A_327 = arith.index_cast %mul3A_298 : i32 to index
        %get3A_328 = tpu.vector_load %arg12[%get3A_326, %get3A_327] {strides = array<i32>} : memref<128x256xf32, #tpu.memory_space<vmem>>, vector<16xf32>,
        %max3A_329 = arith.maximumf %max3A_323, %get3A_328 : vector<16xf32>
        %min3A_330 = arith.minimumf %min3A_324, %get3A_328 : vector<16xf32>
        %get3A_331 = arith.constant 118 : i32
        %get3A_332 = arith.index_cast %get3A_331 : i32 to index
        %get3A_333 = arith.index_cast %mul3A_298 : i32 to index
        %get3A_334 = tpu.vector_load %arg12[%get3A_332, %get3A_333] {strides = array<i32>} : memref<128x256xf32, #tpu.memory_space<vmem>>, vector<16xf32>,
        %max3A_335 = arith.maximumf %max3A_329, %get3A_334 : vector<16xf32>
        %min3A_336 = arith.minimumf %min3A_330, %get3A_334 : vector<16xf32>
        %get3A_337 = arith.constant 119 : i32
        %get3A_338 = arith.index_cast %get3A_337 : i32 to index
        %get3A_339 = arith.index_cast %mul3A_298 : i32 to index
        %get3A_340 = tpu.vector_load %arg12[%get3A_338, %get3A_339] {strides = array<i32>} : memref<128x256xf32, #tpu.memory_space<vmem>>, vector<16xf32>,
        %max3A_341 = arith.maximumf %max3A_335, %get3A_340 : vector<16xf32>
        %min3A_342 = arith.minimumf %min3A_336, %get3A_340 : vector<16xf32>
        %get3A_343 = arith.constant 120 : i32
        %get3A_344 = arith.index_cast %get3A_343 : i32 to index
        %get3A_345 = arith.index_cast %mul3A_298 : i32 to index
        %get3A_346 = tpu.vector_load %arg12[%get3A_344, %get3A_345] {strides = array<i32>} : memref<128x256xf32, #tpu.memory_space<vmem>>, vector<16xf32>,
        %max3A_347 = arith.maximumf %max3A_341, %get3A_346 : vector<16xf32>
        %min3A_348 = arith.minimumf %min3A_342, %get3A_346 : vector<16xf32>
        %get3A_349 = arith.constant 121 : i32
        %get3A_350 = arith.index_cast %get3A_349 : i32 to index
        %get3A_351 = arith.index_cast %mul3A_298 : i32 to index
        %get3A_352 = tpu.vector_load %arg12[%get3A_350, %get3A_351] {strides = array<i32>} : memref<128x256xf32, #tpu.memory_space<vmem>>, vector<16xf32>,
        %max3A_353 = arith.maximumf %max3A_347, %get3A_352 : vector<16xf32>
        %min3A_354 = arith.minimumf %min3A_348, %get3A_352 : vector<16xf32>
        %get3A_355 = arith.constant 122 : i32
        %get3A_356 = arith.index_cast %get3A_355 : i32 to index
        %get3A_357 = arith.index_cast %mul3A_298 : i32 to index
        %get3A_358 = tpu.vector_load %arg12[%get3A_356, %get3A_357] {strides = array<i32>} : memref<128x256xf32, #tpu.memory_space<vmem>>, vector<16xf32>,
        %max3A_359 = arith.maximumf %max3A_353, %get3A_358 : vector<16xf32>
        %min3A_360 = arith.minimumf %min3A_354, %get3A_358 : vector<16xf32>
        %get3A_361 = arith.constant 123 : i32
        %get3A_362 = arith.index_cast %get3A_361 : i32 to index
        %get3A_363 = arith.index_cast %mul3A_298 : i32 to index
        %get3A_364 = tpu.vector_load %arg12[%get3A_362, %get3A_363] {strides = array<i32>} : memref<128x256xf32, #tpu.memory_space<vmem>>, vector<16xf32>,
        %max3A_365 = arith.maximumf %max3A_359, %get3A_364 : vector<16xf32>
        %min3A_366 = arith.minimumf %min3A_360, %get3A_364 : vector<16xf32>
        %get3A_367 = arith.constant 124 : i32
        %get3A_368 = arith.index_cast %get3A_367 : i32 to index
        %get3A_369 = arith.index_cast %mul3A_298 : i32 to index
        %get3A_370 = tpu.vector_load %arg12[%get3A_368, %get3A_369] {strides = array<i32>} : memref<128x256xf32, #tpu.memory_space<vmem>>, vector<16xf32>,
        %max3A_371 = arith.maximumf %max3A_365, %get3A_370 : vector<16xf32>
        %min3A_372 = arith.minimumf %min3A_366, %get3A_370 : vector<16xf32>
        %get3A_373 = arith.constant 125 : i32
        %get3A_374 = arith.index_cast %get3A_373 : i32 to index
        %get3A_375 = arith.index_cast %mul3A_298 : i32 to index
        %get3A_376 = tpu.vector_load %arg12[%get3A_374, %get3A_375] {strides = array<i32>} : memref<128x256xf32, #tpu.memory_space<vmem>>, vector<16xf32>,
        %max3A_377 = arith.maximumf %max3A_371, %get3A_376 : vector<16xf32>
        %min3A_378 = arith.minimumf %min3A_372, %get3A_376 : vector<16xf32>
        %get3A_379 = arith.constant 126 : i32
        %get3A_380 = arith.index_cast %get3A_379 : i32 to index
        %get3A_381 = arith.index_cast %mul3A_298 : i32 to index
        %get3A_382 = tpu.vector_load %arg12[%get3A_380, %get3A_381] {strides = array<i32>} : memref<128x256xf32, #tpu.memory_space<vmem>>, vector<16xf32>,
        %max3A_383 = arith.maximumf %max3A_377, %get3A_382 : vector<16xf32>
        %min3A_384 = arith.minimumf %min3A_378, %get3A_382 : vector<16xf32>
        %get3A_385 = arith.constant 127 : i32
        %get3A_386 = arith.index_cast %get3A_385 : i32 to index
        %get3A_387 = arith.index_cast %mul3A_298 : i32 to index
        %get3A_388 = tpu.vector_load %arg12[%get3A_386, %get3A_387] {strides = array<i32>} : memref<128x256xf32, #tpu.memory_space<vmem>>, vector<16xf32>,
        %max3A_389 = arith.maximumf %max3A_383, %get3A_388 : vector<16xf32>
        %min3A_390 = arith.minimumf %min3A_384, %get3A_388 : vector<16xf32>
        %get3A_391 = arith.index_cast %mul3A_298 : i32 to index
        %get3A_392 = tpu.vector_load %arg13[%get3A_391] {strides = array<i32>} : memref<256xf32, #tpu.memory_space<vmem>>, vector<16xf32>,
        %get3A_393 = arith.index_cast %mul3A_298 : i32 to index
        %get3A_394 = tpu.vector_load %arg14[%get3A_393] {strides = array<i32>} : memref<256xf32, #tpu.memory_space<vmem>>, vector<16xf32>,
        %mul3A_395 = arith.mulf %get3A_392, %max3A_389 : vector<16xf32>
        %add3A_396 = arith.addf %mul3A_395, %get3A_394 : vector<16xf32>
        %mul3A_397 = arith.mulf %get3A_392, %min3A_390 : vector<16xf32>
        %add3A_398 = arith.addf %mul3A_397, %get3A_394 : vector<16xf32>
        %max3A_399 = arith.maximumf %add3A_396, %add3A_398 : vector<16xf32>
        %max3A_400 = arith.constant 0.000000e+00 : f32
        %max3A_401 = vector.broadcast %max3A_400 : f32 to vector<16xf32>
        %max3A_402 = arith.maximumf %max3A_399, %max3A_401 : vector<16xf32>
        %mul3A_403 = arith.constant 8 : i32
        %mul3A_404 = arith.muli %add3A_237, %mul3A_403 : i32
        %add3A_405 = arith.constant 7 : i32
        %add3A_406 = arith.addi %mul3A_404, %add3A_405 : i32
        %mul3A_407 = arith.constant 256 : i32
        %mul3A_408 = arith.muli %add3A_406, %mul3A_407 : i32
        %add3A_409 = arith.addi %mul3A_408, %mul3A_298 : i32
        %swap3A = arith.index_cast %add3A_409 : i32 to index
        %swap3A_410 = tpu.vector_load %arg15[%swap3A] {strides = array<i32>} : memref<16384xf32, #tpu.memory_space<vmem>>, vector<16xf32>,
        tpu.vector_store %arg15[%swap3A], %max3A_402 {strides = array<i32>} : memref<16384xf32, #tpu.memory_space<vmem>>, vector<16xf32>,
        %scan3A_411 = arith.constant 0 : i32
        scf.yield %scan3A_411 : i32
      }
      %scan3A_293 = arith.constant 16 : i32
      %scan3A_294 = arith.constant 0 : i32
      scf.yield %scan3A_294 : i32
    }
    %scan3A_16 = arith.constant 4 : i32
    %mul3A_17 = arith.constant 64 : i32
    %mul3A_18 = arith.muli %add3A, %mul3A_17 : i32
    %mul3A_19 = arith.constant 256 : i32
    %mul3A_20 = arith.muli %mul3A_18, %mul3A_19 : i32
    "tpu.region"() ({
      %run_scoped3A = tpu.sem_alloc : memref<!tpu.dma_semaphore, #tpu.memory_space<semaphore_mem>>
      %dma_start3A_151 = tpu.memref_slice %arg8[%mul3A_20] : memref<524288xf32, #tpu.memory_space<hbm>> -> memref<16384xf32, #tpu.memory_space<hbm>>
      %dma_start3A_152 = tpu.memref_slice %arg8[%mul3A_20] : memref<524288xf32, #tpu.memory_space<hbm>> -> memref<16384xf32, #tpu.memory_space<hbm>>
      tpu.enqueue_dma source(%arg15 : memref<16384xf32, #tpu.memory_space<vmem>>) target(%dma_start3A_152 : memref<16384xf32, #tpu.memory_space<hbm>>) target_semaphore(%run_scoped3A : memref<!tpu.dma_semaphore, #tpu.memory_space<semaphore_mem>>)
      %dma_wait3A = tpu.memref_slice %arg8[%mul3A_20] : memref<524288xf32, #tpu.memory_space<hbm>> -> memref<16384xf32, #tpu.memory_space<hbm>>
      %dma_wait3A_153 = tpu.memref_slice %arg8[%mul3A_20] : memref<524288xf32, #tpu.memory_space<hbm>> -> memref<16384xf32, #tpu.memory_space<hbm>>
      tpu.wait_dma2 semaphore(%run_scoped3A : memref<!tpu.dma_semaphore, #tpu.memory_space<semaphore_mem>>) src(%arg15 : memref<16384xf32, #tpu.memory_space<vmem>>) dst(%dma_wait3A_153 : memref<16384xf32, #tpu.memory_space<hbm>>)
      tpu.yield
    }) : () -> ()
    %get3A = arith.constant 0 : index
    %get3A_21 = tpu.vector_load %arg16[%get3A] {strides = array<i32>} : memref<64xi32, #tpu.memory_space<vmem>>, vector<16xi32>,
    %add3A_22 = arith.constant 0 : i32
    %add3A_23 = vector.broadcast %add3A_22 : i32 to vector<16xi32>
    %add3A_24 = arith.addi %iota3A, %add3A_23 : vector<16xi32>
    %mul3A_25 = arith.constant 3 : i32
    %mul3A_26 = vector.broadcast %mul3A_25 : i32 to vector<16xi32>
    %mul3A_27 = arith.muli %add3A_24, %mul3A_26 : vector<16xi32>
    %mul3A_28 = arith.constant 3 : i32
    %mul3A_29 = vector.broadcast %mul3A_28 : i32 to vector<16xi32>
    %mul3A_30 = arith.muli %get3A_21, %mul3A_29 : vector<16xi32>
    %add3A_31 = arith.constant 0 : i32
    %add3A_32 = vector.broadcast %add3A_31 : i32 to vector<16xi32>
    %add3A_33 = arith.addi %mul3A_30, %add3A_32 : vector<16xi32>
    %gather3A = tpu.vector_load_idx %arg17[%add3A_33] : memref<24576xf32, #tpu.memory_space<vmem>>[vector<16xi32>], vector<16xf32>,
    %add3A_34 = arith.constant 0 : i32
    %add3A_35 = vector.broadcast %add3A_34 : i32 to vector<16xi32>
    %add3A_36 = arith.addi %mul3A_27, %add3A_35 : vector<16xi32>
    tpu.vector_store_idx %arg18[%add3A_36], %gather3A : memref<192xf32, #tpu.memory_space<vmem>>[vector<16xi32>], vector<16xf32>,
    %add3A_37 = arith.constant 1 : i32
    %add3A_38 = vector.broadcast %add3A_37 : i32 to vector<16xi32>
    %add3A_39 = arith.addi %mul3A_30, %add3A_38 : vector<16xi32>
    %gather3A_40 = tpu.vector_load_idx %arg17[%add3A_39] : memref<24576xf32, #tpu.memory_space<vmem>>[vector<16xi32>], vector<16xf32>,
    %add3A_41 = arith.constant 1 : i32
    %add3A_42 = vector.broadcast %add3A_41 : i32 to vector<16xi32>
    %add3A_43 = arith.addi %mul3A_27, %add3A_42 : vector<16xi32>
    tpu.vector_store_idx %arg18[%add3A_43], %gather3A_40 : memref<192xf32, #tpu.memory_space<vmem>>[vector<16xi32>], vector<16xf32>,
    %add3A_44 = arith.constant 2 : i32
    %add3A_45 = vector.broadcast %add3A_44 : i32 to vector<16xi32>
    %add3A_46 = arith.addi %mul3A_30, %add3A_45 : vector<16xi32>
    %gather3A_47 = tpu.vector_load_idx %arg17[%add3A_46] : memref<24576xf32, #tpu.memory_space<vmem>>[vector<16xi32>], vector<16xf32>,
    %add3A_48 = arith.constant 2 : i32
    %add3A_49 = vector.broadcast %add3A_48 : i32 to vector<16xi32>
    %add3A_50 = arith.addi %mul3A_27, %add3A_49 : vector<16xi32>
    tpu.vector_store_idx %arg18[%add3A_50], %gather3A_47 : memref<192xf32, #tpu.memory_space<vmem>>[vector<16xi32>], vector<16xf32>,
    %get3A_51 = arith.constant 16 : index
    %get3A_52 = tpu.vector_load %arg16[%get3A_51] {strides = array<i32>} : memref<64xi32, #tpu.memory_space<vmem>>, vector<16xi32>,
    %add3A_53 = arith.constant 16 : i32
    %add3A_54 = vector.broadcast %add3A_53 : i32 to vector<16xi32>
    %add3A_55 = arith.addi %iota3A, %add3A_54 : vector<16xi32>
    %mul3A_56 = arith.constant 3 : i32
    %mul3A_57 = vector.broadcast %mul3A_56 : i32 to vector<16xi32>
    %mul3A_58 = arith.muli %add3A_55, %mul3A_57 : vector<16xi32>
    %mul3A_59 = arith.constant 3 : i32
    %mul3A_60 = vector.broadcast %mul3A_59 : i32 to vector<16xi32>
    %mul3A_61 = arith.muli %get3A_52, %mul3A_60 : vector<16xi32>
    %add3A_62 = arith.constant 0 : i32
    %add3A_63 = vector.broadcast %add3A_62 : i32 to vector<16xi32>
    %add3A_64 = arith.addi %mul3A_61, %add3A_63 : vector<16xi32>
    %gather3A_65 = tpu.vector_load_idx %arg17[%add3A_64] : memref<24576xf32, #tpu.memory_space<vmem>>[vector<16xi32>], vector<16xf32>,
    %add3A_66 = arith.constant 0 : i32
    %add3A_67 = vector.broadcast %add3A_66 : i32 to vector<16xi32>
    %add3A_68 = arith.addi %mul3A_58, %add3A_67 : vector<16xi32>
    tpu.vector_store_idx %arg18[%add3A_68], %gather3A_65 : memref<192xf32, #tpu.memory_space<vmem>>[vector<16xi32>], vector<16xf32>,
    %add3A_69 = arith.constant 1 : i32
    %add3A_70 = vector.broadcast %add3A_69 : i32 to vector<16xi32>
    %add3A_71 = arith.addi %mul3A_61, %add3A_70 : vector<16xi32>
    %gather3A_72 = tpu.vector_load_idx %arg17[%add3A_71] : memref<24576xf32, #tpu.memory_space<vmem>>[vector<16xi32>], vector<16xf32>,
    %add3A_73 = arith.constant 1 : i32
    %add3A_74 = vector.broadcast %add3A_73 : i32 to vector<16xi32>
    %add3A_75 = arith.addi %mul3A_58, %add3A_74 : vector<16xi32>
    tpu.vector_store_idx %arg18[%add3A_75], %gather3A_72 : memref<192xf32, #tpu.memory_space<vmem>>[vector<16xi32>], vector<16xf32>,
    %add3A_76 = arith.constant 2 : i32
    %add3A_77 = vector.broadcast %add3A_76 : i32 to vector<16xi32>
    %add3A_78 = arith.addi %mul3A_61, %add3A_77 : vector<16xi32>
    %gather3A_79 = tpu.vector_load_idx %arg17[%add3A_78] : memref<24576xf32, #tpu.memory_space<vmem>>[vector<16xi32>], vector<16xf32>,
    %add3A_80 = arith.constant 2 : i32
    %add3A_81 = vector.broadcast %add3A_80 : i32 to vector<16xi32>
    %add3A_82 = arith.addi %mul3A_58, %add3A_81 : vector<16xi32>
    tpu.vector_store_idx %arg18[%add3A_82], %gather3A_79 : memref<192xf32, #tpu.memory_space<vmem>>[vector<16xi32>], vector<16xf32>,
    %get3A_83 = arith.constant 32 : index
    %get3A_84 = tpu.vector_load %arg16[%get3A_83] {strides = array<i32>} : memref<64xi32, #tpu.memory_space<vmem>>, vector<16xi32>,
    %add3A_85 = arith.constant 32 : i32
    %add3A_86 = vector.broadcast %add3A_85 : i32 to vector<16xi32>
    %add3A_87 = arith.addi %iota3A, %add3A_86 : vector<16xi32>
    %mul3A_88 = arith.constant 3 : i32
    %mul3A_89 = vector.broadcast %mul3A_88 : i32 to vector<16xi32>
    %mul3A_90 = arith.muli %add3A_87, %mul3A_89 : vector<16xi32>
    %mul3A_91 = arith.constant 3 : i32
    %mul3A_92 = vector.broadcast %mul3A_91 : i32 to vector<16xi32>
    %mul3A_93 = arith.muli %get3A_84, %mul3A_92 : vector<16xi32>
    %add3A_94 = arith.constant 0 : i32
    %add3A_95 = vector.broadcast %add3A_94 : i32 to vector<16xi32>
    %add3A_96 = arith.addi %mul3A_93, %add3A_95 : vector<16xi32>
    %gather3A_97 = tpu.vector_load_idx %arg17[%add3A_96] : memref<24576xf32, #tpu.memory_space<vmem>>[vector<16xi32>], vector<16xf32>,
    %add3A_98 = arith.constant 0 : i32
    %add3A_99 = vector.broadcast %add3A_98 : i32 to vector<16xi32>
    %add3A_100 = arith.addi %mul3A_90, %add3A_99 : vector<16xi32>
    tpu.vector_store_idx %arg18[%add3A_100], %gather3A_97 : memref<192xf32, #tpu.memory_space<vmem>>[vector<16xi32>], vector<16xf32>,
    %add3A_101 = arith.constant 1 : i32
    %add3A_102 = vector.broadcast %add3A_101 : i32 to vector<16xi32>
    %add3A_103 = arith.addi %mul3A_93, %add3A_102 : vector<16xi32>
    %gather3A_104 = tpu.vector_load_idx %arg17[%add3A_103] : memref<24576xf32, #tpu.memory_space<vmem>>[vector<16xi32>], vector<16xf32>,
    %add3A_105 = arith.constant 1 : i32
    %add3A_106 = vector.broadcast %add3A_105 : i32 to vector<16xi32>
    %add3A_107 = arith.addi %mul3A_90, %add3A_106 : vector<16xi32>
    tpu.vector_store_idx %arg18[%add3A_107], %gather3A_104 : memref<192xf32, #tpu.memory_space<vmem>>[vector<16xi32>], vector<16xf32>,
    %add3A_108 = arith.constant 2 : i32
    %add3A_109 = vector.broadcast %add3A_108 : i32 to vector<16xi32>
    %add3A_110 = arith.addi %mul3A_93, %add3A_109 : vector<16xi32>
    %gather3A_111 = tpu.vector_load_idx %arg17[%add3A_110] : memref<24576xf32, #tpu.memory_space<vmem>>[vector<16xi32>], vector<16xf32>,
    %add3A_112 = arith.constant 2 : i32
    %add3A_113 = vector.broadcast %add3A_112 : i32 to vector<16xi32>
    %add3A_114 = arith.addi %mul3A_90, %add3A_113 : vector<16xi32>
    tpu.vector_store_idx %arg18[%add3A_114], %gather3A_111 : memref<192xf32, #tpu.memory_space<vmem>>[vector<16xi32>], vector<16xf32>,
    %get3A_115 = arith.constant 48 : index
    %get3A_116 = tpu.vector_load %arg16[%get3A_115] {strides = array<i32>} : memref<64xi32, #tpu.memory_space<vmem>>, vector<16xi32>,
    %add3A_117 = arith.constant 48 : i32
    %add3A_118 = vector.broadcast %add3A_117 : i32 to vector<16xi32>
    %add3A_119 = arith.addi %iota3A, %add3A_118 : vector<16xi32>
    %mul3A_120 = arith.constant 3 : i32
    %mul3A_121 = vector.broadcast %mul3A_120 : i32 to vector<16xi32>
    %mul3A_122 = arith.muli %add3A_119, %mul3A_121 : vector<16xi32>
    %mul3A_123 = arith.constant 3 : i32
    %mul3A_124 = vector.broadcast %mul3A_123 : i32 to vector<16xi32>
    %mul3A_125 = arith.muli %get3A_116, %mul3A_124 : vector<16xi32>
    %add3A_126 = arith.constant 0 : i32
    %add3A_127 = vector.broadcast %add3A_126 : i32 to vector<16xi32>
    %add3A_128 = arith.addi %mul3A_125, %add3A_127 : vector<16xi32>
    %gather3A_129 = tpu.vector_load_idx %arg17[%add3A_128] : memref<24576xf32, #tpu.memory_space<vmem>>[vector<16xi32>], vector<16xf32>,
    %add3A_130 = arith.constant 0 : i32
    %add3A_131 = vector.broadcast %add3A_130 : i32 to vector<16xi32>
    %add3A_132 = arith.addi %mul3A_122, %add3A_131 : vector<16xi32>
    tpu.vector_store_idx %arg18[%add3A_132], %gather3A_129 : memref<192xf32, #tpu.memory_space<vmem>>[vector<16xi32>], vector<16xf32>,
    %add3A_133 = arith.constant 1 : i32
    %add3A_134 = vector.broadcast %add3A_133 : i32 to vector<16xi32>
    %add3A_135 = arith.addi %mul3A_125, %add3A_134 : vector<16xi32>
    %gather3A_136 = tpu.vector_load_idx %arg17[%add3A_135] : memref<24576xf32, #tpu.memory_space<vmem>>[vector<16xi32>], vector<16xf32>,
    %add3A_137 = arith.constant 1 : i32
    %add3A_138 = vector.broadcast %add3A_137 : i32 to vector<16xi32>
    %add3A_139 = arith.addi %mul3A_122, %add3A_138 : vector<16xi32>
    tpu.vector_store_idx %arg18[%add3A_139], %gather3A_136 : memref<192xf32, #tpu.memory_space<vmem>>[vector<16xi32>], vector<16xf32>,
    %add3A_140 = arith.constant 2 : i32
    %add3A_141 = vector.broadcast %add3A_140 : i32 to vector<16xi32>
    %add3A_142 = arith.addi %mul3A_125, %add3A_141 : vector<16xi32>
    %gather3A_143 = tpu.vector_load_idx %arg17[%add3A_142] : memref<24576xf32, #tpu.memory_space<vmem>>[vector<16xi32>], vector<16xf32>,
    %add3A_144 = arith.constant 2 : i32
    %add3A_145 = vector.broadcast %add3A_144 : i32 to vector<16xi32>
    %add3A_146 = arith.addi %mul3A_122, %add3A_145 : vector<16xi32>
    tpu.vector_store_idx %arg18[%add3A_146], %gather3A_143 : memref<192xf32, #tpu.memory_space<vmem>>[vector<16xi32>], vector<16xf32>,
    %mul3A_147 = arith.constant 64 : i32
    %mul3A_148 = arith.muli %add3A, %mul3A_147 : i32
    %mul3A_149 = arith.constant 3 : i32
    %mul3A_150 = arith.muli %mul3A_148, %mul3A_149 : i32
    "tpu.region"() ({
      %run_scoped3A = tpu.sem_alloc : memref<!tpu.dma_semaphore, #tpu.memory_space<semaphore_mem>>
      %dma_start3A_151 = tpu.memref_slice %arg9[%mul3A_150] : memref<6144xf32, #tpu.memory_space<hbm>> -> memref<192xf32, #tpu.memory_space<hbm>>
      %dma_start3A_152 = tpu.memref_slice %arg9[%mul3A_150] : memref<6144xf32, #tpu.memory_space<hbm>> -> memref<192xf32, #tpu.memory_space<hbm>>
      tpu.enqueue_dma source(%arg18 : memref<192xf32, #tpu.memory_space<vmem>>) target(%dma_start3A_152 : memref<192xf32, #tpu.memory_space<hbm>>) target_semaphore(%run_scoped3A : memref<!tpu.dma_semaphore, #tpu.memory_space<semaphore_mem>>)
      %dma_wait3A = tpu.memref_slice %arg9[%mul3A_150] : memref<6144xf32, #tpu.memory_space<hbm>> -> memref<192xf32, #tpu.memory_space<hbm>>
      %dma_wait3A_153 = tpu.memref_slice %arg9[%mul3A_150] : memref<6144xf32, #tpu.memory_space<hbm>> -> memref<192xf32, #tpu.memory_space<hbm>>
      tpu.wait_dma2 semaphore(%run_scoped3A : memref<!tpu.dma_semaphore, #tpu.memory_space<semaphore_mem>>) src(%arg18 : memref<192xf32, #tpu.memory_space<vmem>>) dst(%dma_wait3A_153 : memref<192xf32, #tpu.memory_space<hbm>>)
      tpu.yield
    }) : () -> ()
    return
  }
}

module attributes {stable_mosaic.version = 14 : i64} {
  func.func @_rows_body(%arg0: i32, %arg1: i32, %arg2: memref<1x1024x3xf32, #tpu.memory_space<vmem>>, %arg3: memref<1x1024x128xf32, #tpu.memory_space<vmem>>, %arg4: memref<1x1024x4xf32, #tpu.memory_space<vmem>>, %arg5: memref<8x128xf32, #tpu.memory_space<vmem>>, %arg6: memref<1x128xf32, #tpu.memory_space<vmem>>, %arg7: memref<128x128xf32, #tpu.memory_space<vmem>>, %arg8: memref<1x128xf32, #tpu.memory_space<vmem>>, %arg9: memref<8x128xf32, #tpu.memory_space<vmem>>, %arg10: memref<1x128xf32, #tpu.memory_space<vmem>>, %arg11: memref<128x128xf32, #tpu.memory_space<vmem>>, %arg12: memref<1x128xf32, #tpu.memory_space<vmem>>, %arg13: memref<128x128xf32, #tpu.memory_space<vmem>>, %arg14: memref<128x128xf32, #tpu.memory_space<vmem>>, %arg15: memref<128x128xf32, #tpu.memory_space<vmem>>, %arg16: memref<1x1024x128xf32, #tpu.memory_space<vmem>>, %arg17: memref<1x1024x128xbf16, #tpu.memory_space<vmem>>, %arg18: memref<1x1024x256xbf16, #tpu.memory_space<vmem>>) attributes {dimension_semantics = [#tpu.dimension_semantics<arbitrary>, #tpu.dimension_semantics<arbitrary>], iteration_bounds = array<i64: 2, 4>, scalar_prefetch = 0 : i64, scratch_operands = 0 : i64, tpu.core_type = #tpu.core_type<tc>, window_params = [{transform_indices = @transform_0, window_bounds = array<i64: 1, 1024, 3>}, {transform_indices = @transform_1, window_bounds = array<i64: 1, 1024, 128>}, {transform_indices = @transform_2, window_bounds = array<i64: 1, 1024, 4>}, {pipeline_mode = #tpu.pipeline_mode<synchronous>, transform_indices = @transform_3, window_bounds = array<i64: 8, 128>}, {pipeline_mode = #tpu.pipeline_mode<synchronous>, transform_indices = @transform_4, window_bounds = array<i64: 1, 128>}, {pipeline_mode = #tpu.pipeline_mode<synchronous>, transform_indices = @transform_5, window_bounds = array<i64: 128, 128>}, {pipeline_mode = #tpu.pipeline_mode<synchronous>, transform_indices = @transform_6, window_bounds = array<i64: 1, 128>}, {pipeline_mode = #tpu.pipeline_mode<synchronous>, transform_indices = @transform_7, window_bounds = array<i64: 8, 128>}, {pipeline_mode = #tpu.pipeline_mode<synchronous>, transform_indices = @transform_8, window_bounds = array<i64: 1, 128>}, {pipeline_mode = #tpu.pipeline_mode<synchronous>, transform_indices = @transform_9, window_bounds = array<i64: 128, 128>}, {pipeline_mode = #tpu.pipeline_mode<synchronous>, transform_indices = @transform_10, window_bounds = array<i64: 1, 128>}, {pipeline_mode = #tpu.pipeline_mode<synchronous>, transform_indices = @transform_11, window_bounds = array<i64: 128, 128>}, {pipeline_mode = #tpu.pipeline_mode<synchronous>, transform_indices = @transform_12, window_bounds = array<i64: 128, 128>}, {pipeline_mode = #tpu.pipeline_mode<synchronous>, transform_indices = @transform_13, window_bounds = array<i64: 128, 128>}, {transform_indices = @transform_14, window_bounds = array<i64: 1, 1024, 128>}, {transform_indices = @transform_15, window_bounds = array<i64: 1, 1024, 128>}, {transform_indices = @transform_16, window_bounds = array<i64: 1, 1024, 256>}]} {
    %get3A = arith.constant 0 : index
    %get3A_0 = arith.constant 0 : index
    %get3A_1 = arith.constant 0 : index
    %get3A_2 = vector.load %arg2[%get3A, %get3A_0, %get3A_1] : memref<1x1024x3xf32, #tpu.memory_space<vmem>>, vector<1x1024x3xf32>
    %get3A_3 = vector.shape_cast %get3A_2 : vector<1x1024x3xf32> to vector<1024x3xf32>
    %get3A_4 = arith.constant 0 : index
    %get3A_5 = arith.constant 0 : index
    %get3A_6 = arith.constant 0 : index
    %get3A_7 = vector.load %arg4[%get3A_4, %get3A_5, %get3A_6] : memref<1x1024x4xf32, #tpu.memory_space<vmem>>, vector<1x1024x4xf32>
    %get3A_8 = vector.shape_cast %get3A_7 : vector<1x1024x4xf32> to vector<1024x4xf32>
    %slice3A = vector.extract_strided_slice %get3A_8 {offsets = [0, 0], sizes = [1024, 3], strides = [1, 1]} : vector<1024x4xf32> to vector<1024x3xf32>
    %sub3A = arith.subf %get3A_3, %slice3A : vector<1024x3xf32>
    %mul3A = arith.mulf %sub3A, %sub3A : vector<1024x3xf32>
    %reduce_sum3A = arith.constant dense<0.000000e+00> : vector<1024xf32>
    %reduce_sum3A_9 = vector.multi_reduction <add>, %mul3A, %reduce_sum3A [1] : vector<1024x3xf32> to vector<1024xf32>
    %broadcast_in_dim3A = vector.shape_cast %reduce_sum3A_9 : vector<1024xf32> to vector<1024x1xf32>
    %sqrt3A = math.sqrt %broadcast_in_dim3A : vector<1024x1xf32>
    %broadcast_in_dim3A_10 = arith.constant 0.000000e+00 : f32
    %broadcast_in_dim3A_11 = vector.broadcast %broadcast_in_dim3A_10 : f32 to vector<1024x4xf32>
    %concatenate3A = tpu.concatenate %sub3A, %sqrt3A, %broadcast_in_dim3A_11 in 1 : vector<1024x3xf32>, vector<1024x1xf32>, vector<1024x4xf32> -> vector<1024x8xf32>
    %get3A_12 = arith.constant 0 : index
    %get3A_13 = arith.constant 0 : index
    %get3A_14 = arith.constant 0 : index
    %get3A_15 = vector.load %arg3[%get3A_12, %get3A_13, %get3A_14] : memref<1x1024x128xf32, #tpu.memory_space<vmem>>, vector<1x1024x128xf32>
    %get3A_16 = vector.shape_cast %get3A_15 : vector<1x1024x128xf32> to vector<1024x128xf32>
    %get3A_17 = arith.constant 0 : index
    %get3A_18 = arith.constant 0 : index
    %get3A_19 = vector.load %arg5[%get3A_17, %get3A_18] : memref<8x128xf32, #tpu.memory_space<vmem>>, vector<8x128xf32>
    %dot_general3A = arith.constant dense<0.000000e+00> : vector<1024x128xf32>
    %dot_general3A_20 = tpu.matmul %concatenate3A, %get3A_19, %dot_general3A {dimension_numbers = #tpu.dot_dimension_numbers<[1], [0], [0], [1], [0, 0, 1, 1], [], []>, transpose_lhs_hint = false} : vector<1024x8xf32>, vector<8x128xf32>, vector<1024x128xf32> -> vector<1024x128xf32>
    %get3A_21 = arith.constant 0 : index
    %get3A_22 = arith.constant 0 : index
    %get3A_23 = vector.load %arg6[%get3A_21, %get3A_22] : memref<1x128xf32, #tpu.memory_space<vmem>>, vector<1x128xf32>
    %add3A = vector.broadcast %get3A_23 : vector<1x128xf32> to vector<1024x128xf32>
    %add3A_24 = arith.addf %dot_general3A_20, %add3A : vector<1024x128xf32>
    %max3A = arith.constant 0.000000e+00 : f32
    %max3A_25 = vector.broadcast %max3A : f32 to vector<1024x128xf32>
    %max3A_26 = arith.maximumf %add3A_24, %max3A_25 : vector<1024x128xf32>
    %get3A_27 = arith.constant 0 : index
    %get3A_28 = arith.constant 0 : index
    %get3A_29 = vector.load %arg7[%get3A_27, %get3A_28] : memref<128x128xf32, #tpu.memory_space<vmem>>, vector<128x128xf32>
    %dot_general3A_30 = arith.constant dense<0.000000e+00> : vector<1024x128xf32>
    %dot_general3A_31 = tpu.matmul %max3A_26, %get3A_29, %dot_general3A_30 {dimension_numbers = #tpu.dot_dimension_numbers<[1], [0], [0], [1], [0, 0, 1, 1], [], []>, transpose_lhs_hint = false} : vector<1024x128xf32>, vector<128x128xf32>, vector<1024x128xf32> -> vector<1024x128xf32>
    %add3A_32 = arith.addf %get3A_16, %dot_general3A_31 : vector<1024x128xf32>
    %get3A_33 = arith.constant 0 : index
    %get3A_34 = arith.constant 0 : index
    %get3A_35 = vector.load %arg8[%get3A_33, %get3A_34] : memref<1x128xf32, #tpu.memory_space<vmem>>, vector<1x128xf32>
    %add3A_36 = vector.broadcast %get3A_35 : vector<1x128xf32> to vector<1024x128xf32>
    %add3A_37 = arith.addf %add3A_32, %add3A_36 : vector<1024x128xf32>
    %get3A_38 = arith.constant 0 : index
    %get3A_39 = arith.constant 0 : index
    %get3A_40 = vector.load %arg9[%get3A_38, %get3A_39] : memref<8x128xf32, #tpu.memory_space<vmem>>, vector<8x128xf32>
    %dot_general3A_41 = arith.constant dense<0.000000e+00> : vector<1024x128xf32>
    %dot_general3A_42 = tpu.matmul %concatenate3A, %get3A_40, %dot_general3A_41 {dimension_numbers = #tpu.dot_dimension_numbers<[1], [0], [0], [1], [0, 0, 1, 1], [], []>, transpose_lhs_hint = false} : vector<1024x8xf32>, vector<8x128xf32>, vector<1024x128xf32> -> vector<1024x128xf32>
    %get3A_43 = arith.constant 0 : index
    %get3A_44 = arith.constant 0 : index
    %get3A_45 = vector.load %arg10[%get3A_43, %get3A_44] : memref<1x128xf32, #tpu.memory_space<vmem>>, vector<1x128xf32>
    %add3A_46 = vector.broadcast %get3A_45 : vector<1x128xf32> to vector<1024x128xf32>
    %add3A_47 = arith.addf %dot_general3A_42, %add3A_46 : vector<1024x128xf32>
    %max3A_48 = arith.constant 0.000000e+00 : f32
    %max3A_49 = vector.broadcast %max3A_48 : f32 to vector<1024x128xf32>
    %max3A_50 = arith.maximumf %add3A_47, %max3A_49 : vector<1024x128xf32>
    %get3A_51 = arith.constant 0 : index
    %get3A_52 = arith.constant 0 : index
    %get3A_53 = vector.load %arg11[%get3A_51, %get3A_52] : memref<128x128xf32, #tpu.memory_space<vmem>>, vector<128x128xf32>
    %dot_general3A_54 = arith.constant dense<0.000000e+00> : vector<1024x128xf32>
    %dot_general3A_55 = tpu.matmul %max3A_50, %get3A_53, %dot_general3A_54 {dimension_numbers = #tpu.dot_dimension_numbers<[1], [0], [0], [1], [0, 0, 1, 1], [], []>, transpose_lhs_hint = false} : vector<1024x128xf32>, vector<128x128xf32>, vector<1024x128xf32> -> vector<1024x128xf32>
    %add3A_56 = arith.addf %get3A_16, %dot_general3A_55 : vector<1024x128xf32>
    %get3A_57 = arith.constant 0 : index
    %get3A_58 = arith.constant 0 : index
    %get3A_59 = vector.load %arg12[%get3A_57, %get3A_58] : memref<1x128xf32, #tpu.memory_space<vmem>>, vector<1x128xf32>
    %add3A_60 = vector.broadcast %get3A_59 : vector<1x128xf32> to vector<1024x128xf32>
    %add3A_61 = arith.addf %add3A_56, %add3A_60 : vector<1024x128xf32>
    %swap3A = arith.constant 0 : index
    %swap3A_62 = arith.constant 0 : index
    %swap3A_63 = arith.constant 0 : index
    %swap3A_64 = vector.load %arg16[%swap3A, %swap3A_62, %swap3A_63] : memref<1x1024x128xf32, #tpu.memory_space<vmem>>, vector<1x1024x128xf32>
    %swap3A_65 = vector.shape_cast %swap3A_64 : vector<1x1024x128xf32> to vector<1024x128xf32>
    %swap3A_66 = vector.shape_cast %add3A_37 : vector<1024x128xf32> to vector<1x1024x128xf32>
    tpu.vector_store %arg16[%swap3A, %swap3A_62, %swap3A_63], %swap3A_66 {strides = array<i32>} : memref<1x1024x128xf32, #tpu.memory_space<vmem>>, vector<1x1024x128xf32>,
    %get3A_67 = arith.constant 0 : index
    %get3A_68 = arith.constant 0 : index
    %get3A_69 = vector.load %arg13[%get3A_67, %get3A_68] : memref<128x128xf32, #tpu.memory_space<vmem>>, vector<128x128xf32>
    %dot_general3A_70 = arith.constant dense<0.000000e+00> : vector<1024x128xf32>
    %dot_general3A_71 = tpu.matmul %add3A_61, %get3A_69, %dot_general3A_70 {dimension_numbers = #tpu.dot_dimension_numbers<[1], [0], [0], [1], [0, 0, 1, 1], [], []>, transpose_lhs_hint = false} : vector<1024x128xf32>, vector<128x128xf32>, vector<1024x128xf32> -> vector<1024x128xf32>
    %mul3A_72 = arith.constant 0.0883883461 : f32
    %mul3A_73 = vector.broadcast %mul3A_72 : f32 to vector<1024x128xf32>
    %mul3A_74 = arith.mulf %dot_general3A_71, %mul3A_73 : vector<1024x128xf32>
    %convert_element_type3A = arith.truncf %mul3A_74 : vector<1024x128xf32> to vector<1024x128xbf16>
    %swap3A_75 = arith.constant 0 : index
    %swap3A_76 = arith.constant 0 : index
    %swap3A_77 = arith.constant 0 : index
    %swap3A_78 = vector.load %arg17[%swap3A_75, %swap3A_76, %swap3A_77] : memref<1x1024x128xbf16, #tpu.memory_space<vmem>>, vector<1x1024x128xbf16>
    %swap3A_79 = vector.shape_cast %swap3A_78 : vector<1x1024x128xbf16> to vector<1024x128xbf16>
    %swap3A_80 = vector.shape_cast %convert_element_type3A : vector<1024x128xbf16> to vector<1x1024x128xbf16>
    tpu.vector_store %arg17[%swap3A_75, %swap3A_76, %swap3A_77], %swap3A_80 {strides = array<i32>} : memref<1x1024x128xbf16, #tpu.memory_space<vmem>>, vector<1x1024x128xbf16>,
    %get3A_81 = arith.constant 0 : index
    %get3A_82 = arith.constant 0 : index
    %get3A_83 = vector.load %arg14[%get3A_81, %get3A_82] : memref<128x128xf32, #tpu.memory_space<vmem>>, vector<128x128xf32>
    %dot_general3A_84 = arith.constant dense<0.000000e+00> : vector<1024x128xf32>
    %dot_general3A_85 = tpu.matmul %add3A_61, %get3A_83, %dot_general3A_84 {dimension_numbers = #tpu.dot_dimension_numbers<[1], [0], [0], [1], [0, 0, 1, 1], [], []>, transpose_lhs_hint = false} : vector<1024x128xf32>, vector<128x128xf32>, vector<1024x128xf32> -> vector<1024x128xf32>
    %get3A_86 = arith.constant 0 : index
    %get3A_87 = arith.constant 0 : index
    %get3A_88 = vector.load %arg15[%get3A_86, %get3A_87] : memref<128x128xf32, #tpu.memory_space<vmem>>, vector<128x128xf32>
    %dot_general3A_89 = arith.constant dense<0.000000e+00> : vector<1024x128xf32>
    %dot_general3A_90 = tpu.matmul %add3A_37, %get3A_88, %dot_general3A_89 {dimension_numbers = #tpu.dot_dimension_numbers<[1], [0], [0], [1], [0, 0, 1, 1], [], []>, transpose_lhs_hint = false} : vector<1024x128xf32>, vector<128x128xf32>, vector<1024x128xf32> -> vector<1024x128xf32>
    %concatenate3A_91 = tpu.concatenate %dot_general3A_85, %dot_general3A_90 in 1 : vector<1024x128xf32>, vector<1024x128xf32> -> vector<1024x256xf32>
    %convert_element_type3A_92 = arith.truncf %concatenate3A_91 : vector<1024x256xf32> to vector<1024x256xbf16>
    %swap3A_93 = arith.constant 0 : index
    %swap3A_94 = arith.constant 0 : index
    %swap3A_95 = arith.constant 0 : index
    %swap3A_96 = vector.load %arg18[%swap3A_93, %swap3A_94, %swap3A_95] : memref<1x1024x256xbf16, #tpu.memory_space<vmem>>, vector<1x1024x256xbf16>
    %swap3A_97 = vector.shape_cast %swap3A_96 : vector<1x1024x256xbf16> to vector<1024x256xbf16>
    %swap3A_98 = vector.shape_cast %convert_element_type3A_92 : vector<1024x256xbf16> to vector<1x1024x256xbf16>
    tpu.vector_store %arg18[%swap3A_93, %swap3A_94, %swap3A_95], %swap3A_98 {strides = array<i32>} : memref<1x1024x256xbf16, #tpu.memory_space<vmem>>, vector<1x1024x256xbf16>,
    return
  }
  func.func @transform_0(%arg0: i32, %arg1: i32) -> (i32, i32, i32) {
    %c0_i32 = arith.constant 0 : i32
    %c0_i32_0 = arith.constant 0 : i32
    return %arg0, %arg1, %c0_i32 : i32, i32, i32
  }
  func.func @transform_1(%arg0: i32, %arg1: i32) -> (i32, i32, i32) {
    %c0_i32 = arith.constant 0 : i32
    %c0_i32_0 = arith.constant 0 : i32
    return %arg0, %arg1, %c0_i32 : i32, i32, i32
  }
  func.func @transform_2(%arg0: i32, %arg1: i32) -> (i32, i32, i32) {
    %c0_i32 = arith.constant 0 : i32
    %c0_i32_0 = arith.constant 0 : i32
    return %arg0, %arg1, %c0_i32 : i32, i32, i32
  }
  func.func @transform_3(%arg0: i32, %arg1: i32) -> (i32, i32) {
    %c0_i32 = arith.constant 0 : i32
    %c0_i32_0 = arith.constant 0 : i32
    %c0_i32_1 = arith.constant 0 : i32
    return %c0_i32, %c0_i32_0 : i32, i32
  }
  func.func @transform_4(%arg0: i32, %arg1: i32) -> (i32, i32) {
    %c0_i32 = arith.constant 0 : i32
    %c0_i32_0 = arith.constant 0 : i32
    %c0_i32_1 = arith.constant 0 : i32
    return %c0_i32, %c0_i32_0 : i32, i32
  }
  func.func @transform_5(%arg0: i32, %arg1: i32) -> (i32, i32) {
    %c0_i32 = arith.constant 0 : i32
    %c0_i32_0 = arith.constant 0 : i32
    %c0_i32_1 = arith.constant 0 : i32
    return %c0_i32, %c0_i32_0 : i32, i32
  }
  func.func @transform_6(%arg0: i32, %arg1: i32) -> (i32, i32) {
    %c0_i32 = arith.constant 0 : i32
    %c0_i32_0 = arith.constant 0 : i32
    %c0_i32_1 = arith.constant 0 : i32
    return %c0_i32, %c0_i32_0 : i32, i32
  }
  func.func @transform_7(%arg0: i32, %arg1: i32) -> (i32, i32) {
    %c0_i32 = arith.constant 0 : i32
    %c0_i32_0 = arith.constant 0 : i32
    %c0_i32_1 = arith.constant 0 : i32
    return %c0_i32, %c0_i32_0 : i32, i32
  }
  func.func @transform_8(%arg0: i32, %arg1: i32) -> (i32, i32) {
    %c0_i32 = arith.constant 0 : i32
    %c0_i32_0 = arith.constant 0 : i32
    %c0_i32_1 = arith.constant 0 : i32
    return %c0_i32, %c0_i32_0 : i32, i32
  }
  func.func @transform_9(%arg0: i32, %arg1: i32) -> (i32, i32) {
    %c0_i32 = arith.constant 0 : i32
    %c0_i32_0 = arith.constant 0 : i32
    %c0_i32_1 = arith.constant 0 : i32
    return %c0_i32, %c0_i32_0 : i32, i32
  }
  func.func @transform_10(%arg0: i32, %arg1: i32) -> (i32, i32) {
    %c0_i32 = arith.constant 0 : i32
    %c0_i32_0 = arith.constant 0 : i32
    %c0_i32_1 = arith.constant 0 : i32
    return %c0_i32, %c0_i32_0 : i32, i32
  }
  func.func @transform_11(%arg0: i32, %arg1: i32) -> (i32, i32) {
    %c0_i32 = arith.constant 0 : i32
    %c0_i32_0 = arith.constant 0 : i32
    %c0_i32_1 = arith.constant 0 : i32
    return %c0_i32, %c0_i32_0 : i32, i32
  }
  func.func @transform_12(%arg0: i32, %arg1: i32) -> (i32, i32) {
    %c0_i32 = arith.constant 0 : i32
    %c0_i32_0 = arith.constant 0 : i32
    %c0_i32_1 = arith.constant 0 : i32
    return %c0_i32, %c0_i32_0 : i32, i32
  }
  func.func @transform_13(%arg0: i32, %arg1: i32) -> (i32, i32) {
    %c0_i32 = arith.constant 0 : i32
    %c0_i32_0 = arith.constant 0 : i32
    %c0_i32_1 = arith.constant 0 : i32
    return %c0_i32, %c0_i32_0 : i32, i32
  }
  func.func @transform_14(%arg0: i32, %arg1: i32) -> (i32, i32, i32) {
    %c0_i32 = arith.constant 0 : i32
    %c0_i32_0 = arith.constant 0 : i32
    return %arg0, %arg1, %c0_i32 : i32, i32, i32
  }
  func.func @transform_15(%arg0: i32, %arg1: i32) -> (i32, i32, i32) {
    %c0_i32 = arith.constant 0 : i32
    %c0_i32_0 = arith.constant 0 : i32
    return %arg0, %arg1, %c0_i32 : i32, i32, i32
  }
  func.func @transform_16(%arg0: i32, %arg1: i32) -> (i32, i32, i32) {
    %c0_i32 = arith.constant 0 : i32
    %c0_i32_0 = arith.constant 0 : i32
    return %arg0, %arg1, %c0_i32 : i32, i32, i32
  }
}

module attributes {stable_mosaic.version = 14 : i64} {
  func.func @_attn_body(%arg0: i32, %arg1: i32, %arg2: i32, %arg3: memref<2x4xi32, #tpu.memory_space<smem>>, %arg4: memref<2x4xi32, #tpu.memory_space<smem>>, %arg5: memref<1x1024x128xbf16, #tpu.memory_space<vmem>>, %arg6: memref<1x256x256xbf16, #tpu.memory_space<vmem>>, %arg7: memref<1x256x256xbf16, #tpu.memory_space<vmem>>, %arg8: memref<1x256x256xbf16, #tpu.memory_space<vmem>>, %arg9: memref<1x256x256xbf16, #tpu.memory_space<vmem>>, %arg10: memref<1x256x256xbf16, #tpu.memory_space<vmem>>, %arg11: memref<1x256x256xbf16, #tpu.memory_space<vmem>>, %arg12: memref<1x1024x128xf32, #tpu.memory_space<vmem>>, %arg13: memref<1x1024x2xf32, #tpu.memory_space<vmem>>, %arg14: memref<128x128xf32, #tpu.memory_space<vmem>>, %arg15: memref<1x128xf32, #tpu.memory_space<vmem>>, %arg16: memref<1x128xf32, #tpu.memory_space<vmem>>, %arg17: memref<1x128xf32, #tpu.memory_space<vmem>>, %arg18: memref<128x256xf32, #tpu.memory_space<vmem>>, %arg19: memref<1x256xf32, #tpu.memory_space<vmem>>, %arg20: memref<1x1024x256xf32, #tpu.memory_space<vmem>>, %arg21: memref<8x256xf32, #tpu.memory_space<vmem>>, %arg22: memref<1024x128xf32, #tpu.memory_space<vmem>>, %arg23: memref<1024x128xf32, #tpu.memory_space<vmem>>, %arg24: memref<1024x128xf32, #tpu.memory_space<vmem>>, %arg25: memref<8x256xf32, #tpu.memory_space<vmem>>) attributes {dimension_semantics = [#tpu.dimension_semantics<arbitrary>, #tpu.dimension_semantics<arbitrary>, #tpu.dimension_semantics<arbitrary>], iteration_bounds = array<i64: 2, 4, 3>, scalar_prefetch = 2 : i64, scratch_operands = 4 : i64, tpu.core_type = #tpu.core_type<tc>, window_params = [{transform_indices = @transform_0, window_bounds = array<i64: 1, 1024, 128>}, {transform_indices = @transform_1, window_bounds = array<i64: 1, 256, 256>}, {transform_indices = @transform_2, window_bounds = array<i64: 1, 256, 256>}, {transform_indices = @transform_3, window_bounds = array<i64: 1, 256, 256>}, {transform_indices = @transform_4, window_bounds = array<i64: 1, 256, 256>}, {transform_indices = @transform_5, window_bounds = array<i64: 1, 256, 256>}, {transform_indices = @transform_6, window_bounds = array<i64: 1, 256, 256>}, {transform_indices = @transform_7, window_bounds = array<i64: 1, 1024, 128>}, {transform_indices = @transform_8, window_bounds = array<i64: 1, 1024, 2>}, {pipeline_mode = #tpu.pipeline_mode<synchronous>, transform_indices = @transform_9, window_bounds = array<i64: 128, 128>}, {pipeline_mode = #tpu.pipeline_mode<synchronous>, transform_indices = @transform_10, window_bounds = array<i64: 1, 128>}, {pipeline_mode = #tpu.pipeline_mode<synchronous>, transform_indices = @transform_11, window_bounds = array<i64: 1, 128>}, {pipeline_mode = #tpu.pipeline_mode<synchronous>, transform_indices = @transform_12, window_bounds = array<i64: 1, 128>}, {pipeline_mode = #tpu.pipeline_mode<synchronous>, transform_indices = @transform_13, window_bounds = array<i64: 128, 256>}, {pipeline_mode = #tpu.pipeline_mode<synchronous>, transform_indices = @transform_14, window_bounds = array<i64: 1, 256>}, {transform_indices = @transform_15, window_bounds = array<i64: 1, 1024, 256>}, {pipeline_mode = #tpu.pipeline_mode<synchronous>, transform_indices = @transform_16, window_bounds = array<i64: 8, 256>}]} {
    %get3A = arith.index_cast %arg0 : i32 to index
    %get3A_0 = arith.index_cast %arg1 : i32 to index
    %get3A_1 = memref.load %arg4[%get3A, %get3A_0] : memref<2x4xi32, #tpu.memory_space<smem>>
    %lt3A = arith.cmpi slt, %arg2, %get3A_1 : i32
    %convert_element_type3A = arith.extui %lt3A : i1 to i32
    %cond3A = arith.constant 0 : i32
    %cond3A_2 = arith.cmpi ne, %convert_element_type3A, %cond3A : i32
    scf.if %cond3A_2 {
      %get3A_3 = arith.constant 0 : index
      %get3A_4 = arith.constant 0 : index
      %get3A_5 = arith.constant 0 : index
      %get3A_6 = vector.load %arg5[%get3A_3, %get3A_4, %get3A_5] : memref<1x1024x128xbf16, #tpu.memory_space<vmem>>, vector<1x1024x128xbf16>
      %get3A_7 = vector.shape_cast %get3A_6 : vector<1x1024x128xbf16> to vector<1024x128xbf16>
      %get3A_8 = arith.constant 0 : index
      %get3A_9 = arith.constant 0 : index
      %get3A_10 = arith.constant 0 : index
      %get3A_11 = vector.load %arg6[%get3A_8, %get3A_9, %get3A_10] : memref<1x256x256xbf16, #tpu.memory_space<vmem>>, vector<1x256x256xbf16>
      %get3A_12 = vector.shape_cast %get3A_11 : vector<1x256x256xbf16> to vector<256x256xbf16>
      %get3A_13 = arith.constant 0 : index
      %get3A_14 = arith.constant 0 : index
      %get3A_15 = arith.constant 0 : index
      %get3A_16 = vector.load %arg7[%get3A_13, %get3A_14, %get3A_15] : memref<1x256x256xbf16, #tpu.memory_space<vmem>>, vector<1x256x256xbf16>
      %get3A_17 = vector.shape_cast %get3A_16 : vector<1x256x256xbf16> to vector<256x256xbf16>
      %get3A_18 = arith.constant 0 : index
      %get3A_19 = arith.constant 0 : index
      %get3A_20 = arith.constant 0 : index
      %get3A_21 = vector.load %arg8[%get3A_18, %get3A_19, %get3A_20] : memref<1x256x256xbf16, #tpu.memory_space<vmem>>, vector<1x256x256xbf16>
      %get3A_22 = vector.shape_cast %get3A_21 : vector<1x256x256xbf16> to vector<256x256xbf16>
      %get3A_23 = arith.constant 0 : index
      %get3A_24 = arith.constant 0 : index
      %get3A_25 = arith.constant 0 : index
      %get3A_26 = vector.load %arg9[%get3A_23, %get3A_24, %get3A_25] : memref<1x256x256xbf16, #tpu.memory_space<vmem>>, vector<1x256x256xbf16>
      %get3A_27 = vector.shape_cast %get3A_26 : vector<1x256x256xbf16> to vector<256x256xbf16>
      %get3A_28 = arith.constant 0 : index
      %get3A_29 = arith.constant 0 : index
      %get3A_30 = arith.constant 0 : index
      %get3A_31 = vector.load %arg10[%get3A_28, %get3A_29, %get3A_30] : memref<1x256x256xbf16, #tpu.memory_space<vmem>>, vector<1x256x256xbf16>
      %get3A_32 = vector.shape_cast %get3A_31 : vector<1x256x256xbf16> to vector<256x256xbf16>
      %get3A_33 = arith.constant 0 : index
      %get3A_34 = arith.constant 0 : index
      %get3A_35 = arith.constant 0 : index
      %get3A_36 = vector.load %arg11[%get3A_33, %get3A_34, %get3A_35] : memref<1x256x256xbf16, #tpu.memory_space<vmem>>, vector<1x256x256xbf16>
      %get3A_37 = vector.shape_cast %get3A_36 : vector<1x256x256xbf16> to vector<256x256xbf16>
      %concatenate3A = tpu.concatenate %get3A_12, %get3A_17, %get3A_22, %get3A_27, %get3A_32, %get3A_37 in 0 : vector<256x256xbf16>, vector<256x256xbf16>, vector<256x256xbf16>, vector<256x256xbf16>, vector<256x256xbf16>, vector<256x256xbf16> -> vector<1536x256xbf16>
      %slice3A = vector.extract_strided_slice %concatenate3A {offsets = [0, 0], sizes = [1536, 128], strides = [1, 1]} : vector<1536x256xbf16> to vector<1536x128xbf16>
      %slice3A_38 = vector.extract_strided_slice %concatenate3A {offsets = [0, 128], sizes = [1536, 128], strides = [1, 1]} : vector<1536x256xbf16> to vector<1536x128xbf16>
      %dot_general3A = arith.constant dense<0.000000e+00> : vector<1024x1536xf32>
      %dot_general3A_39 = tpu.matmul %get3A_7, %slice3A, %dot_general3A {dimension_numbers = #tpu.dot_dimension_numbers<[1], [1], [0], [0], [0, 0, 1, 0], [], []>, transpose_lhs_hint = false} : vector<1024x128xbf16>, vector<1536x128xbf16>, vector<1024x1536xf32> -> vector<1024x1536xf32>
      %iota3A = tpu.iota {dimensions = array<i32: 1>} : vector<1x1536xi32>
      %jit3A = arith.constant 256 : i32
      %div3A = vector.broadcast %jit3A : i32 to vector<1x1536xi32>
      %div3A_40 = arith.divsi %iota3A, %div3A : vector<1x1536xi32>
      %sign3A = arith.constant 0 : i32
      %sign3A_41 = vector.broadcast %sign3A : i32 to vector<1x1536xi32>
      %sign3A_42 = arith.cmpi sgt, %iota3A, %sign3A_41 : vector<1x1536xi32>
      %sign3A_43 = arith.extui %sign3A_42 : vector<1x1536xi1> to vector<1x1536xi32>
      %sign3A_44 = arith.constant 0 : i32
      %sign3A_45 = vector.broadcast %sign3A_44 : i32 to vector<1x1536xi32>
      %sign3A_46 = arith.cmpi slt, %iota3A, %sign3A_45 : vector<1x1536xi32>
      %sign3A_47 = arith.extui %sign3A_46 : vector<1x1536xi1> to vector<1x1536xi32>
      %sign3A_48 = arith.subi %sign3A_43, %sign3A_47 : vector<1x1536xi32>
      %sign3A_49 = arith.constant 0 : i32
      %sign3A_50 = arith.cmpi sgt, %jit3A, %sign3A_49 : i32
      %sign3A_51 = arith.extui %sign3A_50 : i1 to i32
      %sign3A_52 = arith.constant 0 : i32
      %sign3A_53 = arith.cmpi slt, %jit3A, %sign3A_52 : i32
      %sign3A_54 = arith.extui %sign3A_53 : i1 to i32
      %sign3A_55 = arith.subi %sign3A_51, %sign3A_54 : i32
      %ne3A = vector.broadcast %sign3A_55 : i32 to vector<1x1536xi32>
      %ne3A_56 = arith.cmpi ne, %sign3A_48, %ne3A : vector<1x1536xi32>
      %rem3A = vector.broadcast %jit3A : i32 to vector<1x1536xi32>
      %rem3A_57 = arith.remsi %iota3A, %rem3A : vector<1x1536xi32>
      %ne3A_58 = arith.constant 0 : i32
      %ne3A_59 = vector.broadcast %ne3A_58 : i32 to vector<1x1536xi32>
      %ne3A_60 = arith.cmpi ne, %rem3A_57, %ne3A_59 : vector<1x1536xi32>
      %and3A = arith.andi %ne3A_56, %ne3A_60 : vector<1x1536xi1>
      %sub3A = arith.constant 1 : i32
      %sub3A_61 = vector.broadcast %sub3A : i32 to vector<1x1536xi32>
      %sub3A_62 = arith.subi %div3A_40, %sub3A_61 : vector<1x1536xi32>
      %select_n3A = arith.select %and3A, %sub3A_62, %div3A_40 : vector<1x1536xi1>, vector<1x1536xi32>
      %get3A_63 = arith.index_cast %arg0 : i32 to index
      %get3A_64 = arith.index_cast %arg1 : i32 to index
      %get3A_65 = memref.load %arg3[%get3A_63, %get3A_64] : memref<2x4xi32, #tpu.memory_space<smem>>
      %mul3A = arith.constant 6 : i32
      %mul3A_66 = arith.muli %arg2, %mul3A : i32
      %add3A = arith.addi %get3A_65, %mul3A_66 : i32
      %add3A_67 = vector.broadcast %add3A : i32 to vector<1x1536xi32>
      %add3A_68 = arith.addi %add3A_67, %select_n3A : vector<1x1536xi32>
      %min3A = arith.constant 15 : i32
      %min3A_69 = vector.broadcast %min3A : i32 to vector<1x1536xi32>
      %min3A_70 = arith.minsi %add3A_68, %min3A_69 : vector<1x1536xi32>
      %mul3A_71 = arith.constant 256 : i32
      %mul3A_72 = vector.broadcast %mul3A_71 : i32 to vector<1x1536xi32>
      %mul3A_73 = arith.muli %min3A_70, %mul3A_72 : vector<1x1536xi32>
      %mul3A_74 = arith.constant 256 : i32
      %mul3A_75 = vector.broadcast %mul3A_74 : i32 to vector<1x1536xi32>
      %mul3A_76 = arith.muli %select_n3A, %mul3A_75 : vector<1x1536xi32>
      %sub3A_77 = arith.subi %iota3A, %mul3A_76 : vector<1x1536xi32>
      %add3A_78 = arith.addi %mul3A_73, %sub3A_77 : vector<1x1536xi32>
      %convert_element_type3A_79 = arith.sitofp %add3A_78 : vector<1x1536xi32> to vector<1x1536xf32>
      %lt3A_80 = arith.constant 16 : i32
      %lt3A_81 = vector.broadcast %lt3A_80 : i32 to vector<1x1536xi32>
      %lt3A_82 = arith.cmpi slt, %add3A_68, %lt3A_81 : vector<1x1536xi32>
      %get3A_83 = arith.constant 0 : index
      %get3A_84 = arith.constant 0 : index
      %get3A_85 = arith.constant 0 : index
      %get3A_86 = vector.load %arg13[%get3A_83, %get3A_84, %get3A_85] : memref<1x1024x2xf32, #tpu.memory_space<vmem>>, vector<1x1024x2xf32>
      %get3A_87 = vector.shape_cast %get3A_86 : vector<1x1024x2xf32> to vector<1024x2xf32>
      %slice3A_88 = vector.extract_strided_slice %get3A_87 {offsets = [0, 0], sizes = [1024, 1], strides = [1, 1]} : vector<1024x2xf32> to vector<1024x1xf32>
      %slice3A_89 = vector.extract_strided_slice %get3A_87 {offsets = [0, 1], sizes = [1024, 1], strides = [1, 1]} : vector<1024x2xf32> to vector<1024x1xf32>
      %ge3A = vector.broadcast %convert_element_type3A_79 : vector<1x1536xf32> to vector<1024x1536xf32>
      %ge3A_90 = vector.broadcast %slice3A_88 : vector<1024x1xf32> to vector<1024x1536xf32>
      %ge3A_91 = arith.cmpf oge, %ge3A, %ge3A_90 : vector<1024x1536xf32>
      %lt3A_92 = vector.broadcast %convert_element_type3A_79 : vector<1x1536xf32> to vector<1024x1536xf32>
      %lt3A_93 = vector.broadcast %slice3A_89 : vector<1024x1xf32> to vector<1024x1536xf32>
      %lt3A_94 = arith.cmpf olt, %lt3A_92, %lt3A_93 : vector<1024x1536xf32>
      %and3A_95 = arith.andi %ge3A_91, %lt3A_94 : vector<1024x1536xi1>
      %and3A_96 = vector.broadcast %lt3A_82 : vector<1x1536xi1> to vector<1024x1536xi1>
      %and3A_97 = arith.andi %and3A_96, %and3A_95 : vector<1024x1536xi1>
      %jit3A_98 = arith.constant -1.000000e+09 : f32
      %broadcast_in_dim3A = vector.broadcast %jit3A_98 : f32 to vector<1024x1536xf32>
      %select_n3A_99 = arith.select %and3A_97, %dot_general3A_39, %broadcast_in_dim3A : vector<1024x1536xi1>, vector<1024x1536xf32>
      %eq3A = arith.constant 1 : i32
      %eq3A_100 = arith.cmpi eq, %get3A_1, %eq3A : i32
      %convert_element_type3A_101 = arith.extui %eq3A_100 : i1 to i32
      %cond3A_102 = arith.constant 0 : i32
      %cond3A_103 = arith.cmpi ne, %convert_element_type3A_101, %cond3A_102 : i32
      scf.if %cond3A_103 {
        %reduce_max3A = arith.constant dense<0xFF800000> : vector<1024xf32>
        %reduce_max3A_108 = vector.multi_reduction <maximumf>, %select_n3A_99, %reduce_max3A [1] : vector<1024x1536xf32> to vector<1024xf32>
        %broadcast_in_dim3A_109 = vector.shape_cast %reduce_max3A_108 : vector<1024xf32> to vector<1024x1xf32>
        %sub3A_110 = vector.broadcast %broadcast_in_dim3A_109 : vector<1024x1xf32> to vector<1024x1536xf32>
        %sub3A_111 = arith.subf %select_n3A_99, %sub3A_110 : vector<1024x1536xf32>
        %exp3A = math.exp %sub3A_111 : vector<1024x1536xf32>
        %reduce_sum3A = arith.constant dense<0.000000e+00> : vector<1024xf32>
        %reduce_sum3A_112 = vector.multi_reduction <add>, %exp3A, %reduce_sum3A [1] : vector<1024x1536xf32> to vector<1024xf32>
        %broadcast_in_dim3A_113 = vector.shape_cast %reduce_sum3A_112 : vector<1024xf32> to vector<1024x1xf32>
        %convert_element_type3A_114 = arith.truncf %exp3A : vector<1024x1536xf32> to vector<1024x1536xbf16>
        %dot_general3A_115 = arith.constant dense<0.000000e+00> : vector<1024x128xf32>
        %dot_general3A_116 = tpu.matmul %convert_element_type3A_114, %slice3A_38, %dot_general3A_115 {dimension_numbers = #tpu.dot_dimension_numbers<[1], [0], [0], [1], [0, 0, 1, 1], [], []>, transpose_lhs_hint = false} : vector<1024x1536xbf16>, vector<1536x128xbf16>, vector<1024x128xf32> -> vector<1024x128xf32>
        %div3A_117 = vector.broadcast %broadcast_in_dim3A_113 : vector<1024x1xf32> to vector<1024x128xf32>
        %div3A_118 = arith.divf %dot_general3A_116, %div3A_117 : vector<1024x128xf32>
        %get3A_119 = arith.constant 0 : index
        %get3A_120 = arith.constant 0 : index
        %get3A_121 = vector.load %arg14[%get3A_119, %get3A_120] : memref<128x128xf32, #tpu.memory_space<vmem>>, vector<128x128xf32>
        %dot_general3A_122 = arith.constant dense<0.000000e+00> : vector<1024x128xf32>
        %dot_general3A_123 = tpu.matmul %div3A_118, %get3A_121, %dot_general3A_122 {dimension_numbers = #tpu.dot_dimension_numbers<[1], [0], [0], [1], [0, 0, 1, 1], [], []>, transpose_lhs_hint = false} : vector<1024x128xf32>, vector<128x128xf32>, vector<1024x128xf32> -> vector<1024x128xf32>
        %get3A_124 = arith.constant 0 : index
        %get3A_125 = arith.constant 0 : index
        %get3A_126 = vector.load %arg15[%get3A_124, %get3A_125] : memref<1x128xf32, #tpu.memory_space<vmem>>, vector<1x128xf32>
        %add3A_127 = vector.broadcast %get3A_126 : vector<1x128xf32> to vector<1024x128xf32>
        %add3A_128 = arith.addf %dot_general3A_123, %add3A_127 : vector<1024x128xf32>
        %get3A_129 = arith.constant 0 : index
        %get3A_130 = arith.constant 0 : index
        %get3A_131 = arith.constant 0 : index
        %get3A_132 = vector.load %arg12[%get3A_129, %get3A_130, %get3A_131] : memref<1x1024x128xf32, #tpu.memory_space<vmem>>, vector<1x1024x128xf32>
        %get3A_133 = vector.shape_cast %get3A_132 : vector<1x1024x128xf32> to vector<1024x128xf32>
        %add3A_134 = arith.addf %add3A_128, %get3A_133 : vector<1024x128xf32>
        %reduce_sum3A_135 = arith.constant dense<0.000000e+00> : vector<1024xf32>
        %reduce_sum3A_136 = vector.multi_reduction <add>, %add3A_134, %reduce_sum3A_135 [1] : vector<1024x128xf32> to vector<1024xf32>
        %broadcast_in_dim3A_137 = vector.shape_cast %reduce_sum3A_136 : vector<1024xf32> to vector<1024x1xf32>
        %div3A_138 = arith.constant 1.280000e+02 : f32
        %div3A_139 = vector.broadcast %div3A_138 : f32 to vector<1024x1xf32>
        %div3A_140 = arith.divf %broadcast_in_dim3A_137, %div3A_139 : vector<1024x1xf32>
        %sub3A_141 = vector.broadcast %div3A_140 : vector<1024x1xf32> to vector<1024x128xf32>
        %sub3A_142 = arith.subf %add3A_134, %sub3A_141 : vector<1024x128xf32>
        %mul3A_143 = arith.mulf %sub3A_142, %sub3A_142 : vector<1024x128xf32>
        %reduce_sum3A_144 = arith.constant dense<0.000000e+00> : vector<1024xf32>
        %reduce_sum3A_145 = vector.multi_reduction <add>, %mul3A_143, %reduce_sum3A_144 [1] : vector<1024x128xf32> to vector<1024xf32>
        %broadcast_in_dim3A_146 = vector.shape_cast %reduce_sum3A_145 : vector<1024xf32> to vector<1024x1xf32>
        %div3A_147 = arith.constant 1.280000e+02 : f32
        %div3A_148 = vector.broadcast %div3A_147 : f32 to vector<1024x1xf32>
        %div3A_149 = arith.divf %broadcast_in_dim3A_146, %div3A_148 : vector<1024x1xf32>
        %add3A_150 = arith.constant 9.99999974E-6 : f32
        %add3A_151 = vector.broadcast %add3A_150 : f32 to vector<1024x1xf32>
        %add3A_152 = arith.addf %div3A_149, %add3A_151 : vector<1024x1xf32>
        %rsqrt3A = math.rsqrt %add3A_152 : vector<1024x1xf32>
        %mul3A_153 = vector.broadcast %rsqrt3A : vector<1024x1xf32> to vector<1024x128xf32>
        %mul3A_154 = arith.mulf %sub3A_142, %mul3A_153 : vector<1024x128xf32>
        %get3A_155 = arith.constant 0 : index
        %get3A_156 = arith.constant 0 : index
        %get3A_157 = vector.load %arg16[%get3A_155, %get3A_156] : memref<1x128xf32, #tpu.memory_space<vmem>>, vector<1x128xf32>
        %mul3A_158 = vector.broadcast %get3A_157 : vector<1x128xf32> to vector<1024x128xf32>
        %mul3A_159 = arith.mulf %mul3A_154, %mul3A_158 : vector<1024x128xf32>
        %get3A_160 = arith.constant 0 : index
        %get3A_161 = arith.constant 0 : index
        %get3A_162 = vector.load %arg17[%get3A_160, %get3A_161] : memref<1x128xf32, #tpu.memory_space<vmem>>, vector<1x128xf32>
        %add3A_163 = vector.broadcast %get3A_162 : vector<1x128xf32> to vector<1024x128xf32>
        %add3A_164 = arith.addf %mul3A_159, %add3A_163 : vector<1024x128xf32>
        %get3A_165 = arith.constant 0 : index
        %get3A_166 = arith.constant 0 : index
        %get3A_167 = vector.load %arg18[%get3A_165, %get3A_166] : memref<128x256xf32, #tpu.memory_space<vmem>>, vector<128x256xf32>
        %dot_general3A_168 = arith.constant dense<0.000000e+00> : vector<1024x256xf32>
        %dot_general3A_169 = tpu.matmul %add3A_164, %get3A_167, %dot_general3A_168 {dimension_numbers = #tpu.dot_dimension_numbers<[1], [0], [0], [1], [0, 0, 1, 1], [], []>, transpose_lhs_hint = false} : vector<1024x128xf32>, vector<128x256xf32>, vector<1024x256xf32> -> vector<1024x256xf32>
        %get3A_170 = arith.constant 0 : index
        %get3A_171 = arith.constant 0 : index
        %get3A_172 = vector.load %arg19[%get3A_170, %get3A_171] : memref<1x256xf32, #tpu.memory_space<vmem>>, vector<1x256xf32>
        %add3A_173 = vector.broadcast %get3A_172 : vector<1x256xf32> to vector<1024x256xf32>
        %add3A_174 = arith.addf %dot_general3A_169, %add3A_173 : vector<1024x256xf32>
        %swap3A = arith.constant 0 : index
        %swap3A_175 = arith.constant 0 : index
        %swap3A_176 = arith.constant 0 : index
        %swap3A_177 = vector.load %arg20[%swap3A, %swap3A_175, %swap3A_176] : memref<1x1024x256xf32, #tpu.memory_space<vmem>>, vector<1x1024x256xf32>
        %swap3A_178 = vector.shape_cast %swap3A_177 : vector<1x1024x256xf32> to vector<1024x256xf32>
        %swap3A_179 = vector.shape_cast %add3A_174 : vector<1024x256xf32> to vector<1x1024x256xf32>
        tpu.vector_store %arg20[%swap3A, %swap3A_175, %swap3A_176], %swap3A_179 {strides = array<i32>} : memref<1x1024x256xf32, #tpu.memory_space<vmem>>, vector<1x1024x256xf32>,
        %eq3A_180 = arith.constant 0 : i32
        %eq3A_181 = arith.cmpi eq, %arg0, %eq3A_180 : i32
        %eq3A_182 = arith.constant 0 : i32
        %eq3A_183 = arith.cmpi eq, %arg1, %eq3A_182 : i32
        %and3A_184 = arith.andi %eq3A_181, %eq3A_183 : i1
        %convert_element_type3A_185 = arith.extui %and3A_184 : i1 to i32
        %cond3A_186 = arith.constant 0 : i32
        %cond3A_187 = arith.cmpi ne, %convert_element_type3A_185, %cond3A_186 : i32
        scf.if %cond3A_187 {
          %broadcast_in_dim3A_215 = arith.constant 0.000000e+00 : f32
          %broadcast_in_dim3A_216 = vector.broadcast %broadcast_in_dim3A_215 : f32 to vector<8x256xf32>
          %swap3A_217 = arith.constant 0 : index
          %swap3A_218 = arith.constant 0 : index
          %swap3A_219 = vector.load %arg25[%swap3A_217, %swap3A_218] : memref<8x256xf32, #tpu.memory_space<vmem>>, vector<8x256xf32>
          tpu.vector_store %arg25[%swap3A_217, %swap3A_218], %broadcast_in_dim3A_216 {strides = array<i32>} : memref<8x256xf32, #tpu.memory_space<vmem>>, vector<8x256xf32>,
        } else {
        }
        %get3A_188 = arith.constant 0 : index
        %get3A_189 = arith.constant 0 : index
        %get3A_190 = vector.load %arg25[%get3A_188, %get3A_189] : memref<8x256xf32, #tpu.memory_space<vmem>>, vector<1x256xf32>
        %reduce_sum3A_191 = arith.constant dense<0.000000e+00> : vector<256xf32>
        %reduce_sum3A_192 = vector.multi_reduction <add>, %add3A_174, %reduce_sum3A_191 [0] : vector<1024x256xf32> to vector<256xf32>
        %broadcast_in_dim3A_193 = vector.shape_cast %reduce_sum3A_192 : vector<256xf32> to vector<1x256xf32>
        %add3A_194 = arith.addf %get3A_190, %broadcast_in_dim3A_193 : vector<1x256xf32>
        %swap3A_195 = arith.constant 0 : index
        %swap3A_196 = arith.constant 0 : index
        %swap3A_197 = vector.load %arg25[%swap3A_195, %swap3A_196] : memref<8x256xf32, #tpu.memory_space<vmem>>, vector<1x256xf32>
        tpu.vector_store %arg25[%swap3A_195, %swap3A_196], %add3A_194 {strides = array<i32>} : memref<8x256xf32, #tpu.memory_space<vmem>>, vector<1x256xf32>,
        %get3A_198 = arith.constant 1 : index
        %get3A_199 = arith.constant 0 : index
        %get3A_200 = vector.load %arg25[%get3A_198, %get3A_199] : memref<8x256xf32, #tpu.memory_space<vmem>>, vector<1x256xf32>
        %mul3A_201 = arith.mulf %add3A_174, %add3A_174 : vector<1024x256xf32>
        %reduce_sum3A_202 = arith.constant dense<0.000000e+00> : vector<256xf32>
        %reduce_sum3A_203 = vector.multi_reduction <add>, %mul3A_201, %reduce_sum3A_202 [0] : vector<1024x256xf32> to vector<256xf32>
        %broadcast_in_dim3A_204 = vector.shape_cast %reduce_sum3A_203 : vector<256xf32> to vector<1x256xf32>
        %add3A_205 = arith.addf %get3A_200, %broadcast_in_dim3A_204 : vector<1x256xf32>
        %swap3A_206 = arith.constant 1 : index
        %swap3A_207 = arith.constant 0 : index
        %swap3A_208 = vector.load %arg25[%swap3A_206, %swap3A_207] : memref<8x256xf32, #tpu.memory_space<vmem>>, vector<1x256xf32>
        tpu.vector_store %arg25[%swap3A_206, %swap3A_207], %add3A_205 {strides = array<i32>} : memref<8x256xf32, #tpu.memory_space<vmem>>, vector<1x256xf32>,
        %get3A_209 = arith.constant 0 : index
        %get3A_210 = arith.constant 0 : index
        %get3A_211 = vector.load %arg25[%get3A_209, %get3A_210] : memref<8x256xf32, #tpu.memory_space<vmem>>, vector<8x256xf32>
        %swap3A_212 = arith.constant 0 : index
        %swap3A_213 = arith.constant 0 : index
        %swap3A_214 = vector.load %arg21[%swap3A_212, %swap3A_213] : memref<8x256xf32, #tpu.memory_space<vmem>>, vector<8x256xf32>
        tpu.vector_store %arg21[%swap3A_212, %swap3A_213], %get3A_211 {strides = array<i32>} : memref<8x256xf32, #tpu.memory_space<vmem>>, vector<8x256xf32>,
      } else {
      }
      %gt3A = arith.constant 1 : i32
      %gt3A_104 = arith.cmpi sgt, %get3A_1, %gt3A : i32
      %convert_element_type3A_105 = arith.extui %gt3A_104 : i1 to i32
      %cond3A_106 = arith.constant 0 : i32
      %cond3A_107 = arith.cmpi ne, %convert_element_type3A_105, %cond3A_106 : i32
      scf.if %cond3A_107 {
        %eq3A_108 = arith.constant 0 : i32
        %eq3A_109 = arith.cmpi eq, %arg2, %eq3A_108 : i32
        %convert_element_type3A_110 = arith.extui %eq3A_109 : i1 to i32
        %cond3A_111 = arith.constant 0 : i32
        %cond3A_112 = arith.cmpi ne, %convert_element_type3A_110, %cond3A_111 : i32
        scf.if %cond3A_112 {
          %broadcast_in_dim3A_156 = arith.constant -1.000000e+30 : f32
          %broadcast_in_dim3A_157 = vector.broadcast %broadcast_in_dim3A_156 : f32 to vector<1024x128xf32>
          %swap3A_158 = arith.constant 0 : index
          %swap3A_159 = arith.constant 0 : index
          %swap3A_160 = vector.load %arg22[%swap3A_158, %swap3A_159] : memref<1024x128xf32, #tpu.memory_space<vmem>>, vector<1024x128xf32>
          tpu.vector_store %arg22[%swap3A_158, %swap3A_159], %broadcast_in_dim3A_157 {strides = array<i32>} : memref<1024x128xf32, #tpu.memory_space<vmem>>, vector<1024x128xf32>,
          %broadcast_in_dim3A_161 = arith.constant 0.000000e+00 : f32
          %broadcast_in_dim3A_162 = vector.broadcast %broadcast_in_dim3A_161 : f32 to vector<1024x128xf32>
          %swap3A_163 = arith.constant 0 : index
          %swap3A_164 = arith.constant 0 : index
          %swap3A_165 = vector.load %arg23[%swap3A_163, %swap3A_164] : memref<1024x128xf32, #tpu.memory_space<vmem>>, vector<1024x128xf32>
          tpu.vector_store %arg23[%swap3A_163, %swap3A_164], %broadcast_in_dim3A_162 {strides = array<i32>} : memref<1024x128xf32, #tpu.memory_space<vmem>>, vector<1024x128xf32>,
          %broadcast_in_dim3A_166 = arith.constant 0.000000e+00 : f32
          %broadcast_in_dim3A_167 = vector.broadcast %broadcast_in_dim3A_166 : f32 to vector<1024x128xf32>
          %swap3A_168 = arith.constant 0 : index
          %swap3A_169 = arith.constant 0 : index
          %swap3A_170 = vector.load %arg24[%swap3A_168, %swap3A_169] : memref<1024x128xf32, #tpu.memory_space<vmem>>, vector<1024x128xf32>
          tpu.vector_store %arg24[%swap3A_168, %swap3A_169], %broadcast_in_dim3A_167 {strides = array<i32>} : memref<1024x128xf32, #tpu.memory_space<vmem>>, vector<1024x128xf32>,
        } else {
        }
        %reduce_max3A = arith.constant dense<0xFF800000> : vector<1024xf32>
        %reduce_max3A_113 = vector.multi_reduction <maximumf>, %select_n3A_99, %reduce_max3A [1] : vector<1024x1536xf32> to vector<1024xf32>
        %broadcast_in_dim3A_114 = vector.shape_cast %reduce_max3A_113 : vector<1024xf32> to vector<1024x1xf32>
        %get3A_115 = arith.constant 0 : index
        %get3A_116 = arith.constant 0 : index
        %get3A_117 = vector.load %arg22[%get3A_115, %get3A_116] : memref<1024x128xf32, #tpu.memory_space<vmem>>, vector<1024x1xf32>
        %max3A = arith.maximumf %get3A_117, %broadcast_in_dim3A_114 : vector<1024x1xf32>
        %sub3A_118 = arith.subf %get3A_117, %max3A : vector<1024x1xf32>
        %exp3A = math.exp %sub3A_118 : vector<1024x1xf32>
        %sub3A_119 = vector.broadcast %max3A : vector<1024x1xf32> to vector<1024x1536xf32>
        %sub3A_120 = arith.subf %select_n3A_99, %sub3A_119 : vector<1024x1536xf32>
        %exp3A_121 = math.exp %sub3A_120 : vector<1024x1536xf32>
        %get3A_122 = arith.constant 0 : index
        %get3A_123 = arith.constant 0 : index
        %get3A_124 = vector.load %arg23[%get3A_122, %get3A_123] : memref<1024x128xf32, #tpu.memory_space<vmem>>, vector<1024x1xf32>
        %mul3A_125 = arith.mulf %get3A_124, %exp3A : vector<1024x1xf32>
        %reduce_sum3A = arith.constant dense<0.000000e+00> : vector<1024xf32>
        %reduce_sum3A_126 = vector.multi_reduction <add>, %exp3A_121, %reduce_sum3A [1] : vector<1024x1536xf32> to vector<1024xf32>
        %broadcast_in_dim3A_127 = vector.shape_cast %reduce_sum3A_126 : vector<1024xf32> to vector<1024x1xf32>
        %add3A_128 = arith.addf %mul3A_125, %broadcast_in_dim3A_127 : vector<1024x1xf32>
        %get3A_129 = arith.constant 0 : index
        %get3A_130 = arith.constant 0 : index
        %get3A_131 = vector.load %arg24[%get3A_129, %get3A_130] : memref<1024x128xf32, #tpu.memory_space<vmem>>, vector<1024x128xf32>
        %mul3A_132 = vector.broadcast %exp3A : vector<1024x1xf32> to vector<1024x128xf32>
        %mul3A_133 = arith.mulf %get3A_131, %mul3A_132 : vector<1024x128xf32>
        %convert_element_type3A_134 = arith.truncf %exp3A_121 : vector<1024x1536xf32> to vector<1024x1536xbf16>
        %dot_general3A_135 = arith.constant dense<0.000000e+00> : vector<1024x128xf32>
        %dot_general3A_136 = tpu.matmul %convert_element_type3A_134, %slice3A_38, %dot_general3A_135 {dimension_numbers = #tpu.dot_dimension_numbers<[1], [0], [0], [1], [0, 0, 1, 1], [], []>, transpose_lhs_hint = false} : vector<1024x1536xbf16>, vector<1536x128xbf16>, vector<1024x128xf32> -> vector<1024x128xf32>
        %add3A_137 = arith.addf %mul3A_133, %dot_general3A_136 : vector<1024x128xf32>
        %swap3A = arith.constant 0 : index
        %swap3A_138 = arith.constant 0 : index
        %swap3A_139 = vector.load %arg24[%swap3A, %swap3A_138] : memref<1024x128xf32, #tpu.memory_space<vmem>>, vector<1024x128xf32>
        tpu.vector_store %arg24[%swap3A, %swap3A_138], %add3A_137 {strides = array<i32>} : memref<1024x128xf32, #tpu.memory_space<vmem>>, vector<1024x128xf32>,
        %broadcast_in_dim3A_140 = vector.shape_cast %max3A : vector<1024x1xf32> to vector<1024x1xf32>
        %broadcast_in_dim3A_141 = vector.broadcast %broadcast_in_dim3A_140 : vector<1024x1xf32> to vector<1024x128xf32>
        %swap3A_142 = arith.constant 0 : index
        %swap3A_143 = arith.constant 0 : index
        %swap3A_144 = vector.load %arg22[%swap3A_142, %swap3A_143] : memref<1024x128xf32, #tpu.memory_space<vmem>>, vector<1024x128xf32>
        tpu.vector_store %arg22[%swap3A_142, %swap3A_143], %broadcast_in_dim3A_141 {strides = array<i32>} : memref<1024x128xf32, #tpu.memory_space<vmem>>, vector<1024x128xf32>,
        %broadcast_in_dim3A_145 = vector.shape_cast %add3A_128 : vector<1024x1xf32> to vector<1024x1xf32>
        %broadcast_in_dim3A_146 = vector.broadcast %broadcast_in_dim3A_145 : vector<1024x1xf32> to vector<1024x128xf32>
        %swap3A_147 = arith.constant 0 : index
        %swap3A_148 = arith.constant 0 : index
        %swap3A_149 = vector.load %arg23[%swap3A_147, %swap3A_148] : memref<1024x128xf32, #tpu.memory_space<vmem>>, vector<1024x128xf32>
        tpu.vector_store %arg23[%swap3A_147, %swap3A_148], %broadcast_in_dim3A_146 {strides = array<i32>} : memref<1024x128xf32, #tpu.memory_space<vmem>>, vector<1024x128xf32>,
        %sub3A_150 = arith.constant 1 : i32
        %sub3A_151 = arith.subi %get3A_1, %sub3A_150 : i32
        %eq3A_152 = arith.cmpi eq, %arg2, %sub3A_151 : i32
        %convert_element_type3A_153 = arith.extui %eq3A_152 : i1 to i32
        %cond3A_154 = arith.constant 0 : i32
        %cond3A_155 = arith.cmpi ne, %convert_element_type3A_153, %cond3A_154 : i32
        scf.if %cond3A_155 {
          %get3A_156 = arith.constant 0 : index
          %get3A_157 = arith.constant 0 : index
          %get3A_158 = vector.load %arg24[%get3A_156, %get3A_157] : memref<1024x128xf32, #tpu.memory_space<vmem>>, vector<1024x128xf32>
          %get3A_159 = arith.constant 0 : index
          %get3A_160 = arith.constant 0 : index
          %get3A_161 = vector.load %arg23[%get3A_159, %get3A_160] : memref<1024x128xf32, #tpu.memory_space<vmem>>, vector<1024x1xf32>
          %div3A_162 = vector.broadcast %get3A_161 : vector<1024x1xf32> to vector<1024x128xf32>
          %div3A_163 = arith.divf %get3A_158, %div3A_162 : vector<1024x128xf32>
          %get3A_164 = arith.constant 0 : index
          %get3A_165 = arith.constant 0 : index
          %get3A_166 = vector.load %arg14[%get3A_164, %get3A_165] : memref<128x128xf32, #tpu.memory_space<vmem>>, vector<128x128xf32>
          %dot_general3A_167 = arith.constant dense<0.000000e+00> : vector<1024x128xf32>
          %dot_general3A_168 = tpu.matmul %div3A_163, %get3A_166, %dot_general3A_167 {dimension_numbers = #tpu.dot_dimension_numbers<[1], [0], [0], [1], [0, 0, 1, 1], [], []>, transpose_lhs_hint = false} : vector<1024x128xf32>, vector<128x128xf32>, vector<1024x128xf32> -> vector<1024x128xf32>
          %get3A_169 = arith.constant 0 : index
          %get3A_170 = arith.constant 0 : index
          %get3A_171 = vector.load %arg15[%get3A_169, %get3A_170] : memref<1x128xf32, #tpu.memory_space<vmem>>, vector<1x128xf32>
          %add3A_172 = vector.broadcast %get3A_171 : vector<1x128xf32> to vector<1024x128xf32>
          %add3A_173 = arith.addf %dot_general3A_168, %add3A_172 : vector<1024x128xf32>
          %get3A_174 = arith.constant 0 : index
          %get3A_175 = arith.constant 0 : index
          %get3A_176 = arith.constant 0 : index
          %get3A_177 = vector.load %arg12[%get3A_174, %get3A_175, %get3A_176] : memref<1x1024x128xf32, #tpu.memory_space<vmem>>, vector<1x1024x128xf32>
          %get3A_178 = vector.shape_cast %get3A_177 : vector<1x1024x128xf32> to vector<1024x128xf32>
          %add3A_179 = arith.addf %add3A_173, %get3A_178 : vector<1024x128xf32>
          %reduce_sum3A_180 = arith.constant dense<0.000000e+00> : vector<1024xf32>
          %reduce_sum3A_181 = vector.multi_reduction <add>, %add3A_179, %reduce_sum3A_180 [1] : vector<1024x128xf32> to vector<1024xf32>
          %broadcast_in_dim3A_182 = vector.shape_cast %reduce_sum3A_181 : vector<1024xf32> to vector<1024x1xf32>
          %div3A_183 = arith.constant 1.280000e+02 : f32
          %div3A_184 = vector.broadcast %div3A_183 : f32 to vector<1024x1xf32>
          %div3A_185 = arith.divf %broadcast_in_dim3A_182, %div3A_184 : vector<1024x1xf32>
          %sub3A_186 = vector.broadcast %div3A_185 : vector<1024x1xf32> to vector<1024x128xf32>
          %sub3A_187 = arith.subf %add3A_179, %sub3A_186 : vector<1024x128xf32>
          %mul3A_188 = arith.mulf %sub3A_187, %sub3A_187 : vector<1024x128xf32>
          %reduce_sum3A_189 = arith.constant dense<0.000000e+00> : vector<1024xf32>
          %reduce_sum3A_190 = vector.multi_reduction <add>, %mul3A_188, %reduce_sum3A_189 [1] : vector<1024x128xf32> to vector<1024xf32>
          %broadcast_in_dim3A_191 = vector.shape_cast %reduce_sum3A_190 : vector<1024xf32> to vector<1024x1xf32>
          %div3A_192 = arith.constant 1.280000e+02 : f32
          %div3A_193 = vector.broadcast %div3A_192 : f32 to vector<1024x1xf32>
          %div3A_194 = arith.divf %broadcast_in_dim3A_191, %div3A_193 : vector<1024x1xf32>
          %add3A_195 = arith.constant 9.99999974E-6 : f32
          %add3A_196 = vector.broadcast %add3A_195 : f32 to vector<1024x1xf32>
          %add3A_197 = arith.addf %div3A_194, %add3A_196 : vector<1024x1xf32>
          %rsqrt3A = math.rsqrt %add3A_197 : vector<1024x1xf32>
          %mul3A_198 = vector.broadcast %rsqrt3A : vector<1024x1xf32> to vector<1024x128xf32>
          %mul3A_199 = arith.mulf %sub3A_187, %mul3A_198 : vector<1024x128xf32>
          %get3A_200 = arith.constant 0 : index
          %get3A_201 = arith.constant 0 : index
          %get3A_202 = vector.load %arg16[%get3A_200, %get3A_201] : memref<1x128xf32, #tpu.memory_space<vmem>>, vector<1x128xf32>
          %mul3A_203 = vector.broadcast %get3A_202 : vector<1x128xf32> to vector<1024x128xf32>
          %mul3A_204 = arith.mulf %mul3A_199, %mul3A_203 : vector<1024x128xf32>
          %get3A_205 = arith.constant 0 : index
          %get3A_206 = arith.constant 0 : index
          %get3A_207 = vector.load %arg17[%get3A_205, %get3A_206] : memref<1x128xf32, #tpu.memory_space<vmem>>, vector<1x128xf32>
          %add3A_208 = vector.broadcast %get3A_207 : vector<1x128xf32> to vector<1024x128xf32>
          %add3A_209 = arith.addf %mul3A_204, %add3A_208 : vector<1024x128xf32>
          %get3A_210 = arith.constant 0 : index
          %get3A_211 = arith.constant 0 : index
          %get3A_212 = vector.load %arg18[%get3A_210, %get3A_211] : memref<128x256xf32, #tpu.memory_space<vmem>>, vector<128x256xf32>
          %dot_general3A_213 = arith.constant dense<0.000000e+00> : vector<1024x256xf32>
          %dot_general3A_214 = tpu.matmul %add3A_209, %get3A_212, %dot_general3A_213 {dimension_numbers = #tpu.dot_dimension_numbers<[1], [0], [0], [1], [0, 0, 1, 1], [], []>, transpose_lhs_hint = false} : vector<1024x128xf32>, vector<128x256xf32>, vector<1024x256xf32> -> vector<1024x256xf32>
          %get3A_215 = arith.constant 0 : index
          %get3A_216 = arith.constant 0 : index
          %get3A_217 = vector.load %arg19[%get3A_215, %get3A_216] : memref<1x256xf32, #tpu.memory_space<vmem>>, vector<1x256xf32>
          %add3A_218 = vector.broadcast %get3A_217 : vector<1x256xf32> to vector<1024x256xf32>
          %add3A_219 = arith.addf %dot_general3A_214, %add3A_218 : vector<1024x256xf32>
          %swap3A_220 = arith.constant 0 : index
          %swap3A_221 = arith.constant 0 : index
          %swap3A_222 = arith.constant 0 : index
          %swap3A_223 = vector.load %arg20[%swap3A_220, %swap3A_221, %swap3A_222] : memref<1x1024x256xf32, #tpu.memory_space<vmem>>, vector<1x1024x256xf32>
          %swap3A_224 = vector.shape_cast %swap3A_223 : vector<1x1024x256xf32> to vector<1024x256xf32>
          %swap3A_225 = vector.shape_cast %add3A_219 : vector<1024x256xf32> to vector<1x1024x256xf32>
          tpu.vector_store %arg20[%swap3A_220, %swap3A_221, %swap3A_222], %swap3A_225 {strides = array<i32>} : memref<1x1024x256xf32, #tpu.memory_space<vmem>>, vector<1x1024x256xf32>,
          %eq3A_226 = arith.constant 0 : i32
          %eq3A_227 = arith.cmpi eq, %arg0, %eq3A_226 : i32
          %eq3A_228 = arith.constant 0 : i32
          %eq3A_229 = arith.cmpi eq, %arg1, %eq3A_228 : i32
          %and3A_230 = arith.andi %eq3A_227, %eq3A_229 : i1
          %convert_element_type3A_231 = arith.extui %and3A_230 : i1 to i32
          %cond3A_232 = arith.constant 0 : i32
          %cond3A_233 = arith.cmpi ne, %convert_element_type3A_231, %cond3A_232 : i32
          scf.if %cond3A_233 {
            %broadcast_in_dim3A_261 = arith.constant 0.000000e+00 : f32
            %broadcast_in_dim3A_262 = vector.broadcast %broadcast_in_dim3A_261 : f32 to vector<8x256xf32>
            %swap3A_263 = arith.constant 0 : index
            %swap3A_264 = arith.constant 0 : index
            %swap3A_265 = vector.load %arg25[%swap3A_263, %swap3A_264] : memref<8x256xf32, #tpu.memory_space<vmem>>, vector<8x256xf32>
            tpu.vector_store %arg25[%swap3A_263, %swap3A_264], %broadcast_in_dim3A_262 {strides = array<i32>} : memref<8x256xf32, #tpu.memory_space<vmem>>, vector<8x256xf32>,
          } else {
          }
          %get3A_234 = arith.constant 0 : index
          %get3A_235 = arith.constant 0 : index
          %get3A_236 = vector.load %arg25[%get3A_234, %get3A_235] : memref<8x256xf32, #tpu.memory_space<vmem>>, vector<1x256xf32>
          %reduce_sum3A_237 = arith.constant dense<0.000000e+00> : vector<256xf32>
          %reduce_sum3A_238 = vector.multi_reduction <add>, %add3A_219, %reduce_sum3A_237 [0] : vector<1024x256xf32> to vector<256xf32>
          %broadcast_in_dim3A_239 = vector.shape_cast %reduce_sum3A_238 : vector<256xf32> to vector<1x256xf32>
          %add3A_240 = arith.addf %get3A_236, %broadcast_in_dim3A_239 : vector<1x256xf32>
          %swap3A_241 = arith.constant 0 : index
          %swap3A_242 = arith.constant 0 : index
          %swap3A_243 = vector.load %arg25[%swap3A_241, %swap3A_242] : memref<8x256xf32, #tpu.memory_space<vmem>>, vector<1x256xf32>
          tpu.vector_store %arg25[%swap3A_241, %swap3A_242], %add3A_240 {strides = array<i32>} : memref<8x256xf32, #tpu.memory_space<vmem>>, vector<1x256xf32>,
          %get3A_244 = arith.constant 1 : index
          %get3A_245 = arith.constant 0 : index
          %get3A_246 = vector.load %arg25[%get3A_244, %get3A_245] : memref<8x256xf32, #tpu.memory_space<vmem>>, vector<1x256xf32>
          %mul3A_247 = arith.mulf %add3A_219, %add3A_219 : vector<1024x256xf32>
          %reduce_sum3A_248 = arith.constant dense<0.000000e+00> : vector<256xf32>
          %reduce_sum3A_249 = vector.multi_reduction <add>, %mul3A_247, %reduce_sum3A_248 [0] : vector<1024x256xf32> to vector<256xf32>
          %broadcast_in_dim3A_250 = vector.shape_cast %reduce_sum3A_249 : vector<256xf32> to vector<1x256xf32>
          %add3A_251 = arith.addf %get3A_246, %broadcast_in_dim3A_250 : vector<1x256xf32>
          %swap3A_252 = arith.constant 1 : index
          %swap3A_253 = arith.constant 0 : index
          %swap3A_254 = vector.load %arg25[%swap3A_252, %swap3A_253] : memref<8x256xf32, #tpu.memory_space<vmem>>, vector<1x256xf32>
          tpu.vector_store %arg25[%swap3A_252, %swap3A_253], %add3A_251 {strides = array<i32>} : memref<8x256xf32, #tpu.memory_space<vmem>>, vector<1x256xf32>,
          %get3A_255 = arith.constant 0 : index
          %get3A_256 = arith.constant 0 : index
          %get3A_257 = vector.load %arg25[%get3A_255, %get3A_256] : memref<8x256xf32, #tpu.memory_space<vmem>>, vector<8x256xf32>
          %swap3A_258 = arith.constant 0 : index
          %swap3A_259 = arith.constant 0 : index
          %swap3A_260 = vector.load %arg21[%swap3A_258, %swap3A_259] : memref<8x256xf32, #tpu.memory_space<vmem>>, vector<8x256xf32>
          tpu.vector_store %arg21[%swap3A_258, %swap3A_259], %get3A_257 {strides = array<i32>} : memref<8x256xf32, #tpu.memory_space<vmem>>, vector<8x256xf32>,
        } else {
        }
      } else {
      }
    } else {
    }
    return
  }
  func.func @transform_0(%arg0: i32, %arg1: i32, %arg2: i32, %arg3: memref<2x4xi32, #tpu.memory_space<smem>>, %arg4: memref<2x4xi32, #tpu.memory_space<smem>>) -> (i32, i32, i32) {
    %c0_i32 = arith.constant 0 : i32
    %c0_i32_0 = arith.constant 0 : i32
    return %arg0, %arg1, %c0_i32 : i32, i32, i32
  }
  func.func @transform_1(%arg0: i32, %arg1: i32, %arg2: i32, %arg3: memref<2x4xi32, #tpu.memory_space<smem>>, %arg4: memref<2x4xi32, #tpu.memory_space<smem>>) -> (i32, i32, i32) {
    %get3A = arith.index_cast %arg0 : i32 to index
    %get3A_0 = arith.index_cast %arg1 : i32 to index
    %get3A_1 = memref.load %arg3[%get3A, %get3A_0] : memref<2x4xi32, #tpu.memory_space<smem>>
    %mul3A = arith.constant 6 : i32
    %mul3A_2 = arith.muli %arg2, %mul3A : i32
    %add3A = arith.addi %get3A_1, %mul3A_2 : i32
    %add3A_3 = arith.constant 0 : i32
    %add3A_4 = arith.addi %add3A, %add3A_3 : i32
    %min3A = arith.constant 15 : i32
    %min3A_5 = arith.minsi %add3A_4, %min3A : i32
    %c0_i32 = arith.constant 0 : i32
    %c0_i32_6 = arith.constant 0 : i32
    return %arg0, %min3A_5, %c0_i32 : i32, i32, i32
  }
  func.func @transform_2(%arg0: i32, %arg1: i32, %arg2: i32, %arg3: memref<2x4xi32, #tpu.memory_space<smem>>, %arg4: memref<2x4xi32, #tpu.memory_space<smem>>) -> (i32, i32, i32) {
    %get3A = arith.index_cast %arg0 : i32 to index
    %get3A_0 = arith.index_cast %arg1 : i32 to index
    %get3A_1 = memref.load %arg3[%get3A, %get3A_0] : memref<2x4xi32, #tpu.memory_space<smem>>
    %mul3A = arith.constant 6 : i32
    %mul3A_2 = arith.muli %arg2, %mul3A : i32
    %add3A = arith.addi %get3A_1, %mul3A_2 : i32
    %add3A_3 = arith.constant 1 : i32
    %add3A_4 = arith.addi %add3A, %add3A_3 : i32
    %min3A = arith.constant 15 : i32
    %min3A_5 = arith.minsi %add3A_4, %min3A : i32
    %c0_i32 = arith.constant 0 : i32
    %c0_i32_6 = arith.constant 0 : i32
    return %arg0, %min3A_5, %c0_i32 : i32, i32, i32
  }
  func.func @transform_3(%arg0: i32, %arg1: i32, %arg2: i32, %arg3: memref<2x4xi32, #tpu.memory_space<smem>>, %arg4: memref<2x4xi32, #tpu.memory_space<smem>>) -> (i32, i32, i32) {
    %get3A = arith.index_cast %arg0 : i32 to index
    %get3A_0 = arith.index_cast %arg1 : i32 to index
    %get3A_1 = memref.load %arg3[%get3A, %get3A_0] : memref<2x4xi32, #tpu.memory_space<smem>>
    %mul3A = arith.constant 6 : i32
    %mul3A_2 = arith.muli %arg2, %mul3A : i32
    %add3A = arith.addi %get3A_1, %mul3A_2 : i32
    %add3A_3 = arith.constant 2 : i32
    %add3A_4 = arith.addi %add3A, %add3A_3 : i32
    %min3A = arith.constant 15 : i32
    %min3A_5 = arith.minsi %add3A_4, %min3A : i32
    %c0_i32 = arith.constant 0 : i32
    %c0_i32_6 = arith.constant 0 : i32
    return %arg0, %min3A_5, %c0_i32 : i32, i32, i32
  }
  func.func @transform_4(%arg0: i32, %arg1: i32, %arg2: i32, %arg3: memref<2x4xi32, #tpu.memory_space<smem>>, %arg4: memref<2x4xi32, #tpu.memory_space<smem>>) -> (i32, i32, i32) {
    %get3A = arith.index_cast %arg0 : i32 to index
    %get3A_0 = arith.index_cast %arg1 : i32 to index
    %get3A_1 = memref.load %arg3[%get3A, %get3A_0] : memref<2x4xi32, #tpu.memory_space<smem>>
    %mul3A = arith.constant 6 : i32
    %mul3A_2 = arith.muli %arg2, %mul3A : i32
    %add3A = arith.addi %get3A_1, %mul3A_2 : i32
    %add3A_3 = arith.constant 3 : i32
    %add3A_4 = arith.addi %add3A, %add3A_3 : i32
    %min3A = arith.constant 15 : i32
    %min3A_5 = arith.minsi %add3A_4, %min3A : i32
    %c0_i32 = arith.constant 0 : i32
    %c0_i32_6 = arith.constant 0 : i32
    return %arg0, %min3A_5, %c0_i32 : i32, i32, i32
  }
  func.func @transform_5(%arg0: i32, %arg1: i32, %arg2: i32, %arg3: memref<2x4xi32, #tpu.memory_space<smem>>, %arg4: memref<2x4xi32, #tpu.memory_space<smem>>) -> (i32, i32, i32) {
    %get3A = arith.index_cast %arg0 : i32 to index
    %get3A_0 = arith.index_cast %arg1 : i32 to index
    %get3A_1 = memref.load %arg3[%get3A, %get3A_0] : memref<2x4xi32, #tpu.memory_space<smem>>
    %mul3A = arith.constant 6 : i32
    %mul3A_2 = arith.muli %arg2, %mul3A : i32
    %add3A = arith.addi %get3A_1, %mul3A_2 : i32
    %add3A_3 = arith.constant 4 : i32
    %add3A_4 = arith.addi %add3A, %add3A_3 : i32
    %min3A = arith.constant 15 : i32
    %min3A_5 = arith.minsi %add3A_4, %min3A : i32
    %c0_i32 = arith.constant 0 : i32
    %c0_i32_6 = arith.constant 0 : i32
    return %arg0, %min3A_5, %c0_i32 : i32, i32, i32
  }
  func.func @transform_6(%arg0: i32, %arg1: i32, %arg2: i32, %arg3: memref<2x4xi32, #tpu.memory_space<smem>>, %arg4: memref<2x4xi32, #tpu.memory_space<smem>>) -> (i32, i32, i32) {
    %get3A = arith.index_cast %arg0 : i32 to index
    %get3A_0 = arith.index_cast %arg1 : i32 to index
    %get3A_1 = memref.load %arg3[%get3A, %get3A_0] : memref<2x4xi32, #tpu.memory_space<smem>>
    %mul3A = arith.constant 6 : i32
    %mul3A_2 = arith.muli %arg2, %mul3A : i32
    %add3A = arith.addi %get3A_1, %mul3A_2 : i32
    %add3A_3 = arith.constant 5 : i32
    %add3A_4 = arith.addi %add3A, %add3A_3 : i32
    %min3A = arith.constant 15 : i32
    %min3A_5 = arith.minsi %add3A_4, %min3A : i32
    %c0_i32 = arith.constant 0 : i32
    %c0_i32_6 = arith.constant 0 : i32
    return %arg0, %min3A_5, %c0_i32 : i32, i32, i32
  }
  func.func @transform_7(%arg0: i32, %arg1: i32, %arg2: i32, %arg3: memref<2x4xi32, #tpu.memory_space<smem>>, %arg4: memref<2x4xi32, #tpu.memory_space<smem>>) -> (i32, i32, i32) {
    %c0_i32 = arith.constant 0 : i32
    %c0_i32_0 = arith.constant 0 : i32
    return %arg0, %arg1, %c0_i32 : i32, i32, i32
  }
  func.func @transform_8(%arg0: i32, %arg1: i32, %arg2: i32, %arg3: memref<2x4xi32, #tpu.memory_space<smem>>, %arg4: memref<2x4xi32, #tpu.memory_space<smem>>) -> (i32, i32, i32) {
    %mul3A = arith.constant 4 : i32
    %mul3A_0 = arith.muli %arg0, %mul3A : i32
    %add3A = arith.addi %mul3A_0, %arg1 : i32
    %c0_i32 = arith.constant 0 : i32
    %c0_i32_1 = arith.constant 0 : i32
    %c0_i32_2 = arith.constant 0 : i32
    return %add3A, %c0_i32, %c0_i32_1 : i32, i32, i32
  }
  func.func @transform_9(%arg0: i32, %arg1: i32, %arg2: i32, %arg3: memref<2x4xi32, #tpu.memory_space<smem>>, %arg4: memref<2x4xi32, #tpu.memory_space<smem>>) -> (i32, i32) {
    %c0_i32 = arith.constant 0 : i32
    %c0_i32_0 = arith.constant 0 : i32
    %c0_i32_1 = arith.constant 0 : i32
    return %c0_i32, %c0_i32_0 : i32, i32
  }
  func.func @transform_10(%arg0: i32, %arg1: i32, %arg2: i32, %arg3: memref<2x4xi32, #tpu.memory_space<smem>>, %arg4: memref<2x4xi32, #tpu.memory_space<smem>>) -> (i32, i32) {
    %c0_i32 = arith.constant 0 : i32
    %c0_i32_0 = arith.constant 0 : i32
    %c0_i32_1 = arith.constant 0 : i32
    return %c0_i32, %c0_i32_0 : i32, i32
  }
  func.func @transform_11(%arg0: i32, %arg1: i32, %arg2: i32, %arg3: memref<2x4xi32, #tpu.memory_space<smem>>, %arg4: memref<2x4xi32, #tpu.memory_space<smem>>) -> (i32, i32) {
    %c0_i32 = arith.constant 0 : i32
    %c0_i32_0 = arith.constant 0 : i32
    %c0_i32_1 = arith.constant 0 : i32
    return %c0_i32, %c0_i32_0 : i32, i32
  }
  func.func @transform_12(%arg0: i32, %arg1: i32, %arg2: i32, %arg3: memref<2x4xi32, #tpu.memory_space<smem>>, %arg4: memref<2x4xi32, #tpu.memory_space<smem>>) -> (i32, i32) {
    %c0_i32 = arith.constant 0 : i32
    %c0_i32_0 = arith.constant 0 : i32
    %c0_i32_1 = arith.constant 0 : i32
    return %c0_i32, %c0_i32_0 : i32, i32
  }
  func.func @transform_13(%arg0: i32, %arg1: i32, %arg2: i32, %arg3: memref<2x4xi32, #tpu.memory_space<smem>>, %arg4: memref<2x4xi32, #tpu.memory_space<smem>>) -> (i32, i32) {
    %c0_i32 = arith.constant 0 : i32
    %c0_i32_0 = arith.constant 0 : i32
    %c0_i32_1 = arith.constant 0 : i32
    return %c0_i32, %c0_i32_0 : i32, i32
  }
  func.func @transform_14(%arg0: i32, %arg1: i32, %arg2: i32, %arg3: memref<2x4xi32, #tpu.memory_space<smem>>, %arg4: memref<2x4xi32, #tpu.memory_space<smem>>) -> (i32, i32) {
    %c0_i32 = arith.constant 0 : i32
    %c0_i32_0 = arith.constant 0 : i32
    %c0_i32_1 = arith.constant 0 : i32
    return %c0_i32, %c0_i32_0 : i32, i32
  }
  func.func @transform_15(%arg0: i32, %arg1: i32, %arg2: i32, %arg3: memref<2x4xi32, #tpu.memory_space<smem>>, %arg4: memref<2x4xi32, #tpu.memory_space<smem>>) -> (i32, i32, i32) {
    %c0_i32 = arith.constant 0 : i32
    %c0_i32_0 = arith.constant 0 : i32
    return %arg0, %arg1, %c0_i32 : i32, i32, i32
  }
  func.func @transform_16(%arg0: i32, %arg1: i32, %arg2: i32, %arg3: memref<2x4xi32, #tpu.memory_space<smem>>, %arg4: memref<2x4xi32, #tpu.memory_space<smem>>) -> (i32, i32) {
    %c0_i32 = arith.constant 0 : i32
    %c0_i32_0 = arith.constant 0 : i32
    %c0_i32_1 = arith.constant 0 : i32
    return %c0_i32, %c0_i32_0 : i32, i32
  }
}

</mosaic_0001>

<sc_bundles>
// kernel: kernel.6.cloned.1.call-start
scs
__scs_entry_jumppad:
0x0: {  	(pc) =	sbr.rel $0x88, $3  }
0x1: {  	(tag) =	ssettag $0x0;
	lr =	simm.s32 $0x1  }
0x2: {  	[smem:$0x3F89] =	sst lr;
	_ =	strace $0xD0000000  }
0x3: {  	_ = 	snop  }
0x4: {  	_ = 	snop  }
0x5: {  	_ = 	snop  }
0x6: {  	_ = 	snop  }
0x7: {  	_ = 	snop  }
__scs_overlays_trampoline_lowered:
0x8: {  	[smem:$0x3F98] =	sst s0  }
0x9: {  	[smem:$0x3F99] =	sst s1  }
0xa: {  	[smem:$0x3F9A] =	sst s2  }
0xb: {  	[smem:$0x3F9B] =	sst s3  }
0xc: {  	[smem:$0x3F9C] =	sst s4  }
0xd: {  	[smem:$0x3F9D] =	sst s5  }
0xe: {  	[smem:$0x3F9E] =	sst s6  }
0xf: {  	[smem:$0x3F9F] =	sst s7  }
0x10: {  	[smem:$0x3FA0] =	sst s8  }
0x11: {  	[smem:$0x3FA1] =	sst s9;
	s0 =	simm.s32 @!p0 $0x0  }
0x12: {  	s1 =	sld [smem:$0x3F87];
	s0 =	simm.s32 @p0 $0x1  }
0x13: {  	[smem:$0x3FA2] =	sst s0;
	s0 =	simm.s32 @!p1 $0x0  }
0x14: {  	s2 =	sld [smem:$0x3F86];
	s0 =	simm.s32 @p1 $0x1  }
0x15: {  	[smem:$0x3FA3] =	sst s0;
	s0 =	simm.s32 @!p2 $0x0  }
0x16: {  	s3 =	sld [smem:$0x3FDB];
	s0 =	simm.s32 @p2 $0x1  }
0x17: {  	s4 =	simm.s32 $0x1BF5;
	[smem:$0x3FA5] =	sst s0  }
0x18: {  	s0 =	sld [smem:$0x3F88];
	_ =	swait.ge [sflag:s4], $0x0  }
0x19: {  	s7 =	sld [smem:$0x3F89]  }
0x1a: {  	s8 =	sadd.s32 $0xFFFFE003, lr  }
0x1b: {  	s9 =	sadd.s32 $0xFFFFFEF7, lr;
	s5 =	simm.s32 $0xFFFFFFFF;
	p2 =	slt.u32 s8, $0xFFFFF086  }
0x1c: {  	p1 =	slt.u32 s9, $0xF7A;
	s5 =	simm.s32 @!p2 $0x0  }
0x1d: {  	s5 =	simm.s32 @p1 $0x1;
	p0 =	seq.s32 s7, s2  }
0x1e: {  	s7 =	smul.u32 @!p0 $0xF7A, s2;
	p2 =	seq.s32 @!p0 s5, $0x0  }
0x1f: {  	s9 =	smul.u32 $0xF7A, s1;
	s8 =	simm.s32 @!p0 $0x1BF5;
	p2 =	por !p2, p0  }
0x20: {  	[sflag:s8] =	ssyncset.s32 @!p0 $0xFFFFF086;
	s6 =	sadd.s32 @!p0 s3, s7;
	s7 =	simm.s32 @!p0 $0x108  }
0x21: {  	s3 =	sadd.s32 s3, s9;
	s6 =	sadd.s32 @!p0 $0x88, s6;
	s7 =	simm.s32 @p2 $0x1082  }
0x22: {  	[simem:s7], [sflag:s8] =	dma.local @!p0 [hbm:s6], $0xF7A  }
0x23: {  	s9 =	sor.u32 $0xD0000000, s2;
	s6 =	simm.s32 $0x108;
	_ =	swait.ge @!p0 [sflag:s8], $0x0  }
0x24: {  	s3 =	sadd.s32 $0x88, s3;
	s6 =	simm.s32 @!p1 $0x1082;
	[sflag:s4] =	ssyncset.s32 $0xFFFFF086  }
0x25: {  	[simem:s6], [sflag:s4] =	dma.local [hbm:s3], $0xF7A  }
0x26: {  	[smem:$0x3F89] =	sst s1;
	(tag) =	ssettag s2;
	_ =	strace s9  }
0x27: {  	s1 =	sld [smem:$0x3F99]  }
0x28: {  	s2 =	sld [smem:$0x3F9A]  }
0x29: {  	s4 =	sld [smem:$0x3F9C]  }
0x2a: {  	p0 =	seq.s32 s5, $0x0;
	s5 =	sld [smem:$0x3F9D]  }
0x2b: {  	s6 =	sld [smem:$0x3F9E]  }
0x2c: {  	s7 =	sld [smem:$0x3F9F]  }
0x2d: {  	s3 =	simm.s32 $0x108;
	s8 =	sld [smem:$0x3FA0]  }
0x2e: {  	s3 =	simm.s32 @!p0 $0x1082;
	s9 =	sld [smem:$0x3FA1]  }
0x2f: {  	lr =	sadd.s32 s0, s3;
	s0 =	sld [smem:$0x3F98]  }
0x30: {  	s3 =	sld [smem:$0x3F9B]  }
0x31: {  	[smem:$0x3FA4] =	sst s10  }
0x32: {  	s10 =	sld [smem:$0x3FA2];
	_ =	sdelay $0x3  }
0x33: {  	p0 =	seq.s32 s10, $0x1;
	s10 =	sld [smem:$0x3FA4];
	_ =	sdelay $0x3  }
0x34: {  	[smem:$0x3FA4] =	sst s10  }
0x35: {  	s10 =	sld [smem:$0x3FA3];
	_ =	sdelay $0x3  }
0x36: {  	p1 =	seq.s32 s10, $0x1;
	s10 =	sld [smem:$0x3FA4];
	_ =	sdelay $0x3  }
0x37: {  	[smem:$0x3FA4] =	sst s10  }
0x38: {  	s10 =	sld [smem:$0x3FA5]  }
0x39: {  	_ = 	snop;
	(pc) =	sbr.ind lr, $3  }
0x3a: {  	_ = 	snop  }
0x3b: {  	_ = 	snop  }
0x3c: {  	p2 =	seq.s32 s10, $0x1;
	s10 =	sld [smem:$0x3FA4]  }
0x3d: {  	_ =	shalt  }
0x3e: {  	_ =	shalt  }
0x3f: {  	_ =	shalt  }
0x40: {  	_ =	shalt  }
0x41: {  	_ =	shalt  }
0x42: {  	_ =	shalt  }
0x43: {  	_ =	shalt  }
0x44: {  	_ =	shalt  }
0x45: {  	_ =	shalt  }
0x46: {  	_ =	shalt  }
0x47: {  	_ =	shalt  }
0x48: {  	_ =	shalt  }
0x49: {  	_ =	shalt  }
0x4a: {  	_ =	shalt  }
0x4b: {  	_ =	shalt  }
0x4c: {  	_ =	shalt  }
0x4d: {  	_ =	shalt  }
0x4e: {  	_ =	shalt  }
0x4f: {  	_ =	shalt  }
0x50: {  	_ =	shalt  }
0x51: {  	_ =	shalt  }
0x52: {  	_ =	shalt  }
0x53: {  	_ =	shalt  }
0x54: {  	_ =	shalt  }
0x55: {  	_ =	shalt  }
0x56: {  	_ =	shalt  }
0x57: {  	_ =	shalt  }
0x58: {  	_ =	shalt  }
0x59: {  	_ =	shalt  }
0x5a: {  	_ =	shalt  }
0x5b: {  	_ =	shalt  }
0x5c: {  	_ =	shalt  }
0x5d: {  	_ =	shalt  }
0x5e: {  	_ =	shalt  }
0x5f: {  	_ =	shalt  }
0x60: {  	_ =	shalt  }
0x61: {  	_ =	shalt  }
0x62: {  	_ =	shalt  }
0x63: {  	_ =	shalt  }
0x64: {  	_ =	shalt  }
0x65: {  	_ =	shalt  }
0x66: {  	_ =	shalt  }
0x67: {  	_ =	shalt  }
0x68: {  	_ =	shalt  }
0x69: {  	_ =	shalt  }
0x6a: {  	_ =	shalt  }
0x6b: {  	_ =	shalt  }
0x6c: {  	_ =	shalt  }
0x6d: {  	_ =	shalt  }
0x6e: {  	_ =	shalt  }
0x6f: {  	_ =	shalt  }
0x70: {  	_ =	shalt  }
0x71: {  	_ =	shalt  }
0x72: {  	_ =	shalt  }
0x73: {  	_ =	shalt  }
0x74: {  	_ =	shalt  }
0x75: {  	_ =	shalt  }
0x76: {  	_ =	shalt  }
0x77: {  	_ =	shalt  }
0x78: {  	_ =	shalt  }
0x79: {  	_ =	shalt  }
0x7a: {  	_ =	shalt  }
0x7b: {  	_ =	shalt  }
0x7c: {  	_ =	shalt  }
0x7d: {  	_ =	shalt  }
0x7e: {  	_ =	shalt  }
0x7f: {  	_ =	shalt  }
0x80: {  	_ =	shalt  }
0x81: {  	_ =	shalt  }
0x82: {  	_ =	shalt  }
0x83: {  	_ =	shalt  }
0x84: {  	_ =	shalt  }
0x85: {  	_ =	shalt  }
0x86: {  	_ =	shalt  }
0x87: {  	_ =	shalt  }
.Lfunc_end0:
.L_simem_size_0:
called_computation_lowered:
.L_overlay_start_0:
0x88: {  	s2 =	sld [smem:$0x3FD9]  }
0x89: {  	s3 =	sld [smem:$0x3FFE];
	_ =	sdelay $0x1  }
0x8a: {  	s1 =	srdreg.scid  }
0x8b: {  	s0 =	sand.u32 $0x1, s1  }
0x8c: {  	s14 =	sshll.u32 s0, $0xA;
	s2 =	sadd.s32 s3, s2  }
0x8d: {  	s2 =	sadd.s32 s2, s14  }
0x8e: {  	[smem:$0x3FB0] =	sst s2  }
0x8f: {  	_ = 	snop  }
0x90: {  	s2 =	sld [smem:$0x3FD0];
	_ =	sdelay $0x2  }
0x91: {  	s4 =	simm.s32 $0xA;
	s5 =	simm.s32 $0x10;
	s15 =	sld [smem:$0x3FC7]  }
0x92: {  	[smem:s5], [sflag:s4] =	dma.local [hbm:s2], $0x1  }
0x93: {  	_ =	swait.eq [sflag:s4], $0x1  }
0x94: {  	[sflag:s4] =	ssyncset.done $0x0  }
0x95: {  	[sflag:s4] =	ssyncadd.s32 $0xFFFFFFFF  }
0x96: {  	s16 =	sld [smem:$0x11];
	(tm) =	ssettm $0x1  }
0x97: {  	s17 =	sld [smem:$0x3FFB];
	_ =	sdelay $0x3  }
0x98: {  	_ =	strace s17  }
0x99: {  	s4 =	sld [smem:$0x3FFC];
	_ =	sdelay $0x3  }
0x9a: {  	_ =	strace s4  }
0x9b: {  	s4 =	sld [smem:$0x3FFD];
	_ =	sdelay $0x3  }
0x9c: {  	_ =	strace s4  }
0x9d: {  	_ =	strace $0x8FFFFFFF  }
0x9e: {  	s18 =	sld [smem:$0x3FDB];
	_ =	sdelay $0x1  }
0x9f: {  	s19 =	simm.s32 $_scs_section_size  }
0xa0: {  	s6 =	simm.s32 $_size__tile_overlayer_lowered;
	s7 =	simm.s32 $_tile_overlayer_lowered  }
0xa1: {  	s22 =	simm.s32 $0x1BFF;
	s21 =	sshll.u32 s7, $0x1;
	s4 =	sadd.s32 s19, s18  }
0xa2: {  	s8 =	simm.s32 $0x0;
	s20 =	sshll.u32 s6, $0x1;
	s6 =	sadd.s32 s21, s4  }
0xa3: {  	[timem:s8], [sflag:s22] =	dma.local [hbm:s6], s20  }
0xa4: {  	_ =	swait.ge [sflag:s22], s20  }
0xa5: {  	s5 =	ssub.s32 $0x0, s20;
	[sflag:s22] =	ssyncset.done $0x0  }
0xa6: {  	[sflag:s22] =	ssyncadd.s32 s5;
	_ =	sdelay $0x1  }
0xa7: {  	s23 =	simm.s32 $0x1B8B  }
0xa8: {  	_ =	swait.ge [sflag:s23], $0x1  }
0xa9: {  	[sflag:s23] =	ssyncset.done $0x0  }
0xaa: {  	s25 =	simm.s32 $0x1B8E;
	s24 =	sld [smem:$0x3FFE];
	[sflag:s23] =	ssyncadd.s32 $0xFFFFFFFF  }
0xab: {  	s26 =	simm.s32 $execute0_lowered;
	[smem:$0x3FD2] =	sst s25  }
0xac: {  	s6 =	sshll.u32 s26, $0x1;
	_ =	strace $0x80000046;
	[dreg:$0x1] =	wrdreg $0xFFFFFFFF  }
0xad: {  	s28 =	simm.s32 $_size_execute0_lowered;
	s4 =	sadd.s32 s4, s6;
	[dreg:$0x0] =	wrdreg $0x0  }
0xae: {  	s6 =	sshll.u32 s28, $0x1;
	[dreg:$0x2] =	wrdreg s4  }
0xaf: {  	[dreg:$0x3] =	wrdreg s6  }
0xb0: {  	[dreg:$0x4] =	wrdreg $0xC0  }
0xb1: {  	_ =	task [dreg:s8], $0x5FFFF  }
0xb2: {  	[dreg:$0x1] =	wrdreg $0xFFFFFFFF  }
0xb3: {  	[dreg:$0x0] =	wrdreg $0x60  }
0xb4: {  	[dreg:$0x2] =	wrdreg s16  }
0xb5: {  	[dreg:$0x3] =	wrdreg s15  }
0xb6: {  	[dreg:$0x4] =	wrdreg s24  }
0xb7: {  	[dreg:$0x5] =	wrdreg $0xA2000  }
0xb8: {  	[dreg:$0x6] =	wrdreg $0xAA000  }
0xb9: {  	[dreg:$0x7] =	wrdreg $0x9  }
0xba: {  	_ =	task.clear_ibuf [dreg:s8], $0x8FFFF;
	_ =	strace $0x90000046  }
0xbb: {  	s29 =	simm.s32 $0x9;
	_ =	strace $0x80000048  }
0xbc: {  	_ =	swait.ge [sflag:s29], $0x1  }
0xbd: {  	[sflag:s29] =	ssyncadd.s32 $0xFFFFFFFF  }
0xbe: {  	_ =	strace $0x90000048  }
0xbf: {  	_ =	sfence  }
0xc0: {  	s30 =	sld [smem:$0x0];
	_ =	sdelay $0x2  }
0xc1: {  	s31 =	sshll.u32 s1, $0xD;
	s1 =	sshrl.u32 s1, $0x2  }
0xc2: {  	s3 =	sand.u32 $0x4000, s31;
	s1 =	sadd.s32 s1, s30  }
0xc3: {  	s0 =	sor.u32 s3, s0;
	s1 =	sshll.u32 s1, $0x11  }
0xc4: {  	s0 =	sor.u32 s1, s0  }
0xc5: {  	s0 =	sadd.s32 $0x8F2B, s0  }
0xc6: {  	[sflag:s0] =	ssyncadd.remote.s32 $0x1  }
0xc7: {  	_ =	sfence.sel $0xFFFF  }
0xc8: {  	[dreg:$0x0] =	wrdreg $0xFFFFFFFF;
	(pc) =	sbr.abs _section_cstart, $3  }
0xc9: {  	[dreg:$0x1] =	wrdreg $0xFFFFFFFF  }
0xca: {  	_ =	task.clear_ibuf [dreg:s8], $0x2FFFF;
	_ =	strace $0x9FFFFFFF  }
0xcb: {  	(tm) =	ssettm $0x7FFFFFFF  }
tec
execute0_lowered:
.L_overlay_start_1:
0x0: {  	(tag) =	ssettag $0x1  }
0x1: {  	s4 =	rddreg [dreg:$0x0]  }
0x2: {  	s5 =	rddreg [dreg:$0x1]  }
0x3: {  	s6 =	rddreg [dreg:$0x2]  }
0x4: {  	s7 =	rddreg [dreg:$0x3]  }
0x5: {  	s2 =	rddreg [dreg:$0x4];
	s3 =	srdreg.scid  }
0x6: {  	s0 =	rddreg [dreg:$0x5];
	s1 =	stileid.u32  }
0x7: {  	s14 =	simm.s32 $0x400;
	s15 =	simm.s32 $0x8500;
	s16 =	simm.s32 $0x4000  }
0x8: {  	s17 =	simm.s32 $0x8D00;
	s18 =	simm.s32 $0x9500;
	s19 =	simm.s32 $0x9580  }
0x9: {  	s20 =	simm.s32 $0x9600;
	s21 =	simm.s32 $0x9E00;
	s22 =	simm.s32 $0x0  }
0xa: {  	s8 =	sand.u32 $0x1, s3;
	s3 =	simm.s32 $0x0;
	s10 =	sshll.u32 s1, $0xB  }
0xb: {  	s13 =	sshll.u32 s1, $0x9;
	s28 =	sshll.u32 s1, $0x7;
	s30 =	sshll.u32 s1, $0xA  }
0xc: {  	s9 =	sshll.u32 s8, $0x7;
	[smem:$0x7FF] =	sst s3;
	s12 =	ssub.s32 $0x2, s8  }
0xd: {  	s8 =	sshll.u32 s8, $0xB;
	s4 =	sadd.s32 s4, s28;
	s29 =	sand.u32 $0x4000, s10  }
0xe: {  	s31 =	sshrl.u32 s13, $0x2;
	s11 =	sor.u32 s9, s10;
	_ =	strace $0x80000047  }
0xf: {  	s26 =	sshrl.u32 s12, $0x1;
	s9 =	sor.u32 s9, s13;
	s4 =	sadd.s32 s8, s4  }
0x10: {  	v7 =	vlaneseq.u32;
	s8 =	sadd.s32 s29, s7;
	s7 =	sadd.s32 s30, s7;
	s13 =	simm.s32 $0x100  }
0x11: {  	v0 =	vmul.u32 $0x800, v7;
	v2 =	vshrl.u32 v7, $0x2;
	s11 =	sshrl.u32 s11, $0x3;
	s12 =	ssub.s32 s12, s26;
	s9 =	sshrl.u32 s9, $0x3  }
0x12: {  	v1 =	vimm.f32 $0.0e+00;
	v6 =	vmul.u32 $0x4, v2;
	s11 =	sadd.s32 s11, s6;
	s5 =	sadd.s32 s5, s9;
	s6 =	sand.u32 $0x380, s28  }
0x13: {  	v5 =	vimm.f32 $1.000000000e+00;
	v7 =	vmul.u32 $0x4, v7;
	v2 =	vor.u32 $0x1, v0;
	s10 =	smax.u32 s12, $0x1;
	s12 =	simm.s32 $0x80;
	s6 =	sadd.s32 s6, s8  }
0x14: {  	v3 =	vor.u32 $0x2, v0;
	v4 =	vor.u32 $0x3, v0;
	v6 =	vor.u32 $0x3, v6;
	s8 =	sadd.s32 s31, s2;
	s9 =	sadd.s32 $0x2400, s11;
	s11 =	simm.s32 $0x1  }
.LBB2_1:
0x15: {  	[tilespmem:s3], [sflag:$0x1] =	stream.linear.gather [hbm4b:s4+s3], $0x400, $0x38;
	[tilespmem:$0xAA80] =	vst v63  }
0x16: {  	_ =	swait.ge [sflag:s11], $0x400  }
0x17: {  	[sflag:s11] =	ssyncset.done $0x0  }
0x18: {  	[sflag:s11] =	ssyncadd.s32 $0xFFFFFC00  }
0x19: {  	[tilespmem:s14], [sflag:$0x1] =	stream.strided.gather [hbm4b:s5+s12], $0x100, s13, s12, $0x38;
	[tilespmem:$0xAA80] =	vst v63  }
0x1a: {  	_ =	swait.ge [sflag:s11], $0x100  }
0x1b: {  	[sflag:s11] =	ssyncset.done $0x0  }
0x1c: {  	s23 =	simm.s32 $0x40;
	s24 =	simm.s32 $0x0;
	[sflag:s11] =	ssyncadd.s32 $0xFFFFFF00  }
.LBB2_2:
0x1d: {  	p0 =	sne.s32 s23, $0x1FFC0;
	[tilespmem:s24+$0x500] =	vst v1;
	s24 =	smov.u32 s23;
	s23 =	sadd.s32 $0x40, s23  }
.Ltmp0:
0x1e: {  	(pc) =	sbr.rel @p0 .LBB2_2-.Ltmp0, $2  }
0x1f: {  	_ =	sdelay $0x2  }
0x20: {  	s24 =	sshra.s32 s24, $0x2  }
0x21: {  	[tilespmem:s24+$0x500] =	vst v1;
	s23 =	simm.s32 $0x0;
	s24 =	simm.s32 $0x0;
	s25 =	simm.s32 $0x0  }
.LBB2_4:
0x22: {  	s26 =	sshra.s32 s24, $0x2  }
0x23: {  	v8 =	vld [tilespmem:s26+$0x400];
	_ =	sdelay $0x4  }
0x24: {  	v8 =	vshll.u32 v8, $0x2  }
0x25: {  	s31 =	sand.u32 $0x70, s25;
	s28 =	sand.u32 $0x200, s24;
	v9 =	vadd.s32 v0, v8  }
0x26: {  	s28 =	sor.u32 s31, s28;
	v10 =	vand.u32 $0x7C, v8;
	v9 =	vand.u32 $0xFFFFFF80, v9  }
0x27: {  	v11 =	vld [tilespmem:s28+$0x0];
	v9 =	vor.u32 v10, v9;
	_ =	sdelay $0x3  }
0x28: {  	s26 =	simm.s32 $0x500  }
0x29: {  	[tilespmem:v9+s26+$0x0] =	vst.idx.add.f32.msk $0xffff, v11  }
0x2a: {  	v61 =	vadd.s32 v2, v8;
	v62 =	vld [tilespmem:s28+$0x80];
	_ =	sdelay $0x4  }
0x2b: {  	[tilespmem:v61+s26+$0x0] =	vst.idx.add.f32.msk $0xffff, v62  }
0x2c: {  	v63 =	vadd.s32 v3, v8;
	v10 =	vld [tilespmem:s28+$0x100]  }
0x2d: {  	p0 =	sne.s32 s25, $0xF0;
	v8 =	vadd.s32 v4, v8  }
.Ltmp1:
0x2e: {  	_ = 	snop;
	(pc) =	sbr.rel @p0 .LBB2_4-.Ltmp1, $3  }
0x2f: {  	_ =	sdelay $0x1  }
0x30: {  	[tilespmem:v63+s26+$0x0] =	vst.idx.add.f32.msk $0xffff, v10  }
0x31: {  	s24 =	sadd.s32 $0x40, s24;
	s25 =	sadd.s32 $0x10, s25;
	[tilespmem:v8+s26+$0x0] =	vst.idx.add.f32.msk $0xffff, v5  }
0x32: {  	s23 =	sand.u32 $0x7F0, s23;
	v9 =	vld [tilespmem:s26+$0x0]  }
0x33: {  	v8 =	vld [tilespmem:s23+$0xD00];
	_ =	sdelay $0x1  }
0x34: {  	v10 =	vld [tilespmem:s23+$0x1500];
	_ =	sdelay $0x1  }
0x35: {  	v11 =	vld [tilespmem:s23+$0x1D00]  }
0x36: {  	v8 =	vadd.f32 v8, v9  }
0x37: {  	v9 =	vld [tilespmem:s23+$0x2500]  }
0x38: {  	v8 =	vadd.f32 v10, v8  }
0x39: {  	v10 =	vld [tilespmem:s23+$0x2D00]  }
0x3a: {  	v8 =	vadd.f32 v11, v8  }
0x3b: {  	v11 =	vld [tilespmem:s23+$0x3500]  }
0x3c: {  	v8 =	vadd.f32 v9, v8  }
0x3d: {  	v9 =	vld [tilespmem:s23+$0x3D00]  }
0x3e: {  	v8 =	vadd.f32 v10, v8  }
0x3f: {  	v10 =	vld [tilespmem:s23+$0x4500]  }
0x40: {  	v8 =	vadd.f32 v11, v8  }
0x41: {  	v11 =	vld [tilespmem:s23+$0x4D00]  }
0x42: {  	v8 =	vadd.f32 v9, v8  }
0x43: {  	v9 =	vld [tilespmem:s23+$0x5500]  }
0x44: {  	v8 =	vadd.f32 v10, v8  }
0x45: {  	v10 =	vld [tilespmem:s23+$0x5D00]  }
0x46: {  	v8 =	vadd.f32 v11, v8  }
0x47: {  	v11 =	vld [tilespmem:s23+$0x6500]  }
0x48: {  	v8 =	vadd.f32 v9, v8  }
0x49: {  	v9 =	vld [tilespmem:s23+$0x6D00]  }
0x4a: {  	v8 =	vadd.f32 v10, v8  }
0x4b: {  	v10 =	vld [tilespmem:s23+$0x7500]  }
0x4c: {  	v8 =	vadd.f32 v11, v8  }
0x4d: {  	v11 =	vld [tilespmem:s23+$0x7D00]  }
0x4e: {  	v8 =	vadd.f32 v9, v8;
	_ =	sdelay $0x1  }
0x4f: {  	v8 =	vadd.f32 v10, v8;
	_ =	sdelay $0x1  }
0x50: {  	v8 =	vadd.f32 v11, v8  }
0x51: {  	s24 =	simm.s32 $0x10;
	s23 =	simm.s32 $0x8500  }
0x52: {  	s24 =	sand.u32 $0x7F0, s24;
	[tilespmem:s23+$0x0] =	vst v8  }
0x53: {  	s26 =	simm.s32 $0x20;
	s25 =	simm.s32 $0x510;
	v8 =	vld [tilespmem:s24+$0xD00]  }
.LBB2_6:
0x54: {  	p0 =	sne.s32 s26, $0x7F0;
	v9 =	vld [tilespmem:s25+$0x0];
	_ =	sdelay $0x1  }
0x55: {  	v10 =	vld [tilespmem:s24+$0x1500];
	_ =	sdelay $0x1  }
0x56: {  	v11 =	vld [tilespmem:s24+$0x1D00]  }
0x57: {  	v8 =	vadd.f32 v8, v9  }
0x58: {  	v9 =	vld [tilespmem:s24+$0x2500]  }
0x59: {  	v8 =	vadd.f32 v10, v8  }
0x5a: {  	v10 =	vld [tilespmem:s24+$0x2D00]  }
0x5b: {  	v8 =	vadd.f32 v11, v8  }
0x5c: {  	v11 =	vld [tilespmem:s24+$0x3500]  }
0x5d: {  	v8 =	vadd.f32 v9, v8  }
0x5e: {  	v9 =	vld [tilespmem:s24+$0x3D00]  }
0x5f: {  	v8 =	vadd.f32 v10, v8  }
0x60: {  	v10 =	vld [tilespmem:s24+$0x4500]  }
0x61: {  	v8 =	vadd.f32 v11, v8  }
0x62: {  	v11 =	vld [tilespmem:s24+$0x4D00]  }
0x63: {  	v8 =	vadd.f32 v9, v8  }
0x64: {  	v9 =	vld [tilespmem:s24+$0x5500]  }
0x65: {  	v8 =	vadd.f32 v10, v8  }
0x66: {  	v10 =	vld [tilespmem:s24+$0x5D00]  }
0x67: {  	v8 =	vadd.f32 v11, v8  }
0x68: {  	v11 =	vld [tilespmem:s24+$0x6500]  }
0x69: {  	v8 =	vadd.f32 v9, v8  }
0x6a: {  	v9 =	vld [tilespmem:s24+$0x6D00]  }
0x6b: {  	v8 =	vadd.f32 v10, v8  }
0x6c: {  	v10 =	vld [tilespmem:s24+$0x7500]  }
0x6d: {  	v8 =	vadd.f32 v11, v8  }
0x6e: {  	v11 =	vld [tilespmem:s24+$0x7D00]  }
0x6f: {  	v8 =	vadd.f32 v9, v8;
	_ =	sdelay $0x1  }
0x70: {  	v8 =	vadd.f32 v10, v8  }
.Ltmp2:
0x71: {  	(pc) =	sbr.rel @p0 .LBB2_6-.Ltmp2, $4  }
0x72: {  	v8 =	vadd.f32 v11, v8  }
0x73: {  	s23 =	sadd.s32 $0x10, s23  }
0x74: {  	s24 =	sand.u32 $0x7F0, s26;
	[tilespmem:s23+$0x0] =	vst v8  }
0x75: {  	s25 =	sadd.s32 $0x10, s25;
	s26 =	sadd.s32 $0x10, s26;
	v8 =	vld [tilespmem:s24+$0xD00]  }
0x76: {  	v9 =	vld [tilespmem:s25+$0x0];
	_ =	sdelay $0x1  }
0x77: {  	v10 =	vld [tilespmem:s24+$0x1500];
	_ =	sdelay $0x1  }
0x78: {  	v11 =	vld [tilespmem:s24+$0x1D00]  }
0x79: {  	v8 =	vadd.f32 v8, v9  }
0x7a: {  	v9 =	vld [tilespmem:s24+$0x2500]  }
0x7b: {  	v8 =	vadd.f32 v10, v8  }
0x7c: {  	v10 =	vld [tilespmem:s24+$0x2D00]  }
0x7d: {  	v8 =	vadd.f32 v11, v8  }
0x7e: {  	v11 =	vld [tilespmem:s24+$0x3500]  }
0x7f: {  	v8 =	vadd.f32 v9, v8  }
0x80: {  	v9 =	vld [tilespmem:s24+$0x3D00]  }
0x81: {  	v8 =	vadd.f32 v10, v8  }
0x82: {  	v10 =	vld [tilespmem:s24+$0x4500]  }
0x83: {  	v8 =	vadd.f32 v11, v8  }
0x84: {  	v11 =	vld [tilespmem:s24+$0x4D00]  }
0x85: {  	v8 =	vadd.f32 v9, v8  }
0x86: {  	v9 =	vld [tilespmem:s24+$0x5500]  }
0x87: {  	v8 =	vadd.f32 v10, v8  }
0x88: {  	v10 =	vld [tilespmem:s24+$0x5D00]  }
0x89: {  	v8 =	vadd.f32 v11, v8  }
0x8a: {  	v11 =	vld [tilespmem:s24+$0x6500]  }
0x8b: {  	v8 =	vadd.f32 v9, v8  }
0x8c: {  	v9 =	vld [tilespmem:s24+$0x6D00]  }
0x8d: {  	v8 =	vadd.f32 v10, v8  }
0x8e: {  	v10 =	vld [tilespmem:s24+$0x7500]  }
0x8f: {  	v8 =	vadd.f32 v11, v8  }
0x90: {  	v11 =	vld [tilespmem:s24+$0x7D00]  }
0x91: {  	v8 =	vadd.f32 v9, v8;
	_ =	sdelay $0x1  }
0x92: {  	v8 =	vadd.f32 v10, v8;
	_ =	sdelay $0x1  }
0x93: {  	v8 =	vadd.f32 v11, v8  }
0x94: {  	s23 =	sadd.s32 $0x10, s23  }
0x95: {  	[tilespmem:s23+$0x0] =	vst v8  }
0x96: {  	[spmem:s6] =	stream.strided.scatter [tilespmem:s15], [sflag:$0x1], $0x800, s14, s12, $0x38;
	[tilespmem:$0xAA80] =	vst v63  }
0x97: {  	_ =	swait.ge [sflag:s11], $0x800  }
0x98: {  	[sflag:s11] =	ssyncset.done $0x0  }
0x99: {  	[sflag:s11] =	ssyncadd.s32 $0xFFFFF800  }
0x9a: {  	[bflag:$0x0] =	sbarrier.arrive $0xFFFF  }
0x9b: {  	[tilespmem:s17], [sflag:$0x1] =	stream.strided.gather [spmem:s7], $0x800, s16, s14, $0x38;
	[tilespmem:$0xAA80] =	vst v63  }
0x9c: {  	_ =	swait.ge [sflag:s11], $0x800  }
0x9d: {  	[sflag:s11] =	ssyncset.done $0x0  }
0x9e: {  	s23 =	simm.s32 $0x9100;
	[sflag:s11] =	ssyncadd.s32 $0xFFFFF800  }
0x9f: {  	v8 =	vld [tilespmem:s23+$0xFFFFFC00]  }
0xa0: {  	v9 =	vld [tilespmem:s23+$0xFFFFFC80];
	_ =	sdelay $0x1  }
0xa1: {  	v10 =	vld [tilespmem:s23+$0xFFFFFD00];
	_ =	sdelay $0x1  }
0xa2: {  	v11 =	vld [tilespmem:s23+$0xFFFFFD80]  }
0xa3: {  	v8 =	vadd.f32 v9, v8  }
0xa4: {  	v9 =	vld [tilespmem:s23+$0xFFFFFE00]  }
0xa5: {  	v8 =	vadd.f32 v10, v8  }
0xa6: {  	v10 =	vld [tilespmem:s23+$0xFFFFFE80]  }
0xa7: {  	v8 =	vadd.f32 v11, v8  }
0xa8: {  	v11 =	vld [tilespmem:s23+$0xFFFFFF00]  }
0xa9: {  	v8 =	vadd.f32 v9, v8  }
0xaa: {  	v9 =	vld [tilespmem:s23+$0xFFFFFF80]  }
0xab: {  	v8 =	vadd.f32 v10, v8  }
0xac: {  	v10 =	vld [tilespmem:s23+$0x0]  }
0xad: {  	v8 =	vadd.f32 v11, v8  }
0xae: {  	v11 =	vld [tilespmem:s23+$0x80]  }
0xaf: {  	v8 =	vadd.f32 v9, v8  }
0xb0: {  	v9 =	vld [tilespmem:s23+$0x100]  }
0xb1: {  	v8 =	vadd.f32 v10, v8  }
0xb2: {  	v10 =	vld [tilespmem:s23+$0x180]  }
0xb3: {  	v8 =	vadd.f32 v11, v8  }
0xb4: {  	v11 =	vld [tilespmem:s23+$0x200]  }
0xb5: {  	v8 =	vadd.f32 v9, v8  }
0xb6: {  	v9 =	vld [tilespmem:s23+$0x280]  }
0xb7: {  	v8 =	vadd.f32 v10, v8  }
0xb8: {  	v10 =	vld [tilespmem:s23+$0x300]  }
0xb9: {  	v8 =	vadd.f32 v11, v8  }
0xba: {  	v11 =	vld [tilespmem:s23+$0x380]  }
0xbb: {  	v8 =	vadd.f32 v9, v8  }
0xbc: {  	s31 =	simm.s32 $0x0  }
0xbd: {  	v9 =	vor.u32 s31, v6;
	v8 =	vadd.f32 v10, v8;
	_ =	sdelay $0x1  }
0xbe: {  	v8 =	vadd.f32 v11, v8  }
0xbf: {  	s24 =	simm.s32 $0x9500  }
0xc0: {  	[tilespmem:s24+$0x0] =	vst v8  }
0xc1: {  	v9 =	vld.idx.msk [tilespmem:v9+s18+$0x0], $0xffff;
	_ =	sdelay $0x4  }
0xc2: {  	v9 =	vmax.f32 v9, $1.000000000e+00  }
0xc3: {  	(erf) = vrcp.f32 v9;
	_ =	sdelay $0x8  }
0xc4: {  	v9 =	vpop (erf)  }
0xc5: {  	s25 =	simm.s32 $0x9580;
	s26 =	simm.s32 $0x10;
	v8 =	vmul.f32 v9, v8  }
.LBB2_8:
0xc6: {  	_ = 	snop  }
0xc7: {  	s24 =	sadd.s32 $0x10, s24;
	s23 =	sadd.s32 $0x10, s23;
	[tilespmem:s25+$0x0] =	vst v8;
	s25 =	sadd.s32 $0x10, s25  }
0xc8: {  	p0 =	sne.s32 s26, $0x70;
	s28 =	smov.u32 s26;
	s26 =	sadd.s32 $0x10, s26;
	v8 =	vld [tilespmem:s23+$0xFFFFFC00]  }
0xc9: {  	v9 =	vld [tilespmem:s23+$0xFFFFFC80];
	_ =	sdelay $0x1  }
0xca: {  	v10 =	vld [tilespmem:s23+$0xFFFFFD00];
	_ =	sdelay $0x1  }
0xcb: {  	v11 =	vld [tilespmem:s23+$0xFFFFFD80]  }
0xcc: {  	v8 =	vadd.f32 v9, v8  }
0xcd: {  	v9 =	vld [tilespmem:s23+$0xFFFFFE00]  }
0xce: {  	v8 =	vadd.f32 v10, v8  }
0xcf: {  	v10 =	vld [tilespmem:s23+$0xFFFFFE80]  }
0xd0: {  	v8 =	vadd.f32 v11, v8  }
0xd1: {  	v11 =	vld [tilespmem:s23+$0xFFFFFF00]  }
0xd2: {  	v8 =	vadd.f32 v9, v8  }
0xd3: {  	v9 =	vld [tilespmem:s23+$0xFFFFFF80]  }
0xd4: {  	v8 =	vadd.f32 v10, v8  }
0xd5: {  	v10 =	vld [tilespmem:s23+$0x0]  }
0xd6: {  	v8 =	vadd.f32 v11, v8  }
0xd7: {  	v11 =	vld [tilespmem:s23+$0x80]  }
0xd8: {  	v8 =	vadd.f32 v9, v8  }
0xd9: {  	v9 =	vld [tilespmem:s23+$0x100]  }
0xda: {  	v8 =	vadd.f32 v10, v8  }
0xdb: {  	v10 =	vld [tilespmem:s23+$0x180]  }
0xdc: {  	v8 =	vadd.f32 v11, v8  }
0xdd: {  	v11 =	vld [tilespmem:s23+$0x200]  }
0xde: {  	v8 =	vadd.f32 v9, v8  }
0xdf: {  	v9 =	vld [tilespmem:s23+$0x280]  }
0xe0: {  	v8 =	vadd.f32 v10, v8  }
0xe1: {  	v10 =	vld [tilespmem:s23+$0x300]  }
0xe2: {  	v8 =	vadd.f32 v11, v8  }
0xe3: {  	v11 =	vld [tilespmem:s23+$0x380]  }
0xe4: {  	v8 =	vadd.f32 v9, v8;
	_ =	sdelay $0x1  }
0xe5: {  	v9 =	vor.u32 s28, v6;
	v8 =	vadd.f32 v10, v8;
	_ =	sdelay $0x1  }
0xe6: {  	v8 =	vadd.f32 v11, v8;
	_ =	sdelay $0x1  }
0xe7: {  	[tilespmem:s24+$0x0] =	vst v8  }
0xe8: {  	v9 =	vld.idx.msk [tilespmem:v9+s18+$0x0], $0xffff;
	_ =	sdelay $0x5  }
0xe9: {  	v9 =	vmax.f32 v9, $1.000000000e+00  }
0xea: {  	(erf) = vrcp.f32 v9;
	_ =	sdelay $0x5  }
.Ltmp3:
0xeb: {  	(pc) =	sbr.rel @p0 .LBB2_8-.Ltmp3, $3  }
0xec: {  	_ =	sdelay $0x1  }
0xed: {  	v9 =	vpop (erf)  }
0xee: {  	v8 =	vmul.f32 v9, v8  }
0xef: {  	_ = 	snop  }
0xf0: {  	[tilespmem:s25+$0x0] =	vst v8  }
0xf1: {  	[spmem:s8] =	stream.linear.scatter [tilespmem:s19], [sflag:$0x1], $0x80, $0x38;
	[tilespmem:$0xAA80] =	vst v63  }
0xf2: {  	_ =	swait.ge [sflag:s11], $0x80  }
0xf3: {  	[sflag:s11] =	ssyncset.done $0x0  }
0xf4: {  	[sflag:s11] =	ssyncadd.s32 $0xFFFFFF80  }
0xf5: {  	[bflag:$0x0] =	sbarrier.arrive $0xFFFF  }
0xf6: {  	[tilespmem:s20], [sflag:$0x1] =	stream.linear.gather [spmem:s2], $0x800, $0x38;
	[tilespmem:$0xAA80] =	vst v63  }
0xf7: {  	_ =	swait.ge [sflag:s11], $0x800  }
0xf8: {  	[sflag:s11] =	ssyncset.done $0x0  }
0xf9: {  	s23 =	simm.s32 $0x400;
	[sflag:s11] =	ssyncadd.s32 $0xFFFFF800  }
0xfa: {  	v8 =	vld [tilespmem:s23+$0x0];
	_ =	sdelay $0x4  }
0xfb: {  	v8 =	vshll.u32 v8, $0x2;
	_ =	sdelay $0x1  }
0xfc: {  	s24 =	simm.s32 $0x0  }
0xfd: {  	v9 =	vmov s24  }
0xfe: {  	v9 =	vshll.u32 v9, $0x2  }
0xff: {  	v9 =	vor.u32 v7, v9;
	v10 =	vld.idx.msk [tilespmem:v8+s20+$0x0], $0xffff  }
0x100: {  	v11 =	vor.u32 $0x1, v8;
	_ =	sdelay $0x3  }
0x101: {  	[tilespmem:v9+s21+$0x0] =	vst.idx.msk $0xffff, v10  }
0x102: {  	v10 =	vld.idx.msk [tilespmem:v11+s20+$0x0], $0xffff;
	v11 =	vor.u32 $0x1, v9  }
0x103: {  	v12 =	vor.u32 $0x2, v8;
	_ =	sdelay $0x3  }
0x104: {  	[tilespmem:v11+s21+$0x0] =	vst.idx.msk $0xffff, v10  }
0x105: {  	v11 =	vor.u32 $0x2, v9;
	v10 =	vld.idx.msk [tilespmem:v12+s20+$0x0], $0xffff  }
0x106: {  	v8 =	vor.u32 $0x3, v8;
	_ =	sdelay $0x3  }
0x107: {  	[tilespmem:v11+s21+$0x0] =	vst.idx.msk $0xffff, v10  }
0x108: {  	s24 =	simm.s32 $0x10;
	v9 =	vor.u32 $0x3, v9;
	v8 =	vld.idx.msk [tilespmem:v8+s20+$0x0], $0xffff  }
.LBB2_10:
0x109: {  	_ =	sdelay $0x2  }
0x10a: {  	p0 =	sne.s32 s24, $0xF0  }
0x10b: {  	s23 =	sadd.s32 $0x10, s23;
	s25 =	smov.u32 s24;
	s24 =	sadd.s32 $0x10, s24;
	[tilespmem:v9+s21+$0x0] =	vst.idx.msk $0xffff, v8  }
0x10c: {  	v8 =	vld [tilespmem:s23+$0x0];
	_ =	sdelay $0x4  }
0x10d: {  	v8 =	vshll.u32 v8, $0x2;
	_ =	sdelay $0x3  }
0x10e: {  	v9 =	vmov s25  }
0x10f: {  	v9 =	vshll.u32 v9, $0x2;
	v10 =	vld.idx.msk [tilespmem:v8+s20+$0x0], $0xffff  }
0x110: {  	v9 =	vor.u32 v7, v9  }
0x111: {  	v11 =	vor.u32 $0x1, v8;
	_ =	sdelay $0x3  }
0x112: {  	[tilespmem:v9+s21+$0x0] =	vst.idx.msk $0xffff, v10  }
0x113: {  	v10 =	vld.idx.msk [tilespmem:v11+s20+$0x0], $0xffff  }
0x114: {  	v11 =	vor.u32 $0x1, v9  }
0x115: {  	v12 =	vor.u32 $0x2, v8;
	_ =	sdelay $0x3  }
0x116: {  	[tilespmem:v11+s21+$0x0] =	vst.idx.msk $0xffff, v10  }
0x117: {  	v10 =	vld.idx.msk [tilespmem:v12+s20+$0x0], $0xffff  }
0x118: {  	v11 =	vor.u32 $0x2, v9  }
0x119: {  	v8 =	vor.u32 $0x3, v8;
	_ =	sdelay $0x1  }
.Ltmp4:
0x11a: {  	(pc) =	sbr.rel @p0 .LBB2_10-.Ltmp4, $4  }
0x11b: {  	_ = 	snop  }
0x11c: {  	[tilespmem:v11+s21+$0x0] =	vst.idx.msk $0xffff, v10  }
0x11d: {  	v8 =	vld.idx.msk [tilespmem:v8+s20+$0x0], $0xffff  }
0x11e: {  	v9 =	vor.u32 $0x3, v9  }
0x11f: {  	_ =	sdelay $0x1  }
0x120: {  	s22 =	sadd.s32 $0x1, s22  }
0x121: {  	p0 =	sne.s32 s22, s10  }
.Ltmp5:
0x122: {  	[tilespmem:v9+s21+$0x0] =	vst.idx.msk $0xffff, v8;
	(pc) =	sbr.rel @p0 .LBB2_1-.Ltmp5, $4  }
0x123: {  	[hbm4b:s9+s12] =	stream.strided.scatter [tilespmem:s21], [sflag:$0x1], $0x400, s13, s12, $0x38;
	[tilespmem:$0xAA80] =	vst v63  }
0x124: {  	_ =	swait.ge [sflag:s11], $0x400  }
0x125: {  	[sflag:s11] =	ssyncset.done $0x0  }
0x126: {  	[sflag:s11] =	ssyncadd.s32 $0xFFFFFC00  }
0x127: {  	_ =	sfence.sel $0x180000  }
0x128: {  	[bflag:$0x0] =	sbarrier.arrive $0xFFFF  }
0x129: {  	p0 =	sne.s32 s1, $0x0;
	_ =	strace $0x90000047  }
0x12a: {  	s0 =	sadd.s32 @!p0 $0x100000, s0;
	[bflag:$0x2] =	sbarrier.arrive $0xFFFF  }
0x12b: {  	[sflag:s0] =	ssyncadd.tile.s32 @!p0 $0x1;
	_ =	shalt  }
.Lfunc_end2:
_tile_overlayer_lowered:
.L_overlay_start_2:
0x12c: {  	(tag) =	ssettag $0x2  }
0x12d: {  	s0 =	rddreg [dreg:$0x0];
	s2 =	stileid.u32  }
0x12e: {  	s1 =	rddreg [dreg:$0x1];
	p0 =	sne.s32 s2, $0x0  }
0x12f: {  	s3 =	rddreg [dreg:$0x2];
	[bflag:$0x3] =	sbarrier.arrive $0xFFFF;
	s2 =	simm.s32 @!p0 $0x1C01  }
0x130: {  	[timem:s3], [sflag:s2] =	dma.local @!p0 [hbm:s0], s1  }
0x131: {  	s0 =	simm.s32 @!p0 $0x1  }
0x132: {  	_ =	swait.ge @!p0 [sflag:s0], s1  }
0x133: {  	s1 =	ssub.s32 @!p0 $0x0, s1;
	[sflag:s0] =	ssyncset.done @!p0 $0x0  }
0x134: {  	[sflag:s0] =	ssyncadd.s32 @!p0 s1  }
0x135: {  	[bflag:$0x3] =	sbarrier.arrive $0xFFFF  }
0x136: {  	_ =	shalt  }

// kernel: kernel.9.cloned.1.call-start
scs
__scs_entry_jumppad:
0x0: {  	(pc) =	sbr.rel $0x88, $3  }
0x1: {  	(tag) =	ssettag $0x0;
	lr =	simm.s32 $0x1  }
0x2: {  	[smem:$0x3F89] =	sst lr;
	_ =	strace $0xD0000000  }
0x3: {  	_ = 	snop  }
0x4: {  	_ = 	snop  }
0x5: {  	_ = 	snop  }
0x6: {  	_ = 	snop  }
0x7: {  	_ = 	snop  }
__scs_overlays_trampoline_lowered:
0x8: {  	[smem:$0x3F98] =	sst s0  }
0x9: {  	[smem:$0x3F99] =	sst s1  }
0xa: {  	[smem:$0x3F9A] =	sst s2  }
0xb: {  	[smem:$0x3F9B] =	sst s3  }
0xc: {  	[smem:$0x3F9C] =	sst s4  }
0xd: {  	[smem:$0x3F9D] =	sst s5  }
0xe: {  	[smem:$0x3F9E] =	sst s6  }
0xf: {  	[smem:$0x3F9F] =	sst s7  }
0x10: {  	[smem:$0x3FA0] =	sst s8  }
0x11: {  	[smem:$0x3FA1] =	sst s9;
	s0 =	simm.s32 @!p0 $0x0  }
0x12: {  	s1 =	sld [smem:$0x3F87];
	s0 =	simm.s32 @p0 $0x1  }
0x13: {  	[smem:$0x3FA2] =	sst s0;
	s0 =	simm.s32 @!p1 $0x0  }
0x14: {  	s2 =	sld [smem:$0x3F86];
	s0 =	simm.s32 @p1 $0x1  }
0x15: {  	[smem:$0x3FA3] =	sst s0;
	s0 =	simm.s32 @!p2 $0x0  }
0x16: {  	s3 =	sld [smem:$0x3FDB];
	s0 =	simm.s32 @p2 $0x1  }
0x17: {  	s4 =	simm.s32 $0x1BF5;
	[smem:$0x3FA5] =	sst s0  }
0x18: {  	s0 =	sld [smem:$0x3F88];
	_ =	swait.ge [sflag:s4], $0x0  }
0x19: {  	s7 =	sld [smem:$0x3F89]  }
0x1a: {  	s8 =	sadd.s32 $0xFFFFE003, lr  }
0x1b: {  	s9 =	sadd.s32 $0xFFFFFEF7, lr;
	s5 =	simm.s32 $0xFFFFFFFF;
	p2 =	slt.u32 s8, $0xFFFFF086  }
0x1c: {  	p1 =	slt.u32 s9, $0xF7A;
	s5 =	simm.s32 @!p2 $0x0  }
0x1d: {  	s5 =	simm.s32 @p1 $0x1;
	p0 =	seq.s32 s7, s2  }
0x1e: {  	s7 =	smul.u32 @!p0 $0xF7A, s2;
	p2 =	seq.s32 @!p0 s5, $0x0  }
0x1f: {  	s9 =	smul.u32 $0xF7A, s1;
	s8 =	simm.s32 @!p0 $0x1BF5;
	p2 =	por !p2, p0  }
0x20: {  	[sflag:s8] =	ssyncset.s32 @!p0 $0xFFFFF086;
	s6 =	sadd.s32 @!p0 s3, s7;
	s7 =	simm.s32 @!p0 $0x108  }
0x21: {  	s3 =	sadd.s32 s3, s9;
	s6 =	sadd.s32 @!p0 $0x88, s6;
	s7 =	simm.s32 @p2 $0x1082  }
0x22: {  	[simem:s7], [sflag:s8] =	dma.local @!p0 [hbm:s6], $0xF7A  }
0x23: {  	s9 =	sor.u32 $0xD0000000, s2;
	s6 =	simm.s32 $0x108;
	_ =	swait.ge @!p0 [sflag:s8], $0x0  }
0x24: {  	s3 =	sadd.s32 $0x88, s3;
	s6 =	simm.s32 @!p1 $0x1082;
	[sflag:s4] =	ssyncset.s32 $0xFFFFF086  }
0x25: {  	[simem:s6], [sflag:s4] =	dma.local [hbm:s3], $0xF7A  }
0x26: {  	[smem:$0x3F89] =	sst s1;
	(tag) =	ssettag s2;
	_ =	strace s9  }
0x27: {  	s1 =	sld [smem:$0x3F99]  }
0x28: {  	s2 =	sld [smem:$0x3F9A]  }
0x29: {  	s4 =	sld [smem:$0x3F9C]  }
0x2a: {  	p0 =	seq.s32 s5, $0x0;
	s5 =	sld [smem:$0x3F9D]  }
0x2b: {  	s6 =	sld [smem:$0x3F9E]  }
0x2c: {  	s7 =	sld [smem:$0x3F9F]  }
0x2d: {  	s3 =	simm.s32 $0x108;
	s8 =	sld [smem:$0x3FA0]  }
0x2e: {  	s3 =	simm.s32 @!p0 $0x1082;
	s9 =	sld [smem:$0x3FA1]  }
0x2f: {  	lr =	sadd.s32 s0, s3;
	s0 =	sld [smem:$0x3F98]  }
0x30: {  	s3 =	sld [smem:$0x3F9B]  }
0x31: {  	[smem:$0x3FA4] =	sst s10  }
0x32: {  	s10 =	sld [smem:$0x3FA2];
	_ =	sdelay $0x3  }
0x33: {  	p0 =	seq.s32 s10, $0x1;
	s10 =	sld [smem:$0x3FA4];
	_ =	sdelay $0x3  }
0x34: {  	[smem:$0x3FA4] =	sst s10  }
0x35: {  	s10 =	sld [smem:$0x3FA3];
	_ =	sdelay $0x3  }
0x36: {  	p1 =	seq.s32 s10, $0x1;
	s10 =	sld [smem:$0x3FA4];
	_ =	sdelay $0x3  }
0x37: {  	[smem:$0x3FA4] =	sst s10  }
0x38: {  	s10 =	sld [smem:$0x3FA5]  }
0x39: {  	_ = 	snop;
	(pc) =	sbr.ind lr, $3  }
0x3a: {  	_ = 	snop  }
0x3b: {  	_ = 	snop  }
0x3c: {  	p2 =	seq.s32 s10, $0x1;
	s10 =	sld [smem:$0x3FA4]  }
0x3d: {  	_ =	shalt  }
0x3e: {  	_ =	shalt  }
0x3f: {  	_ =	shalt  }
0x40: {  	_ =	shalt  }
0x41: {  	_ =	shalt  }
0x42: {  	_ =	shalt  }
0x43: {  	_ =	shalt  }
0x44: {  	_ =	shalt  }
0x45: {  	_ =	shalt  }
0x46: {  	_ =	shalt  }
0x47: {  	_ =	shalt  }
0x48: {  	_ =	shalt  }
0x49: {  	_ =	shalt  }
0x4a: {  	_ =	shalt  }
0x4b: {  	_ =	shalt  }
0x4c: {  	_ =	shalt  }
0x4d: {  	_ =	shalt  }
0x4e: {  	_ =	shalt  }
0x4f: {  	_ =	shalt  }
0x50: {  	_ =	shalt  }
0x51: {  	_ =	shalt  }
0x52: {  	_ =	shalt  }
0x53: {  	_ =	shalt  }
0x54: {  	_ =	shalt  }
0x55: {  	_ =	shalt  }
0x56: {  	_ =	shalt  }
0x57: {  	_ =	shalt  }
0x58: {  	_ =	shalt  }
0x59: {  	_ =	shalt  }
0x5a: {  	_ =	shalt  }
0x5b: {  	_ =	shalt  }
0x5c: {  	_ =	shalt  }
0x5d: {  	_ =	shalt  }
0x5e: {  	_ =	shalt  }
0x5f: {  	_ =	shalt  }
0x60: {  	_ =	shalt  }
0x61: {  	_ =	shalt  }
0x62: {  	_ =	shalt  }
0x63: {  	_ =	shalt  }
0x64: {  	_ =	shalt  }
0x65: {  	_ =	shalt  }
0x66: {  	_ =	shalt  }
0x67: {  	_ =	shalt  }
0x68: {  	_ =	shalt  }
0x69: {  	_ =	shalt  }
0x6a: {  	_ =	shalt  }
0x6b: {  	_ =	shalt  }
0x6c: {  	_ =	shalt  }
0x6d: {  	_ =	shalt  }
0x6e: {  	_ =	shalt  }
0x6f: {  	_ =	shalt  }
0x70: {  	_ =	shalt  }
0x71: {  	_ =	shalt  }
0x72: {  	_ =	shalt  }
0x73: {  	_ =	shalt  }
0x74: {  	_ =	shalt  }
0x75: {  	_ =	shalt  }
0x76: {  	_ =	shalt  }
0x77: {  	_ =	shalt  }
0x78: {  	_ =	shalt  }
0x79: {  	_ =	shalt  }
0x7a: {  	_ =	shalt  }
0x7b: {  	_ =	shalt  }
0x7c: {  	_ =	shalt  }
0x7d: {  	_ =	shalt  }
0x7e: {  	_ =	shalt  }
0x7f: {  	_ =	shalt  }
0x80: {  	_ =	shalt  }
0x81: {  	_ =	shalt  }
0x82: {  	_ =	shalt  }
0x83: {  	_ =	shalt  }
0x84: {  	_ =	shalt  }
0x85: {  	_ =	shalt  }
0x86: {  	_ =	shalt  }
0x87: {  	_ =	shalt  }
.Lfunc_end0:
.L_simem_size_0:
called_computation.1_lowered:
.L_overlay_start_0:
0x88: {  	s2 =	sld [smem:$0x3FD9]  }
0x89: {  	s3 =	sld [smem:$0x3FFE];
	_ =	sdelay $0x1  }
0x8a: {  	s1 =	srdreg.scid  }
0x8b: {  	s0 =	sand.u32 $0x1, s1  }
0x8c: {  	s14 =	sshll.u32 s0, $0xA;
	s2 =	sadd.s32 s3, s2  }
0x8d: {  	s2 =	sadd.s32 s2, s14  }
0x8e: {  	[smem:$0x3FB0] =	sst s2  }
0x8f: {  	_ = 	snop  }
0x90: {  	s2 =	sld [smem:$0x3FD0];
	_ =	sdelay $0x2  }
0x91: {  	s15 =	simm.s32 $0xA;
	s4 =	simm.s32 $0x10  }
0x92: {  	[smem:s4], [sflag:s15] =	dma.local [hbm:s2], $0x1  }
0x93: {  	_ =	swait.eq [sflag:s15], $0x1  }
0x94: {  	[sflag:s15] =	ssyncset.done $0x0  }
0x95: {  	s16 =	sld [smem:$0x10];
	[sflag:s15] =	ssyncadd.s32 $0xFFFFFFFF  }
0x96: {  	s17 =	sld [smem:$0x11];
	(tm) =	ssettm $0x1  }
0x97: {  	s18 =	sld [smem:$0x3FFB];
	_ =	sdelay $0x3  }
0x98: {  	_ =	strace s18  }
0x99: {  	s4 =	sld [smem:$0x3FFC];
	_ =	sdelay $0x3  }
0x9a: {  	_ =	strace s4  }
0x9b: {  	s4 =	sld [smem:$0x3FFD];
	_ =	sdelay $0x3  }
0x9c: {  	_ =	strace s4  }
0x9d: {  	_ =	strace $0x8FFFFFFF  }
0x9e: {  	s19 =	sld [smem:$0x3FDB];
	_ =	sdelay $0x1  }
0x9f: {  	s5 =	simm.s32 $_scs_section_size  }
0xa0: {  	s6 =	simm.s32 $_size__tile_overlayer_lowered;
	s7 =	simm.s32 $_tile_overlayer_lowered  }
0xa1: {  	s22 =	simm.s32 $0x1BFF;
	s21 =	sshll.u32 s7, $0x1;
	s4 =	sadd.s32 s5, s19  }
0xa2: {  	s8 =	simm.s32 $0x0;
	s20 =	sshll.u32 s6, $0x1;
	s6 =	sadd.s32 s21, s4  }
0xa3: {  	[timem:s8], [sflag:s22] =	dma.local [hbm:s6], s20  }
0xa4: {  	_ =	swait.ge [sflag:s22], s20  }
0xa5: {  	s5 =	ssub.s32 $0x0, s20;
	[sflag:s22] =	ssyncset.done $0x0  }
0xa6: {  	[sflag:s22] =	ssyncadd.s32 s5;
	_ =	sdelay $0x1  }
0xa7: {  	s23 =	simm.s32 $0x1B8B  }
0xa8: {  	_ =	swait.ge [sflag:s23], $0x1  }
0xa9: {  	[sflag:s23] =	ssyncset.done $0x0  }
0xaa: {  	s25 =	simm.s32 $0x1B8E;
	s24 =	sld [smem:$0x3FFE];
	[sflag:s23] =	ssyncadd.s32 $0xFFFFFFFF  }
0xab: {  	s26 =	simm.s32 $execute0_lowered;
	[smem:$0x3FD2] =	sst s25  }
0xac: {  	s6 =	sshll.u32 s26, $0x1;
	_ =	strace $0x80000049;
	[dreg:$0x1] =	wrdreg $0xFFFFFFFF  }
0xad: {  	s28 =	simm.s32 $_size_execute0_lowered;
	s4 =	sadd.s32 s4, s6;
	[dreg:$0x0] =	wrdreg $0x0  }
0xae: {  	s6 =	sshll.u32 s28, $0x1;
	[dreg:$0x2] =	wrdreg s4  }
0xaf: {  	[dreg:$0x3] =	wrdreg s6  }
0xb0: {  	[dreg:$0x4] =	wrdreg $0xC0  }
0xb1: {  	_ =	task [dreg:s8], $0x5FFFF  }
0xb2: {  	[dreg:$0x1] =	wrdreg $0xFFFFFFFF  }
0xb3: {  	[dreg:$0x0] =	wrdreg $0x60  }
0xb4: {  	[dreg:$0x2] =	wrdreg s24  }
0xb5: {  	[dreg:$0x3] =	wrdreg s17  }
0xb6: {  	[dreg:$0x4] =	wrdreg s16  }
0xb7: {  	[dreg:$0x5] =	wrdreg $0x9  }
0xb8: {  	_ =	task.clear_ibuf [dreg:s8], $0x6FFFF;
	_ =	strace $0x90000049  }
0xb9: {  	s29 =	simm.s32 $0x9;
	_ =	strace $0x8000004B  }
0xba: {  	_ =	swait.ge [sflag:s29], $0x1  }
0xbb: {  	[sflag:s29] =	ssyncadd.s32 $0xFFFFFFFF  }
0xbc: {  	_ =	strace $0x9000004B  }
0xbd: {  	_ =	sfence  }
0xbe: {  	s30 =	sld [smem:$0x0];
	_ =	sdelay $0x2  }
0xbf: {  	s31 =	sshll.u32 s1, $0xD;
	s1 =	sshrl.u32 s1, $0x2  }
0xc0: {  	s3 =	sand.u32 $0x4000, s31;
	s1 =	sadd.s32 s1, s30  }
0xc1: {  	s0 =	sor.u32 s3, s0;
	s1 =	sshll.u32 s1, $0x11  }
0xc2: {  	s0 =	sor.u32 s1, s0  }
0xc3: {  	s0 =	sadd.s32 $0x8F2B, s0  }
0xc4: {  	[sflag:s0] =	ssyncadd.remote.s32 $0x1  }
0xc5: {  	_ =	sfence.sel $0xFFFF  }
0xc6: {  	[dreg:$0x0] =	wrdreg $0xFFFFFFFF;
	(pc) =	sbr.abs _section_cstart, $3  }
0xc7: {  	[dreg:$0x1] =	wrdreg $0xFFFFFFFF  }
0xc8: {  	_ =	task.clear_ibuf [dreg:s8], $0x2FFFF;
	_ =	strace $0x9FFFFFFF  }
0xc9: {  	(tm) =	ssettm $0x7FFFFFFF  }
tec
execute0_lowered:
.L_overlay_start_1:
0x0: {  	(tag) =	ssettag $0x1  }
0x1: {  	s0 =	rddreg [dreg:$0x0]  }
0x2: {  	s1 =	rddreg [dreg:$0x2];
	s2 =	srdreg.scid  }
0x3: {  	s3 =	simm.s32 $0x0;
	s5 =	stileid.u32;
	s9 =	simm.s32 $0xBC00  }
0x4: {  	s10 =	simm.s32 $0xC400;
	s11 =	simm.s32 $0xCC00;
	s16 =	simm.s32 $0xD400  }
0x5: {  	s17 =	simm.s32 $0xDC00;
	s18 =	simm.s32 $0xE400;
	s19 =	simm.s32 $0xEC00  }
0x6: {  	s20 =	simm.s32 $0xF400;
	s21 =	simm.s32 $0xFC00;
	s22 =	simm.s32 $0x2  }
0x7: {  	s2 =	sand.u32 $0x1, s2;
	[smem:$0x7FF] =	sst s3;
	s8 =	sadd.s32 $0x4600, s0  }
0x8: {  	s25 =	sadd.s32 $0x2400, s0;
	_ =	strace $0x8000004A;
	[dreg:$0x4] =	wrdreg s8  }
0x9: {  	s4 =	sshll.u32 s2, $0x4;
	[dreg:$0x5] =	wrdreg s25;
	s2 =	ssub.s32 $0x2, s2  }
0xa: {  	s8 =	simm.s32 $0xB400;
	s5 =	sor.u32 s5, s4;
	s4 =	sadd.s32 $0x5200, s0  }
0xb: {  	s28 =	sshrl.u32 s2, $0x1;
	s6 =	sshll.u32 s5, $0x7;
	s7 =	sshll.u32 s5, $0x3  }
0xc: {  	s26 =	sshll.u32 s5, $0xB;
	s5 =	smul.u32 $0x18, s5;
	s2 =	ssub.s32 s2, s28  }
0xd: {  	s6 =	sadd.s32 s6, s0;
	s7 =	sadd.s32 s7, s0;
	s31 =	smax.u32 s2, $0x1  }
.Ltmp0:
0xe: {  	s6 =	sadd.s32 $0x3600, s6;
	[dreg:$0xa] =	wrdreg s31;
	(pc) =	sbr.rel .LBB2_1-.Ltmp0, $4  }
0xf: {  	s0 =	sadd.s32 s26, s0;
	s29 =	sadd.s32 $0x3400, s7;
	[dreg:$0x6] =	wrdreg s6  }
0x10: {  	v0 =	vlaneseq.u32;
	s2 =	simm.s32 $0x3;
	s0 =	sadd.s32 $0x45200, s0;
	[dreg:$0x7] =	wrdreg s29  }
0x11: {  	vm0 =	vmmov $0xffff;
	v2 =	vshrl.u32 v0, $0x3;
	s30 =	sadd.s32 s1, s5;
	s1 =	simm.s32 $0x1;
	[dreg:$0x8] =	wrdreg s0  }
0x12: {  	v1 =	vand.u32 $0x7, v0;
	v3 =	vor.u32 $0x8, v0;
	v2 =	vmul.u32 $0x8, v2;
	s5 =	simm.s32 $0x0;
	[dreg:$0x9] =	wrdreg s30;
	s6 =	simm.s32 $0x14680  }
.LBB2_74:
0x13: {  	s0 =	rddreg [dreg:$0x8];
	s2 =	simm.s32 $0x10600  }
0x14: {  	[hbm4b:s0+s3] =	stream.linear.scatter [tilespmem:s2], [sflag:$0x3], $0x4000, $0x38;
	[tilespmem:$0x1A780] =	vst v63  }
0x15: {  	s2 =	simm.s32 $0x3  }
0x16: {  	_ =	swait.ge [sflag:s2], $0x4000  }
0x17: {  	[sflag:s2] =	ssyncset.done $0x0  }
0x18: {  	[sflag:s2] =	ssyncadd.s32 $0xFFFFC000  }
0x19: {  	v4 =	vld [tilespmem:$0x14600];
	_ =	sdelay $0x4  }
0x1a: {  	v4 =	vmul.u32 $0x3, v4;
	_ =	sdelay $0x4  }
0x1b: {  	v5 =	vmul.u32 $0x3, v0;
	s6 =	simm.s32 $0x14680  }
0x1c: {  	v6 =	vld.idx.msk [tilespmem:v4+s6+$0x0], $0xffff  }
0x1d: {  	v7 =	vadd.s32 $0x1, v4;
	_ =	sdelay $0x2  }
0x1e: {  	s5 =	simm.s32 $0x1A680  }
0x1f: {  	[tilespmem:v5+s5+$0x0] =	vst.idx.msk $0xffff, v6  }
0x20: {  	v52 =	vadd.s32 $0x1, v5;
	v6 =	vld.idx.msk [tilespmem:v7+s6+$0x0], $0xffff  }
0x21: {  	v4 =	vadd.s32 $0x2, v4;
	_ =	sdelay $0x3  }
0x22: {  	[tilespmem:v52+s5+$0x0] =	vst.idx.msk $0xffff, v6  }
0x23: {  	v53 =	vadd.s32 $0x2, v5;
	v4 =	vld.idx.msk [tilespmem:v4+s6+$0x0], $0xffff;
	_ =	sdelay $0x4  }
0x24: {  	[tilespmem:v53+s5+$0x0] =	vst.idx.msk $0xffff, v4  }
0x25: {  	v4 =	vld [tilespmem:$0x14610];
	_ =	sdelay $0x4  }
0x26: {  	v4 =	vmul.u32 $0x3, v4;
	_ =	sdelay $0x5  }
0x27: {  	v54 =	vadd.s32 $0x30, v5;
	v6 =	vld.idx.msk [tilespmem:v4+s6+$0x0], $0xffff  }
0x28: {  	v8 =	vadd.s32 $0x1, v4;
	_ =	sdelay $0x3  }
0x29: {  	[tilespmem:v54+s5+$0x0] =	vst.idx.msk $0xffff, v6  }
0x2a: {  	v55 =	vadd.s32 $0x31, v5;
	v6 =	vld.idx.msk [tilespmem:v8+s6+$0x0], $0xffff  }
0x2b: {  	v4 =	vadd.s32 $0x2, v4;
	_ =	sdelay $0x3  }
0x2c: {  	[tilespmem:v55+s5+$0x0] =	vst.idx.msk $0xffff, v6  }
0x2d: {  	v56 =	vadd.s32 $0x32, v5;
	v4 =	vld.idx.msk [tilespmem:v4+s6+$0x0], $0xffff;
	_ =	sdelay $0x4  }
0x2e: {  	[tilespmem:v56+s5+$0x0] =	vst.idx.msk $0xffff, v4  }
0x2f: {  	v4 =	vld [tilespmem:$0x14620];
	_ =	sdelay $0x4  }
0x30: {  	v4 =	vmul.u32 $0x3, v4;
	_ =	sdelay $0x5  }
0x31: {  	v57 =	vadd.s32 $0x60, v5;
	v6 =	vld.idx.msk [tilespmem:v4+s6+$0x0], $0xffff  }
0x32: {  	v58 =	vadd.s32 $0x1, v4;
	_ =	sdelay $0x3  }
0x33: {  	[tilespmem:v57+s5+$0x0] =	vst.idx.msk $0xffff, v6  }
0x34: {  	v59 =	vadd.s32 $0x61, v5;
	v6 =	vld.idx.msk [tilespmem:v58+s6+$0x0], $0xffff  }
0x35: {  	v4 =	vadd.s32 $0x2, v4;
	_ =	sdelay $0x3  }
0x36: {  	[tilespmem:v59+s5+$0x0] =	vst.idx.msk $0xffff, v6  }
0x37: {  	v60 =	vadd.s32 $0x62, v5;
	v4 =	vld.idx.msk [tilespmem:v4+s6+$0x0], $0xffff;
	_ =	sdelay $0x4  }
0x38: {  	[tilespmem:v60+s5+$0x0] =	vst.idx.msk $0xffff, v4  }
0x39: {  	v4 =	vld [tilespmem:$0x14630];
	_ =	sdelay $0x4  }
0x3a: {  	v4 =	vmul.u32 $0x3, v4;
	_ =	sdelay $0x5  }
0x3b: {  	v61 =	vadd.s32 $0x90, v5;
	v6 =	vld.idx.msk [tilespmem:v4+s6+$0x0], $0xffff  }
0x3c: {  	v62 =	vadd.s32 $0x1, v4;
	_ =	sdelay $0x3  }
0x3d: {  	[tilespmem:v61+s5+$0x0] =	vst.idx.msk $0xffff, v6  }
0x3e: {  	v63 =	vadd.s32 $0x91, v5;
	v6 =	vld.idx.msk [tilespmem:v62+s6+$0x0], $0xffff  }
0x3f: {  	v4 =	vadd.s32 $0x2, v4;
	_ =	sdelay $0x3  }
0x40: {  	[tilespmem:v63+s5+$0x0] =	vst.idx.msk $0xffff, v6  }
0x41: {  	v5 =	vadd.s32 $0x92, v5;
	v4 =	vld.idx.msk [tilespmem:v4+s6+$0x0], $0xffff;
	_ =	sdelay $0x4  }
0x42: {  	s29 =	rddreg [dreg:$0x9];
	[tilespmem:v5+s5+$0x0] =	vst.idx.msk $0xffff, v4  }
0x43: {  	[hbm4b:s29+s3] =	stream.linear.scatter [tilespmem:s5], [sflag:$0x3], $0xC0, $0x38;
	[tilespmem:$0x1A780] =	vst v63  }
0x44: {  	_ =	swait.ge [sflag:s2], $0xC0  }
0x45: {  	s30 =	rddreg [dreg:$0xb]  }
0x46: {  	s31 =	rddreg [dreg:$0xa];
	s5 =	sadd.s32 $0x1, s30  }
0x47: {  	p0 =	sne.s32 s5, s31  }
.Ltmp1:
0x48: {  	_ = 	snop;
	(pc) =	sbr.rel @!p0 .LBB2_75-.Ltmp1, $3  }
0x49: {  	_ =	sdelay $0x1  }
0x4a: {  	[sflag:s2] =	ssyncset.done $0x0  }
0x4b: {  	[sflag:s2] =	ssyncadd.s32 $0xFFFFFF40  }
.LBB2_1:
0x4c: {  	[dreg:$0xb] =	wrdreg s5  }
0x4d: {  	s0 =	rddreg [dreg:$0x6]  }
0x4e: {  	[tilespmem:s3], [sflag:$0x3] =	stream.linear.gather [hbm4b:s0+s3], $0x400, $0x38;
	[tilespmem:$0x1A780] =	vst v63  }
0x4f: {  	_ =	swait.ge [sflag:s2], $0x400  }
0x50: {  	[sflag:s2] =	ssyncset.done $0x0  }
0x51: {  	s25 =	simm.s32 $0x10400;
	s24 =	rddreg [dreg:$0x5];
	[sflag:s2] =	ssyncadd.s32 $0xFFFFFC00  }
0x52: {  	[tilespmem:s25], [sflag:$0x3] =	stream.linear.gather [hbm4b:s24+s3], $0x100, $0x38;
	[tilespmem:$0x1A780] =	vst v63  }
0x53: {  	_ =	swait.ge [sflag:s2], $0x100  }
0x54: {  	[sflag:s2] =	ssyncset.done $0x0  }
0x55: {  	[sflag:s2] =	ssyncadd.s32 $0xFFFFFF00  }
0x56: {  	s28 =	simm.s32 $0x10500;
	s26 =	rddreg [dreg:$0x1]  }
0x57: {  	[tilespmem:s28], [sflag:$0x3] =	stream.linear.gather [hbm4b:s26+s3], $0x100, $0x38;
	[tilespmem:$0x1A780] =	vst v63  }
0x58: {  	_ =	swait.ge [sflag:s2], $0x100  }
0x59: {  	[sflag:s2] =	ssyncset.done $0x0  }
0x5a: {  	s30 =	simm.s32 $0x14600;
	s29 =	rddreg [dreg:$0x7];
	[sflag:s2] =	ssyncadd.s32 $0xFFFFFF00  }
0x5b: {  	[tilespmem:s30], [sflag:$0x3] =	stream.linear.gather [hbm4b:s29+s3], $0x40, $0x38;
	[tilespmem:$0x1A780] =	vst v63  }
0x5c: {  	_ =	swait.ge [sflag:s2], $0x40  }
0x5d: {  	[sflag:s2] =	ssyncset.done $0x0  }
0x5e: {  	s31 =	rddreg [dreg:$0x4];
	[sflag:s2] =	ssyncadd.s32 $0xFFFFFFC0  }
0x5f: {  	[tilespmem:s6], [sflag:$0x3] =	stream.linear.gather [hbm4b:s31+s3], $0x6000, $0x38;
	[tilespmem:$0x1A780] =	vst v63  }
0x60: {  	_ =	swait.ge [sflag:s2], $0x6000  }
0x61: {  	[sflag:s2] =	ssyncset.done $0x0  }
0x62: {  	[sflag:s2] =	ssyncadd.s32 $0xFFFFA000  }
0x63: {  	v4 =	vld [tilespmem:$0x0];
	_ =	sdelay $0x4  }
0x64: {  	v5 =	vshll.u32 v4, $0x1  }
0x65: {  	v4 =	vand.u32 $0x7, v4;
	v5 =	vand.u32 $0xFFFFFFF0, v5  }
0x66: {  	v4 =	vor.u32 v4, v5  }
0x67: {  	v5 =	vperm.xlane v4, v1;
	_ =	sdelay $0x1  }
0x68: {  	v4 =	vperm.xlane v4, v3;
	v5 =	vadd.s32 v2, v5;
	_ =	sdelay $0x1  }
0x69: {  	v4 =	vadd.s32 v2, v4;
	_ =	sdelay $0x1  }
0x6a: {  	s2 =	simm.s32 $0x400  }
0x6b: {  	[tilespmem:s2], [sflag:$0x1] =	stream.indirect_vreg.gather [hbm4b:s4+s3], $0x80, v5, vm0, $0xb8;
	[tilespmem:$0x1A780] =	vst v63  }
0x6c: {  	s5 =	simm.s32 $0xC00  }
0x6d: {  	[tilespmem:s5], [sflag:$0x1] =	stream.indirect_vreg.gather [hbm4b:s4+s3], $0x80, v4, vm0, $0xb8;
	[tilespmem:$0x1A780] =	vst v63  }
0x6e: {  	v4 =	vld [tilespmem:$0x10];
	_ =	sdelay $0x4  }
0x6f: {  	v5 =	vshll.u32 v4, $0x1  }
0x70: {  	v4 =	vand.u32 $0x7, v4;
	v5 =	vand.u32 $0xFFFFFFF0, v5  }
0x71: {  	v4 =	vor.u32 v4, v5  }
0x72: {  	v5 =	vperm.xlane v4, v1;
	_ =	sdelay $0x1  }
0x73: {  	v4 =	vperm.xlane v4, v3;
	v5 =	vadd.s32 v2, v5;
	_ =	sdelay $0x1  }
0x74: {  	v4 =	vadd.s32 v2, v4;
	_ =	sdelay $0x1  }
0x75: {  	s6 =	simm.s32 $0x1400  }
0x76: {  	[tilespmem:s6], [sflag:$0x1] =	stream.indirect_vreg.gather [hbm4b:s4+s3], $0x80, v5, vm0, $0xb8;
	[tilespmem:$0x1A780] =	vst v63  }
0x77: {  	s7 =	simm.s32 $0x1C00  }
0x78: {  	[tilespmem:s7], [sflag:$0x1] =	stream.indirect_vreg.gather [hbm4b:s4+s3], $0x80, v4, vm0, $0xb8;
	[tilespmem:$0x1A780] =	vst v63  }
0x79: {  	v4 =	vld [tilespmem:$0x20];
	_ =	sdelay $0x4  }
0x7a: {  	v5 =	vshll.u32 v4, $0x1  }
0x7b: {  	v4 =	vand.u32 $0x7, v4;
	v5 =	vand.u32 $0xFFFFFFF0, v5  }
0x7c: {  	v4 =	vor.u32 v4, v5  }
0x7d: {  	v5 =	vperm.xlane v4, v1;
	_ =	sdelay $0x1  }
0x7e: {  	v4 =	vperm.xlane v4, v3;
	v5 =	vadd.s32 v2, v5;
	_ =	sdelay $0x1  }
0x7f: {  	v4 =	vadd.s32 v2, v4;
	_ =	sdelay $0x1  }
0x80: {  	s12 =	simm.s32 $0x2400  }
0x81: {  	[tilespmem:s12], [sflag:$0x1] =	stream.indirect_vreg.gather [hbm4b:s4+s3], $0x80, v5, vm0, $0xb8;
	[tilespmem:$0x1A780] =	vst v63  }
0x82: {  	s13 =	simm.s32 $0x2C00  }
0x83: {  	[tilespmem:s13], [sflag:$0x1] =	stream.indirect_vreg.gather [hbm4b:s4+s3], $0x80, v4, vm0, $0xb8;
	[tilespmem:$0x1A780] =	vst v63  }
0x84: {  	v4 =	vld [tilespmem:$0x30];
	_ =	sdelay $0x4  }
0x85: {  	v5 =	vshll.u32 v4, $0x1  }
0x86: {  	v4 =	vand.u32 $0x7, v4;
	v5 =	vand.u32 $0xFFFFFFF0, v5  }
0x87: {  	v4 =	vor.u32 v4, v5  }
0x88: {  	v5 =	vperm.xlane v4, v1;
	_ =	sdelay $0x1  }
0x89: {  	v4 =	vperm.xlane v4, v3;
	v5 =	vadd.s32 v2, v5;
	_ =	sdelay $0x1  }
0x8a: {  	v4 =	vadd.s32 v2, v4;
	_ =	sdelay $0x1  }
0x8b: {  	s14 =	simm.s32 $0x3400  }
0x8c: {  	[tilespmem:s14], [sflag:$0x1] =	stream.indirect_vreg.gather [hbm4b:s4+s3], $0x80, v5, vm0, $0xb8;
	[tilespmem:$0x1A780] =	vst v63  }
0x8d: {  	s15 =	simm.s32 $0x3C00  }
0x8e: {  	[tilespmem:s15], [sflag:$0x1] =	stream.indirect_vreg.gather [hbm4b:s4+s3], $0x80, v4, vm0, $0xb8;
	[tilespmem:$0x1A780] =	vst v63  }
0x8f: {  	v4 =	vld [tilespmem:$0x40];
	_ =	sdelay $0x4  }
0x90: {  	v5 =	vshll.u32 v4, $0x1  }
0x91: {  	v4 =	vand.u32 $0x7, v4;
	v5 =	vand.u32 $0xFFFFFFF0, v5  }
0x92: {  	v4 =	vor.u32 v4, v5  }
0x93: {  	v5 =	vperm.xlane v4, v1;
	_ =	sdelay $0x1  }
0x94: {  	v4 =	vperm.xlane v4, v3;
	v5 =	vadd.s32 v2, v5;
	_ =	sdelay $0x1  }
0x95: {  	v4 =	vadd.s32 v2, v4;
	_ =	sdelay $0x1  }
0x96: {  	s23 =	simm.s32 $0x4400  }
0x97: {  	[tilespmem:s23], [sflag:$0x1] =	stream.indirect_vreg.gather [hbm4b:s4+s3], $0x80, v5, vm0, $0xb8;
	[tilespmem:$0x1A780] =	vst v63  }
0x98: {  	s24 =	simm.s32 $0x4C00  }
0x99: {  	[tilespmem:s24], [sflag:$0x1] =	stream.indirect_vreg.gather [hbm4b:s4+s3], $0x80, v4, vm0, $0xb8;
	[tilespmem:$0x1A780] =	vst v63  }
0x9a: {  	v4 =	vld [tilespmem:$0x50];
	_ =	sdelay $0x4  }
0x9b: {  	v5 =	vshll.u32 v4, $0x1  }
0x9c: {  	v4 =	vand.u32 $0x7, v4;
	v5 =	vand.u32 $0xFFFFFFF0, v5  }
0x9d: {  	v4 =	vor.u32 v4, v5  }
0x9e: {  	v5 =	vperm.xlane v4, v1;
	_ =	sdelay $0x1  }
0x9f: {  	v4 =	vperm.xlane v4, v3;
	v5 =	vadd.s32 v2, v5;
	_ =	sdelay $0x1  }
0xa0: {  	v4 =	vadd.s32 v2, v4;
	_ =	sdelay $0x1  }
0xa1: {  	s25 =	simm.s32 $0x5400  }
0xa2: {  	[tilespmem:s25], [sflag:$0x1] =	stream.indirect_vreg.gather [hbm4b:s4+s3], $0x80, v5, vm0, $0xb8;
	[tilespmem:$0x1A780] =	vst v63  }
0xa3: {  	s26 =	simm.s32 $0x5C00  }
0xa4: {  	[tilespmem:s26], [sflag:$0x1] =	stream.indirect_vreg.gather [hbm4b:s4+s3], $0x80, v4, vm0, $0xb8;
	[tilespmem:$0x1A780] =	vst v63  }
0xa5: {  	v4 =	vld [tilespmem:$0x60];
	_ =	sdelay $0x4  }
0xa6: {  	v5 =	vshll.u32 v4, $0x1  }
0xa7: {  	v4 =	vand.u32 $0x7, v4;
	v5 =	vand.u32 $0xFFFFFFF0, v5  }
0xa8: {  	v4 =	vor.u32 v4, v5  }
0xa9: {  	v5 =	vperm.xlane v4, v1;
	_ =	sdelay $0x1  }
0xaa: {  	v4 =	vperm.xlane v4, v3;
	v5 =	vadd.s32 v2, v5;
	_ =	sdelay $0x1  }
0xab: {  	v4 =	vadd.s32 v2, v4;
	_ =	sdelay $0x1  }
0xac: {  	s28 =	simm.s32 $0x6400  }
0xad: {  	[tilespmem:s28], [sflag:$0x1] =	stream.indirect_vreg.gather [hbm4b:s4+s3], $0x80, v5, vm0, $0xb8;
	[tilespmem:$0x1A780] =	vst v63  }
0xae: {  	s29 =	simm.s32 $0x6C00  }
0xaf: {  	[tilespmem:s29], [sflag:$0x1] =	stream.indirect_vreg.gather [hbm4b:s4+s3], $0x80, v4, vm0, $0xb8;
	[tilespmem:$0x1A780] =	vst v63  }
0xb0: {  	v4 =	vld [tilespmem:$0x70];
	_ =	sdelay $0x4  }
0xb1: {  	v5 =	vshll.u32 v4, $0x1  }
0xb2: {  	v4 =	vand.u32 $0x7, v4;
	v5 =	vand.u32 $0xFFFFFFF0, v5  }
0xb3: {  	v4 =	vor.u32 v4, v5  }
0xb4: {  	v5 =	vperm.xlane v4, v1;
	_ =	sdelay $0x1  }
0xb5: {  	v4 =	vperm.xlane v4, v3;
	v5 =	vadd.s32 v2, v5;
	_ =	sdelay $0x1  }
0xb6: {  	v4 =	vadd.s32 v2, v4;
	_ =	sdelay $0x1  }
0xb7: {  	s30 =	simm.s32 $0x7400  }
0xb8: {  	[tilespmem:s30], [sflag:$0x1] =	stream.indirect_vreg.gather [hbm4b:s4+s3], $0x80, v5, vm0, $0xb8;
	[tilespmem:$0x1A780] =	vst v63  }
0xb9: {  	s31 =	simm.s32 $0x7C00;
	s23 =	simm.s32 $0x0  }
0xba: {  	[tilespmem:s31], [sflag:$0x1] =	stream.indirect_vreg.gather [hbm4b:s4+s3], $0x80, v4, vm0, $0xb8;
	[tilespmem:$0x1A780] =	vst v63  }
.LBB2_3:
0xbb: {  	_ =	swait.ge [sflag:s1], $0x8000;
	s24 =	sshllo.u32 s23, $0x1  }
0xbc: {  	[sflag:s1] =	ssyncset.done $0x0;
	s0 =	sshll.u32 s24, $0x7  }
0xbd: {  	[sflag:s1] =	ssyncadd.s32 $0xFFFF8000;
	s0 =	sand.u32 $0x3FFFFF80, s0  }
0xbe: {  	v4 =	vld [tilespmem:s0+$0x0];
	_ =	sdelay $0x4  }
0xbf: {  	v5 =	vshll.u32 v4, $0x1  }
0xc0: {  	v4 =	vand.u32 $0x7, v4;
	v5 =	vand.u32 $0xFFFFFFF0, v5  }
0xc1: {  	v4 =	vor.u32 v4, v5  }
0xc2: {  	v5 =	vperm.xlane v4, v1;
	_ =	sdelay $0x1  }
0xc3: {  	v4 =	vperm.xlane v4, v3;
	v5 =	vadd.s32 v2, v5;
	_ =	sdelay $0x1  }
0xc4: {  	v4 =	vadd.s32 v2, v4;
	_ =	sdelay $0x1  }
0xc5: {  	s12 =	simm.s32 $0x0;
	s2 =	simm.s32 $0x8400  }
0xc6: {  	[tilespmem:s2], [sflag:$0x2] =	stream.indirect_vreg.gather [hbm4b:s4+s12], $0x80, v5, vm0, $0xb8;
	[tilespmem:$0x1A780] =	vst v63  }
0xc7: {  	s5 =	simm.s32 $0x8C00  }
0xc8: {  	[tilespmem:s5], [sflag:$0x2] =	stream.indirect_vreg.gather [hbm4b:s4+s12], $0x80, v4, vm0, $0xb8;
	[tilespmem:$0x1A780] =	vst v63  }
0xc9: {  	v4 =	vld [tilespmem:s0+$0x10];
	_ =	sdelay $0x4  }
0xca: {  	v5 =	vshll.u32 v4, $0x1  }
0xcb: {  	v4 =	vand.u32 $0x7, v4;
	v5 =	vand.u32 $0xFFFFFFF0, v5  }
0xcc: {  	v4 =	vor.u32 v4, v5  }
0xcd: {  	v5 =	vperm.xlane v4, v1;
	_ =	sdelay $0x1  }
0xce: {  	v4 =	vperm.xlane v4, v3;
	v5 =	vadd.s32 v2, v5;
	_ =	sdelay $0x1  }
0xcf: {  	v4 =	vadd.s32 v2, v4;
	_ =	sdelay $0x1  }
0xd0: {  	s6 =	simm.s32 $0x9400  }
0xd1: {  	[tilespmem:s6], [sflag:$0x2] =	stream.indirect_vreg.gather [hbm4b:s4+s12], $0x80, v5, vm0, $0xb8;
	[tilespmem:$0x1A780] =	vst v63  }
0xd2: {  	s7 =	simm.s32 $0x9C00  }
0xd3: {  	[tilespmem:s7], [sflag:$0x2] =	stream.indirect_vreg.gather [hbm4b:s4+s12], $0x80, v4, vm0, $0xb8;
	[tilespmem:$0x1A780] =	vst v63  }
0xd4: {  	v4 =	vld [tilespmem:s0+$0x20];
	_ =	sdelay $0x4  }
0xd5: {  	v5 =	vshll.u32 v4, $0x1  }
0xd6: {  	v4 =	vand.u32 $0x7, v4;
	v5 =	vand.u32 $0xFFFFFFF0, v5  }
0xd7: {  	v4 =	vor.u32 v4, v5  }
0xd8: {  	v5 =	vperm.xlane v4, v1;
	_ =	sdelay $0x1  }
0xd9: {  	v4 =	vperm.xlane v4, v3;
	v5 =	vadd.s32 v2, v5;
	_ =	sdelay $0x1  }
0xda: {  	v4 =	vadd.s32 v2, v4;
	_ =	sdelay $0x1  }
0xdb: {  	s13 =	simm.s32 $0xA400  }
0xdc: {  	[tilespmem:s13], [sflag:$0x2] =	stream.indirect_vreg.gather [hbm4b:s4+s12], $0x80, v5, vm0, $0xb8;
	[tilespmem:$0x1A780] =	vst v63  }
0xdd: {  	s14 =	simm.s32 $0xAC00  }
0xde: {  	[tilespmem:s14], [sflag:$0x2] =	stream.indirect_vreg.gather [hbm4b:s4+s12], $0x80, v4, vm0, $0xb8;
	[tilespmem:$0x1A780] =	vst v63  }
0xdf: {  	v4 =	vld [tilespmem:s0+$0x30];
	_ =	sdelay $0x4  }
0xe0: {  	v5 =	vshll.u32 v4, $0x1  }
0xe1: {  	v4 =	vand.u32 $0x7, v4;
	v5 =	vand.u32 $0xFFFFFFF0, v5  }
0xe2: {  	v4 =	vor.u32 v4, v5  }
0xe3: {  	v5 =	vperm.xlane v4, v1;
	_ =	sdelay $0x1  }
0xe4: {  	v4 =	vperm.xlane v4, v3;
	v5 =	vadd.s32 v2, v5;
	_ =	sdelay $0x1  }
0xe5: {  	v4 =	vadd.s32 v2, v4;
	_ =	sdelay $0x2  }
0xe6: {  	[tilespmem:s8], [sflag:$0x2] =	stream.indirect_vreg.gather [hbm4b:s4+s12], $0x80, v5, vm0, $0xb8;
	[tilespmem:$0x1A780] =	vst v63  }
0xe7: {  	_ = 	snop  }
0xe8: {  	[tilespmem:s9], [sflag:$0x2] =	stream.indirect_vreg.gather [hbm4b:s4+s12], $0x80, v4, vm0, $0xb8;
	[tilespmem:$0x1A780] =	vst v63  }
0xe9: {  	v4 =	vld [tilespmem:s0+$0x40];
	_ =	sdelay $0x4  }
0xea: {  	v5 =	vshll.u32 v4, $0x1  }
0xeb: {  	v4 =	vand.u32 $0x7, v4;
	v5 =	vand.u32 $0xFFFFFFF0, v5  }
0xec: {  	v4 =	vor.u32 v4, v5  }
0xed: {  	v5 =	vperm.xlane v4, v1;
	_ =	sdelay $0x1  }
0xee: {  	v4 =	vperm.xlane v4, v3;
	v5 =	vadd.s32 v2, v5;
	_ =	sdelay $0x1  }
0xef: {  	v4 =	vadd.s32 v2, v4;
	_ =	sdelay $0x2  }
0xf0: {  	[tilespmem:s10], [sflag:$0x2] =	stream.indirect_vreg.gather [hbm4b:s4+s12], $0x80, v5, vm0, $0xb8;
	[tilespmem:$0x1A780] =	vst v63  }
0xf1: {  	_ = 	snop  }
0xf2: {  	[tilespmem:s11], [sflag:$0x2] =	stream.indirect_vreg.gather [hbm4b:s4+s12], $0x80, v4, vm0, $0xb8;
	[tilespmem:$0x1A780] =	vst v63  }
0xf3: {  	v4 =	vld [tilespmem:s0+$0x50];
	_ =	sdelay $0x4  }
0xf4: {  	v5 =	vshll.u32 v4, $0x1  }
0xf5: {  	v4 =	vand.u32 $0x7, v4;
	v5 =	vand.u32 $0xFFFFFFF0, v5  }
0xf6: {  	v4 =	vor.u32 v4, v5  }
0xf7: {  	v5 =	vperm.xlane v4, v1;
	_ =	sdelay $0x1  }
0xf8: {  	v4 =	vperm.xlane v4, v3;
	v5 =	vadd.s32 v2, v5;
	_ =	sdelay $0x1  }
0xf9: {  	v4 =	vadd.s32 v2, v4;
	_ =	sdelay $0x2  }
0xfa: {  	[tilespmem:s16], [sflag:$0x2] =	stream.indirect_vreg.gather [hbm4b:s4+s12], $0x80, v5, vm0, $0xb8;
	[tilespmem:$0x1A780] =	vst v63  }
0xfb: {  	_ = 	snop  }
0xfc: {  	[tilespmem:s17], [sflag:$0x2] =	stream.indirect_vreg.gather [hbm4b:s4+s12], $0x80, v4, vm0, $0xb8;
	[tilespmem:$0x1A780] =	vst v63  }
0xfd: {  	v4 =	vld [tilespmem:s0+$0x60];
	_ =	sdelay $0x4  }
0xfe: {  	v5 =	vshll.u32 v4, $0x1  }
0xff: {  	v4 =	vand.u32 $0x7, v4;
	v5 =	vand.u32 $0xFFFFFFF0, v5  }
0x100: {  	v4 =	vor.u32 v4, v5  }
0x101: {  	v5 =	vperm.xlane v4, v1;
	_ =	sdelay $0x1  }
0x102: {  	v4 =	vperm.xlane v4, v3;
	v5 =	vadd.s32 v2, v5;
	_ =	sdelay $0x1  }
0x103: {  	v4 =	vadd.s32 v2, v4;
	_ =	sdelay $0x2  }
0x104: {  	[tilespmem:s18], [sflag:$0x2] =	stream.indirect_vreg.gather [hbm4b:s4+s12], $0x80, v5, vm0, $0xb8;
	[tilespmem:$0x1A780] =	vst v63  }
0x105: {  	_ = 	snop  }
0x106: {  	[tilespmem:s19], [sflag:$0x2] =	stream.indirect_vreg.gather [hbm4b:s4+s12], $0x80, v4, vm0, $0xb8;
	[tilespmem:$0x1A780] =	vst v63  }
0x107: {  	v4 =	vld [tilespmem:s0+$0x70];
	_ =	sdelay $0x4  }
0x108: {  	v5 =	vshll.u32 v4, $0x1  }
0x109: {  	v4 =	vand.u32 $0x7, v4;
	v5 =	vand.u32 $0xFFFFFFF0, v5  }
0x10a: {  	v4 =	vor.u32 v4, v5  }
0x10b: {  	v5 =	vperm.xlane v4, v1;
	_ =	sdelay $0x1  }
0x10c: {  	v4 =	vperm.xlane v4, v3;
	v5 =	vadd.s32 v2, v5;
	_ =	sdelay $0x1  }
0x10d: {  	v4 =	vadd.s32 v2, v4;
	_ =	sdelay $0x1  }
0x10e: {  	s15 =	sand.u32 $0x400, s12;
	s5 =	sand.u32 $0x70, s12  }
0x10f: {  	[tilespmem:s20], [sflag:$0x2] =	stream.indirect_vreg.gather [hbm4b:s4+s12], $0x80, v5, vm0, $0xb8;
	[tilespmem:$0x1A780] =	vst v63  }
0x110: {  	s2 =	sor.u32 s5, s15  }
0x111: {  	[tilespmem:s21], [sflag:$0x2] =	stream.indirect_vreg.gather [hbm4b:s4+s12], $0x80, v4, vm0, $0xb8;
	[tilespmem:$0x1A780] =	vst v63  }
0x112: {  	v4 =	vld [tilespmem:s2+$0x480]  }
0x113: {  	v5 =	vld [tilespmem:s2+$0x400]  }
0x114: {  	v6 =	vld [tilespmem:s2+$0x500]  }
0x115: {  	v7 =	vld [tilespmem:s2+$0x580]  }
0x116: {  	v8 =	vld [tilespmem:s2+$0x600]  }
0x117: {  	v9 =	vld [tilespmem:s2+$0x680]  }
0x118: {  	v10 =	vmax.f32 v5, v4;
	v4 =	vmin.f32 v5, v4;
	v5 =	vld [tilespmem:s2+$0x700]  }
0x119: {  	v54 =	vld [tilespmem:s2+$0x780];
	v10 =	vmax.f32 v10, v6;
	v4 =	vmin.f32 v4, v6  }
0x11a: {  	v55 =	vld [tilespmem:s2+$0xC00];
	v10 =	vmax.f32 v10, v7;
	v4 =	vmin.f32 v4, v7  }
0x11b: {  	v56 =	vld [tilespmem:s2+$0xC80];
	v10 =	vmax.f32 v10, v8;
	v4 =	vmin.f32 v4, v8  }
0x11c: {  	v57 =	vld [tilespmem:s2+$0xD00];
	v10 =	vmax.f32 v10, v9;
	v4 =	vmin.f32 v4, v9  }
0x11d: {  	v10 =	vmax.f32 v10, v5;
	v4 =	vmin.f32 v4, v5;
	v5 =	vld [tilespmem:s2+$0xD80]  }
0x11e: {  	v58 =	vld [tilespmem:s2+$0xE00];
	v10 =	vmax.f32 v10, v54;
	v4 =	vmin.f32 v4, v54  }
0x11f: {  	v59 =	vld [tilespmem:s2+$0xE80];
	v10 =	vmax.f32 v10, v55;
	v4 =	vmin.f32 v4, v55  }
0x120: {  	v60 =	vld [tilespmem:s2+$0xF00];
	v10 =	vmax.f32 v10, v56;
	v4 =	vmin.f32 v4, v56  }
0x121: {  	s26 =	simm.s32 $0x10400;
	v61 =	vld [tilespmem:s2+$0xF80];
	v10 =	vmax.f32 v10, v57;
	v4 =	vmin.f32 v4, v57  }
0x122: {  	v10 =	vmax.f32 v10, v5;
	v4 =	vmin.f32 v4, v5;
	v5 =	vld [tilespmem:s26+$0x0]  }
0x123: {  	s28 =	simm.s32 $0x10500;
	v10 =	vmax.f32 v10, v58;
	v4 =	vmin.f32 v4, v58  }
0x124: {  	v63 =	vld [tilespmem:s28+$0x0];
	v62 =	vmax.f32 v10, v59;
	v4 =	vmin.f32 v4, v59  }
0x125: {  	v6 =	vmax.f32 v62, v60;
	v4 =	vmin.f32 v4, v60  }
0x126: {  	v6 =	vmax.f32 v6, v61;
	v4 =	vmin.f32 v4, v61  }
0x127: {  	v6 =	vmul.f32 v6, v5;
	v4 =	vmul.f32 v4, v5  }
0x128: {  	s25 =	sshll.u32 s23, $0xC  }
0x129: {  	s15 =	simm.s32 $0x80;
	s0 =	sand.u32 $0x3FFFF000, s25;
	v5 =	vadd.f32 v63, v6;
	v4 =	vadd.f32 v63, v4  }
0x12a: {  	s31 =	sand.u32 $0x400, s15;
	s6 =	sand.u32 $0x80, s12;
	s25 =	sadd.s32 $0x10600, s0  }
0x12b: {  	s13 =	simm.s32 $0x10500;
	s0 =	simm.s32 $0x10;
	s6 =	sadd.s32 s6, s25;
	v4 =	vmax.f32 v5, v4  }
0x12c: {  	s14 =	simm.s32 $0x10400;
	s30 =	sand.u32 $0x70, s0;
	s29 =	sadd.s32 s5, s6;
	v4 =	vmax.f32 v4, $0.0e+00  }
0x12d: {  	s6 =	sor.u32 s30, s31;
	s5 =	simm.s32 $0x20;
	s12 =	simm.s32 $0x10;
	[tilespmem:s29+$0x0] =	vst v4  }
.LBB2_4:
0x12e: {  	p0 =	sne.s32 s5, $0xF0;
	v4 =	vld [tilespmem:s6+$0x480]  }
0x12f: {  	v5 =	vld [tilespmem:s6+$0x400]  }
0x130: {  	v6 =	vld [tilespmem:s6+$0x500]  }
0x131: {  	v7 =	vld [tilespmem:s6+$0x580]  }
0x132: {  	v8 =	vld [tilespmem:s6+$0x600]  }
0x133: {  	v9 =	vld [tilespmem:s6+$0x680]  }
0x134: {  	v10 =	vmax.f32 v5, v4;
	v4 =	vmin.f32 v5, v4;
	v5 =	vld [tilespmem:s6+$0x700]  }
0x135: {  	v10 =	vmax.f32 v10, v6;
	v4 =	vmin.f32 v4, v6;
	v6 =	vld [tilespmem:s6+$0x780]  }
0x136: {  	v10 =	vmax.f32 v10, v7;
	v4 =	vmin.f32 v4, v7;
	v7 =	vld [tilespmem:s6+$0xC00]  }
0x137: {  	v10 =	vmax.f32 v10, v8;
	v4 =	vmin.f32 v4, v8;
	v8 =	vld [tilespmem:s6+$0xC80]  }
0x138: {  	v10 =	vmax.f32 v10, v9;
	v4 =	vmin.f32 v4, v9;
	v9 =	vld [tilespmem:s6+$0xD00]  }
0x139: {  	v10 =	vmax.f32 v10, v5;
	v4 =	vmin.f32 v4, v5;
	v5 =	vld [tilespmem:s6+$0xD80]  }
0x13a: {  	v10 =	vmax.f32 v10, v6;
	v4 =	vmin.f32 v4, v6;
	v6 =	vld [tilespmem:s6+$0xE00]  }
0x13b: {  	v10 =	vmax.f32 v10, v7;
	v4 =	vmin.f32 v4, v7;
	v7 =	vld [tilespmem:s6+$0xE80]  }
0x13c: {  	v10 =	vmax.f32 v10, v8;
	v4 =	vmin.f32 v4, v8;
	v8 =	vld [tilespmem:s6+$0xF00]  }
0x13d: {  	s14 =	sadd.s32 $0x10, s14;
	v10 =	vmax.f32 v10, v9;
	v4 =	vmin.f32 v4, v9;
	v9 =	vld [tilespmem:s6+$0xF80]  }
0x13e: {  	v10 =	vmax.f32 v10, v5;
	v4 =	vmin.f32 v4, v5;
	v5 =	vld [tilespmem:s14+$0x0]  }
0x13f: {  	s13 =	sadd.s32 $0x10, s13;
	v10 =	vmax.f32 v10, v6;
	v4 =	vmin.f32 v4, v6  }
0x140: {  	v6 =	vmax.f32 v10, v7;
	v4 =	vmin.f32 v4, v7;
	v7 =	vld [tilespmem:s13+$0x0]  }
0x141: {  	v6 =	vmax.f32 v6, v8;
	v4 =	vmin.f32 v4, v8  }
0x142: {  	v6 =	vmax.f32 v6, v9;
	v4 =	vmin.f32 v4, v9  }
0x143: {  	v6 =	vmul.f32 v6, v5;
	v4 =	vmul.f32 v4, v5;
	_ =	sdelay $0x1  }
.Ltmp2:
0x144: {  	v5 =	vadd.f32 v7, v6;
	v4 =	vadd.f32 v7, v4;
	(pc) =	sbr.rel @p0 .LBB2_4-.Ltmp2, $4  }
0x145: {  	s6 =	sand.u32 $0x80, s12;
	s12 =	smov.u32 s5  }
0x146: {  	s15 =	sadd.s32 $0x80, s15;
	s6 =	sadd.s32 s6, s25;
	v4 =	vmax.f32 v5, v4  }
0x147: {  	s31 =	sand.u32 $0x400, s15;
	s7 =	sadd.s32 s30, s6;
	s30 =	sand.u32 $0x70, s5;
	v4 =	vmax.f32 v4, $0.0e+00  }
0x148: {  	s5 =	sadd.s32 $0x10, s5;
	s6 =	sor.u32 s30, s31;
	[tilespmem:s7+$0x0] =	vst v4  }
0x149: {  	v4 =	vld [tilespmem:s6+$0x480]  }
0x14a: {  	v5 =	vld [tilespmem:s6+$0x400]  }
0x14b: {  	v6 =	vld [tilespmem:s6+$0x500]  }
0x14c: {  	v7 =	vld [tilespmem:s6+$0x580]  }
0x14d: {  	v8 =	vld [tilespmem:s6+$0x600]  }
0x14e: {  	v9 =	vld [tilespmem:s6+$0x680]  }
0x14f: {  	v10 =	vmax.f32 v5, v4;
	v4 =	vmin.f32 v5, v4;
	v5 =	vld [tilespmem:s6+$0x700]  }
0x150: {  	v39 =	vld [tilespmem:s6+$0x780];
	v10 =	vmax.f32 v10, v6;
	v4 =	vmin.f32 v4, v6  }
0x151: {  	v40 =	vld [tilespmem:s6+$0xC00];
	v10 =	vmax.f32 v10, v7;
	v4 =	vmin.f32 v4, v7  }
0x152: {  	v41 =	vld [tilespmem:s6+$0xC80];
	v10 =	vmax.f32 v10, v8;
	v4 =	vmin.f32 v4, v8  }
0x153: {  	v42 =	vld [tilespmem:s6+$0xD00];
	v10 =	vmax.f32 v10, v9;
	v4 =	vmin.f32 v4, v9  }
0x154: {  	v10 =	vmax.f32 v10, v5;
	v4 =	vmin.f32 v4, v5;
	v5 =	vld [tilespmem:s6+$0xD80]  }
0x155: {  	v43 =	vld [tilespmem:s6+$0xE00];
	v10 =	vmax.f32 v10, v39;
	v4 =	vmin.f32 v4, v39  }
0x156: {  	v44 =	vld [tilespmem:s6+$0xE80];
	v10 =	vmax.f32 v10, v40;
	v4 =	vmin.f32 v4, v40  }
0x157: {  	v45 =	vld [tilespmem:s6+$0xF00];
	v10 =	vmax.f32 v10, v41;
	v4 =	vmin.f32 v4, v41  }
0x158: {  	v46 =	vld [tilespmem:s6+$0xF80];
	s5 =	sadd.s32 $0x10, s14;
	v10 =	vmax.f32 v10, v42;
	v4 =	vmin.f32 v4, v42  }
0x159: {  	v10 =	vmax.f32 v10, v5;
	v4 =	vmin.f32 v4, v5;
	v5 =	vld [tilespmem:s5+$0x0]  }
0x15a: {  	s14 =	sadd.s32 $0x10, s13;
	v10 =	vmax.f32 v10, v43;
	v4 =	vmin.f32 v4, v43  }
0x15b: {  	v48 =	vld [tilespmem:s14+$0x0];
	v47 =	vmax.f32 v10, v44;
	v4 =	vmin.f32 v4, v44  }
0x15c: {  	v6 =	vmax.f32 v47, v45;
	v4 =	vmin.f32 v4, v45  }
0x15d: {  	v6 =	vmax.f32 v6, v46;
	v4 =	vmin.f32 v4, v46  }
0x15e: {  	v6 =	vmul.f32 v6, v5;
	v4 =	vmul.f32 v4, v5;
	_ =	sdelay $0x1  }
0x15f: {  	v5 =	vadd.f32 v48, v6;
	v4 =	vadd.f32 v48, v4  }
0x160: {  	s15 =	sand.u32 $0x80, s12  }
0x161: {  	s5 =	sadd.s32 s15, s25;
	v4 =	vmax.f32 v5, v4  }
0x162: {  	s5 =	sadd.s32 s30, s5;
	v4 =	vmax.f32 v4, $0.0e+00  }
0x163: {  	[tilespmem:s5+$0x0] =	vst v4  }
0x164: {  	v4 =	vld [tilespmem:s2+$0x1480]  }
0x165: {  	v5 =	vld [tilespmem:s2+$0x1400]  }
0x166: {  	v49 =	vld [tilespmem:s2+$0x1500]  }
0x167: {  	v50 =	vld [tilespmem:s2+$0x1580]  }
0x168: {  	v51 =	vld [tilespmem:s2+$0x1600]  }
0x169: {  	v52 =	vld [tilespmem:s2+$0x1680]  }
0x16a: {  	v53 =	vmax.f32 v5, v4;
	v4 =	vmin.f32 v5, v4;
	v5 =	vld [tilespmem:s2+$0x1700]  }
0x16b: {  	v54 =	vld [tilespmem:s2+$0x1780];
	v10 =	vmax.f32 v53, v49;
	v4 =	vmin.f32 v4, v49  }
0x16c: {  	v55 =	vld [tilespmem:s2+$0x1C00];
	v10 =	vmax.f32 v10, v50;
	v4 =	vmin.f32 v4, v50  }
0x16d: {  	v56 =	vld [tilespmem:s2+$0x1C80];
	v10 =	vmax.f32 v10, v51;
	v4 =	vmin.f32 v4, v51  }
0x16e: {  	v57 =	vld [tilespmem:s2+$0x1D00];
	v10 =	vmax.f32 v10, v52;
	v4 =	vmin.f32 v4, v52  }
0x16f: {  	v10 =	vmax.f32 v10, v5;
	v4 =	vmin.f32 v4, v5;
	v5 =	vld [tilespmem:s2+$0x1D80]  }
0x170: {  	v58 =	vld [tilespmem:s2+$0x1E00];
	v10 =	vmax.f32 v10, v54;
	v4 =	vmin.f32 v4, v54  }
0x171: {  	v59 =	vld [tilespmem:s2+$0x1E80];
	v10 =	vmax.f32 v10, v55;
	v4 =	vmin.f32 v4, v55  }
0x172: {  	v60 =	vld [tilespmem:s2+$0x1F00];
	v10 =	vmax.f32 v10, v56;
	v4 =	vmin.f32 v4, v56  }
0x173: {  	v61 =	vld [tilespmem:s2+$0x1F80];
	v10 =	vmax.f32 v10, v57;
	v4 =	vmin.f32 v4, v57  }
0x174: {  	v10 =	vmax.f32 v10, v5;
	v4 =	vmin.f32 v4, v5;
	v5 =	vld [tilespmem:s26+$0x0]  }
0x175: {  	v10 =	vmax.f32 v10, v58;
	v4 =	vmin.f32 v4, v58  }
0x176: {  	v63 =	vld [tilespmem:s28+$0x0];
	v62 =	vmax.f32 v10, v59;
	v4 =	vmin.f32 v4, v59  }
0x177: {  	v6 =	vmax.f32 v62, v60;
	v4 =	vmin.f32 v4, v60  }
0x178: {  	v6 =	vmax.f32 v6, v61;
	v4 =	vmin.f32 v4, v61  }
0x179: {  	v6 =	vmul.f32 v6, v5;
	v4 =	vmul.f32 v4, v5;
	_ =	sdelay $0x1  }
0x17a: {  	v5 =	vadd.f32 v63, v6;
	v4 =	vadd.f32 v63, v4;
	_ =	sdelay $0x1  }
0x17b: {  	s5 =	simm.s32 $0x80;
	v4 =	vmax.f32 v5, v4  }
0x17c: {  	s31 =	sand.u32 $0x400, s5;
	s2 =	sand.u32 $0x70, s0;
	v4 =	vmax.f32 v4, $0.0e+00  }
0x17d: {  	s6 =	simm.s32 $0x20;
	s12 =	sor.u32 s2, s31;
	[tilespmem:s29+$0x100] =	vst v4  }
.LBB2_6:
0x17e: {  	p0 =	sne.s32 s6, $0xF0;
	v4 =	vld [tilespmem:s12+$0x1480]  }
0x17f: {  	v5 =	vld [tilespmem:s12+$0x1400]  }
0x180: {  	v6 =	vld [tilespmem:s12+$0x1500]  }
0x181: {  	v7 =	vld [tilespmem:s12+$0x1580]  }
0x182: {  	v8 =	vld [tilespmem:s12+$0x1600]  }
0x183: {  	v9 =	vld [tilespmem:s12+$0x1680]  }
0x184: {  	v10 =	vmax.f32 v5, v4;
	v4 =	vmin.f32 v5, v4;
	v5 =	vld [tilespmem:s12+$0x1700]  }
0x185: {  	v10 =	vmax.f32 v10, v6;
	v4 =	vmin.f32 v4, v6;
	v6 =	vld [tilespmem:s12+$0x1780]  }
0x186: {  	v10 =	vmax.f32 v10, v7;
	v4 =	vmin.f32 v4, v7;
	v7 =	vld [tilespmem:s12+$0x1C00]  }
0x187: {  	v10 =	vmax.f32 v10, v8;
	v4 =	vmin.f32 v4, v8;
	v8 =	vld [tilespmem:s12+$0x1C80]  }
0x188: {  	v10 =	vmax.f32 v10, v9;
	v4 =	vmin.f32 v4, v9;
	v9 =	vld [tilespmem:s12+$0x1D00]  }
0x189: {  	v10 =	vmax.f32 v10, v5;
	v4 =	vmin.f32 v4, v5;
	v5 =	vld [tilespmem:s12+$0x1D80]  }
0x18a: {  	v10 =	vmax.f32 v10, v6;
	v4 =	vmin.f32 v4, v6;
	v6 =	vld [tilespmem:s12+$0x1E00]  }
0x18b: {  	v10 =	vmax.f32 v10, v7;
	v4 =	vmin.f32 v4, v7;
	v7 =	vld [tilespmem:s12+$0x1E80]  }
0x18c: {  	v10 =	vmax.f32 v10, v8;
	v4 =	vmin.f32 v4, v8;
	v8 =	vld [tilespmem:s12+$0x1F00]  }
0x18d: {  	s26 =	sadd.s32 $0x10, s26;
	v10 =	vmax.f32 v10, v9;
	v4 =	vmin.f32 v4, v9;
	v9 =	vld [tilespmem:s12+$0x1F80]  }
0x18e: {  	v10 =	vmax.f32 v10, v5;
	v4 =	vmin.f32 v4, v5;
	v5 =	vld [tilespmem:s26+$0x0]  }
0x18f: {  	s28 =	sadd.s32 $0x10, s28;
	v10 =	vmax.f32 v10, v6;
	v4 =	vmin.f32 v4, v6  }
0x190: {  	v6 =	vmax.f32 v10, v7;
	v4 =	vmin.f32 v4, v7;
	v7 =	vld [tilespmem:s28+$0x0]  }
0x191: {  	v6 =	vmax.f32 v6, v8;
	v4 =	vmin.f32 v4, v8  }
0x192: {  	v6 =	vmax.f32 v6, v9;
	v4 =	vmin.f32 v4, v9  }
0x193: {  	v6 =	vmul.f32 v6, v5;
	v4 =	vmul.f32 v4, v5;
	_ =	sdelay $0x1  }
.Ltmp3:
0x194: {  	v5 =	vadd.f32 v7, v6;
	v4 =	vadd.f32 v7, v4;
	(pc) =	sbr.rel @p0 .LBB2_6-.Ltmp3, $4  }
0x195: {  	s7 =	sand.u32 $0x80, s0;
	s0 =	smov.u32 s6  }
0x196: {  	s5 =	sadd.s32 $0x80, s5;
	s7 =	sadd.s32 s7, s25;
	v4 =	vmax.f32 v5, v4  }
0x197: {  	s7 =	sadd.s32 s2, s7;
	s2 =	sand.u32 $0x70, s6;
	s12 =	sand.u32 $0x400, s5;
	v4 =	vmax.f32 v4, $0.0e+00  }
0x198: {  	s6 =	sadd.s32 $0x10, s6;
	s12 =	sor.u32 s2, s12;
	[tilespmem:s7+$0x100] =	vst v4  }
0x199: {  	v4 =	vld [tilespmem:s12+$0x1480]  }
0x19a: {  	v5 =	vld [tilespmem:s12+$0x1400]  }
0x19b: {  	v6 =	vld [tilespmem:s12+$0x1500]  }
0x19c: {  	v7 =	vld [tilespmem:s12+$0x1580]  }
0x19d: {  	v8 =	vld [tilespmem:s12+$0x1600]  }
0x19e: {  	v9 =	vld [tilespmem:s12+$0x1680]  }
0x19f: {  	v10 =	vmax.f32 v5, v4;
	v4 =	vmin.f32 v5, v4;
	v5 =	vld [tilespmem:s12+$0x1700]  }
0x1a0: {  	v54 =	vld [tilespmem:s12+$0x1780];
	v10 =	vmax.f32 v10, v6;
	v4 =	vmin.f32 v4, v6  }
0x1a1: {  	v55 =	vld [tilespmem:s12+$0x1C00];
	v10 =	vmax.f32 v10, v7;
	v4 =	vmin.f32 v4, v7  }
0x1a2: {  	v56 =	vld [tilespmem:s12+$0x1C80];
	v10 =	vmax.f32 v10, v8;
	v4 =	vmin.f32 v4, v8  }
0x1a3: {  	v57 =	vld [tilespmem:s12+$0x1D00];
	v10 =	vmax.f32 v10, v9;
	v4 =	vmin.f32 v4, v9  }
0x1a4: {  	v10 =	vmax.f32 v10, v5;
	v4 =	vmin.f32 v4, v5;
	v5 =	vld [tilespmem:s12+$0x1D80]  }
0x1a5: {  	v58 =	vld [tilespmem:s12+$0x1E00];
	v10 =	vmax.f32 v10, v54;
	v4 =	vmin.f32 v4, v54  }
0x1a6: {  	v59 =	vld [tilespmem:s12+$0x1E80];
	v10 =	vmax.f32 v10, v55;
	v4 =	vmin.f32 v4, v55  }
0x1a7: {  	v60 =	vld [tilespmem:s12+$0x1F00];
	v10 =	vmax.f32 v10, v56;
	v4 =	vmin.f32 v4, v56  }
0x1a8: {  	v61 =	vld [tilespmem:s12+$0x1F80];
	s5 =	sadd.s32 $0x10, s26;
	v10 =	vmax.f32 v10, v57;
	v4 =	vmin.f32 v4, v57  }
0x1a9: {  	v10 =	vmax.f32 v10, v5;
	v4 =	vmin.f32 v4, v5;
	v5 =	vld [tilespmem:s5+$0x0]  }
0x1aa: {  	s14 =	sadd.s32 $0x10, s28;
	v10 =	vmax.f32 v10, v58;
	v4 =	vmin.f32 v4, v58  }
0x1ab: {  	v63 =	vld [tilespmem:s14+$0x0];
	v62 =	vmax.f32 v10, v59;
	v4 =	vmin.f32 v4, v59  }
0x1ac: {  	v6 =	vmax.f32 v62, v60;
	v4 =	vmin.f32 v4, v60  }
0x1ad: {  	v6 =	vmax.f32 v6, v61;
	v4 =	vmin.f32 v4, v61  }
0x1ae: {  	s0 =	sand.u32 $0x80, s0;
	v6 =	vmul.f32 v6, v5;
	v4 =	vmul.f32 v4, v5  }
0x1af: {  	s26 =	simm.s32 $0x10500;
	s28 =	simm.s32 $0x10400;
	p1 =	por $0x1, $0x1  }
.Ltmp4:
0x1b0: {  	s29 =	simm.s32 $0x10;
	p0 =	por $0x0, $0x0;
	v5 =	vadd.f32 v63, v6;
	v4 =	vadd.f32 v63, v4;
	(pc) =	sbr.rel @!p1 .LBB2_11-.Ltmp4, $4  }
0x1b1: {  	s13 =	simm.s32 $0x10500;
	s15 =	sadd.s32 s0, s25;
	s0 =	simm.s32 $0x0  }
0x1b2: {  	p2 =	por $0x0, $0x0;
	s31 =	sand.u32 $0x70, s0;
	s6 =	sand.u32 $0x400, s0;
	v4 =	vmax.f32 v5, v4  }
0x1b3: {  	s14 =	simm.s32 $0x10400;
	s2 =	sadd.s32 s2, s15;
	s15 =	sor.u32 s31, s6;
	v4 =	vmax.f32 v4, $0.0e+00  }
0x1b4: {  	s30 =	smov.u32 s15;
	s12 =	simm.s32 $0x0;
	[tilespmem:s2+$0x100] =	vst v4;
	s2 =	smov.u32 s31  }
0x1b5: {  	v4 =	vld [tilespmem:s15+$0x2480]  }
0x1b6: {  	v5 =	vld [tilespmem:s15+$0x2400]  }
0x1b7: {  	v6 =	vld [tilespmem:s15+$0x2500]  }
0x1b8: {  	v7 =	vld [tilespmem:s15+$0x2580]  }
0x1b9: {  	v8 =	vld [tilespmem:s15+$0x2600]  }
0x1ba: {  	v9 =	vld [tilespmem:s15+$0x2680]  }
0x1bb: {  	v10 =	vmax.f32 v5, v4;
	v4 =	vmin.f32 v5, v4;
	v5 =	vld [tilespmem:s15+$0x2700]  }
0x1bc: {  	v54 =	vld [tilespmem:s15+$0x2780];
	v10 =	vmax.f32 v10, v6;
	v4 =	vmin.f32 v4, v6  }
0x1bd: {  	v55 =	vld [tilespmem:s15+$0x2C00];
	v10 =	vmax.f32 v10, v7;
	v4 =	vmin.f32 v4, v7  }
0x1be: {  	v56 =	vld [tilespmem:s15+$0x2C80];
	v10 =	vmax.f32 v10, v8;
	v4 =	vmin.f32 v4, v8  }
0x1bf: {  	v57 =	vld [tilespmem:s15+$0x2D00];
	v10 =	vmax.f32 v10, v9;
	v4 =	vmin.f32 v4, v9  }
0x1c0: {  	v10 =	vmax.f32 v10, v5;
	v4 =	vmin.f32 v4, v5;
	v5 =	vld [tilespmem:s15+$0x2D80]  }
0x1c1: {  	v58 =	vld [tilespmem:s15+$0x2E00];
	v10 =	vmax.f32 v10, v54;
	v4 =	vmin.f32 v4, v54  }
0x1c2: {  	v59 =	vld [tilespmem:s15+$0x2E80];
	v10 =	vmax.f32 v10, v55;
	v4 =	vmin.f32 v4, v55  }
0x1c3: {  	v60 =	vld [tilespmem:s15+$0x2F00];
	v10 =	vmax.f32 v10, v56;
	v4 =	vmin.f32 v4, v56  }
0x1c4: {  	v61 =	vld [tilespmem:s15+$0x2F80];
	v10 =	vmax.f32 v10, v57;
	v4 =	vmin.f32 v4, v57  }
0x1c5: {  	v10 =	vmax.f32 v10, v5;
	v4 =	vmin.f32 v4, v5;
	v5 =	vld [tilespmem:s28+$0x0]  }
0x1c6: {  	v10 =	vmax.f32 v10, v58;
	v4 =	vmin.f32 v4, v58  }
0x1c7: {  	v63 =	vld [tilespmem:s26+$0x0];
	v62 =	vmax.f32 v10, v59;
	v4 =	vmin.f32 v4, v59  }
0x1c8: {  	v6 =	vmax.f32 v62, v60;
	v4 =	vmin.f32 v4, v60  }
0x1c9: {  	v6 =	vmax.f32 v6, v61;
	v4 =	vmin.f32 v4, v61  }
0x1ca: {  	v6 =	vmul.f32 v6, v5;
	v4 =	vmul.f32 v4, v5  }
0x1cb: {  	p3 =	por $0x1, $0x1  }
.Ltmp5:
0x1cc: {  	v5 =	vadd.f32 v63, v6;
	v4 =	vadd.f32 v63, v4;
	(pc) =	sbr.rel @!p3 .LBB2_9-.Ltmp5, $4  }
0x1cd: {  	s2 =	sand.u32 $0x80, s0;
	s5 =	simm.s32 $0x80;
	p2 =	por $0x1, $0x1  }
0x1ce: {  	s14 =	simm.s32 $0x10400;
	s13 =	simm.s32 $0x10500;
	s6 =	sadd.s32 s2, s25;
	v4 =	vmax.f32 v5, v4  }
0x1cf: {  	s2 =	sand.u32 $0x70, s29;
	s7 =	sand.u32 $0x400, s5;
	s12 =	sadd.s32 s31, s6;
	v4 =	vmax.f32 v4, $0.0e+00  }
0x1d0: {  	s30 =	sor.u32 s2, s7;
	s6 =	simm.s32 $0x20;
	[tilespmem:s12+$0x200] =	vst v4;
	s12 =	simm.s32 $0x10  }
.LBB2_10:
0x1d1: {  	p3 =	sne.s32 s6, $0xF0;
	v4 =	vld [tilespmem:s30+$0x2480]  }
0x1d2: {  	v5 =	vld [tilespmem:s30+$0x2400]  }
0x1d3: {  	v6 =	vld [tilespmem:s30+$0x2500]  }
0x1d4: {  	v7 =	vld [tilespmem:s30+$0x2580]  }
0x1d5: {  	v8 =	vld [tilespmem:s30+$0x2600]  }
0x1d6: {  	v9 =	vld [tilespmem:s30+$0x2680]  }
0x1d7: {  	v10 =	vmax.f32 v5, v4;
	v4 =	vmin.f32 v5, v4;
	v5 =	vld [tilespmem:s30+$0x2700]  }
0x1d8: {  	v10 =	vmax.f32 v10, v6;
	v4 =	vmin.f32 v4, v6;
	v6 =	vld [tilespmem:s30+$0x2780]  }
0x1d9: {  	v10 =	vmax.f32 v10, v7;
	v4 =	vmin.f32 v4, v7;
	v7 =	vld [tilespmem:s30+$0x2C00]  }
0x1da: {  	v10 =	vmax.f32 v10, v8;
	v4 =	vmin.f32 v4, v8;
	v8 =	vld [tilespmem:s30+$0x2C80]  }
0x1db: {  	v10 =	vmax.f32 v10, v9;
	v4 =	vmin.f32 v4, v9;
	v9 =	vld [tilespmem:s30+$0x2D00]  }
0x1dc: {  	v10 =	vmax.f32 v10, v5;
	v4 =	vmin.f32 v4, v5;
	v5 =	vld [tilespmem:s30+$0x2D80]  }
0x1dd: {  	v10 =	vmax.f32 v10, v6;
	v4 =	vmin.f32 v4, v6;
	v6 =	vld [tilespmem:s30+$0x2E00]  }
0x1de: {  	v10 =	vmax.f32 v10, v7;
	v4 =	vmin.f32 v4, v7;
	v7 =	vld [tilespmem:s30+$0x2E80]  }
0x1df: {  	v10 =	vmax.f32 v10, v8;
	v4 =	vmin.f32 v4, v8;
	v8 =	vld [tilespmem:s30+$0x2F00]  }
0x1e0: {  	s14 =	sadd.s32 $0x10, s14;
	v10 =	vmax.f32 v10, v9;
	v4 =	vmin.f32 v4, v9;
	v9 =	vld [tilespmem:s30+$0x2F80]  }
0x1e1: {  	v10 =	vmax.f32 v10, v5;
	v4 =	vmin.f32 v4, v5;
	v5 =	vld [tilespmem:s14+$0x0]  }
0x1e2: {  	s13 =	sadd.s32 $0x10, s13;
	v10 =	vmax.f32 v10, v6;
	v4 =	vmin.f32 v4, v6  }
0x1e3: {  	v6 =	vmax.f32 v10, v7;
	v4 =	vmin.f32 v4, v7;
	v7 =	vld [tilespmem:s13+$0x0]  }
0x1e4: {  	v6 =	vmax.f32 v6, v8;
	v4 =	vmin.f32 v4, v8  }
0x1e5: {  	v6 =	vmax.f32 v6, v9;
	v4 =	vmin.f32 v4, v9  }
0x1e6: {  	v6 =	vmul.f32 v6, v5;
	v4 =	vmul.f32 v4, v5;
	_ =	sdelay $0x1  }
.Ltmp6:
0x1e7: {  	v5 =	vadd.f32 v7, v6;
	v4 =	vadd.f32 v7, v4;
	(pc) =	sbr.rel @p3 .LBB2_10-.Ltmp6, $4  }
0x1e8: {  	s7 =	sand.u32 $0x80, s12;
	s12 =	smov.u32 s6  }
0x1e9: {  	s5 =	sadd.s32 $0x80, s5;
	s7 =	sadd.s32 s7, s25;
	v4 =	vmax.f32 v5, v4  }
0x1ea: {  	s7 =	sadd.s32 s2, s7;
	s2 =	sand.u32 $0x70, s6;
	s30 =	sand.u32 $0x400, s5;
	v4 =	vmax.f32 v4, $0.0e+00  }
0x1eb: {  	s6 =	sadd.s32 $0x10, s6;
	s30 =	sor.u32 s2, s30;
	[tilespmem:s7+$0x200] =	vst v4  }
.LBB2_11:
0x1ec: {  	v4 =	vld [tilespmem:s30+$0x2480]  }
0x1ed: {  	v5 =	vld [tilespmem:s30+$0x2400]  }
0x1ee: {  	v6 =	vld [tilespmem:s30+$0x2500]  }
0x1ef: {  	v7 =	vld [tilespmem:s30+$0x2580]  }
0x1f0: {  	v8 =	vld [tilespmem:s30+$0x2600]  }
0x1f1: {  	v9 =	vld [tilespmem:s30+$0x2680]  }
0x1f2: {  	v10 =	vmax.f32 v5, v4;
	v4 =	vmin.f32 v5, v4;
	v5 =	vld [tilespmem:s30+$0x2700]  }
0x1f3: {  	v54 =	vld [tilespmem:s30+$0x2780];
	v10 =	vmax.f32 v10, v6;
	v4 =	vmin.f32 v4, v6  }
0x1f4: {  	v55 =	vld [tilespmem:s30+$0x2C00];
	v10 =	vmax.f32 v10, v7;
	v4 =	vmin.f32 v4, v7  }
0x1f5: {  	v56 =	vld [tilespmem:s30+$0x2C80];
	v10 =	vmax.f32 v10, v8;
	v4 =	vmin.f32 v4, v8  }
0x1f6: {  	v57 =	vld [tilespmem:s30+$0x2D00];
	v10 =	vmax.f32 v10, v9;
	v4 =	vmin.f32 v4, v9  }
0x1f7: {  	v10 =	vmax.f32 v10, v5;
	v4 =	vmin.f32 v4, v5;
	v5 =	vld [tilespmem:s30+$0x2D80]  }
0x1f8: {  	v58 =	vld [tilespmem:s30+$0x2E00];
	v10 =	vmax.f32 v10, v54;
	v4 =	vmin.f32 v4, v54  }
0x1f9: {  	v59 =	vld [tilespmem:s30+$0x2E80];
	v10 =	vmax.f32 v10, v55;
	v4 =	vmin.f32 v4, v55  }
0x1fa: {  	v60 =	vld [tilespmem:s30+$0x2F00];
	s5 =	sadd.s32 @p2 $0x10, s14;
	s6 =	simm.s32 $0x10400;
	v10 =	vmax.f32 v10, v56;
	v4 =	vmin.f32 v4, v56  }
0x1fb: {  	v11 =	vld [tilespmem:s30+$0x2F80];
	s6 =	smov.u32 @p2 s5;
	v10 =	vmax.f32 v10, v57;
	v4 =	vmin.f32 v4, v57  }
0x1fc: {  	s5 =	sadd.s32 @p2 $0x10, s13;
	v61 =	vmax.f32 v10, v5;
	v4 =	vmin.f32 v4, v5;
	v5 =	vld [tilespmem:s6+$0x0];
	s6 =	simm.s32 $0x10500  }
0x1fd: {  	v9 =	vmax.f32 v61, v58;
	v4 =	vmin.f32 v4, v58;
	s6 =	smov.u32 @p2 s5  }
0x1fe: {  	v62 =	vmax.f32 v9, v59;
	v4 =	vmin.f32 v4, v59;
	v63 =	vld [tilespmem:s6+$0x0]  }
0x1ff: {  	v6 =	vmax.f32 v62, v60;
	v4 =	vmin.f32 v4, v60  }
0x200: {  	v6 =	vmax.f32 v6, v11;
	v4 =	vmin.f32 v4, v11  }
0x201: {  	v6 =	vmul.f32 v6, v5;
	v4 =	vmul.f32 v4, v5;
	_ =	sdelay $0x1  }
.Ltmp7:
0x202: {  	v5 =	vadd.f32 v63, v6;
	v4 =	vadd.f32 v63, v4;
	(pc) =	sbr.rel @!p1 .LBB2_12-.Ltmp7, $4  }
0x203: {  	s30 =	sand.u32 $0x80, s12  }
0x204: {  	s5 =	sadd.s32 s30, s25;
	v4 =	vmax.f32 v5, v4  }
0x205: {  	s2 =	sadd.s32 s2, s5;
	v4 =	vmax.f32 v4, $0.0e+00  }
0x206: {  	[tilespmem:s2+$0x200] =	vst v4  }
0x207: {  	v4 =	vld [tilespmem:s15+$0x3480]  }
0x208: {  	v5 =	vld [tilespmem:s15+$0x3400]  }
0x209: {  	v6 =	vld [tilespmem:s15+$0x3500]  }
0x20a: {  	v7 =	vld [tilespmem:s15+$0x3580]  }
0x20b: {  	v8 =	vld [tilespmem:s15+$0x3600]  }
0x20c: {  	v9 =	vld [tilespmem:s15+$0x3680]  }
0x20d: {  	v10 =	vmax.f32 v5, v4;
	v4 =	vmin.f32 v5, v4;
	v5 =	vld [tilespmem:s15+$0x3700]  }
0x20e: {  	v54 =	vld [tilespmem:s15+$0x3780];
	v10 =	vmax.f32 v10, v6;
	v4 =	vmin.f32 v4, v6  }
0x20f: {  	v55 =	vld [tilespmem:s15+$0x3C00];
	v10 =	vmax.f32 v10, v7;
	v4 =	vmin.f32 v4, v7  }
0x210: {  	v56 =	vld [tilespmem:s15+$0x3C80];
	v10 =	vmax.f32 v10, v8;
	v4 =	vmin.f32 v4, v8  }
0x211: {  	v57 =	vld [tilespmem:s15+$0x3D00];
	v10 =	vmax.f32 v10, v9;
	v4 =	vmin.f32 v4, v9  }
0x212: {  	v10 =	vmax.f32 v10, v5;
	v4 =	vmin.f32 v4, v5;
	v5 =	vld [tilespmem:s15+$0x3D80]  }
0x213: {  	v58 =	vld [tilespmem:s15+$0x3E00];
	v10 =	vmax.f32 v10, v54;
	v4 =	vmin.f32 v4, v54  }
0x214: {  	v59 =	vld [tilespmem:s15+$0x3E80];
	v10 =	vmax.f32 v10, v55;
	v4 =	vmin.f32 v4, v55  }
0x215: {  	v60 =	vld [tilespmem:s15+$0x3F00];
	v10 =	vmax.f32 v10, v56;
	v4 =	vmin.f32 v4, v56  }
0x216: {  	v61 =	vld [tilespmem:s15+$0x3F80];
	v10 =	vmax.f32 v10, v57;
	v4 =	vmin.f32 v4, v57  }
0x217: {  	v10 =	vmax.f32 v10, v5;
	v4 =	vmin.f32 v4, v5;
	v5 =	vld [tilespmem:s28+$0x0]  }
0x218: {  	v10 =	vmax.f32 v10, v58;
	v4 =	vmin.f32 v4, v58  }
0x219: {  	v63 =	vld [tilespmem:s26+$0x0];
	v62 =	vmax.f32 v10, v59;
	v4 =	vmin.f32 v4, v59  }
0x21a: {  	v6 =	vmax.f32 v62, v60;
	v4 =	vmin.f32 v4, v60  }
0x21b: {  	v6 =	vmax.f32 v6, v61;
	v4 =	vmin.f32 v4, v61  }
0x21c: {  	v6 =	vmul.f32 v6, v5;
	v4 =	vmul.f32 v4, v5  }
0x21d: {  	p1 =	por $0x1, $0x1  }
.Ltmp8:
0x21e: {  	v5 =	vadd.f32 v63, v6;
	v4 =	vadd.f32 v63, v4;
	(pc) =	sbr.rel @!p1 .LBB2_14-.Ltmp8, $4  }
0x21f: {  	s2 =	sand.u32 $0x80, s0;
	s0 =	simm.s32 $0x80  }
0x220: {  	s13 =	sand.u32 $0x70, s29;
	p0 =	por $0x1, $0x1;
	s2 =	sadd.s32 s2, s25;
	v4 =	vmax.f32 v5, v4  }
0x221: {  	s12 =	simm.s32 $0x10400;
	s5 =	sand.u32 $0x400, s0;
	s2 =	sadd.s32 s31, s2;
	v4 =	vmax.f32 v4, $0.0e+00  }
0x222: {  	s15 =	sor.u32 s13, s5;
	s5 =	simm.s32 $0x20;
	[tilespmem:s2+$0x300] =	vst v4;
	s2 =	simm.s32 $0x10500  }
.LBB2_15:
0x223: {  	p1 =	sne.s32 s5, $0xF0;
	v4 =	vld [tilespmem:s15+$0x3480]  }
0x224: {  	v5 =	vld [tilespmem:s15+$0x3400]  }
0x225: {  	v6 =	vld [tilespmem:s15+$0x3500]  }
0x226: {  	v7 =	vld [tilespmem:s15+$0x3580]  }
0x227: {  	v8 =	vld [tilespmem:s15+$0x3600]  }
0x228: {  	v9 =	vld [tilespmem:s15+$0x3680]  }
0x229: {  	v10 =	vmax.f32 v5, v4;
	v4 =	vmin.f32 v5, v4;
	v5 =	vld [tilespmem:s15+$0x3700]  }
0x22a: {  	v10 =	vmax.f32 v10, v6;
	v4 =	vmin.f32 v4, v6;
	v6 =	vld [tilespmem:s15+$0x3780]  }
0x22b: {  	v10 =	vmax.f32 v10, v7;
	v4 =	vmin.f32 v4, v7;
	v7 =	vld [tilespmem:s15+$0x3C00]  }
0x22c: {  	v10 =	vmax.f32 v10, v8;
	v4 =	vmin.f32 v4, v8;
	v8 =	vld [tilespmem:s15+$0x3C80]  }
0x22d: {  	v10 =	vmax.f32 v10, v9;
	v4 =	vmin.f32 v4, v9;
	v9 =	vld [tilespmem:s15+$0x3D00]  }
0x22e: {  	v10 =	vmax.f32 v10, v5;
	v4 =	vmin.f32 v4, v5;
	v5 =	vld [tilespmem:s15+$0x3D80]  }
0x22f: {  	v10 =	vmax.f32 v10, v6;
	v4 =	vmin.f32 v4, v6;
	v6 =	vld [tilespmem:s15+$0x3E00]  }
0x230: {  	v10 =	vmax.f32 v10, v7;
	v4 =	vmin.f32 v4, v7;
	v7 =	vld [tilespmem:s15+$0x3E80]  }
0x231: {  	v10 =	vmax.f32 v10, v8;
	v4 =	vmin.f32 v4, v8;
	v8 =	vld [tilespmem:s15+$0x3F00]  }
0x232: {  	s12 =	sadd.s32 $0x10, s12;
	v10 =	vmax.f32 v10, v9;
	v4 =	vmin.f32 v4, v9;
	v9 =	vld [tilespmem:s15+$0x3F80]  }
0x233: {  	v10 =	vmax.f32 v10, v5;
	v4 =	vmin.f32 v4, v5;
	v5 =	vld [tilespmem:s12+$0x0]  }
0x234: {  	s2 =	sadd.s32 $0x10, s2;
	v10 =	vmax.f32 v10, v6;
	v4 =	vmin.f32 v4, v6  }
0x235: {  	v6 =	vmax.f32 v10, v7;
	v4 =	vmin.f32 v4, v7;
	v7 =	vld [tilespmem:s2+$0x0]  }
0x236: {  	v6 =	vmax.f32 v6, v8;
	v4 =	vmin.f32 v4, v8  }
0x237: {  	v6 =	vmax.f32 v6, v9;
	v4 =	vmin.f32 v4, v9  }
0x238: {  	v6 =	vmul.f32 v6, v5;
	v4 =	vmul.f32 v4, v5;
	_ =	sdelay $0x1  }
.Ltmp9:
0x239: {  	v5 =	vadd.f32 v7, v6;
	v4 =	vadd.f32 v7, v4;
	(pc) =	sbr.rel @p1 .LBB2_15-.Ltmp9, $4  }
0x23a: {  	s6 =	sand.u32 $0x80, s29;
	s29 =	smov.u32 s5  }
0x23b: {  	s0 =	sadd.s32 $0x80, s0;
	s6 =	sadd.s32 s6, s25;
	v4 =	vmax.f32 v5, v4  }
0x23c: {  	s7 =	sand.u32 $0x400, s0;
	s6 =	sadd.s32 s13, s6;
	s13 =	sand.u32 $0x70, s5;
	v4 =	vmax.f32 v4, $0.0e+00  }
0x23d: {  	s5 =	sadd.s32 $0x10, s5;
	s15 =	sor.u32 s13, s7;
	[tilespmem:s6+$0x300] =	vst v4  }
0x23e: {  	s0 =	smov.u32 s29;
	s31 =	smov.u32 s13  }
.LBB2_17:
0x23f: {  	v4 =	vld [tilespmem:s15+$0x3480]  }
0x240: {  	v5 =	vld [tilespmem:s15+$0x3400]  }
0x241: {  	v6 =	vld [tilespmem:s15+$0x3500]  }
0x242: {  	v7 =	vld [tilespmem:s15+$0x3580]  }
0x243: {  	v8 =	vld [tilespmem:s15+$0x3600]  }
0x244: {  	v9 =	vld [tilespmem:s15+$0x3680]  }
0x245: {  	v10 =	vmax.f32 v5, v4;
	v4 =	vmin.f32 v5, v4;
	v5 =	vld [tilespmem:s15+$0x3700]  }
0x246: {  	v54 =	vld [tilespmem:s15+$0x3780];
	v10 =	vmax.f32 v10, v6;
	v4 =	vmin.f32 v4, v6  }
0x247: {  	v55 =	vld [tilespmem:s15+$0x3C00];
	v10 =	vmax.f32 v10, v7;
	v4 =	vmin.f32 v4, v7  }
0x248: {  	v56 =	vld [tilespmem:s15+$0x3C80];
	v10 =	vmax.f32 v10, v8;
	v4 =	vmin.f32 v4, v8  }
0x249: {  	v57 =	vld [tilespmem:s15+$0x3D00];
	v10 =	vmax.f32 v10, v9;
	v4 =	vmin.f32 v4, v9  }
0x24a: {  	v10 =	vmax.f32 v10, v5;
	v4 =	vmin.f32 v4, v5;
	v5 =	vld [tilespmem:s15+$0x3D80]  }
0x24b: {  	v58 =	vld [tilespmem:s15+$0x3E00];
	v10 =	vmax.f32 v10, v54;
	v4 =	vmin.f32 v4, v54  }
0x24c: {  	v59 =	vld [tilespmem:s15+$0x3E80];
	v10 =	vmax.f32 v10, v55;
	v4 =	vmin.f32 v4, v55  }
0x24d: {  	v60 =	vld [tilespmem:s15+$0x3F00];
	s5 =	sadd.s32 @p0 $0x10, s12;
	v10 =	vmax.f32 v10, v56;
	v4 =	vmin.f32 v4, v56  }
0x24e: {  	v61 =	vld [tilespmem:s15+$0x3F80];
	s28 =	smov.u32 @p0 s5;
	v10 =	vmax.f32 v10, v57;
	v4 =	vmin.f32 v4, v57  }
0x24f: {  	s2 =	sadd.s32 @p0 $0x10, s2;
	v10 =	vmax.f32 v10, v5;
	v4 =	vmin.f32 v4, v5;
	v5 =	vld [tilespmem:s28+$0x0]  }
0x250: {  	s26 =	smov.u32 @p0 s2;
	v10 =	vmax.f32 v10, v58;
	v4 =	vmin.f32 v4, v58  }
0x251: {  	v63 =	vld [tilespmem:s26+$0x0];
	v62 =	vmax.f32 v10, v59;
	v4 =	vmin.f32 v4, v59  }
0x252: {  	v6 =	vmax.f32 v62, v60;
	v4 =	vmin.f32 v4, v60  }
0x253: {  	v6 =	vmax.f32 v6, v61;
	v4 =	vmin.f32 v4, v61  }
0x254: {  	s0 =	sand.u32 $0x80, s0;
	v6 =	vmul.f32 v6, v5;
	v4 =	vmul.f32 v4, v5  }
0x255: {  	p1 =	por $0x1, $0x1;
	s29 =	simm.s32 $0x10;
	s14 =	simm.s32 $0x10400  }
.Ltmp10:
0x256: {  	s13 =	simm.s32 $0x10500;
	s12 =	simm.s32 $0x0;
	v5 =	vadd.f32 v63, v6;
	v4 =	vadd.f32 v63, v4;
	(pc) =	sbr.rel @!p1 .LBB2_21-.Ltmp10, $4  }
0x257: {  	p2 =	por $0x0, $0x0;
	s2 =	simm.s32 $0x0;
	p0 =	por $0x0, $0x0  }
0x258: {  	s6 =	sand.u32 $0x400, s2;
	s15 =	sadd.s32 s0, s25;
	s0 =	sand.u32 $0x70, s2;
	v4 =	vmax.f32 v5, v4  }
0x259: {  	s26 =	simm.s32 $0x10500;
	s5 =	sadd.s32 s31, s15;
	s30 =	sor.u32 s0, s6;
	v4 =	vmax.f32 v4, $0.0e+00  }
0x25a: {  	s31 =	smov.u32 s0;
	s15 =	smov.u32 s30;
	s28 =	simm.s32 $0x10400;
	[tilespmem:s5+$0x300] =	vst v4  }
0x25b: {  	v4 =	vld [tilespmem:s30+$0x4480]  }
0x25c: {  	v5 =	vld [tilespmem:s30+$0x4400]  }
0x25d: {  	v6 =	vld [tilespmem:s30+$0x4500]  }
0x25e: {  	v7 =	vld [tilespmem:s30+$0x4580]  }
0x25f: {  	v8 =	vld [tilespmem:s30+$0x4600]  }
0x260: {  	v9 =	vld [tilespmem:s30+$0x4680]  }
0x261: {  	v10 =	vmax.f32 v5, v4;
	v4 =	vmin.f32 v5, v4;
	v5 =	vld [tilespmem:s30+$0x4700]  }
0x262: {  	v54 =	vld [tilespmem:s30+$0x4780];
	v10 =	vmax.f32 v10, v6;
	v4 =	vmin.f32 v4, v6  }
0x263: {  	v55 =	vld [tilespmem:s30+$0x4C00];
	v10 =	vmax.f32 v10, v7;
	v4 =	vmin.f32 v4, v7  }
0x264: {  	v56 =	vld [tilespmem:s30+$0x4C80];
	v10 =	vmax.f32 v10, v8;
	v4 =	vmin.f32 v4, v8  }
0x265: {  	v57 =	vld [tilespmem:s30+$0x4D00];
	v10 =	vmax.f32 v10, v9;
	v4 =	vmin.f32 v4, v9  }
0x266: {  	v10 =	vmax.f32 v10, v5;
	v4 =	vmin.f32 v4, v5;
	v5 =	vld [tilespmem:s30+$0x4D80]  }
0x267: {  	v58 =	vld [tilespmem:s30+$0x4E00];
	v10 =	vmax.f32 v10, v54;
	v4 =	vmin.f32 v4, v54  }
0x268: {  	v59 =	vld [tilespmem:s30+$0x4E80];
	v10 =	vmax.f32 v10, v55;
	v4 =	vmin.f32 v4, v55  }
0x269: {  	v60 =	vld [tilespmem:s30+$0x4F00];
	v10 =	vmax.f32 v10, v56;
	v4 =	vmin.f32 v4, v56  }
0x26a: {  	v61 =	vld [tilespmem:s30+$0x4F80];
	v10 =	vmax.f32 v10, v57;
	v4 =	vmin.f32 v4, v57  }
0x26b: {  	v10 =	vmax.f32 v10, v5;
	v4 =	vmin.f32 v4, v5;
	v5 =	vld [tilespmem:s28+$0x0]  }
0x26c: {  	v10 =	vmax.f32 v10, v58;
	v4 =	vmin.f32 v4, v58  }
0x26d: {  	v63 =	vld [tilespmem:s26+$0x0];
	v62 =	vmax.f32 v10, v59;
	v4 =	vmin.f32 v4, v59  }
0x26e: {  	v6 =	vmax.f32 v62, v60;
	v4 =	vmin.f32 v4, v60  }
0x26f: {  	v6 =	vmax.f32 v6, v61;
	v4 =	vmin.f32 v4, v61  }
0x270: {  	v6 =	vmul.f32 v6, v5;
	v4 =	vmul.f32 v4, v5  }
0x271: {  	p3 =	por $0x1, $0x1  }
.Ltmp11:
0x272: {  	v5 =	vadd.f32 v63, v6;
	v4 =	vadd.f32 v63, v4;
	(pc) =	sbr.rel @!p3 .LBB2_19-.Ltmp11, $4  }
0x273: {  	s5 =	sand.u32 $0x80, s2;
	s31 =	sand.u32 $0x70, s29;
	p2 =	por $0x1, $0x1  }
0x274: {  	s14 =	simm.s32 $0x10400;
	s6 =	sadd.s32 s5, s25;
	s5 =	simm.s32 $0x80;
	v4 =	vmax.f32 v5, v4  }
0x275: {  	s13 =	simm.s32 $0x10500;
	s7 =	sand.u32 $0x400, s5;
	s12 =	sadd.s32 s0, s6;
	v4 =	vmax.f32 v4, $0.0e+00  }
0x276: {  	s6 =	simm.s32 $0x20;
	s15 =	sor.u32 s31, s7;
	[tilespmem:s12+$0x400] =	vst v4;
	s12 =	simm.s32 $0x10  }
.LBB2_20:
0x277: {  	p3 =	sne.s32 s6, $0xF0;
	v4 =	vld [tilespmem:s15+$0x4480]  }
0x278: {  	v5 =	vld [tilespmem:s15+$0x4400]  }
0x279: {  	v6 =	vld [tilespmem:s15+$0x4500]  }
0x27a: {  	v7 =	vld [tilespmem:s15+$0x4580]  }
0x27b: {  	v8 =	vld [tilespmem:s15+$0x4600]  }
0x27c: {  	v9 =	vld [tilespmem:s15+$0x4680]  }
0x27d: {  	v10 =	vmax.f32 v5, v4;
	v4 =	vmin.f32 v5, v4;
	v5 =	vld [tilespmem:s15+$0x4700]  }
0x27e: {  	v10 =	vmax.f32 v10, v6;
	v4 =	vmin.f32 v4, v6;
	v6 =	vld [tilespmem:s15+$0x4780]  }
0x27f: {  	v10 =	vmax.f32 v10, v7;
	v4 =	vmin.f32 v4, v7;
	v7 =	vld [tilespmem:s15+$0x4C00]  }
0x280: {  	v10 =	vmax.f32 v10, v8;
	v4 =	vmin.f32 v4, v8;
	v8 =	vld [tilespmem:s15+$0x4C80]  }
0x281: {  	v10 =	vmax.f32 v10, v9;
	v4 =	vmin.f32 v4, v9;
	v9 =	vld [tilespmem:s15+$0x4D00]  }
0x282: {  	v10 =	vmax.f32 v10, v5;
	v4 =	vmin.f32 v4, v5;
	v5 =	vld [tilespmem:s15+$0x4D80]  }
0x283: {  	v10 =	vmax.f32 v10, v6;
	v4 =	vmin.f32 v4, v6;
	v6 =	vld [tilespmem:s15+$0x4E00]  }
0x284: {  	v10 =	vmax.f32 v10, v7;
	v4 =	vmin.f32 v4, v7;
	v7 =	vld [tilespmem:s15+$0x4E80]  }
0x285: {  	v10 =	vmax.f32 v10, v8;
	v4 =	vmin.f32 v4, v8;
	v8 =	vld [tilespmem:s15+$0x4F00]  }
0x286: {  	s14 =	sadd.s32 $0x10, s14;
	v10 =	vmax.f32 v10, v9;
	v4 =	vmin.f32 v4, v9;
	v9 =	vld [tilespmem:s15+$0x4F80]  }
0x287: {  	v10 =	vmax.f32 v10, v5;
	v4 =	vmin.f32 v4, v5;
	v5 =	vld [tilespmem:s14+$0x0]  }
0x288: {  	s13 =	sadd.s32 $0x10, s13;
	v10 =	vmax.f32 v10, v6;
	v4 =	vmin.f32 v4, v6  }
0x289: {  	v6 =	vmax.f32 v10, v7;
	v4 =	vmin.f32 v4, v7;
	v7 =	vld [tilespmem:s13+$0x0]  }
0x28a: {  	v6 =	vmax.f32 v6, v8;
	v4 =	vmin.f32 v4, v8  }
0x28b: {  	v6 =	vmax.f32 v6, v9;
	v4 =	vmin.f32 v4, v9  }
0x28c: {  	v6 =	vmul.f32 v6, v5;
	v4 =	vmul.f32 v4, v5;
	_ =	sdelay $0x1  }
.Ltmp12:
0x28d: {  	v5 =	vadd.f32 v7, v6;
	v4 =	vadd.f32 v7, v4;
	(pc) =	sbr.rel @p3 .LBB2_20-.Ltmp12, $4  }
0x28e: {  	s7 =	sand.u32 $0x80, s12;
	s12 =	smov.u32 s6  }
0x28f: {  	s5 =	sadd.s32 $0x80, s5;
	s7 =	sadd.s32 s7, s25;
	v4 =	vmax.f32 v5, v4  }
0x290: {  	s7 =	sadd.s32 s31, s7;
	s31 =	sand.u32 $0x70, s6;
	s15 =	sand.u32 $0x400, s5;
	v4 =	vmax.f32 v4, $0.0e+00  }
0x291: {  	s6 =	sadd.s32 $0x10, s6;
	s15 =	sor.u32 s31, s15;
	[tilespmem:s7+$0x400] =	vst v4  }
.LBB2_21:
0x292: {  	v4 =	vld [tilespmem:s15+$0x4480]  }
0x293: {  	v5 =	vld [tilespmem:s15+$0x4400]  }
0x294: {  	v6 =	vld [tilespmem:s15+$0x4500]  }
0x295: {  	v7 =	vld [tilespmem:s15+$0x4580]  }
0x296: {  	v8 =	vld [tilespmem:s15+$0x4600]  }
0x297: {  	v9 =	vld [tilespmem:s15+$0x4680]  }
0x298: {  	v10 =	vmax.f32 v5, v4;
	v4 =	vmin.f32 v5, v4;
	v5 =	vld [tilespmem:s15+$0x4700]  }
0x299: {  	v54 =	vld [tilespmem:s15+$0x4780];
	v10 =	vmax.f32 v10, v6;
	v4 =	vmin.f32 v4, v6  }
0x29a: {  	v55 =	vld [tilespmem:s15+$0x4C00];
	v10 =	vmax.f32 v10, v7;
	v4 =	vmin.f32 v4, v7  }
0x29b: {  	v56 =	vld [tilespmem:s15+$0x4C80];
	v10 =	vmax.f32 v10, v8;
	v4 =	vmin.f32 v4, v8  }
0x29c: {  	v57 =	vld [tilespmem:s15+$0x4D00];
	v10 =	vmax.f32 v10, v9;
	v4 =	vmin.f32 v4, v9  }
0x29d: {  	v10 =	vmax.f32 v10, v5;
	v4 =	vmin.f32 v4, v5;
	v5 =	vld [tilespmem:s15+$0x4D80]  }
0x29e: {  	v58 =	vld [tilespmem:s15+$0x4E00];
	v10 =	vmax.f32 v10, v54;
	v4 =	vmin.f32 v4, v54  }
0x29f: {  	v59 =	vld [tilespmem:s15+$0x4E80];
	v10 =	vmax.f32 v10, v55;
	v4 =	vmin.f32 v4, v55  }
0x2a0: {  	v60 =	vld [tilespmem:s15+$0x4F00];
	s5 =	sadd.s32 @p2 $0x10, s14;
	s6 =	simm.s32 $0x10400;
	v10 =	vmax.f32 v10, v56;
	v4 =	vmin.f32 v4, v56  }
0x2a1: {  	v11 =	vld [tilespmem:s15+$0x4F80];
	s6 =	smov.u32 @p2 s5;
	v10 =	vmax.f32 v10, v57;
	v4 =	vmin.f32 v4, v57  }
0x2a2: {  	s5 =	sadd.s32 @p2 $0x10, s13;
	v61 =	vmax.f32 v10, v5;
	v4 =	vmin.f32 v4, v5;
	v5 =	vld [tilespmem:s6+$0x0];
	s6 =	simm.s32 $0x10500  }
0x2a3: {  	v9 =	vmax.f32 v61, v58;
	v4 =	vmin.f32 v4, v58;
	s6 =	smov.u32 @p2 s5  }
0x2a4: {  	v62 =	vmax.f32 v9, v59;
	v4 =	vmin.f32 v4, v59;
	v63 =	vld [tilespmem:s6+$0x0]  }
0x2a5: {  	v6 =	vmax.f32 v62, v60;
	v4 =	vmin.f32 v4, v60  }
0x2a6: {  	v6 =	vmax.f32 v6, v11;
	v4 =	vmin.f32 v4, v11  }
0x2a7: {  	v6 =	vmul.f32 v6, v5;
	v4 =	vmul.f32 v4, v5;
	_ =	sdelay $0x1  }
.Ltmp13:
0x2a8: {  	v5 =	vadd.f32 v63, v6;
	v4 =	vadd.f32 v63, v4;
	(pc) =	sbr.rel @!p1 .LBB2_22-.Ltmp13, $4  }
0x2a9: {  	s15 =	sand.u32 $0x80, s12  }
0x2aa: {  	s5 =	sadd.s32 s15, s25;
	v4 =	vmax.f32 v5, v4  }
0x2ab: {  	s5 =	sadd.s32 s31, s5;
	v4 =	vmax.f32 v4, $0.0e+00  }
0x2ac: {  	[tilespmem:s5+$0x400] =	vst v4  }
0x2ad: {  	v4 =	vld [tilespmem:s30+$0x5480]  }
0x2ae: {  	v5 =	vld [tilespmem:s30+$0x5400]  }
0x2af: {  	v6 =	vld [tilespmem:s30+$0x5500]  }
0x2b0: {  	v7 =	vld [tilespmem:s30+$0x5580]  }
0x2b1: {  	v8 =	vld [tilespmem:s30+$0x5600]  }
0x2b2: {  	v9 =	vld [tilespmem:s30+$0x5680]  }
0x2b3: {  	v10 =	vmax.f32 v5, v4;
	v4 =	vmin.f32 v5, v4;
	v5 =	vld [tilespmem:s30+$0x5700]  }
0x2b4: {  	v54 =	vld [tilespmem:s30+$0x5780];
	v10 =	vmax.f32 v10, v6;
	v4 =	vmin.f32 v4, v6  }
0x2b5: {  	v55 =	vld [tilespmem:s30+$0x5C00];
	v10 =	vmax.f32 v10, v7;
	v4 =	vmin.f32 v4, v7  }
0x2b6: {  	v56 =	vld [tilespmem:s30+$0x5C80];
	v10 =	vmax.f32 v10, v8;
	v4 =	vmin.f32 v4, v8  }
0x2b7: {  	v57 =	vld [tilespmem:s30+$0x5D00];
	v10 =	vmax.f32 v10, v9;
	v4 =	vmin.f32 v4, v9  }
0x2b8: {  	v10 =	vmax.f32 v10, v5;
	v4 =	vmin.f32 v4, v5;
	v5 =	vld [tilespmem:s30+$0x5D80]  }
0x2b9: {  	v58 =	vld [tilespmem:s30+$0x5E00];
	v10 =	vmax.f32 v10, v54;
	v4 =	vmin.f32 v4, v54  }
0x2ba: {  	v59 =	vld [tilespmem:s30+$0x5E80];
	v10 =	vmax.f32 v10, v55;
	v4 =	vmin.f32 v4, v55  }
0x2bb: {  	v60 =	vld [tilespmem:s30+$0x5F00];
	v10 =	vmax.f32 v10, v56;
	v4 =	vmin.f32 v4, v56  }
0x2bc: {  	v61 =	vld [tilespmem:s30+$0x5F80];
	v10 =	vmax.f32 v10, v57;
	v4 =	vmin.f32 v4, v57  }
0x2bd: {  	v10 =	vmax.f32 v10, v5;
	v4 =	vmin.f32 v4, v5;
	v5 =	vld [tilespmem:s28+$0x0]  }
0x2be: {  	v10 =	vmax.f32 v10, v58;
	v4 =	vmin.f32 v4, v58  }
0x2bf: {  	v63 =	vld [tilespmem:s26+$0x0];
	v62 =	vmax.f32 v10, v59;
	v4 =	vmin.f32 v4, v59  }
0x2c0: {  	v6 =	vmax.f32 v62, v60;
	v4 =	vmin.f32 v4, v60  }
0x2c1: {  	v6 =	vmax.f32 v6, v61;
	v4 =	vmin.f32 v4, v61  }
0x2c2: {  	v6 =	vmul.f32 v6, v5;
	v4 =	vmul.f32 v4, v5  }
0x2c3: {  	p1 =	por $0x1, $0x1  }
.Ltmp14:
0x2c4: {  	v5 =	vadd.f32 v63, v6;
	v4 =	vadd.f32 v63, v4;
	(pc) =	sbr.rel @!p1 .LBB2_24-.Ltmp14, $4  }
0x2c5: {  	s5 =	sand.u32 $0x80, s2;
	s2 =	simm.s32 $0x80  }
0x2c6: {  	s14 =	sand.u32 $0x70, s29;
	p0 =	por $0x1, $0x1;
	s5 =	sadd.s32 s5, s25;
	v4 =	vmax.f32 v5, v4  }
0x2c7: {  	s13 =	simm.s32 $0x10400;
	s6 =	sand.u32 $0x400, s2;
	s5 =	sadd.s32 s0, s5;
	v4 =	vmax.f32 v4, $0.0e+00  }
0x2c8: {  	s12 =	simm.s32 $0x10500;
	s0 =	simm.s32 $0x20;
	s30 =	sor.u32 s14, s6;
	[tilespmem:s5+$0x500] =	vst v4  }
.LBB2_25:
0x2c9: {  	p1 =	sne.s32 s0, $0xF0;
	v4 =	vld [tilespmem:s30+$0x5480]  }
0x2ca: {  	v5 =	vld [tilespmem:s30+$0x5400]  }
0x2cb: {  	v6 =	vld [tilespmem:s30+$0x5500]  }
0x2cc: {  	v7 =	vld [tilespmem:s30+$0x5580]  }
0x2cd: {  	v8 =	vld [tilespmem:s30+$0x5600]  }
0x2ce: {  	v9 =	vld [tilespmem:s30+$0x5680]  }
0x2cf: {  	v10 =	vmax.f32 v5, v4;
	v4 =	vmin.f32 v5, v4;
	v5 =	vld [tilespmem:s30+$0x5700]  }
0x2d0: {  	v10 =	vmax.f32 v10, v6;
	v4 =	vmin.f32 v4, v6;
	v6 =	vld [tilespmem:s30+$0x5780]  }
0x2d1: {  	v10 =	vmax.f32 v10, v7;
	v4 =	vmin.f32 v4, v7;
	v7 =	vld [tilespmem:s30+$0x5C00]  }
0x2d2: {  	v10 =	vmax.f32 v10, v8;
	v4 =	vmin.f32 v4, v8;
	v8 =	vld [tilespmem:s30+$0x5C80]  }
0x2d3: {  	v10 =	vmax.f32 v10, v9;
	v4 =	vmin.f32 v4, v9;
	v9 =	vld [tilespmem:s30+$0x5D00]  }
0x2d4: {  	v10 =	vmax.f32 v10, v5;
	v4 =	vmin.f32 v4, v5;
	v5 =	vld [tilespmem:s30+$0x5D80]  }
0x2d5: {  	v10 =	vmax.f32 v10, v6;
	v4 =	vmin.f32 v4, v6;
	v6 =	vld [tilespmem:s30+$0x5E00]  }
0x2d6: {  	v10 =	vmax.f32 v10, v7;
	v4 =	vmin.f32 v4, v7;
	v7 =	vld [tilespmem:s30+$0x5E80]  }
0x2d7: {  	v10 =	vmax.f32 v10, v8;
	v4 =	vmin.f32 v4, v8;
	v8 =	vld [tilespmem:s30+$0x5F00]  }
0x2d8: {  	s13 =	sadd.s32 $0x10, s13;
	v10 =	vmax.f32 v10, v9;
	v4 =	vmin.f32 v4, v9;
	v9 =	vld [tilespmem:s30+$0x5F80]  }
0x2d9: {  	v10 =	vmax.f32 v10, v5;
	v4 =	vmin.f32 v4, v5;
	v5 =	vld [tilespmem:s13+$0x0]  }
0x2da: {  	s12 =	sadd.s32 $0x10, s12;
	v10 =	vmax.f32 v10, v6;
	v4 =	vmin.f32 v4, v6  }
0x2db: {  	v6 =	vmax.f32 v10, v7;
	v4 =	vmin.f32 v4, v7;
	v7 =	vld [tilespmem:s12+$0x0]  }
0x2dc: {  	v6 =	vmax.f32 v6, v8;
	v4 =	vmin.f32 v4, v8  }
0x2dd: {  	v6 =	vmax.f32 v6, v9;
	v4 =	vmin.f32 v4, v9  }
0x2de: {  	v6 =	vmul.f32 v6, v5;
	v4 =	vmul.f32 v4, v5;
	_ =	sdelay $0x1  }
.Ltmp15:
0x2df: {  	v5 =	vadd.f32 v7, v6;
	v4 =	vadd.f32 v7, v4;
	(pc) =	sbr.rel @p1 .LBB2_25-.Ltmp15, $4  }
0x2e0: {  	s5 =	sand.u32 $0x80, s29;
	s29 =	smov.u32 s0  }
0x2e1: {  	s2 =	sadd.s32 $0x80, s2;
	s5 =	sadd.s32 s5, s25;
	v4 =	vmax.f32 v5, v4  }
0x2e2: {  	s6 =	sand.u32 $0x400, s2;
	s5 =	sadd.s32 s14, s5;
	s14 =	sand.u32 $0x70, s0;
	v4 =	vmax.f32 v4, $0.0e+00  }
0x2e3: {  	s0 =	sadd.s32 $0x10, s0;
	s30 =	sor.u32 s14, s6;
	[tilespmem:s5+$0x500] =	vst v4  }
0x2e4: {  	s2 =	smov.u32 s29;
	s0 =	smov.u32 s14  }
.LBB2_27:
0x2e5: {  	v4 =	vld [tilespmem:s30+$0x5480]  }
0x2e6: {  	v5 =	vld [tilespmem:s30+$0x5400]  }
0x2e7: {  	v6 =	vld [tilespmem:s30+$0x5500]  }
0x2e8: {  	v7 =	vld [tilespmem:s30+$0x5580]  }
0x2e9: {  	v8 =	vld [tilespmem:s30+$0x5600]  }
0x2ea: {  	v9 =	vld [tilespmem:s30+$0x5680]  }
0x2eb: {  	v10 =	vmax.f32 v5, v4;
	v4 =	vmin.f32 v5, v4;
	v5 =	vld [tilespmem:s30+$0x5700]  }
0x2ec: {  	v54 =	vld [tilespmem:s30+$0x5780];
	v10 =	vmax.f32 v10, v6;
	v4 =	vmin.f32 v4, v6  }
0x2ed: {  	v55 =	vld [tilespmem:s30+$0x5C00];
	v10 =	vmax.f32 v10, v7;
	v4 =	vmin.f32 v4, v7  }
0x2ee: {  	v56 =	vld [tilespmem:s30+$0x5C80];
	v10 =	vmax.f32 v10, v8;
	v4 =	vmin.f32 v4, v8  }
0x2ef: {  	v57 =	vld [tilespmem:s30+$0x5D00];
	v10 =	vmax.f32 v10, v9;
	v4 =	vmin.f32 v4, v9  }
0x2f0: {  	v10 =	vmax.f32 v10, v5;
	v4 =	vmin.f32 v4, v5;
	v5 =	vld [tilespmem:s30+$0x5D80]  }
0x2f1: {  	v58 =	vld [tilespmem:s30+$0x5E00];
	v10 =	vmax.f32 v10, v54;
	v4 =	vmin.f32 v4, v54  }
0x2f2: {  	v59 =	vld [tilespmem:s30+$0x5E80];
	v10 =	vmax.f32 v10, v55;
	v4 =	vmin.f32 v4, v55  }
0x2f3: {  	v60 =	vld [tilespmem:s30+$0x5F00];
	s5 =	sadd.s32 @p0 $0x10, s13;
	v10 =	vmax.f32 v10, v56;
	v4 =	vmin.f32 v4, v56  }
0x2f4: {  	v61 =	vld [tilespmem:s30+$0x5F80];
	s28 =	smov.u32 @p0 s5;
	v10 =	vmax.f32 v10, v57;
	v4 =	vmin.f32 v4, v57  }
0x2f5: {  	s5 =	sadd.s32 @p0 $0x10, s12;
	v10 =	vmax.f32 v10, v5;
	v4 =	vmin.f32 v4, v5;
	v5 =	vld [tilespmem:s28+$0x0]  }
0x2f6: {  	s26 =	smov.u32 @p0 s5;
	v10 =	vmax.f32 v10, v58;
	v4 =	vmin.f32 v4, v58  }
0x2f7: {  	v63 =	vld [tilespmem:s26+$0x0];
	v62 =	vmax.f32 v10, v59;
	v4 =	vmin.f32 v4, v59  }
0x2f8: {  	v6 =	vmax.f32 v62, v60;
	v4 =	vmin.f32 v4, v60  }
0x2f9: {  	v6 =	vmax.f32 v6, v61;
	v4 =	vmin.f32 v4, v61  }
0x2fa: {  	s2 =	sand.u32 $0x80, s2;
	v6 =	vmul.f32 v6, v5;
	v4 =	vmul.f32 v4, v5  }
0x2fb: {  	p1 =	por $0x1, $0x1;
	s29 =	simm.s32 $0x10;
	s14 =	simm.s32 $0x10400  }
.Ltmp16:
0x2fc: {  	s13 =	simm.s32 $0x10500;
	p2 =	por $0x0, $0x0;
	v5 =	vadd.f32 v63, v6;
	v4 =	vadd.f32 v63, v4;
	(pc) =	sbr.rel @!p1 .LBB2_31-.Ltmp16, $4  }
0x2fd: {  	s15 =	sadd.s32 s2, s25;
	s2 =	simm.s32 $0x0;
	s12 =	simm.s32 $0x0  }
0x2fe: {  	s31 =	sand.u32 $0x70, s2;
	s6 =	sand.u32 $0x400, s2;
	s0 =	sadd.s32 s0, s15;
	v4 =	vmax.f32 v5, v4  }
0x2ff: {  	p0 =	por $0x0, $0x0;
	s26 =	simm.s32 $0x10500;
	s30 =	sor.u32 s31, s6;
	v4 =	vmax.f32 v4, $0.0e+00  }
0x300: {  	s15 =	smov.u32 s30;
	s28 =	simm.s32 $0x10400;
	[tilespmem:s0+$0x500] =	vst v4;
	s0 =	smov.u32 s31  }
0x301: {  	v4 =	vld [tilespmem:s30+$0x6480]  }
0x302: {  	v5 =	vld [tilespmem:s30+$0x6400]  }
0x303: {  	v6 =	vld [tilespmem:s30+$0x6500]  }
0x304: {  	v7 =	vld [tilespmem:s30+$0x6580]  }
0x305: {  	v8 =	vld [tilespmem:s30+$0x6600]  }
0x306: {  	v9 =	vld [tilespmem:s30+$0x6680]  }
0x307: {  	v10 =	vmax.f32 v5, v4;
	v4 =	vmin.f32 v5, v4;
	v5 =	vld [tilespmem:s30+$0x6700]  }
0x308: {  	v54 =	vld [tilespmem:s30+$0x6780];
	v10 =	vmax.f32 v10, v6;
	v4 =	vmin.f32 v4, v6  }
0x309: {  	v55 =	vld [tilespmem:s30+$0x6C00];
	v10 =	vmax.f32 v10, v7;
	v4 =	vmin.f32 v4, v7  }
0x30a: {  	v56 =	vld [tilespmem:s30+$0x6C80];
	v10 =	vmax.f32 v10, v8;
	v4 =	vmin.f32 v4, v8  }
0x30b: {  	v57 =	vld [tilespmem:s30+$0x6D00];
	v10 =	vmax.f32 v10, v9;
	v4 =	vmin.f32 v4, v9  }
0x30c: {  	v10 =	vmax.f32 v10, v5;
	v4 =	vmin.f32 v4, v5;
	v5 =	vld [tilespmem:s30+$0x6D80]  }
0x30d: {  	v58 =	vld [tilespmem:s30+$0x6E00];
	v10 =	vmax.f32 v10, v54;
	v4 =	vmin.f32 v4, v54  }
0x30e: {  	v59 =	vld [tilespmem:s30+$0x6E80];
	v10 =	vmax.f32 v10, v55;
	v4 =	vmin.f32 v4, v55  }
0x30f: {  	v60 =	vld [tilespmem:s30+$0x6F00];
	v10 =	vmax.f32 v10, v56;
	v4 =	vmin.f32 v4, v56  }
0x310: {  	v61 =	vld [tilespmem:s30+$0x6F80];
	v10 =	vmax.f32 v10, v57;
	v4 =	vmin.f32 v4, v57  }
0x311: {  	v10 =	vmax.f32 v10, v5;
	v4 =	vmin.f32 v4, v5;
	v5 =	vld [tilespmem:s28+$0x0]  }
0x312: {  	v10 =	vmax.f32 v10, v58;
	v4 =	vmin.f32 v4, v58  }
0x313: {  	v63 =	vld [tilespmem:s26+$0x0];
	v62 =	vmax.f32 v10, v59;
	v4 =	vmin.f32 v4, v59  }
0x314: {  	v6 =	vmax.f32 v62, v60;
	v4 =	vmin.f32 v4, v60  }
0x315: {  	v6 =	vmax.f32 v6, v61;
	v4 =	vmin.f32 v4, v61  }
0x316: {  	v6 =	vmul.f32 v6, v5;
	v4 =	vmul.f32 v4, v5  }
0x317: {  	p3 =	por $0x1, $0x1  }
.Ltmp17:
0x318: {  	v5 =	vadd.f32 v63, v6;
	v4 =	vadd.f32 v63, v4;
	(pc) =	sbr.rel @!p3 .LBB2_29-.Ltmp17, $4  }
0x319: {  	s0 =	sand.u32 $0x80, s2;
	s5 =	simm.s32 $0x80;
	p2 =	por $0x1, $0x1  }
0x31a: {  	s14 =	simm.s32 $0x10400;
	s13 =	simm.s32 $0x10500;
	s6 =	sadd.s32 s0, s25;
	v4 =	vmax.f32 v5, v4  }
0x31b: {  	s0 =	sand.u32 $0x70, s29;
	s7 =	sand.u32 $0x400, s5;
	s12 =	sadd.s32 s31, s6;
	v4 =	vmax.f32 v4, $0.0e+00  }
0x31c: {  	s15 =	sor.u32 s0, s7;
	s6 =	simm.s32 $0x20;
	[tilespmem:s12+$0x600] =	vst v4;
	s12 =	simm.s32 $0x10  }
.LBB2_30:
0x31d: {  	p3 =	sne.s32 s6, $0xF0;
	v4 =	vld [tilespmem:s15+$0x6480]  }
0x31e: {  	v5 =	vld [tilespmem:s15+$0x6400]  }
0x31f: {  	v6 =	vld [tilespmem:s15+$0x6500]  }
0x320: {  	v7 =	vld [tilespmem:s15+$0x6580]  }
0x321: {  	v8 =	vld [tilespmem:s15+$0x6600]  }
0x322: {  	v9 =	vld [tilespmem:s15+$0x6680]  }
0x323: {  	v10 =	vmax.f32 v5, v4;
	v4 =	vmin.f32 v5, v4;
	v5 =	vld [tilespmem:s15+$0x6700]  }
0x324: {  	v10 =	vmax.f32 v10, v6;
	v4 =	vmin.f32 v4, v6;
	v6 =	vld [tilespmem:s15+$0x6780]  }
0x325: {  	v10 =	vmax.f32 v10, v7;
	v4 =	vmin.f32 v4, v7;
	v7 =	vld [tilespmem:s15+$0x6C00]  }
0x326: {  	v10 =	vmax.f32 v10, v8;
	v4 =	vmin.f32 v4, v8;
	v8 =	vld [tilespmem:s15+$0x6C80]  }
0x327: {  	v10 =	vmax.f32 v10, v9;
	v4 =	vmin.f32 v4, v9;
	v9 =	vld [tilespmem:s15+$0x6D00]  }
0x328: {  	v10 =	vmax.f32 v10, v5;
	v4 =	vmin.f32 v4, v5;
	v5 =	vld [tilespmem:s15+$0x6D80]  }
0x329: {  	v10 =	vmax.f32 v10, v6;
	v4 =	vmin.f32 v4, v6;
	v6 =	vld [tilespmem:s15+$0x6E00]  }
0x32a: {  	v10 =	vmax.f32 v10, v7;
	v4 =	vmin.f32 v4, v7;
	v7 =	vld [tilespmem:s15+$0x6E80]  }
0x32b: {  	v10 =	vmax.f32 v10, v8;
	v4 =	vmin.f32 v4, v8;
	v8 =	vld [tilespmem:s15+$0x6F00]  }
0x32c: {  	s14 =	sadd.s32 $0x10, s14;
	v10 =	vmax.f32 v10, v9;
	v4 =	vmin.f32 v4, v9;
	v9 =	vld [tilespmem:s15+$0x6F80]  }
0x32d: {  	v10 =	vmax.f32 v10, v5;
	v4 =	vmin.f32 v4, v5;
	v5 =	vld [tilespmem:s14+$0x0]  }
0x32e: {  	s13 =	sadd.s32 $0x10, s13;
	v10 =	vmax.f32 v10, v6;
	v4 =	vmin.f32 v4, v6  }
0x32f: {  	v6 =	vmax.f32 v10, v7;
	v4 =	vmin.f32 v4, v7;
	v7 =	vld [tilespmem:s13+$0x0]  }
0x330: {  	v6 =	vmax.f32 v6, v8;
	v4 =	vmin.f32 v4, v8  }
0x331: {  	v6 =	vmax.f32 v6, v9;
	v4 =	vmin.f32 v4, v9  }
0x332: {  	v6 =	vmul.f32 v6, v5;
	v4 =	vmul.f32 v4, v5;
	_ =	sdelay $0x1  }
.Ltmp18:
0x333: {  	v5 =	vadd.f32 v7, v6;
	v4 =	vadd.f32 v7, v4;
	(pc) =	sbr.rel @p3 .LBB2_30-.Ltmp18, $4  }
0x334: {  	s7 =	sand.u32 $0x80, s12;
	s12 =	smov.u32 s6  }
0x335: {  	s5 =	sadd.s32 $0x80, s5;
	s7 =	sadd.s32 s7, s25;
	v4 =	vmax.f32 v5, v4  }
0x336: {  	s7 =	sadd.s32 s0, s7;
	s0 =	sand.u32 $0x70, s6;
	s15 =	sand.u32 $0x400, s5;
	v4 =	vmax.f32 v4, $0.0e+00  }
0x337: {  	s6 =	sadd.s32 $0x10, s6;
	s15 =	sor.u32 s0, s15;
	[tilespmem:s7+$0x600] =	vst v4  }
.LBB2_31:
0x338: {  	v4 =	vld [tilespmem:s15+$0x6480]  }
0x339: {  	v5 =	vld [tilespmem:s15+$0x6400]  }
0x33a: {  	v6 =	vld [tilespmem:s15+$0x6500]  }
0x33b: {  	v7 =	vld [tilespmem:s15+$0x6580]  }
0x33c: {  	v8 =	vld [tilespmem:s15+$0x6600]  }
0x33d: {  	v9 =	vld [tilespmem:s15+$0x6680]  }
0x33e: {  	v10 =	vmax.f32 v5, v4;
	v4 =	vmin.f32 v5, v4;
	v5 =	vld [tilespmem:s15+$0x6700]  }
0x33f: {  	v54 =	vld [tilespmem:s15+$0x6780];
	v10 =	vmax.f32 v10, v6;
	v4 =	vmin.f32 v4, v6  }
0x340: {  	v55 =	vld [tilespmem:s15+$0x6C00];
	v10 =	vmax.f32 v10, v7;
	v4 =	vmin.f32 v4, v7  }
0x341: {  	v56 =	vld [tilespmem:s15+$0x6C80];
	v10 =	vmax.f32 v10, v8;
	v4 =	vmin.f32 v4, v8  }
0x342: {  	v57 =	vld [tilespmem:s15+$0x6D00];
	v10 =	vmax.f32 v10, v9;
	v4 =	vmin.f32 v4, v9  }
0x343: {  	v10 =	vmax.f32 v10, v5;
	v4 =	vmin.f32 v4, v5;
	v5 =	vld [tilespmem:s15+$0x6D80]  }
0x344: {  	v58 =	vld [tilespmem:s15+$0x6E00];
	v10 =	vmax.f32 v10, v54;
	v4 =	vmin.f32 v4, v54  }
0x345: {  	v59 =	vld [tilespmem:s15+$0x6E80];
	v10 =	vmax.f32 v10, v55;
	v4 =	vmin.f32 v4, v55  }
0x346: {  	v60 =	vld [tilespmem:s15+$0x6F00];
	s5 =	sadd.s32 @p2 $0x10, s14;
	s6 =	simm.s32 $0x10400;
	v10 =	vmax.f32 v10, v56;
	v4 =	vmin.f32 v4, v56  }
0x347: {  	v11 =	vld [tilespmem:s15+$0x6F80];
	s6 =	smov.u32 @p2 s5;
	v10 =	vmax.f32 v10, v57;
	v4 =	vmin.f32 v4, v57  }
0x348: {  	s5 =	sadd.s32 @p2 $0x10, s13;
	v61 =	vmax.f32 v10, v5;
	v4 =	vmin.f32 v4, v5;
	v5 =	vld [tilespmem:s6+$0x0];
	s6 =	simm.s32 $0x10500  }
0x349: {  	v9 =	vmax.f32 v61, v58;
	v4 =	vmin.f32 v4, v58;
	s6 =	smov.u32 @p2 s5  }
0x34a: {  	v62 =	vmax.f32 v9, v59;
	v4 =	vmin.f32 v4, v59;
	v63 =	vld [tilespmem:s6+$0x0]  }
0x34b: {  	v6 =	vmax.f32 v62, v60;
	v4 =	vmin.f32 v4, v60  }
0x34c: {  	v6 =	vmax.f32 v6, v11;
	v4 =	vmin.f32 v4, v11  }
0x34d: {  	v6 =	vmul.f32 v6, v5;
	v4 =	vmul.f32 v4, v5;
	_ =	sdelay $0x1  }
.Ltmp19:
0x34e: {  	v5 =	vadd.f32 v63, v6;
	v4 =	vadd.f32 v63, v4;
	(pc) =	sbr.rel @!p1 .LBB2_32-.Ltmp19, $4  }
0x34f: {  	s15 =	sand.u32 $0x80, s12  }
0x350: {  	s5 =	sadd.s32 s15, s25;
	v4 =	vmax.f32 v5, v4  }
0x351: {  	s0 =	sadd.s32 s0, s5;
	v4 =	vmax.f32 v4, $0.0e+00  }
0x352: {  	[tilespmem:s0+$0x600] =	vst v4  }
0x353: {  	v4 =	vld [tilespmem:s30+$0x7480]  }
0x354: {  	v5 =	vld [tilespmem:s30+$0x7400]  }
0x355: {  	v6 =	vld [tilespmem:s30+$0x7500]  }
0x356: {  	v7 =	vld [tilespmem:s30+$0x7580]  }
0x357: {  	v8 =	vld [tilespmem:s30+$0x7600]  }
0x358: {  	v9 =	vld [tilespmem:s30+$0x7680]  }
0x359: {  	v10 =	vmax.f32 v5, v4;
	v4 =	vmin.f32 v5, v4;
	v5 =	vld [tilespmem:s30+$0x7700]  }
0x35a: {  	v54 =	vld [tilespmem:s30+$0x7780];
	v10 =	vmax.f32 v10, v6;
	v4 =	vmin.f32 v4, v6  }
0x35b: {  	v55 =	vld [tilespmem:s30+$0x7C00];
	v10 =	vmax.f32 v10, v7;
	v4 =	vmin.f32 v4, v7  }
0x35c: {  	v56 =	vld [tilespmem:s30+$0x7C80];
	v10 =	vmax.f32 v10, v8;
	v4 =	vmin.f32 v4, v8  }
0x35d: {  	v57 =	vld [tilespmem:s30+$0x7D00];
	v10 =	vmax.f32 v10, v9;
	v4 =	vmin.f32 v4, v9  }
0x35e: {  	v10 =	vmax.f32 v10, v5;
	v4 =	vmin.f32 v4, v5;
	v5 =	vld [tilespmem:s30+$0x7D80]  }
0x35f: {  	v58 =	vld [tilespmem:s30+$0x7E00];
	v10 =	vmax.f32 v10, v54;
	v4 =	vmin.f32 v4, v54  }
0x360: {  	v59 =	vld [tilespmem:s30+$0x7E80];
	v10 =	vmax.f32 v10, v55;
	v4 =	vmin.f32 v4, v55  }
0x361: {  	v60 =	vld [tilespmem:s30+$0x7F00];
	v10 =	vmax.f32 v10, v56;
	v4 =	vmin.f32 v4, v56  }
0x362: {  	v61 =	vld [tilespmem:s30+$0x7F80];
	v10 =	vmax.f32 v10, v57;
	v4 =	vmin.f32 v4, v57  }
0x363: {  	v10 =	vmax.f32 v10, v5;
	v4 =	vmin.f32 v4, v5;
	v5 =	vld [tilespmem:s28+$0x0]  }
0x364: {  	v10 =	vmax.f32 v10, v58;
	v4 =	vmin.f32 v4, v58  }
0x365: {  	v63 =	vld [tilespmem:s26+$0x0];
	v62 =	vmax.f32 v10, v59;
	v4 =	vmin.f32 v4, v59  }
0x366: {  	v6 =	vmax.f32 v62, v60;
	v4 =	vmin.f32 v4, v60  }
0x367: {  	v6 =	vmax.f32 v6, v61;
	v4 =	vmin.f32 v4, v61  }
0x368: {  	v6 =	vmul.f32 v6, v5;
	v4 =	vmul.f32 v4, v5  }
0x369: {  	p1 =	por $0x1, $0x1  }
.Ltmp20:
0x36a: {  	v5 =	vadd.f32 v63, v6;
	v4 =	vadd.f32 v63, v4;
	(pc) =	sbr.rel @!p1 .LBB2_34-.Ltmp20, $4  }
0x36b: {  	s0 =	sand.u32 $0x80, s2;
	s2 =	simm.s32 $0x80  }
0x36c: {  	s13 =	sand.u32 $0x70, s29;
	p0 =	por $0x1, $0x1;
	s0 =	sadd.s32 s0, s25;
	v4 =	vmax.f32 v5, v4  }
0x36d: {  	s12 =	simm.s32 $0x10400;
	s5 =	sand.u32 $0x400, s2;
	s0 =	sadd.s32 s31, s0;
	v4 =	vmax.f32 v4, $0.0e+00  }
0x36e: {  	s30 =	sor.u32 s13, s5;
	s5 =	simm.s32 $0x20;
	[tilespmem:s0+$0x700] =	vst v4;
	s0 =	simm.s32 $0x10500  }
.LBB2_35:
0x36f: {  	p1 =	sne.s32 s5, $0xF0;
	v4 =	vld [tilespmem:s30+$0x7480]  }
0x370: {  	v5 =	vld [tilespmem:s30+$0x7400]  }
0x371: {  	v6 =	vld [tilespmem:s30+$0x7500]  }
0x372: {  	v7 =	vld [tilespmem:s30+$0x7580]  }
0x373: {  	v8 =	vld [tilespmem:s30+$0x7600]  }
0x374: {  	v9 =	vld [tilespmem:s30+$0x7680]  }
0x375: {  	v10 =	vmax.f32 v5, v4;
	v4 =	vmin.f32 v5, v4;
	v5 =	vld [tilespmem:s30+$0x7700]  }
0x376: {  	v10 =	vmax.f32 v10, v6;
	v4 =	vmin.f32 v4, v6;
	v6 =	vld [tilespmem:s30+$0x7780]  }
0x377: {  	v10 =	vmax.f32 v10, v7;
	v4 =	vmin.f32 v4, v7;
	v7 =	vld [tilespmem:s30+$0x7C00]  }
0x378: {  	v10 =	vmax.f32 v10, v8;
	v4 =	vmin.f32 v4, v8;
	v8 =	vld [tilespmem:s30+$0x7C80]  }
0x379: {  	v10 =	vmax.f32 v10, v9;
	v4 =	vmin.f32 v4, v9;
	v9 =	vld [tilespmem:s30+$0x7D00]  }
0x37a: {  	v10 =	vmax.f32 v10, v5;
	v4 =	vmin.f32 v4, v5;
	v5 =	vld [tilespmem:s30+$0x7D80]  }
0x37b: {  	v10 =	vmax.f32 v10, v6;
	v4 =	vmin.f32 v4, v6;
	v6 =	vld [tilespmem:s30+$0x7E00]  }
0x37c: {  	v10 =	vmax.f32 v10, v7;
	v4 =	vmin.f32 v4, v7;
	v7 =	vld [tilespmem:s30+$0x7E80]  }
0x37d: {  	v10 =	vmax.f32 v10, v8;
	v4 =	vmin.f32 v4, v8;
	v8 =	vld [tilespmem:s30+$0x7F00]  }
0x37e: {  	s12 =	sadd.s32 $0x10, s12;
	v10 =	vmax.f32 v10, v9;
	v4 =	vmin.f32 v4, v9;
	v9 =	vld [tilespmem:s30+$0x7F80]  }
0x37f: {  	v10 =	vmax.f32 v10, v5;
	v4 =	vmin.f32 v4, v5;
	v5 =	vld [tilespmem:s12+$0x0]  }
0x380: {  	s0 =	sadd.s32 $0x10, s0;
	v10 =	vmax.f32 v10, v6;
	v4 =	vmin.f32 v4, v6  }
0x381: {  	v6 =	vmax.f32 v10, v7;
	v4 =	vmin.f32 v4, v7;
	v7 =	vld [tilespmem:s0+$0x0]  }
0x382: {  	v6 =	vmax.f32 v6, v8;
	v4 =	vmin.f32 v4, v8  }
0x383: {  	v6 =	vmax.f32 v6, v9;
	v4 =	vmin.f32 v4, v9  }
0x384: {  	v6 =	vmul.f32 v6, v5;
	v4 =	vmul.f32 v4, v5;
	_ =	sdelay $0x1  }
.Ltmp21:
0x385: {  	v5 =	vadd.f32 v7, v6;
	v4 =	vadd.f32 v7, v4;
	(pc) =	sbr.rel @p1 .LBB2_35-.Ltmp21, $4  }
0x386: {  	s6 =	sand.u32 $0x80, s29;
	s29 =	smov.u32 s5  }
0x387: {  	s2 =	sadd.s32 $0x80, s2;
	s6 =	sadd.s32 s6, s25;
	v4 =	vmax.f32 v5, v4  }
0x388: {  	s7 =	sand.u32 $0x400, s2;
	s6 =	sadd.s32 s13, s6;
	s13 =	sand.u32 $0x70, s5;
	v4 =	vmax.f32 v4, $0.0e+00  }
0x389: {  	s5 =	sadd.s32 $0x10, s5;
	s30 =	sor.u32 s13, s7;
	[tilespmem:s6+$0x700] =	vst v4  }
0x38a: {  	s2 =	smov.u32 s29;
	s31 =	smov.u32 s13  }
.LBB2_37:
0x38b: {  	v4 =	vld [tilespmem:s30+$0x7480]  }
0x38c: {  	v5 =	vld [tilespmem:s30+$0x7400]  }
0x38d: {  	v6 =	vld [tilespmem:s30+$0x7500]  }
0x38e: {  	v7 =	vld [tilespmem:s30+$0x7580]  }
0x38f: {  	v8 =	vld [tilespmem:s30+$0x7600]  }
0x390: {  	v9 =	vld [tilespmem:s30+$0x7680]  }
0x391: {  	v10 =	vmax.f32 v5, v4;
	v4 =	vmin.f32 v5, v4;
	v5 =	vld [tilespmem:s30+$0x7700]  }
0x392: {  	v54 =	vld [tilespmem:s30+$0x7780];
	v10 =	vmax.f32 v10, v6;
	v4 =	vmin.f32 v4, v6  }
0x393: {  	v55 =	vld [tilespmem:s30+$0x7C00];
	v10 =	vmax.f32 v10, v7;
	v4 =	vmin.f32 v4, v7  }
0x394: {  	v56 =	vld [tilespmem:s30+$0x7C80];
	v10 =	vmax.f32 v10, v8;
	v4 =	vmin.f32 v4, v8  }
0x395: {  	v57 =	vld [tilespmem:s30+$0x7D00];
	v10 =	vmax.f32 v10, v9;
	v4 =	vmin.f32 v4, v9  }
0x396: {  	v10 =	vmax.f32 v10, v5;
	v4 =	vmin.f32 v4, v5;
	v5 =	vld [tilespmem:s30+$0x7D80]  }
0x397: {  	v58 =	vld [tilespmem:s30+$0x7E00];
	v10 =	vmax.f32 v10, v54;
	v4 =	vmin.f32 v4, v54  }
0x398: {  	v59 =	vld [tilespmem:s30+$0x7E80];
	v10 =	vmax.f32 v10, v55;
	v4 =	vmin.f32 v4, v55  }
0x399: {  	v60 =	vld [tilespmem:s30+$0x7F00];
	s5 =	sadd.s32 @p0 $0x10, s12;
	v10 =	vmax.f32 v10, v56;
	v4 =	vmin.f32 v4, v56  }
0x39a: {  	v61 =	vld [tilespmem:s30+$0x7F80];
	s28 =	smov.u32 @p0 s5;
	v10 =	vmax.f32 v10, v57;
	v4 =	vmin.f32 v4, v57  }
0x39b: {  	s0 =	sadd.s32 @p0 $0x10, s0;
	v10 =	vmax.f32 v10, v5;
	v4 =	vmin.f32 v4, v5;
	v5 =	vld [tilespmem:s28+$0x0]  }
0x39c: {  	s26 =	smov.u32 @p0 s0;
	v10 =	vmax.f32 v10, v58;
	v4 =	vmin.f32 v4, v58  }
0x39d: {  	v63 =	vld [tilespmem:s26+$0x0];
	v62 =	vmax.f32 v10, v59;
	v4 =	vmin.f32 v4, v59  }
0x39e: {  	v6 =	vmax.f32 v62, v60;
	v4 =	vmin.f32 v4, v60  }
0x39f: {  	v6 =	vmax.f32 v6, v61;
	v4 =	vmin.f32 v4, v61  }
0x3a0: {  	v6 =	vmul.f32 v6, v5;
	v4 =	vmul.f32 v4, v5;
	_ =	sdelay $0x1  }
0x3a1: {  	v5 =	vadd.f32 v63, v6;
	v4 =	vadd.f32 v63, v4  }
0x3a2: {  	s30 =	sand.u32 $0x80, s2  }
0x3a3: {  	p0 =	seq.s32 s23, $0x3;
	s0 =	sadd.s32 s30, s25;
	v4 =	vmax.f32 v5, v4  }
.Ltmp22:
0x3a4: {  	s0 =	sadd.s32 s31, s0;
	v4 =	vmax.f32 v4, $0.0e+00;
	(pc) =	sbr.rel @p0 .LBB2_39-.Ltmp22, $4  }
0x3a5: {  	[tilespmem:s0+$0x700] =	vst v4  }
0x3a6: {  	_ =	swait.ge [sflag:s22], $0x8000  }
0x3a7: {  	[sflag:s22] =	ssyncset.done $0x0  }
0x3a8: {  	[sflag:s22] =	ssyncadd.s32 $0xFFFF8000  }
0x3a9: {  	s0 =	sshll.u32 s23, $0x8  }
0x3aa: {  	s0 =	sand.u32 $0x3FFFFF00, s0  }
0x3ab: {  	v4 =	vld [tilespmem:s0+$0x100];
	_ =	sdelay $0x4  }
0x3ac: {  	v5 =	vshll.u32 v4, $0x1  }
0x3ad: {  	v4 =	vand.u32 $0x7, v4;
	v5 =	vand.u32 $0xFFFFFFF0, v5  }
0x3ae: {  	v4 =	vor.u32 v4, v5  }
0x3af: {  	v5 =	vperm.xlane v4, v1;
	_ =	sdelay $0x1  }
0x3b0: {  	v4 =	vperm.xlane v4, v3;
	v5 =	vadd.s32 v2, v5;
	_ =	sdelay $0x1  }
0x3b1: {  	v4 =	vadd.s32 v2, v4;
	_ =	sdelay $0x1  }
0x3b2: {  	s2 =	simm.s32 $0x400  }
0x3b3: {  	[tilespmem:s2], [sflag:$0x1] =	stream.indirect_vreg.gather [hbm4b:s4+s3], $0x80, v5, vm0, $0xb8;
	[tilespmem:$0x1A780] =	vst v63  }
0x3b4: {  	s30 =	simm.s32 $0xC00  }
0x3b5: {  	[tilespmem:s30], [sflag:$0x1] =	stream.indirect_vreg.gather [hbm4b:s4+s3], $0x80, v4, vm0, $0xb8;
	[tilespmem:$0x1A780] =	vst v63  }
0x3b6: {  	v4 =	vld [tilespmem:s0+$0x110];
	_ =	sdelay $0x4  }
0x3b7: {  	v5 =	vshll.u32 v4, $0x1  }
0x3b8: {  	v4 =	vand.u32 $0x7, v4;
	v5 =	vand.u32 $0xFFFFFFF0, v5  }
0x3b9: {  	v4 =	vor.u32 v4, v5  }
0x3ba: {  	v5 =	vperm.xlane v4, v1;
	_ =	sdelay $0x1  }
0x3bb: {  	v4 =	vperm.xlane v4, v3;
	v5 =	vadd.s32 v2, v5;
	_ =	sdelay $0x1  }
0x3bc: {  	v4 =	vadd.s32 v2, v4;
	_ =	sdelay $0x1  }
0x3bd: {  	s31 =	simm.s32 $0x1400  }
0x3be: {  	[tilespmem:s31], [sflag:$0x1] =	stream.indirect_vreg.gather [hbm4b:s4+s3], $0x80, v5, vm0, $0xb8;
	[tilespmem:$0x1A780] =	vst v63  }
0x3bf: {  	s5 =	simm.s32 $0x1C00  }
0x3c0: {  	[tilespmem:s5], [sflag:$0x1] =	stream.indirect_vreg.gather [hbm4b:s4+s3], $0x80, v4, vm0, $0xb8;
	[tilespmem:$0x1A780] =	vst v63  }
0x3c1: {  	v4 =	vld [tilespmem:s0+$0x120];
	_ =	sdelay $0x4  }
0x3c2: {  	v5 =	vshll.u32 v4, $0x1  }
0x3c3: {  	v4 =	vand.u32 $0x7, v4;
	v5 =	vand.u32 $0xFFFFFFF0, v5  }
0x3c4: {  	v4 =	vor.u32 v4, v5  }
0x3c5: {  	v5 =	vperm.xlane v4, v1;
	_ =	sdelay $0x1  }
0x3c6: {  	v4 =	vperm.xlane v4, v3;
	v5 =	vadd.s32 v2, v5;
	_ =	sdelay $0x1  }
0x3c7: {  	v4 =	vadd.s32 v2, v4;
	_ =	sdelay $0x1  }
0x3c8: {  	s6 =	simm.s32 $0x2400  }
0x3c9: {  	[tilespmem:s6], [sflag:$0x1] =	stream.indirect_vreg.gather [hbm4b:s4+s3], $0x80, v5, vm0, $0xb8;
	[tilespmem:$0x1A780] =	vst v63  }
0x3ca: {  	s7 =	simm.s32 $0x2C00  }
0x3cb: {  	[tilespmem:s7], [sflag:$0x1] =	stream.indirect_vreg.gather [hbm4b:s4+s3], $0x80, v4, vm0, $0xb8;
	[tilespmem:$0x1A780] =	vst v63  }
0x3cc: {  	v4 =	vld [tilespmem:s0+$0x130];
	_ =	sdelay $0x4  }
0x3cd: {  	v5 =	vshll.u32 v4, $0x1  }
0x3ce: {  	v4 =	vand.u32 $0x7, v4;
	v5 =	vand.u32 $0xFFFFFFF0, v5  }
0x3cf: {  	v4 =	vor.u32 v4, v5  }
0x3d0: {  	v5 =	vperm.xlane v4, v1;
	_ =	sdelay $0x1  }
0x3d1: {  	v4 =	vperm.xlane v4, v3;
	v5 =	vadd.s32 v2, v5;
	_ =	sdelay $0x1  }
0x3d2: {  	v4 =	vadd.s32 v2, v4;
	_ =	sdelay $0x1  }
0x3d3: {  	s12 =	simm.s32 $0x3400  }
0x3d4: {  	[tilespmem:s12], [sflag:$0x1] =	stream.indirect_vreg.gather [hbm4b:s4+s3], $0x80, v5, vm0, $0xb8;
	[tilespmem:$0x1A780] =	vst v63  }
0x3d5: {  	s13 =	simm.s32 $0x3C00  }
0x3d6: {  	[tilespmem:s13], [sflag:$0x1] =	stream.indirect_vreg.gather [hbm4b:s4+s3], $0x80, v4, vm0, $0xb8;
	[tilespmem:$0x1A780] =	vst v63  }
0x3d7: {  	v4 =	vld [tilespmem:s0+$0x140];
	_ =	sdelay $0x4  }
0x3d8: {  	v5 =	vshll.u32 v4, $0x1  }
0x3d9: {  	v4 =	vand.u32 $0x7, v4;
	v5 =	vand.u32 $0xFFFFFFF0, v5  }
0x3da: {  	v4 =	vor.u32 v4, v5  }
0x3db: {  	v5 =	vperm.xlane v4, v1;
	_ =	sdelay $0x1  }
0x3dc: {  	v4 =	vperm.xlane v4, v3;
	v5 =	vadd.s32 v2, v5;
	_ =	sdelay $0x1  }
0x3dd: {  	v4 =	vadd.s32 v2, v4;
	_ =	sdelay $0x1  }
0x3de: {  	s14 =	simm.s32 $0x4400  }
0x3df: {  	[tilespmem:s14], [sflag:$0x1] =	stream.indirect_vreg.gather [hbm4b:s4+s3], $0x80, v5, vm0, $0xb8;
	[tilespmem:$0x1A780] =	vst v63  }
0x3e0: {  	s15 =	simm.s32 $0x4C00  }
0x3e1: {  	[tilespmem:s15], [sflag:$0x1] =	stream.indirect_vreg.gather [hbm4b:s4+s3], $0x80, v4, vm0, $0xb8;
	[tilespmem:$0x1A780] =	vst v63  }
0x3e2: {  	v4 =	vld [tilespmem:s0+$0x150];
	_ =	sdelay $0x4  }
0x3e3: {  	v5 =	vshll.u32 v4, $0x1  }
0x3e4: {  	v4 =	vand.u32 $0x7, v4;
	v5 =	vand.u32 $0xFFFFFFF0, v5  }
0x3e5: {  	v4 =	vor.u32 v4, v5  }
0x3e6: {  	v5 =	vperm.xlane v4, v1;
	_ =	sdelay $0x1  }
0x3e7: {  	v4 =	vperm.xlane v4, v3;
	v5 =	vadd.s32 v2, v5;
	_ =	sdelay $0x1  }
0x3e8: {  	v4 =	vadd.s32 v2, v4;
	_ =	sdelay $0x1  }
0x3e9: {  	s25 =	simm.s32 $0x5400  }
0x3ea: {  	[tilespmem:s25], [sflag:$0x1] =	stream.indirect_vreg.gather [hbm4b:s4+s3], $0x80, v5, vm0, $0xb8;
	[tilespmem:$0x1A780] =	vst v63  }
0x3eb: {  	s26 =	simm.s32 $0x5C00  }
0x3ec: {  	[tilespmem:s26], [sflag:$0x1] =	stream.indirect_vreg.gather [hbm4b:s4+s3], $0x80, v4, vm0, $0xb8;
	[tilespmem:$0x1A780] =	vst v63  }
0x3ed: {  	v4 =	vld [tilespmem:s0+$0x160];
	_ =	sdelay $0x4  }
0x3ee: {  	v5 =	vshll.u32 v4, $0x1  }
0x3ef: {  	v4 =	vand.u32 $0x7, v4;
	v5 =	vand.u32 $0xFFFFFFF0, v5  }
0x3f0: {  	v4 =	vor.u32 v4, v5  }
0x3f1: {  	v5 =	vperm.xlane v4, v1;
	_ =	sdelay $0x1  }
0x3f2: {  	v4 =	vperm.xlane v4, v3;
	v5 =	vadd.s32 v2, v5;
	_ =	sdelay $0x1  }
0x3f3: {  	v4 =	vadd.s32 v2, v4;
	_ =	sdelay $0x1  }
0x3f4: {  	s28 =	simm.s32 $0x6400  }
0x3f5: {  	[tilespmem:s28], [sflag:$0x1] =	stream.indirect_vreg.gather [hbm4b:s4+s3], $0x80, v5, vm0, $0xb8;
	[tilespmem:$0x1A780] =	vst v63  }
0x3f6: {  	s29 =	simm.s32 $0x6C00  }
0x3f7: {  	[tilespmem:s29], [sflag:$0x1] =	stream.indirect_vreg.gather [hbm4b:s4+s3], $0x80, v4, vm0, $0xb8;
	[tilespmem:$0x1A780] =	vst v63  }
0x3f8: {  	v4 =	vld [tilespmem:s0+$0x170];
	_ =	sdelay $0x4  }
0x3f9: {  	v5 =	vshll.u32 v4, $0x1  }
0x3fa: {  	v4 =	vand.u32 $0x7, v4;
	v5 =	vand.u32 $0xFFFFFFF0, v5  }
0x3fb: {  	v4 =	vor.u32 v4, v5  }
0x3fc: {  	v5 =	vperm.xlane v4, v1;
	_ =	sdelay $0x1  }
0x3fd: {  	v4 =	vperm.xlane v4, v3;
	v5 =	vadd.s32 v2, v5;
	_ =	sdelay $0x1  }
0x3fe: {  	v4 =	vadd.s32 v2, v4;
	_ =	sdelay $0x1  }
0x3ff: {  	s30 =	simm.s32 $0x7400  }
0x400: {  	[tilespmem:s30], [sflag:$0x1] =	stream.indirect_vreg.gather [hbm4b:s4+s3], $0x80, v5, vm0, $0xb8;
	[tilespmem:$0x1A780] =	vst v63  }
0x401: {  	s31 =	simm.s32 $0x7C00  }
0x402: {  	[tilespmem:s31], [sflag:$0x1] =	stream.indirect_vreg.gather [hbm4b:s4+s3], $0x80, v4, vm0, $0xb8;
	[tilespmem:$0x1A780] =	vst v63  }
.LBB2_39:
0x403: {  	s5 =	simm.s32 $0x0  }
0x404: {  	s6 =	sand.u32 $0x70, s5;
	s0 =	sand.u32 $0x400, s5  }
0x405: {  	s2 =	sor.u32 s6, s0  }
0x406: {  	v4 =	vld [tilespmem:s2+$0x8480]  }
0x407: {  	v5 =	vld [tilespmem:s2+$0x8400]  }
0x408: {  	v6 =	vld [tilespmem:s2+$0x8500]  }
0x409: {  	v7 =	vld [tilespmem:s2+$0x8580]  }
0x40a: {  	v8 =	vld [tilespmem:s2+$0x8600]  }
0x40b: {  	v9 =	vld [tilespmem:s2+$0x8680]  }
0x40c: {  	v10 =	vmax.f32 v5, v4;
	v4 =	vmin.f32 v5, v4;
	v5 =	vld [tilespmem:s2+$0x8700]  }
0x40d: {  	v54 =	vld [tilespmem:s2+$0x8780];
	v10 =	vmax.f32 v10, v6;
	v4 =	vmin.f32 v4, v6  }
0x40e: {  	v55 =	vld [tilespmem:s2+$0x8C00];
	v10 =	vmax.f32 v10, v7;
	v4 =	vmin.f32 v4, v7  }
0x40f: {  	v56 =	vld [tilespmem:s2+$0x8C80];
	v10 =	vmax.f32 v10, v8;
	v4 =	vmin.f32 v4, v8  }
0x410: {  	v57 =	vld [tilespmem:s2+$0x8D00];
	v10 =	vmax.f32 v10, v9;
	v4 =	vmin.f32 v4, v9  }
0x411: {  	v10 =	vmax.f32 v10, v5;
	v4 =	vmin.f32 v4, v5;
	v5 =	vld [tilespmem:s2+$0x8D80]  }
0x412: {  	v58 =	vld [tilespmem:s2+$0x8E00];
	v10 =	vmax.f32 v10, v54;
	v4 =	vmin.f32 v4, v54  }
0x413: {  	v59 =	vld [tilespmem:s2+$0x8E80];
	v10 =	vmax.f32 v10, v55;
	v4 =	vmin.f32 v4, v55  }
0x414: {  	v60 =	vld [tilespmem:s2+$0x8F00];
	v10 =	vmax.f32 v10, v56;
	v4 =	vmin.f32 v4, v56  }
0x415: {  	s25 =	simm.s32 $0x10400;
	v61 =	vld [tilespmem:s2+$0x8F80];
	v10 =	vmax.f32 v10, v57;
	v4 =	vmin.f32 v4, v57  }
0x416: {  	v10 =	vmax.f32 v10, v5;
	v4 =	vmin.f32 v4, v5;
	v5 =	vld [tilespmem:s25+$0x0]  }
0x417: {  	s26 =	simm.s32 $0x10500;
	v10 =	vmax.f32 v10, v58;
	v4 =	vmin.f32 v4, v58  }
0x418: {  	v63 =	vld [tilespmem:s26+$0x0];
	v62 =	vmax.f32 v10, v59;
	v4 =	vmin.f32 v4, v59  }
0x419: {  	v6 =	vmax.f32 v62, v60;
	v4 =	vmin.f32 v4, v60  }
0x41a: {  	v6 =	vmax.f32 v6, v61;
	v4 =	vmin.f32 v4, v61  }
0x41b: {  	v6 =	vmul.f32 v6, v5;
	v4 =	vmul.f32 v4, v5  }
0x41c: {  	s31 =	sshll.u32 s24, $0xB  }
0x41d: {  	s23 =	sadd.s32 $0x1, s23;
	s14 =	simm.s32 $0x10400;
	s0 =	sand.u32 $0x3FFFF800, s31;
	v5 =	vadd.f32 v63, v6;
	v4 =	vadd.f32 v63, v4  }
0x41e: {  	s13 =	simm.s32 $0x10500;
	s7 =	sand.u32 $0x80, s5;
	s24 =	sadd.s32 $0x10600, s0  }
0x41f: {  	s5 =	simm.s32 $0x80;
	s0 =	simm.s32 $0x10;
	s7 =	sadd.s32 s7, s24;
	v4 =	vmax.f32 v5, v4  }
0x420: {  	s12 =	sand.u32 $0x400, s5;
	s29 =	sand.u32 $0x70, s0;
	s28 =	sadd.s32 s6, s7;
	v4 =	vmax.f32 v4, $0.0e+00  }
0x421: {  	s15 =	sor.u32 s29, s12;
	s6 =	simm.s32 $0x20;
	s12 =	simm.s32 $0x10;
	[tilespmem:s28+$0x0] =	vst v4  }
.LBB2_40:
0x422: {  	p0 =	sne.s32 s6, $0xF0;
	v4 =	vld [tilespmem:s15+$0x8480]  }
0x423: {  	v5 =	vld [tilespmem:s15+$0x8400]  }
0x424: {  	v6 =	vld [tilespmem:s15+$0x8500]  }
0x425: {  	v7 =	vld [tilespmem:s15+$0x8580]  }
0x426: {  	v8 =	vld [tilespmem:s15+$0x8600]  }
0x427: {  	v9 =	vld [tilespmem:s15+$0x8680]  }
0x428: {  	v10 =	vmax.f32 v5, v4;
	v4 =	vmin.f32 v5, v4;
	v5 =	vld [tilespmem:s15+$0x8700]  }
0x429: {  	v10 =	vmax.f32 v10, v6;
	v4 =	vmin.f32 v4, v6;
	v6 =	vld [tilespmem:s15+$0x8780]  }
0x42a: {  	v10 =	vmax.f32 v10, v7;
	v4 =	vmin.f32 v4, v7;
	v7 =	vld [tilespmem:s15+$0x8C00]  }
0x42b: {  	v10 =	vmax.f32 v10, v8;
	v4 =	vmin.f32 v4, v8;
	v8 =	vld [tilespmem:s15+$0x8C80]  }
0x42c: {  	v10 =	vmax.f32 v10, v9;
	v4 =	vmin.f32 v4, v9;
	v9 =	vld [tilespmem:s15+$0x8D00]  }
0x42d: {  	v10 =	vmax.f32 v10, v5;
	v4 =	vmin.f32 v4, v5;
	v5 =	vld [tilespmem:s15+$0x8D80]  }
0x42e: {  	v10 =	vmax.f32 v10, v6;
	v4 =	vmin.f32 v4, v6;
	v6 =	vld [tilespmem:s15+$0x8E00]  }
0x42f: {  	v10 =	vmax.f32 v10, v7;
	v4 =	vmin.f32 v4, v7;
	v7 =	vld [tilespmem:s15+$0x8E80]  }
0x430: {  	v10 =	vmax.f32 v10, v8;
	v4 =	vmin.f32 v4, v8;
	v8 =	vld [tilespmem:s15+$0x8F00]  }
0x431: {  	s14 =	sadd.s32 $0x10, s14;
	v10 =	vmax.f32 v10, v9;
	v4 =	vmin.f32 v4, v9;
	v9 =	vld [tilespmem:s15+$0x8F80]  }
0x432: {  	v10 =	vmax.f32 v10, v5;
	v4 =	vmin.f32 v4, v5;
	v5 =	vld [tilespmem:s14+$0x0]  }
0x433: {  	s13 =	sadd.s32 $0x10, s13;
	v10 =	vmax.f32 v10, v6;
	v4 =	vmin.f32 v4, v6  }
0x434: {  	v6 =	vmax.f32 v10, v7;
	v4 =	vmin.f32 v4, v7;
	v7 =	vld [tilespmem:s13+$0x0]  }
0x435: {  	v6 =	vmax.f32 v6, v8;
	v4 =	vmin.f32 v4, v8  }
0x436: {  	v6 =	vmax.f32 v6, v9;
	v4 =	vmin.f32 v4, v9  }
0x437: {  	v6 =	vmul.f32 v6, v5;
	v4 =	vmul.f32 v4, v5;
	_ =	sdelay $0x1  }
.Ltmp23:
0x438: {  	v5 =	vadd.f32 v7, v6;
	v4 =	vadd.f32 v7, v4;
	(pc) =	sbr.rel @p0 .LBB2_40-.Ltmp23, $4  }
0x439: {  	s7 =	sand.u32 $0x80, s12;
	s12 =	smov.u32 s6  }
0x43a: {  	s5 =	sadd.s32 $0x80, s5;
	s7 =	sadd.s32 s7, s24;
	v4 =	vmax.f32 v5, v4  }
0x43b: {  	s7 =	sadd.s32 s29, s7;
	s29 =	sand.u32 $0x70, s6;
	s15 =	sand.u32 $0x400, s5;
	v4 =	vmax.f32 v4, $0.0e+00  }
0x43c: {  	s6 =	sadd.s32 $0x10, s6;
	s15 =	sor.u32 s29, s15;
	[tilespmem:s7+$0x0] =	vst v4  }
0x43d: {  	v4 =	vld [tilespmem:s15+$0x8480]  }
0x43e: {  	v5 =	vld [tilespmem:s15+$0x8400]  }
0x43f: {  	v6 =	vld [tilespmem:s15+$0x8500]  }
0x440: {  	v7 =	vld [tilespmem:s15+$0x8580]  }
0x441: {  	v8 =	vld [tilespmem:s15+$0x8600]  }
0x442: {  	v9 =	vld [tilespmem:s15+$0x8680]  }
0x443: {  	v10 =	vmax.f32 v5, v4;
	v4 =	vmin.f32 v5, v4;
	v5 =	vld [tilespmem:s15+$0x8700]  }
0x444: {  	v39 =	vld [tilespmem:s15+$0x8780];
	v10 =	vmax.f32 v10, v6;
	v4 =	vmin.f32 v4, v6  }
0x445: {  	v40 =	vld [tilespmem:s15+$0x8C00];
	v10 =	vmax.f32 v10, v7;
	v4 =	vmin.f32 v4, v7  }
0x446: {  	v41 =	vld [tilespmem:s15+$0x8C80];
	v10 =	vmax.f32 v10, v8;
	v4 =	vmin.f32 v4, v8  }
0x447: {  	v42 =	vld [tilespmem:s15+$0x8D00];
	v10 =	vmax.f32 v10, v9;
	v4 =	vmin.f32 v4, v9  }
0x448: {  	v10 =	vmax.f32 v10, v5;
	v4 =	vmin.f32 v4, v5;
	v5 =	vld [tilespmem:s15+$0x8D80]  }
0x449: {  	v43 =	vld [tilespmem:s15+$0x8E00];
	v10 =	vmax.f32 v10, v39;
	v4 =	vmin.f32 v4, v39  }
0x44a: {  	v44 =	vld [tilespmem:s15+$0x8E80];
	v10 =	vmax.f32 v10, v40;
	v4 =	vmin.f32 v4, v40  }
0x44b: {  	v45 =	vld [tilespmem:s15+$0x8F00];
	v10 =	vmax.f32 v10, v41;
	v4 =	vmin.f32 v4, v41  }
0x44c: {  	v46 =	vld [tilespmem:s15+$0x8F80];
	s5 =	sadd.s32 $0x10, s14;
	v10 =	vmax.f32 v10, v42;
	v4 =	vmin.f32 v4, v42  }
0x44d: {  	v10 =	vmax.f32 v10, v5;
	v4 =	vmin.f32 v4, v5;
	v5 =	vld [tilespmem:s5+$0x0]  }
0x44e: {  	s15 =	sadd.s32 $0x10, s13;
	v10 =	vmax.f32 v10, v43;
	v4 =	vmin.f32 v4, v43  }
0x44f: {  	v48 =	vld [tilespmem:s15+$0x0];
	v47 =	vmax.f32 v10, v44;
	v4 =	vmin.f32 v4, v44  }
0x450: {  	v6 =	vmax.f32 v47, v45;
	v4 =	vmin.f32 v4, v45  }
0x451: {  	v6 =	vmax.f32 v6, v46;
	v4 =	vmin.f32 v4, v46  }
0x452: {  	v6 =	vmul.f32 v6, v5;
	v4 =	vmul.f32 v4, v5;
	_ =	sdelay $0x1  }
0x453: {  	v5 =	vadd.f32 v48, v6;
	v4 =	vadd.f32 v48, v4  }
0x454: {  	s30 =	sand.u32 $0x80, s12  }
0x455: {  	s5 =	sadd.s32 s30, s24;
	v4 =	vmax.f32 v5, v4  }
0x456: {  	s5 =	sadd.s32 s29, s5;
	v4 =	vmax.f32 v4, $0.0e+00  }
0x457: {  	[tilespmem:s5+$0x0] =	vst v4  }
0x458: {  	v4 =	vld [tilespmem:s2+$0x9480]  }
0x459: {  	v5 =	vld [tilespmem:s2+$0x9400]  }
0x45a: {  	v49 =	vld [tilespmem:s2+$0x9500]  }
0x45b: {  	v50 =	vld [tilespmem:s2+$0x9580]  }
0x45c: {  	v51 =	vld [tilespmem:s2+$0x9600]  }
0x45d: {  	v52 =	vld [tilespmem:s2+$0x9680]  }
0x45e: {  	v53 =	vmax.f32 v5, v4;
	v4 =	vmin.f32 v5, v4;
	v5 =	vld [tilespmem:s2+$0x9700]  }
0x45f: {  	v54 =	vld [tilespmem:s2+$0x9780];
	v10 =	vmax.f32 v53, v49;
	v4 =	vmin.f32 v4, v49  }
0x460: {  	v55 =	vld [tilespmem:s2+$0x9C00];
	v10 =	vmax.f32 v10, v50;
	v4 =	vmin.f32 v4, v50  }
0x461: {  	v56 =	vld [tilespmem:s2+$0x9C80];
	v10 =	vmax.f32 v10, v51;
	v4 =	vmin.f32 v4, v51  }
0x462: {  	v57 =	vld [tilespmem:s2+$0x9D00];
	v10 =	vmax.f32 v10, v52;
	v4 =	vmin.f32 v4, v52  }
0x463: {  	v10 =	vmax.f32 v10, v5;
	v4 =	vmin.f32 v4, v5;
	v5 =	vld [tilespmem:s2+$0x9D80]  }
0x464: {  	v58 =	vld [tilespmem:s2+$0x9E00];
	v10 =	vmax.f32 v10, v54;
	v4 =	vmin.f32 v4, v54  }
0x465: {  	v59 =	vld [tilespmem:s2+$0x9E80];
	v10 =	vmax.f32 v10, v55;
	v4 =	vmin.f32 v4, v55  }
0x466: {  	v60 =	vld [tilespmem:s2+$0x9F00];
	v10 =	vmax.f32 v10, v56;
	v4 =	vmin.f32 v4, v56  }
0x467: {  	v61 =	vld [tilespmem:s2+$0x9F80];
	v10 =	vmax.f32 v10, v57;
	v4 =	vmin.f32 v4, v57  }
0x468: {  	v10 =	vmax.f32 v10, v5;
	v4 =	vmin.f32 v4, v5;
	v5 =	vld [tilespmem:s25+$0x0]  }
0x469: {  	v10 =	vmax.f32 v10, v58;
	v4 =	vmin.f32 v4, v58  }
0x46a: {  	v63 =	vld [tilespmem:s26+$0x0];
	v62 =	vmax.f32 v10, v59;
	v4 =	vmin.f32 v4, v59  }
0x46b: {  	v6 =	vmax.f32 v62, v60;
	v4 =	vmin.f32 v4, v60  }
0x46c: {  	v6 =	vmax.f32 v6, v61;
	v4 =	vmin.f32 v4, v61  }
0x46d: {  	v6 =	vmul.f32 v6, v5;
	v4 =	vmul.f32 v4, v5;
	_ =	sdelay $0x1  }
0x46e: {  	v5 =	vadd.f32 v63, v6;
	v4 =	vadd.f32 v63, v4;
	_ =	sdelay $0x1  }
0x46f: {  	s2 =	simm.s32 $0x80;
	v4 =	vmax.f32 v5, v4  }
0x470: {  	s29 =	sand.u32 $0x70, s0;
	s31 =	sand.u32 $0x400, s2;
	v4 =	vmax.f32 v4, $0.0e+00  }
0x471: {  	s5 =	simm.s32 $0x20;
	s6 =	sor.u32 s29, s31;
	[tilespmem:s28+$0x100] =	vst v4  }
.LBB2_42:
0x472: {  	p0 =	sne.s32 s5, $0xF0;
	v4 =	vld [tilespmem:s6+$0x9480]  }
0x473: {  	v5 =	vld [tilespmem:s6+$0x9400]  }
0x474: {  	v6 =	vld [tilespmem:s6+$0x9500]  }
0x475: {  	v7 =	vld [tilespmem:s6+$0x9580]  }
0x476: {  	v8 =	vld [tilespmem:s6+$0x9600]  }
0x477: {  	v9 =	vld [tilespmem:s6+$0x9680]  }
0x478: {  	v10 =	vmax.f32 v5, v4;
	v4 =	vmin.f32 v5, v4;
	v5 =	vld [tilespmem:s6+$0x9700]  }
0x479: {  	v10 =	vmax.f32 v10, v6;
	v4 =	vmin.f32 v4, v6;
	v6 =	vld [tilespmem:s6+$0x9780]  }
0x47a: {  	v10 =	vmax.f32 v10, v7;
	v4 =	vmin.f32 v4, v7;
	v7 =	vld [tilespmem:s6+$0x9C00]  }
0x47b: {  	v10 =	vmax.f32 v10, v8;
	v4 =	vmin.f32 v4, v8;
	v8 =	vld [tilespmem:s6+$0x9C80]  }
0x47c: {  	v10 =	vmax.f32 v10, v9;
	v4 =	vmin.f32 v4, v9;
	v9 =	vld [tilespmem:s6+$0x9D00]  }
0x47d: {  	v10 =	vmax.f32 v10, v5;
	v4 =	vmin.f32 v4, v5;
	v5 =	vld [tilespmem:s6+$0x9D80]  }
0x47e: {  	v10 =	vmax.f32 v10, v6;
	v4 =	vmin.f32 v4, v6;
	v6 =	vld [tilespmem:s6+$0x9E00]  }
0x47f: {  	v10 =	vmax.f32 v10, v7;
	v4 =	vmin.f32 v4, v7;
	v7 =	vld [tilespmem:s6+$0x9E80]  }
0x480: {  	v10 =	vmax.f32 v10, v8;
	v4 =	vmin.f32 v4, v8;
	v8 =	vld [tilespmem:s6+$0x9F00]  }
0x481: {  	s25 =	sadd.s32 $0x10, s25;
	v10 =	vmax.f32 v10, v9;
	v4 =	vmin.f32 v4, v9;
	v9 =	vld [tilespmem:s6+$0x9F80]  }
0x482: {  	v10 =	vmax.f32 v10, v5;
	v4 =	vmin.f32 v4, v5;
	v5 =	vld [tilespmem:s25+$0x0]  }
0x483: {  	s26 =	sadd.s32 $0x10, s26;
	v10 =	vmax.f32 v10, v6;
	v4 =	vmin.f32 v4, v6  }
0x484: {  	v6 =	vmax.f32 v10, v7;
	v4 =	vmin.f32 v4, v7;
	v7 =	vld [tilespmem:s26+$0x0]  }
0x485: {  	v6 =	vmax.f32 v6, v8;
	v4 =	vmin.f32 v4, v8  }
0x486: {  	v6 =	vmax.f32 v6, v9;
	v4 =	vmin.f32 v4, v9  }
0x487: {  	v6 =	vmul.f32 v6, v5;
	v4 =	vmul.f32 v4, v5;
	_ =	sdelay $0x1  }
.Ltmp24:
0x488: {  	v5 =	vadd.f32 v7, v6;
	v4 =	vadd.f32 v7, v4;
	(pc) =	sbr.rel @p0 .LBB2_42-.Ltmp24, $4  }
0x489: {  	s6 =	sand.u32 $0x80, s0;
	s0 =	smov.u32 s5  }
0x48a: {  	s2 =	sadd.s32 $0x80, s2;
	s6 =	sadd.s32 s6, s24;
	v4 =	vmax.f32 v5, v4  }
0x48b: {  	s7 =	sand.u32 $0x400, s2;
	s12 =	sadd.s32 s29, s6;
	s29 =	sand.u32 $0x70, s5;
	v4 =	vmax.f32 v4, $0.0e+00  }
0x48c: {  	s5 =	sadd.s32 $0x10, s5;
	s6 =	sor.u32 s29, s7;
	[tilespmem:s12+$0x100] =	vst v4  }
0x48d: {  	v4 =	vld [tilespmem:s6+$0x9480]  }
0x48e: {  	v5 =	vld [tilespmem:s6+$0x9400]  }
0x48f: {  	v6 =	vld [tilespmem:s6+$0x9500]  }
0x490: {  	v7 =	vld [tilespmem:s6+$0x9580]  }
0x491: {  	v8 =	vld [tilespmem:s6+$0x9600]  }
0x492: {  	v9 =	vld [tilespmem:s6+$0x9680]  }
0x493: {  	v10 =	vmax.f32 v5, v4;
	v4 =	vmin.f32 v5, v4;
	v5 =	vld [tilespmem:s6+$0x9700]  }
0x494: {  	v54 =	vld [tilespmem:s6+$0x9780];
	v10 =	vmax.f32 v10, v6;
	v4 =	vmin.f32 v4, v6  }
0x495: {  	v55 =	vld [tilespmem:s6+$0x9C00];
	v10 =	vmax.f32 v10, v7;
	v4 =	vmin.f32 v4, v7  }
0x496: {  	v56 =	vld [tilespmem:s6+$0x9C80];
	v10 =	vmax.f32 v10, v8;
	v4 =	vmin.f32 v4, v8  }
0x497: {  	v57 =	vld [tilespmem:s6+$0x9D00];
	v10 =	vmax.f32 v10, v9;
	v4 =	vmin.f32 v4, v9  }
0x498: {  	v10 =	vmax.f32 v10, v5;
	v4 =	vmin.f32 v4, v5;
	v5 =	vld [tilespmem:s6+$0x9D80]  }
0x499: {  	v58 =	vld [tilespmem:s6+$0x9E00];
	v10 =	vmax.f32 v10, v54;
	v4 =	vmin.f32 v4, v54  }
0x49a: {  	v59 =	vld [tilespmem:s6+$0x9E80];
	v10 =	vmax.f32 v10, v55;
	v4 =	vmin.f32 v4, v55  }
0x49b: {  	v60 =	vld [tilespmem:s6+$0x9F00];
	v10 =	vmax.f32 v10, v56;
	v4 =	vmin.f32 v4, v56  }
0x49c: {  	v61 =	vld [tilespmem:s6+$0x9F80];
	s2 =	sadd.s32 $0x10, s25;
	v10 =	vmax.f32 v10, v57;
	v4 =	vmin.f32 v4, v57  }
0x49d: {  	v10 =	vmax.f32 v10, v5;
	v4 =	vmin.f32 v4, v5;
	v5 =	vld [tilespmem:s2+$0x0]  }
0x49e: {  	s26 =	sadd.s32 $0x10, s26;
	v10 =	vmax.f32 v10, v58;
	v4 =	vmin.f32 v4, v58  }
0x49f: {  	v63 =	vld [tilespmem:s26+$0x0];
	v62 =	vmax.f32 v10, v59;
	v4 =	vmin.f32 v4, v59  }
0x4a0: {  	v6 =	vmax.f32 v62, v60;
	v4 =	vmin.f32 v4, v60  }
0x4a1: {  	v6 =	vmax.f32 v6, v61;
	v4 =	vmin.f32 v4, v61  }
0x4a2: {  	s0 =	sand.u32 $0x80, s0;
	v6 =	vmul.f32 v6, v5;
	v4 =	vmul.f32 v4, v5  }
0x4a3: {  	s25 =	simm.s32 $0x10500;
	p1 =	por $0x1, $0x1;
	s28 =	simm.s32 $0x10  }
.Ltmp25:
0x4a4: {  	p0 =	por $0x0, $0x0;
	s14 =	simm.s32 $0x10400;
	v5 =	vadd.f32 v63, v6;
	v4 =	vadd.f32 v63, v4;
	(pc) =	sbr.rel @!p1 .LBB2_47-.Ltmp25, $4  }
0x4a5: {  	s13 =	simm.s32 $0x10500;
	s12 =	simm.s32 $0x0;
	s2 =	simm.s32 $0x0  }
0x4a6: {  	s5 =	sadd.s32 s0, s24;
	s0 =	sand.u32 $0x70, s2;
	s31 =	sand.u32 $0x400, s2;
	v4 =	vmax.f32 v5, v4  }
0x4a7: {  	p2 =	por $0x0, $0x0;
	s5 =	sadd.s32 s29, s5;
	s29 =	sor.u32 s0, s31;
	v4 =	vmax.f32 v4, $0.0e+00  }
0x4a8: {  	s26 =	simm.s32 $0x10400;
	s30 =	smov.u32 s0;
	s15 =	smov.u32 s29;
	[tilespmem:s5+$0x100] =	vst v4  }
0x4a9: {  	v4 =	vld [tilespmem:s29+$0xA480]  }
0x4aa: {  	v5 =	vld [tilespmem:s29+$0xA400]  }
0x4ab: {  	v6 =	vld [tilespmem:s29+$0xA500]  }
0x4ac: {  	v7 =	vld [tilespmem:s29+$0xA580]  }
0x4ad: {  	v8 =	vld [tilespmem:s29+$0xA600]  }
0x4ae: {  	v9 =	vld [tilespmem:s29+$0xA680]  }
0x4af: {  	v10 =	vmax.f32 v5, v4;
	v4 =	vmin.f32 v5, v4;
	v5 =	vld [tilespmem:s29+$0xA700]  }
0x4b0: {  	v54 =	vld [tilespmem:s29+$0xA780];
	v10 =	vmax.f32 v10, v6;
	v4 =	vmin.f32 v4, v6  }
0x4b1: {  	v55 =	vld [tilespmem:s29+$0xAC00];
	v10 =	vmax.f32 v10, v7;
	v4 =	vmin.f32 v4, v7  }
0x4b2: {  	v56 =	vld [tilespmem:s29+$0xAC80];
	v10 =	vmax.f32 v10, v8;
	v4 =	vmin.f32 v4, v8  }
0x4b3: {  	v57 =	vld [tilespmem:s29+$0xAD00];
	v10 =	vmax.f32 v10, v9;
	v4 =	vmin.f32 v4, v9  }
0x4b4: {  	v10 =	vmax.f32 v10, v5;
	v4 =	vmin.f32 v4, v5;
	v5 =	vld [tilespmem:s29+$0xAD80]  }
0x4b5: {  	v58 =	vld [tilespmem:s29+$0xAE00];
	v10 =	vmax.f32 v10, v54;
	v4 =	vmin.f32 v4, v54  }
0x4b6: {  	v59 =	vld [tilespmem:s29+$0xAE80];
	v10 =	vmax.f32 v10, v55;
	v4 =	vmin.f32 v4, v55  }
0x4b7: {  	v60 =	vld [tilespmem:s29+$0xAF00];
	v10 =	vmax.f32 v10, v56;
	v4 =	vmin.f32 v4, v56  }
0x4b8: {  	v61 =	vld [tilespmem:s29+$0xAF80];
	v10 =	vmax.f32 v10, v57;
	v4 =	vmin.f32 v4, v57  }
0x4b9: {  	v10 =	vmax.f32 v10, v5;
	v4 =	vmin.f32 v4, v5;
	v5 =	vld [tilespmem:s26+$0x0]  }
0x4ba: {  	v10 =	vmax.f32 v10, v58;
	v4 =	vmin.f32 v4, v58  }
0x4bb: {  	v63 =	vld [tilespmem:s25+$0x0];
	v62 =	vmax.f32 v10, v59;
	v4 =	vmin.f32 v4, v59  }
0x4bc: {  	v6 =	vmax.f32 v62, v60;
	v4 =	vmin.f32 v4, v60  }
0x4bd: {  	v6 =	vmax.f32 v6, v61;
	v4 =	vmin.f32 v4, v61  }
0x4be: {  	v6 =	vmul.f32 v6, v5;
	v4 =	vmul.f32 v4, v5  }
0x4bf: {  	p3 =	por $0x1, $0x1  }
.Ltmp26:
0x4c0: {  	v5 =	vadd.f32 v63, v6;
	v4 =	vadd.f32 v63, v4;
	(pc) =	sbr.rel @!p3 .LBB2_45-.Ltmp26, $4  }
0x4c1: {  	s5 =	sand.u32 $0x80, s2;
	s30 =	sand.u32 $0x70, s28;
	p2 =	por $0x1, $0x1  }
0x4c2: {  	s14 =	simm.s32 $0x10400;
	s6 =	sadd.s32 s5, s24;
	s5 =	simm.s32 $0x80;
	v4 =	vmax.f32 v5, v4  }
0x4c3: {  	s13 =	simm.s32 $0x10500;
	s7 =	sand.u32 $0x400, s5;
	s12 =	sadd.s32 s0, s6;
	v4 =	vmax.f32 v4, $0.0e+00  }
0x4c4: {  	s6 =	simm.s32 $0x20;
	s15 =	sor.u32 s30, s7;
	[tilespmem:s12+$0x200] =	vst v4;
	s12 =	simm.s32 $0x10  }
.LBB2_46:
0x4c5: {  	p3 =	sne.s32 s6, $0xF0;
	v4 =	vld [tilespmem:s15+$0xA480]  }
0x4c6: {  	v5 =	vld [tilespmem:s15+$0xA400]  }
0x4c7: {  	v6 =	vld [tilespmem:s15+$0xA500]  }
0x4c8: {  	v7 =	vld [tilespmem:s15+$0xA580]  }
0x4c9: {  	v8 =	vld [tilespmem:s15+$0xA600]  }
0x4ca: {  	v9 =	vld [tilespmem:s15+$0xA680]  }
0x4cb: {  	v10 =	vmax.f32 v5, v4;
	v4 =	vmin.f32 v5, v4;
	v5 =	vld [tilespmem:s15+$0xA700]  }
0x4cc: {  	v10 =	vmax.f32 v10, v6;
	v4 =	vmin.f32 v4, v6;
	v6 =	vld [tilespmem:s15+$0xA780]  }
0x4cd: {  	v10 =	vmax.f32 v10, v7;
	v4 =	vmin.f32 v4, v7;
	v7 =	vld [tilespmem:s15+$0xAC00]  }
0x4ce: {  	v10 =	vmax.f32 v10, v8;
	v4 =	vmin.f32 v4, v8;
	v8 =	vld [tilespmem:s15+$0xAC80]  }
0x4cf: {  	v10 =	vmax.f32 v10, v9;
	v4 =	vmin.f32 v4, v9;
	v9 =	vld [tilespmem:s15+$0xAD00]  }
0x4d0: {  	v10 =	vmax.f32 v10, v5;
	v4 =	vmin.f32 v4, v5;
	v5 =	vld [tilespmem:s15+$0xAD80]  }
0x4d1: {  	v10 =	vmax.f32 v10, v6;
	v4 =	vmin.f32 v4, v6;
	v6 =	vld [tilespmem:s15+$0xAE00]  }
0x4d2: {  	v10 =	vmax.f32 v10, v7;
	v4 =	vmin.f32 v4, v7;
	v7 =	vld [tilespmem:s15+$0xAE80]  }
0x4d3: {  	v10 =	vmax.f32 v10, v8;
	v4 =	vmin.f32 v4, v8;
	v8 =	vld [tilespmem:s15+$0xAF00]  }
0x4d4: {  	s14 =	sadd.s32 $0x10, s14;
	v10 =	vmax.f32 v10, v9;
	v4 =	vmin.f32 v4, v9;
	v9 =	vld [tilespmem:s15+$0xAF80]  }
0x4d5: {  	v10 =	vmax.f32 v10, v5;
	v4 =	vmin.f32 v4, v5;
	v5 =	vld [tilespmem:s14+$0x0]  }
0x4d6: {  	s13 =	sadd.s32 $0x10, s13;
	v10 =	vmax.f32 v10, v6;
	v4 =	vmin.f32 v4, v6  }
0x4d7: {  	v6 =	vmax.f32 v10, v7;
	v4 =	vmin.f32 v4, v7;
	v7 =	vld [tilespmem:s13+$0x0]  }
0x4d8: {  	v6 =	vmax.f32 v6, v8;
	v4 =	vmin.f32 v4, v8  }
0x4d9: {  	v6 =	vmax.f32 v6, v9;
	v4 =	vmin.f32 v4, v9  }
0x4da: {  	v6 =	vmul.f32 v6, v5;
	v4 =	vmul.f32 v4, v5;
	_ =	sdelay $0x1  }
.Ltmp27:
0x4db: {  	v5 =	vadd.f32 v7, v6;
	v4 =	vadd.f32 v7, v4;
	(pc) =	sbr.rel @p3 .LBB2_46-.Ltmp27, $4  }
0x4dc: {  	s7 =	sand.u32 $0x80, s12;
	s12 =	smov.u32 s6  }
0x4dd: {  	s5 =	sadd.s32 $0x80, s5;
	s7 =	sadd.s32 s7, s24;
	v4 =	vmax.f32 v5, v4  }
0x4de: {  	s7 =	sadd.s32 s30, s7;
	s30 =	sand.u32 $0x70, s6;
	s15 =	sand.u32 $0x400, s5;
	v4 =	vmax.f32 v4, $0.0e+00  }
0x4df: {  	s6 =	sadd.s32 $0x10, s6;
	s15 =	sor.u32 s30, s15;
	[tilespmem:s7+$0x200] =	vst v4  }
.LBB2_47:
0x4e0: {  	v4 =	vld [tilespmem:s15+$0xA480]  }
0x4e1: {  	v5 =	vld [tilespmem:s15+$0xA400]  }
0x4e2: {  	v6 =	vld [tilespmem:s15+$0xA500]  }
0x4e3: {  	v7 =	vld [tilespmem:s15+$0xA580]  }
0x4e4: {  	v8 =	vld [tilespmem:s15+$0xA600]  }
0x4e5: {  	v9 =	vld [tilespmem:s15+$0xA680]  }
0x4e6: {  	v10 =	vmax.f32 v5, v4;
	v4 =	vmin.f32 v5, v4;
	v5 =	vld [tilespmem:s15+$0xA700]  }
0x4e7: {  	v54 =	vld [tilespmem:s15+$0xA780];
	v10 =	vmax.f32 v10, v6;
	v4 =	vmin.f32 v4, v6  }
0x4e8: {  	v55 =	vld [tilespmem:s15+$0xAC00];
	v10 =	vmax.f32 v10, v7;
	v4 =	vmin.f32 v4, v7  }
0x4e9: {  	v56 =	vld [tilespmem:s15+$0xAC80];
	v10 =	vmax.f32 v10, v8;
	v4 =	vmin.f32 v4, v8  }
0x4ea: {  	v57 =	vld [tilespmem:s15+$0xAD00];
	v10 =	vmax.f32 v10, v9;
	v4 =	vmin.f32 v4, v9  }
0x4eb: {  	v10 =	vmax.f32 v10, v5;
	v4 =	vmin.f32 v4, v5;
	v5 =	vld [tilespmem:s15+$0xAD80]  }
0x4ec: {  	v58 =	vld [tilespmem:s15+$0xAE00];
	v10 =	vmax.f32 v10, v54;
	v4 =	vmin.f32 v4, v54  }
0x4ed: {  	v59 =	vld [tilespmem:s15+$0xAE80];
	v10 =	vmax.f32 v10, v55;
	v4 =	vmin.f32 v4, v55  }
0x4ee: {  	v60 =	vld [tilespmem:s15+$0xAF00];
	s5 =	sadd.s32 @p2 $0x10, s14;
	s6 =	simm.s32 $0x10400;
	v10 =	vmax.f32 v10, v56;
	v4 =	vmin.f32 v4, v56  }
0x4ef: {  	v11 =	vld [tilespmem:s15+$0xAF80];
	s6 =	smov.u32 @p2 s5;
	v10 =	vmax.f32 v10, v57;
	v4 =	vmin.f32 v4, v57  }
0x4f0: {  	s5 =	sadd.s32 @p2 $0x10, s13;
	v61 =	vmax.f32 v10, v5;
	v4 =	vmin.f32 v4, v5;
	v5 =	vld [tilespmem:s6+$0x0];
	s6 =	simm.s32 $0x10500  }
0x4f1: {  	v9 =	vmax.f32 v61, v58;
	v4 =	vmin.f32 v4, v58;
	s6 =	smov.u32 @p2 s5  }
0x4f2: {  	v62 =	vmax.f32 v9, v59;
	v4 =	vmin.f32 v4, v59;
	v63 =	vld [tilespmem:s6+$0x0]  }
0x4f3: {  	v6 =	vmax.f32 v62, v60;
	v4 =	vmin.f32 v4, v60  }
0x4f4: {  	v6 =	vmax.f32 v6, v11;
	v4 =	vmin.f32 v4, v11  }
0x4f5: {  	v6 =	vmul.f32 v6, v5;
	v4 =	vmul.f32 v4, v5;
	_ =	sdelay $0x1  }
.Ltmp28:
0x4f6: {  	v5 =	vadd.f32 v63, v6;
	v4 =	vadd.f32 v63, v4;
	(pc) =	sbr.rel @!p1 .LBB2_48-.Ltmp28, $4  }
0x4f7: {  	s31 =	sand.u32 $0x80, s12  }
0x4f8: {  	s5 =	sadd.s32 s31, s24;
	v4 =	vmax.f32 v5, v4  }
0x4f9: {  	s5 =	sadd.s32 s30, s5;
	v4 =	vmax.f32 v4, $0.0e+00  }
0x4fa: {  	[tilespmem:s5+$0x200] =	vst v4  }
0x4fb: {  	v4 =	vld [tilespmem:s29+$0xB480]  }
0x4fc: {  	v5 =	vld [tilespmem:s29+$0xB400]  }
0x4fd: {  	v6 =	vld [tilespmem:s29+$0xB500]  }
0x4fe: {  	v7 =	vld [tilespmem:s29+$0xB580]  }
0x4ff: {  	v8 =	vld [tilespmem:s29+$0xB600]  }
0x500: {  	v9 =	vld [tilespmem:s29+$0xB680]  }
0x501: {  	v10 =	vmax.f32 v5, v4;
	v4 =	vmin.f32 v5, v4;
	v5 =	vld [tilespmem:s29+$0xB700]  }
0x502: {  	v54 =	vld [tilespmem:s29+$0xB780];
	v10 =	vmax.f32 v10, v6;
	v4 =	vmin.f32 v4, v6  }
0x503: {  	v55 =	vld [tilespmem:s29+$0xBC00];
	v10 =	vmax.f32 v10, v7;
	v4 =	vmin.f32 v4, v7  }
0x504: {  	v56 =	vld [tilespmem:s29+$0xBC80];
	v10 =	vmax.f32 v10, v8;
	v4 =	vmin.f32 v4, v8  }
0x505: {  	v57 =	vld [tilespmem:s29+$0xBD00];
	v10 =	vmax.f32 v10, v9;
	v4 =	vmin.f32 v4, v9  }
0x506: {  	v10 =	vmax.f32 v10, v5;
	v4 =	vmin.f32 v4, v5;
	v5 =	vld [tilespmem:s29+$0xBD80]  }
0x507: {  	v58 =	vld [tilespmem:s29+$0xBE00];
	v10 =	vmax.f32 v10, v54;
	v4 =	vmin.f32 v4, v54  }
0x508: {  	v59 =	vld [tilespmem:s29+$0xBE80];
	v10 =	vmax.f32 v10, v55;
	v4 =	vmin.f32 v4, v55  }
0x509: {  	v60 =	vld [tilespmem:s29+$0xBF00];
	v10 =	vmax.f32 v10, v56;
	v4 =	vmin.f32 v4, v56  }
0x50a: {  	v61 =	vld [tilespmem:s29+$0xBF80];
	v10 =	vmax.f32 v10, v57;
	v4 =	vmin.f32 v4, v57  }
0x50b: {  	v10 =	vmax.f32 v10, v5;
	v4 =	vmin.f32 v4, v5;
	v5 =	vld [tilespmem:s26+$0x0]  }
0x50c: {  	v10 =	vmax.f32 v10, v58;
	v4 =	vmin.f32 v4, v58  }
0x50d: {  	v63 =	vld [tilespmem:s25+$0x0];
	v62 =	vmax.f32 v10, v59;
	v4 =	vmin.f32 v4, v59  }
0x50e: {  	v6 =	vmax.f32 v62, v60;
	v4 =	vmin.f32 v4, v60  }
0x50f: {  	v6 =	vmax.f32 v6, v61;
	v4 =	vmin.f32 v4, v61  }
0x510: {  	v6 =	vmul.f32 v6, v5;
	v4 =	vmul.f32 v4, v5  }
0x511: {  	p1 =	por $0x1, $0x1  }
.Ltmp29:
0x512: {  	v5 =	vadd.f32 v63, v6;
	v4 =	vadd.f32 v63, v4;
	(pc) =	sbr.rel @!p1 .LBB2_50-.Ltmp29, $4  }
0x513: {  	s5 =	sand.u32 $0x80, s2;
	s2 =	simm.s32 $0x80  }
0x514: {  	s14 =	sand.u32 $0x70, s28;
	p0 =	por $0x1, $0x1;
	s5 =	sadd.s32 s5, s24;
	v4 =	vmax.f32 v5, v4  }
0x515: {  	s13 =	simm.s32 $0x10400;
	s6 =	sand.u32 $0x400, s2;
	s5 =	sadd.s32 s0, s5;
	v4 =	vmax.f32 v4, $0.0e+00  }
0x516: {  	s12 =	simm.s32 $0x10500;
	s0 =	simm.s32 $0x20;
	s29 =	sor.u32 s14, s6;
	[tilespmem:s5+$0x300] =	vst v4  }
.LBB2_51:
0x517: {  	p1 =	sne.s32 s0, $0xF0;
	v4 =	vld [tilespmem:s29+$0xB480]  }
0x518: {  	v5 =	vld [tilespmem:s29+$0xB400]  }
0x519: {  	v6 =	vld [tilespmem:s29+$0xB500]  }
0x51a: {  	v7 =	vld [tilespmem:s29+$0xB580]  }
0x51b: {  	v8 =	vld [tilespmem:s29+$0xB600]  }
0x51c: {  	v9 =	vld [tilespmem:s29+$0xB680]  }
0x51d: {  	v10 =	vmax.f32 v5, v4;
	v4 =	vmin.f32 v5, v4;
	v5 =	vld [tilespmem:s29+$0xB700]  }
0x51e: {  	v10 =	vmax.f32 v10, v6;
	v4 =	vmin.f32 v4, v6;
	v6 =	vld [tilespmem:s29+$0xB780]  }
0x51f: {  	v10 =	vmax.f32 v10, v7;
	v4 =	vmin.f32 v4, v7;
	v7 =	vld [tilespmem:s29+$0xBC00]  }
0x520: {  	v10 =	vmax.f32 v10, v8;
	v4 =	vmin.f32 v4, v8;
	v8 =	vld [tilespmem:s29+$0xBC80]  }
0x521: {  	v10 =	vmax.f32 v10, v9;
	v4 =	vmin.f32 v4, v9;
	v9 =	vld [tilespmem:s29+$0xBD00]  }
0x522: {  	v10 =	vmax.f32 v10, v5;
	v4 =	vmin.f32 v4, v5;
	v5 =	vld [tilespmem:s29+$0xBD80]  }
0x523: {  	v10 =	vmax.f32 v10, v6;
	v4 =	vmin.f32 v4, v6;
	v6 =	vld [tilespmem:s29+$0xBE00]  }
0x524: {  	v10 =	vmax.f32 v10, v7;
	v4 =	vmin.f32 v4, v7;
	v7 =	vld [tilespmem:s29+$0xBE80]  }
0x525: {  	v10 =	vmax.f32 v10, v8;
	v4 =	vmin.f32 v4, v8;
	v8 =	vld [tilespmem:s29+$0xBF00]  }
0x526: {  	s13 =	sadd.s32 $0x10, s13;
	v10 =	vmax.f32 v10, v9;
	v4 =	vmin.f32 v4, v9;
	v9 =	vld [tilespmem:s29+$0xBF80]  }
0x527: {  	v10 =	vmax.f32 v10, v5;
	v4 =	vmin.f32 v4, v5;
	v5 =	vld [tilespmem:s13+$0x0]  }
0x528: {  	s12 =	sadd.s32 $0x10, s12;
	v10 =	vmax.f32 v10, v6;
	v4 =	vmin.f32 v4, v6  }
0x529: {  	v6 =	vmax.f32 v10, v7;
	v4 =	vmin.f32 v4, v7;
	v7 =	vld [tilespmem:s12+$0x0]  }
0x52a: {  	v6 =	vmax.f32 v6, v8;
	v4 =	vmin.f32 v4, v8  }
0x52b: {  	v6 =	vmax.f32 v6, v9;
	v4 =	vmin.f32 v4, v9  }
0x52c: {  	v6 =	vmul.f32 v6, v5;
	v4 =	vmul.f32 v4, v5;
	_ =	sdelay $0x1  }
.Ltmp30:
0x52d: {  	v5 =	vadd.f32 v7, v6;
	v4 =	vadd.f32 v7, v4;
	(pc) =	sbr.rel @p1 .LBB2_51-.Ltmp30, $4  }
0x52e: {  	s5 =	sand.u32 $0x80, s28;
	s28 =	smov.u32 s0  }
0x52f: {  	s2 =	sadd.s32 $0x80, s2;
	s5 =	sadd.s32 s5, s24;
	v4 =	vmax.f32 v5, v4  }
0x530: {  	s6 =	sand.u32 $0x400, s2;
	s5 =	sadd.s32 s14, s5;
	s14 =	sand.u32 $0x70, s0;
	v4 =	vmax.f32 v4, $0.0e+00  }
0x531: {  	s0 =	sadd.s32 $0x10, s0;
	s29 =	sor.u32 s14, s6;
	[tilespmem:s5+$0x300] =	vst v4  }
0x532: {  	s2 =	smov.u32 s28;
	s0 =	smov.u32 s14  }
.LBB2_53:
0x533: {  	v4 =	vld [tilespmem:s29+$0xB480]  }
0x534: {  	v5 =	vld [tilespmem:s29+$0xB400]  }
0x535: {  	v6 =	vld [tilespmem:s29+$0xB500]  }
0x536: {  	v7 =	vld [tilespmem:s29+$0xB580]  }
0x537: {  	v8 =	vld [tilespmem:s29+$0xB600]  }
0x538: {  	v9 =	vld [tilespmem:s29+$0xB680]  }
0x539: {  	v10 =	vmax.f32 v5, v4;
	v4 =	vmin.f32 v5, v4;
	v5 =	vld [tilespmem:s29+$0xB700]  }
0x53a: {  	v54 =	vld [tilespmem:s29+$0xB780];
	v10 =	vmax.f32 v10, v6;
	v4 =	vmin.f32 v4, v6  }
0x53b: {  	v55 =	vld [tilespmem:s29+$0xBC00];
	v10 =	vmax.f32 v10, v7;
	v4 =	vmin.f32 v4, v7  }
0x53c: {  	v56 =	vld [tilespmem:s29+$0xBC80];
	v10 =	vmax.f32 v10, v8;
	v4 =	vmin.f32 v4, v8  }
0x53d: {  	v57 =	vld [tilespmem:s29+$0xBD00];
	v10 =	vmax.f32 v10, v9;
	v4 =	vmin.f32 v4, v9  }
0x53e: {  	v10 =	vmax.f32 v10, v5;
	v4 =	vmin.f32 v4, v5;
	v5 =	vld [tilespmem:s29+$0xBD80]  }
0x53f: {  	v58 =	vld [tilespmem:s29+$0xBE00];
	v10 =	vmax.f32 v10, v54;
	v4 =	vmin.f32 v4, v54  }
0x540: {  	v59 =	vld [tilespmem:s29+$0xBE80];
	v10 =	vmax.f32 v10, v55;
	v4 =	vmin.f32 v4, v55  }
0x541: {  	v60 =	vld [tilespmem:s29+$0xBF00];
	s5 =	sadd.s32 @p0 $0x10, s13;
	v10 =	vmax.f32 v10, v56;
	v4 =	vmin.f32 v4, v56  }
0x542: {  	v61 =	vld [tilespmem:s29+$0xBF80];
	s26 =	smov.u32 @p0 s5;
	v10 =	vmax.f32 v10, v57;
	v4 =	vmin.f32 v4, v57  }
0x543: {  	s5 =	sadd.s32 @p0 $0x10, s12;
	v10 =	vmax.f32 v10, v5;
	v4 =	vmin.f32 v4, v5;
	v5 =	vld [tilespmem:s26+$0x0]  }
0x544: {  	s25 =	smov.u32 @p0 s5;
	v10 =	vmax.f32 v10, v58;
	v4 =	vmin.f32 v4, v58  }
0x545: {  	v63 =	vld [tilespmem:s25+$0x0];
	v62 =	vmax.f32 v10, v59;
	v4 =	vmin.f32 v4, v59  }
0x546: {  	v6 =	vmax.f32 v62, v60;
	v4 =	vmin.f32 v4, v60  }
0x547: {  	v6 =	vmax.f32 v6, v61;
	v4 =	vmin.f32 v4, v61  }
0x548: {  	s2 =	sand.u32 $0x80, s2;
	v6 =	vmul.f32 v6, v5;
	v4 =	vmul.f32 v4, v5  }
0x549: {  	p1 =	por $0x1, $0x1;
	s28 =	simm.s32 $0x10;
	s14 =	simm.s32 $0x10400  }
.Ltmp31:
0x54a: {  	s13 =	simm.s32 $0x10500;
	p2 =	por $0x0, $0x0;
	v5 =	vadd.f32 v63, v6;
	v4 =	vadd.f32 v63, v4;
	(pc) =	sbr.rel @!p1 .LBB2_57-.Ltmp31, $4  }
0x54b: {  	s31 =	sadd.s32 s2, s24;
	s2 =	simm.s32 $0x0;
	s12 =	simm.s32 $0x0  }
0x54c: {  	s30 =	sand.u32 $0x70, s2;
	s6 =	sand.u32 $0x400, s2;
	s0 =	sadd.s32 s0, s31;
	v4 =	vmax.f32 v5, v4  }
0x54d: {  	p0 =	por $0x0, $0x0;
	s25 =	simm.s32 $0x10500;
	s29 =	sor.u32 s30, s6;
	v4 =	vmax.f32 v4, $0.0e+00  }
0x54e: {  	s15 =	smov.u32 s29;
	s26 =	simm.s32 $0x10400;
	[tilespmem:s0+$0x300] =	vst v4;
	s0 =	smov.u32 s30  }
0x54f: {  	v4 =	vld [tilespmem:s29+$0xC480]  }
0x550: {  	v5 =	vld [tilespmem:s29+$0xC400]  }
0x551: {  	v6 =	vld [tilespmem:s29+$0xC500]  }
0x552: {  	v7 =	vld [tilespmem:s29+$0xC580]  }
0x553: {  	v8 =	vld [tilespmem:s29+$0xC600]  }
0x554: {  	v9 =	vld [tilespmem:s29+$0xC680]  }
0x555: {  	v10 =	vmax.f32 v5, v4;
	v4 =	vmin.f32 v5, v4;
	v5 =	vld [tilespmem:s29+$0xC700]  }
0x556: {  	v54 =	vld [tilespmem:s29+$0xC780];
	v10 =	vmax.f32 v10, v6;
	v4 =	vmin.f32 v4, v6  }
0x557: {  	v55 =	vld [tilespmem:s29+$0xCC00];
	v10 =	vmax.f32 v10, v7;
	v4 =	vmin.f32 v4, v7  }
0x558: {  	v56 =	vld [tilespmem:s29+$0xCC80];
	v10 =	vmax.f32 v10, v8;
	v4 =	vmin.f32 v4, v8  }
0x559: {  	v57 =	vld [tilespmem:s29+$0xCD00];
	v10 =	vmax.f32 v10, v9;
	v4 =	vmin.f32 v4, v9  }
0x55a: {  	v10 =	vmax.f32 v10, v5;
	v4 =	vmin.f32 v4, v5;
	v5 =	vld [tilespmem:s29+$0xCD80]  }
0x55b: {  	v58 =	vld [tilespmem:s29+$0xCE00];
	v10 =	vmax.f32 v10, v54;
	v4 =	vmin.f32 v4, v54  }
0x55c: {  	v59 =	vld [tilespmem:s29+$0xCE80];
	v10 =	vmax.f32 v10, v55;
	v4 =	vmin.f32 v4, v55  }
0x55d: {  	v60 =	vld [tilespmem:s29+$0xCF00];
	v10 =	vmax.f32 v10, v56;
	v4 =	vmin.f32 v4, v56  }
0x55e: {  	v61 =	vld [tilespmem:s29+$0xCF80];
	v10 =	vmax.f32 v10, v57;
	v4 =	vmin.f32 v4, v57  }
0x55f: {  	v10 =	vmax.f32 v10, v5;
	v4 =	vmin.f32 v4, v5;
	v5 =	vld [tilespmem:s26+$0x0]  }
0x560: {  	v10 =	vmax.f32 v10, v58;
	v4 =	vmin.f32 v4, v58  }
0x561: {  	v63 =	vld [tilespmem:s25+$0x0];
	v62 =	vmax.f32 v10, v59;
	v4 =	vmin.f32 v4, v59  }
0x562: {  	v6 =	vmax.f32 v62, v60;
	v4 =	vmin.f32 v4, v60  }
0x563: {  	v6 =	vmax.f32 v6, v61;
	v4 =	vmin.f32 v4, v61  }
0x564: {  	v6 =	vmul.f32 v6, v5;
	v4 =	vmul.f32 v4, v5  }
0x565: {  	p3 =	por $0x1, $0x1  }
.Ltmp32:
0x566: {  	v5 =	vadd.f32 v63, v6;
	v4 =	vadd.f32 v63, v4;
	(pc) =	sbr.rel @!p3 .LBB2_55-.Ltmp32, $4  }
0x567: {  	s0 =	sand.u32 $0x80, s2;
	s5 =	simm.s32 $0x80;
	p2 =	por $0x1, $0x1  }
0x568: {  	s14 =	simm.s32 $0x10400;
	s13 =	simm.s32 $0x10500;
	s6 =	sadd.s32 s0, s24;
	v4 =	vmax.f32 v5, v4  }
0x569: {  	s0 =	sand.u32 $0x70, s28;
	s7 =	sand.u32 $0x400, s5;
	s12 =	sadd.s32 s30, s6;
	v4 =	vmax.f32 v4, $0.0e+00  }
0x56a: {  	s15 =	sor.u32 s0, s7;
	s6 =	simm.s32 $0x20;
	[tilespmem:s12+$0x400] =	vst v4;
	s12 =	simm.s32 $0x10  }
.LBB2_56:
0x56b: {  	p3 =	sne.s32 s6, $0xF0;
	v4 =	vld [tilespmem:s15+$0xC480]  }
0x56c: {  	v5 =	vld [tilespmem:s15+$0xC400]  }
0x56d: {  	v6 =	vld [tilespmem:s15+$0xC500]  }
0x56e: {  	v7 =	vld [tilespmem:s15+$0xC580]  }
0x56f: {  	v8 =	vld [tilespmem:s15+$0xC600]  }
0x570: {  	v9 =	vld [tilespmem:s15+$0xC680]  }
0x571: {  	v10 =	vmax.f32 v5, v4;
	v4 =	vmin.f32 v5, v4;
	v5 =	vld [tilespmem:s15+$0xC700]  }
0x572: {  	v10 =	vmax.f32 v10, v6;
	v4 =	vmin.f32 v4, v6;
	v6 =	vld [tilespmem:s15+$0xC780]  }
0x573: {  	v10 =	vmax.f32 v10, v7;
	v4 =	vmin.f32 v4, v7;
	v7 =	vld [tilespmem:s15+$0xCC00]  }
0x574: {  	v10 =	vmax.f32 v10, v8;
	v4 =	vmin.f32 v4, v8;
	v8 =	vld [tilespmem:s15+$0xCC80]  }
0x575: {  	v10 =	vmax.f32 v10, v9;
	v4 =	vmin.f32 v4, v9;
	v9 =	vld [tilespmem:s15+$0xCD00]  }
0x576: {  	v10 =	vmax.f32 v10, v5;
	v4 =	vmin.f32 v4, v5;
	v5 =	vld [tilespmem:s15+$0xCD80]  }
0x577: {  	v10 =	vmax.f32 v10, v6;
	v4 =	vmin.f32 v4, v6;
	v6 =	vld [tilespmem:s15+$0xCE00]  }
0x578: {  	v10 =	vmax.f32 v10, v7;
	v4 =	vmin.f32 v4, v7;
	v7 =	vld [tilespmem:s15+$0xCE80]  }
0x579: {  	v10 =	vmax.f32 v10, v8;
	v4 =	vmin.f32 v4, v8;
	v8 =	vld [tilespmem:s15+$0xCF00]  }
0x57a: {  	s14 =	sadd.s32 $0x10, s14;
	v10 =	vmax.f32 v10, v9;
	v4 =	vmin.f32 v4, v9;
	v9 =	vld [tilespmem:s15+$0xCF80]  }
0x57b: {  	v10 =	vmax.f32 v10, v5;
	v4 =	vmin.f32 v4, v5;
	v5 =	vld [tilespmem:s14+$0x0]  }
0x57c: {  	s13 =	sadd.s32 $0x10, s13;
	v10 =	vmax.f32 v10, v6;
	v4 =	vmin.f32 v4, v6  }
0x57d: {  	v6 =	vmax.f32 v10, v7;
	v4 =	vmin.f32 v4, v7;
	v7 =	vld [tilespmem:s13+$0x0]  }
0x57e: {  	v6 =	vmax.f32 v6, v8;
	v4 =	vmin.f32 v4, v8  }
0x57f: {  	v6 =	vmax.f32 v6, v9;
	v4 =	vmin.f32 v4, v9  }
0x580: {  	v6 =	vmul.f32 v6, v5;
	v4 =	vmul.f32 v4, v5;
	_ =	sdelay $0x1  }
.Ltmp33:
0x581: {  	v5 =	vadd.f32 v7, v6;
	v4 =	vadd.f32 v7, v4;
	(pc) =	sbr.rel @p3 .LBB2_56-.Ltmp33, $4  }
0x582: {  	s7 =	sand.u32 $0x80, s12;
	s12 =	smov.u32 s6  }
0x583: {  	s5 =	sadd.s32 $0x80, s5;
	s7 =	sadd.s32 s7, s24;
	v4 =	vmax.f32 v5, v4  }
0x584: {  	s7 =	sadd.s32 s0, s7;
	s0 =	sand.u32 $0x70, s6;
	s15 =	sand.u32 $0x400, s5;
	v4 =	vmax.f32 v4, $0.0e+00  }
0x585: {  	s6 =	sadd.s32 $0x10, s6;
	s15 =	sor.u32 s0, s15;
	[tilespmem:s7+$0x400] =	vst v4  }
.LBB2_57:
0x586: {  	v4 =	vld [tilespmem:s15+$0xC480]  }
0x587: {  	v5 =	vld [tilespmem:s15+$0xC400]  }
0x588: {  	v6 =	vld [tilespmem:s15+$0xC500]  }
0x589: {  	v7 =	vld [tilespmem:s15+$0xC580]  }
0x58a: {  	v8 =	vld [tilespmem:s15+$0xC600]  }
0x58b: {  	v9 =	vld [tilespmem:s15+$0xC680]  }
0x58c: {  	v10 =	vmax.f32 v5, v4;
	v4 =	vmin.f32 v5, v4;
	v5 =	vld [tilespmem:s15+$0xC700]  }
0x58d: {  	v54 =	vld [tilespmem:s15+$0xC780];
	v10 =	vmax.f32 v10, v6;
	v4 =	vmin.f32 v4, v6  }
0x58e: {  	v55 =	vld [tilespmem:s15+$0xCC00];
	v10 =	vmax.f32 v10, v7;
	v4 =	vmin.f32 v4, v7  }
0x58f: {  	v56 =	vld [tilespmem:s15+$0xCC80];
	v10 =	vmax.f32 v10, v8;
	v4 =	vmin.f32 v4, v8  }
0x590: {  	v57 =	vld [tilespmem:s15+$0xCD00];
	v10 =	vmax.f32 v10, v9;
	v4 =	vmin.f32 v4, v9  }
0x591: {  	v10 =	vmax.f32 v10, v5;
	v4 =	vmin.f32 v4, v5;
	v5 =	vld [tilespmem:s15+$0xCD80]  }
0x592: {  	v58 =	vld [tilespmem:s15+$0xCE00];
	v10 =	vmax.f32 v10, v54;
	v4 =	vmin.f32 v4, v54  }
0x593: {  	v59 =	vld [tilespmem:s15+$0xCE80];
	v10 =	vmax.f32 v10, v55;
	v4 =	vmin.f32 v4, v55  }
0x594: {  	v60 =	vld [tilespmem:s15+$0xCF00];
	s5 =	sadd.s32 @p2 $0x10, s14;
	s6 =	simm.s32 $0x10400;
	v10 =	vmax.f32 v10, v56;
	v4 =	vmin.f32 v4, v56  }
0x595: {  	v11 =	vld [tilespmem:s15+$0xCF80];
	s6 =	smov.u32 @p2 s5;
	v10 =	vmax.f32 v10, v57;
	v4 =	vmin.f32 v4, v57  }
0x596: {  	s5 =	sadd.s32 @p2 $0x10, s13;
	v61 =	vmax.f32 v10, v5;
	v4 =	vmin.f32 v4, v5;
	v5 =	vld [tilespmem:s6+$0x0];
	s6 =	simm.s32 $0x10500  }
0x597: {  	v9 =	vmax.f32 v61, v58;
	v4 =	vmin.f32 v4, v58;
	s6 =	smov.u32 @p2 s5  }
0x598: {  	v62 =	vmax.f32 v9, v59;
	v4 =	vmin.f32 v4, v59;
	v63 =	vld [tilespmem:s6+$0x0]  }
0x599: {  	v6 =	vmax.f32 v62, v60;
	v4 =	vmin.f32 v4, v60  }
0x59a: {  	v6 =	vmax.f32 v6, v11;
	v4 =	vmin.f32 v4, v11  }
0x59b: {  	v6 =	vmul.f32 v6, v5;
	v4 =	vmul.f32 v4, v5;
	_ =	sdelay $0x1  }
.Ltmp34:
0x59c: {  	v5 =	vadd.f32 v63, v6;
	v4 =	vadd.f32 v63, v4;
	(pc) =	sbr.rel @!p1 .LBB2_58-.Ltmp34, $4  }
0x59d: {  	s31 =	sand.u32 $0x80, s12  }
0x59e: {  	s5 =	sadd.s32 s31, s24;
	v4 =	vmax.f32 v5, v4  }
0x59f: {  	s0 =	sadd.s32 s0, s5;
	v4 =	vmax.f32 v4, $0.0e+00  }
0x5a0: {  	[tilespmem:s0+$0x400] =	vst v4  }
0x5a1: {  	v4 =	vld [tilespmem:s29+$0xD480]  }
0x5a2: {  	v5 =	vld [tilespmem:s29+$0xD400]  }
0x5a3: {  	v6 =	vld [tilespmem:s29+$0xD500]  }
0x5a4: {  	v7 =	vld [tilespmem:s29+$0xD580]  }
0x5a5: {  	v8 =	vld [tilespmem:s29+$0xD600]  }
0x5a6: {  	v9 =	vld [tilespmem:s29+$0xD680]  }
0x5a7: {  	v10 =	vmax.f32 v5, v4;
	v4 =	vmin.f32 v5, v4;
	v5 =	vld [tilespmem:s29+$0xD700]  }
0x5a8: {  	v54 =	vld [tilespmem:s29+$0xD780];
	v10 =	vmax.f32 v10, v6;
	v4 =	vmin.f32 v4, v6  }
0x5a9: {  	v55 =	vld [tilespmem:s29+$0xDC00];
	v10 =	vmax.f32 v10, v7;
	v4 =	vmin.f32 v4, v7  }
0x5aa: {  	v56 =	vld [tilespmem:s29+$0xDC80];
	v10 =	vmax.f32 v10, v8;
	v4 =	vmin.f32 v4, v8  }
0x5ab: {  	v57 =	vld [tilespmem:s29+$0xDD00];
	v10 =	vmax.f32 v10, v9;
	v4 =	vmin.f32 v4, v9  }
0x5ac: {  	v10 =	vmax.f32 v10, v5;
	v4 =	vmin.f32 v4, v5;
	v5 =	vld [tilespmem:s29+$0xDD80]  }
0x5ad: {  	v58 =	vld [tilespmem:s29+$0xDE00];
	v10 =	vmax.f32 v10, v54;
	v4 =	vmin.f32 v4, v54  }
0x5ae: {  	v59 =	vld [tilespmem:s29+$0xDE80];
	v10 =	vmax.f32 v10, v55;
	v4 =	vmin.f32 v4, v55  }
0x5af: {  	v60 =	vld [tilespmem:s29+$0xDF00];
	v10 =	vmax.f32 v10, v56;
	v4 =	vmin.f32 v4, v56  }
0x5b0: {  	v61 =	vld [tilespmem:s29+$0xDF80];
	v10 =	vmax.f32 v10, v57;
	v4 =	vmin.f32 v4, v57  }
0x5b1: {  	v10 =	vmax.f32 v10, v5;
	v4 =	vmin.f32 v4, v5;
	v5 =	vld [tilespmem:s26+$0x0]  }
0x5b2: {  	v10 =	vmax.f32 v10, v58;
	v4 =	vmin.f32 v4, v58  }
0x5b3: {  	v63 =	vld [tilespmem:s25+$0x0];
	v62 =	vmax.f32 v10, v59;
	v4 =	vmin.f32 v4, v59  }
0x5b4: {  	v6 =	vmax.f32 v62, v60;
	v4 =	vmin.f32 v4, v60  }
0x5b5: {  	v6 =	vmax.f32 v6, v61;
	v4 =	vmin.f32 v4, v61  }
0x5b6: {  	v6 =	vmul.f32 v6, v5;
	v4 =	vmul.f32 v4, v5  }
0x5b7: {  	p1 =	por $0x1, $0x1  }
.Ltmp35:
0x5b8: {  	v5 =	vadd.f32 v63, v6;
	v4 =	vadd.f32 v63, v4;
	(pc) =	sbr.rel @!p1 .LBB2_60-.Ltmp35, $4  }
0x5b9: {  	s0 =	sand.u32 $0x80, s2;
	s2 =	simm.s32 $0x80  }
0x5ba: {  	s13 =	sand.u32 $0x70, s28;
	p0 =	por $0x1, $0x1;
	s0 =	sadd.s32 s0, s24;
	v4 =	vmax.f32 v5, v4  }
0x5bb: {  	s12 =	simm.s32 $0x10400;
	s5 =	sand.u32 $0x400, s2;
	s0 =	sadd.s32 s30, s0;
	v4 =	vmax.f32 v4, $0.0e+00  }
0x5bc: {  	s29 =	sor.u32 s13, s5;
	s5 =	simm.s32 $0x20;
	[tilespmem:s0+$0x500] =	vst v4;
	s0 =	simm.s32 $0x10500  }
.LBB2_61:
0x5bd: {  	p1 =	sne.s32 s5, $0xF0;
	v4 =	vld [tilespmem:s29+$0xD480]  }
0x5be: {  	v5 =	vld [tilespmem:s29+$0xD400]  }
0x5bf: {  	v6 =	vld [tilespmem:s29+$0xD500]  }
0x5c0: {  	v7 =	vld [tilespmem:s29+$0xD580]  }
0x5c1: {  	v8 =	vld [tilespmem:s29+$0xD600]  }
0x5c2: {  	v9 =	vld [tilespmem:s29+$0xD680]  }
0x5c3: {  	v10 =	vmax.f32 v5, v4;
	v4 =	vmin.f32 v5, v4;
	v5 =	vld [tilespmem:s29+$0xD700]  }
0x5c4: {  	v10 =	vmax.f32 v10, v6;
	v4 =	vmin.f32 v4, v6;
	v6 =	vld [tilespmem:s29+$0xD780]  }
0x5c5: {  	v10 =	vmax.f32 v10, v7;
	v4 =	vmin.f32 v4, v7;
	v7 =	vld [tilespmem:s29+$0xDC00]  }
0x5c6: {  	v10 =	vmax.f32 v10, v8;
	v4 =	vmin.f32 v4, v8;
	v8 =	vld [tilespmem:s29+$0xDC80]  }
0x5c7: {  	v10 =	vmax.f32 v10, v9;
	v4 =	vmin.f32 v4, v9;
	v9 =	vld [tilespmem:s29+$0xDD00]  }
0x5c8: {  	v10 =	vmax.f32 v10, v5;
	v4 =	vmin.f32 v4, v5;
	v5 =	vld [tilespmem:s29+$0xDD80]  }
0x5c9: {  	v10 =	vmax.f32 v10, v6;
	v4 =	vmin.f32 v4, v6;
	v6 =	vld [tilespmem:s29+$0xDE00]  }
0x5ca: {  	v10 =	vmax.f32 v10, v7;
	v4 =	vmin.f32 v4, v7;
	v7 =	vld [tilespmem:s29+$0xDE80]  }
0x5cb: {  	v10 =	vmax.f32 v10, v8;
	v4 =	vmin.f32 v4, v8;
	v8 =	vld [tilespmem:s29+$0xDF00]  }
0x5cc: {  	s12 =	sadd.s32 $0x10, s12;
	v10 =	vmax.f32 v10, v9;
	v4 =	vmin.f32 v4, v9;
	v9 =	vld [tilespmem:s29+$0xDF80]  }
0x5cd: {  	v10 =	vmax.f32 v10, v5;
	v4 =	vmin.f32 v4, v5;
	v5 =	vld [tilespmem:s12+$0x0]  }
0x5ce: {  	s0 =	sadd.s32 $0x10, s0;
	v10 =	vmax.f32 v10, v6;
	v4 =	vmin.f32 v4, v6  }
0x5cf: {  	v6 =	vmax.f32 v10, v7;
	v4 =	vmin.f32 v4, v7;
	v7 =	vld [tilespmem:s0+$0x0]  }
0x5d0: {  	v6 =	vmax.f32 v6, v8;
	v4 =	vmin.f32 v4, v8  }
0x5d1: {  	v6 =	vmax.f32 v6, v9;
	v4 =	vmin.f32 v4, v9  }
0x5d2: {  	v6 =	vmul.f32 v6, v5;
	v4 =	vmul.f32 v4, v5;
	_ =	sdelay $0x1  }
.Ltmp36:
0x5d3: {  	v5 =	vadd.f32 v7, v6;
	v4 =	vadd.f32 v7, v4;
	(pc) =	sbr.rel @p1 .LBB2_61-.Ltmp36, $4  }
0x5d4: {  	s6 =	sand.u32 $0x80, s28;
	s28 =	smov.u32 s5  }
0x5d5: {  	s2 =	sadd.s32 $0x80, s2;
	s6 =	sadd.s32 s6, s24;
	v4 =	vmax.f32 v5, v4  }
0x5d6: {  	s7 =	sand.u32 $0x400, s2;
	s6 =	sadd.s32 s13, s6;
	s13 =	sand.u32 $0x70, s5;
	v4 =	vmax.f32 v4, $0.0e+00  }
0x5d7: {  	s5 =	sadd.s32 $0x10, s5;
	s29 =	sor.u32 s13, s7;
	[tilespmem:s6+$0x500] =	vst v4  }
0x5d8: {  	s2 =	smov.u32 s28;
	s30 =	smov.u32 s13  }
.LBB2_63:
0x5d9: {  	v4 =	vld [tilespmem:s29+$0xD480]  }
0x5da: {  	v5 =	vld [tilespmem:s29+$0xD400]  }
0x5db: {  	v6 =	vld [tilespmem:s29+$0xD500]  }
0x5dc: {  	v7 =	vld [tilespmem:s29+$0xD580]  }
0x5dd: {  	v8 =	vld [tilespmem:s29+$0xD600]  }
0x5de: {  	v9 =	vld [tilespmem:s29+$0xD680]  }
0x5df: {  	v10 =	vmax.f32 v5, v4;
	v4 =	vmin.f32 v5, v4;
	v5 =	vld [tilespmem:s29+$0xD700]  }
0x5e0: {  	v54 =	vld [tilespmem:s29+$0xD780];
	v10 =	vmax.f32 v10, v6;
	v4 =	vmin.f32 v4, v6  }
0x5e1: {  	v55 =	vld [tilespmem:s29+$0xDC00];
	v10 =	vmax.f32 v10, v7;
	v4 =	vmin.f32 v4, v7  }
0x5e2: {  	v56 =	vld [tilespmem:s29+$0xDC80];
	v10 =	vmax.f32 v10, v8;
	v4 =	vmin.f32 v4, v8  }
0x5e3: {  	v57 =	vld [tilespmem:s29+$0xDD00];
	v10 =	vmax.f32 v10, v9;
	v4 =	vmin.f32 v4, v9  }
0x5e4: {  	v10 =	vmax.f32 v10, v5;
	v4 =	vmin.f32 v4, v5;
	v5 =	vld [tilespmem:s29+$0xDD80]  }
0x5e5: {  	v58 =	vld [tilespmem:s29+$0xDE00];
	v10 =	vmax.f32 v10, v54;
	v4 =	vmin.f32 v4, v54  }
0x5e6: {  	v59 =	vld [tilespmem:s29+$0xDE80];
	v10 =	vmax.f32 v10, v55;
	v4 =	vmin.f32 v4, v55  }
0x5e7: {  	v60 =	vld [tilespmem:s29+$0xDF00];
	s5 =	sadd.s32 @p0 $0x10, s12;
	v10 =	vmax.f32 v10, v56;
	v4 =	vmin.f32 v4, v56  }
0x5e8: {  	v61 =	vld [tilespmem:s29+$0xDF80];
	s26 =	smov.u32 @p0 s5;
	v10 =	vmax.f32 v10, v57;
	v4 =	vmin.f32 v4, v57  }
0x5e9: {  	s0 =	sadd.s32 @p0 $0x10, s0;
	v10 =	vmax.f32 v10, v5;
	v4 =	vmin.f32 v4, v5;
	v5 =	vld [tilespmem:s26+$0x0]  }
0x5ea: {  	s25 =	smov.u32 @p0 s0;
	v10 =	vmax.f32 v10, v58;
	v4 =	vmin.f32 v4, v58  }
0x5eb: {  	v63 =	vld [tilespmem:s25+$0x0];
	v62 =	vmax.f32 v10, v59;
	v4 =	vmin.f32 v4, v59  }
0x5ec: {  	v6 =	vmax.f32 v62, v60;
	v4 =	vmin.f32 v4, v60  }
0x5ed: {  	v6 =	vmax.f32 v6, v61;
	v4 =	vmin.f32 v4, v61  }
0x5ee: {  	s14 =	sand.u32 $0x80, s2;
	v6 =	vmul.f32 v6, v5;
	v4 =	vmul.f32 v4, v5  }
0x5ef: {  	s31 =	simm.s32 $0x0;
	p2 =	por $0x1, $0x1;
	s28 =	simm.s32 $0x10  }
.Ltmp37:
0x5f0: {  	s13 =	simm.s32 $0x10500;
	s12 =	simm.s32 $0x0;
	v5 =	vadd.f32 v63, v6;
	v4 =	vadd.f32 v63, v4;
	(pc) =	sbr.rel @!p2 .LBB2_67-.Ltmp37, $4  }
0x5f1: {  	p1 =	por $0x0, $0x0;
	s2 =	sadd.s32 s14, s24;
	s0 =	sand.u32 $0x70, s31  }
0x5f2: {  	s15 =	sand.u32 $0x400, s31;
	p0 =	por $0x0, $0x0;
	s14 =	simm.s32 $0x10400;
	v4 =	vmax.f32 v5, v4  }
0x5f3: {  	s25 =	simm.s32 $0x10500;
	s2 =	sadd.s32 s30, s2;
	s29 =	sor.u32 s0, s15;
	v4 =	vmax.f32 v4, $0.0e+00  }
0x5f4: {  	s15 =	smov.u32 s29;
	s26 =	simm.s32 $0x10400;
	[tilespmem:s2+$0x500] =	vst v4;
	s2 =	smov.u32 s0  }
0x5f5: {  	v4 =	vld [tilespmem:s29+$0xE480]  }
0x5f6: {  	v5 =	vld [tilespmem:s29+$0xE400]  }
0x5f7: {  	v6 =	vld [tilespmem:s29+$0xE500]  }
0x5f8: {  	v7 =	vld [tilespmem:s29+$0xE580]  }
0x5f9: {  	v8 =	vld [tilespmem:s29+$0xE600]  }
0x5fa: {  	v9 =	vld [tilespmem:s29+$0xE680]  }
0x5fb: {  	v10 =	vmax.f32 v5, v4;
	v4 =	vmin.f32 v5, v4;
	v5 =	vld [tilespmem:s29+$0xE700]  }
0x5fc: {  	v54 =	vld [tilespmem:s29+$0xE780];
	v10 =	vmax.f32 v10, v6;
	v4 =	vmin.f32 v4, v6  }
0x5fd: {  	v55 =	vld [tilespmem:s29+$0xEC00];
	v10 =	vmax.f32 v10, v7;
	v4 =	vmin.f32 v4, v7  }
0x5fe: {  	v56 =	vld [tilespmem:s29+$0xEC80];
	v10 =	vmax.f32 v10, v8;
	v4 =	vmin.f32 v4, v8  }
0x5ff: {  	v57 =	vld [tilespmem:s29+$0xED00];
	v10 =	vmax.f32 v10, v9;
	v4 =	vmin.f32 v4, v9  }
0x600: {  	v10 =	vmax.f32 v10, v5;
	v4 =	vmin.f32 v4, v5;
	v5 =	vld [tilespmem:s29+$0xED80]  }
0x601: {  	v58 =	vld [tilespmem:s29+$0xEE00];
	v10 =	vmax.f32 v10, v54;
	v4 =	vmin.f32 v4, v54  }
0x602: {  	v59 =	vld [tilespmem:s29+$0xEE80];
	v10 =	vmax.f32 v10, v55;
	v4 =	vmin.f32 v4, v55  }
0x603: {  	v60 =	vld [tilespmem:s29+$0xEF00];
	v10 =	vmax.f32 v10, v56;
	v4 =	vmin.f32 v4, v56  }
0x604: {  	v61 =	vld [tilespmem:s29+$0xEF80];
	v10 =	vmax.f32 v10, v57;
	v4 =	vmin.f32 v4, v57  }
0x605: {  	v10 =	vmax.f32 v10, v5;
	v4 =	vmin.f32 v4, v5;
	v5 =	vld [tilespmem:s26+$0x0]  }
0x606: {  	v10 =	vmax.f32 v10, v58;
	v4 =	vmin.f32 v4, v58  }
0x607: {  	v63 =	vld [tilespmem:s25+$0x0];
	v62 =	vmax.f32 v10, v59;
	v4 =	vmin.f32 v4, v59  }
0x608: {  	v6 =	vmax.f32 v62, v60;
	v4 =	vmin.f32 v4, v60  }
0x609: {  	v6 =	vmax.f32 v6, v61;
	v4 =	vmin.f32 v4, v61  }
0x60a: {  	v6 =	vmul.f32 v6, v5;
	v4 =	vmul.f32 v4, v5  }
0x60b: {  	p2 =	por $0x1, $0x1  }
.Ltmp38:
0x60c: {  	v5 =	vadd.f32 v63, v6;
	v4 =	vadd.f32 v63, v4;
	(pc) =	sbr.rel @!p2 .LBB2_65-.Ltmp38, $4  }
0x60d: {  	s2 =	sand.u32 $0x80, s31;
	s5 =	simm.s32 $0x80;
	p1 =	por $0x1, $0x1  }
0x60e: {  	s14 =	simm.s32 $0x10400;
	s13 =	simm.s32 $0x10500;
	s6 =	sadd.s32 s2, s24;
	v4 =	vmax.f32 v5, v4  }
0x60f: {  	s2 =	sand.u32 $0x70, s28;
	s7 =	sand.u32 $0x400, s5;
	s12 =	sadd.s32 s0, s6;
	v4 =	vmax.f32 v4, $0.0e+00  }
0x610: {  	s15 =	sor.u32 s2, s7;
	s6 =	simm.s32 $0x20;
	[tilespmem:s12+$0x600] =	vst v4;
	s12 =	simm.s32 $0x10  }
.LBB2_66:
0x611: {  	p2 =	sne.s32 s6, $0xF0;
	v4 =	vld [tilespmem:s15+$0xE480]  }
0x612: {  	v5 =	vld [tilespmem:s15+$0xE400]  }
0x613: {  	v6 =	vld [tilespmem:s15+$0xE500]  }
0x614: {  	v7 =	vld [tilespmem:s15+$0xE580]  }
0x615: {  	v8 =	vld [tilespmem:s15+$0xE600]  }
0x616: {  	v9 =	vld [tilespmem:s15+$0xE680]  }
0x617: {  	v10 =	vmax.f32 v5, v4;
	v4 =	vmin.f32 v5, v4;
	v5 =	vld [tilespmem:s15+$0xE700]  }
0x618: {  	v10 =	vmax.f32 v10, v6;
	v4 =	vmin.f32 v4, v6;
	v6 =	vld [tilespmem:s15+$0xE780]  }
0x619: {  	v10 =	vmax.f32 v10, v7;
	v4 =	vmin.f32 v4, v7;
	v7 =	vld [tilespmem:s15+$0xEC00]  }
0x61a: {  	v10 =	vmax.f32 v10, v8;
	v4 =	vmin.f32 v4, v8;
	v8 =	vld [tilespmem:s15+$0xEC80]  }
0x61b: {  	v10 =	vmax.f32 v10, v9;
	v4 =	vmin.f32 v4, v9;
	v9 =	vld [tilespmem:s15+$0xED00]  }
0x61c: {  	v10 =	vmax.f32 v10, v5;
	v4 =	vmin.f32 v4, v5;
	v5 =	vld [tilespmem:s15+$0xED80]  }
0x61d: {  	v10 =	vmax.f32 v10, v6;
	v4 =	vmin.f32 v4, v6;
	v6 =	vld [tilespmem:s15+$0xEE00]  }
0x61e: {  	v10 =	vmax.f32 v10, v7;
	v4 =	vmin.f32 v4, v7;
	v7 =	vld [tilespmem:s15+$0xEE80]  }
0x61f: {  	v10 =	vmax.f32 v10, v8;
	v4 =	vmin.f32 v4, v8;
	v8 =	vld [tilespmem:s15+$0xEF00]  }
0x620: {  	s14 =	sadd.s32 $0x10, s14;
	v10 =	vmax.f32 v10, v9;
	v4 =	vmin.f32 v4, v9;
	v9 =	vld [tilespmem:s15+$0xEF80]  }
0x621: {  	v10 =	vmax.f32 v10, v5;
	v4 =	vmin.f32 v4, v5;
	v5 =	vld [tilespmem:s14+$0x0]  }
0x622: {  	s13 =	sadd.s32 $0x10, s13;
	v10 =	vmax.f32 v10, v6;
	v4 =	vmin.f32 v4, v6  }
0x623: {  	v6 =	vmax.f32 v10, v7;
	v4 =	vmin.f32 v4, v7;
	v7 =	vld [tilespmem:s13+$0x0]  }
0x624: {  	v6 =	vmax.f32 v6, v8;
	v4 =	vmin.f32 v4, v8  }
0x625: {  	v6 =	vmax.f32 v6, v9;
	v4 =	vmin.f32 v4, v9  }
0x626: {  	v6 =	vmul.f32 v6, v5;
	v4 =	vmul.f32 v4, v5;
	_ =	sdelay $0x1  }
.Ltmp39:
0x627: {  	v5 =	vadd.f32 v7, v6;
	v4 =	vadd.f32 v7, v4;
	(pc) =	sbr.rel @p2 .LBB2_66-.Ltmp39, $4  }
0x628: {  	s7 =	sand.u32 $0x80, s12;
	s12 =	smov.u32 s6  }
0x629: {  	s5 =	sadd.s32 $0x80, s5;
	s7 =	sadd.s32 s7, s24;
	v4 =	vmax.f32 v5, v4  }
0x62a: {  	s7 =	sadd.s32 s2, s7;
	s2 =	sand.u32 $0x70, s6;
	s15 =	sand.u32 $0x400, s5;
	v4 =	vmax.f32 v4, $0.0e+00  }
0x62b: {  	s6 =	sadd.s32 $0x10, s6;
	s15 =	sor.u32 s2, s15;
	[tilespmem:s7+$0x600] =	vst v4  }
.LBB2_67:
0x62c: {  	v4 =	vld [tilespmem:s15+$0xE480]  }
0x62d: {  	v5 =	vld [tilespmem:s15+$0xE400]  }
0x62e: {  	v6 =	vld [tilespmem:s15+$0xE500]  }
0x62f: {  	v7 =	vld [tilespmem:s15+$0xE580]  }
0x630: {  	v8 =	vld [tilespmem:s15+$0xE600]  }
0x631: {  	v9 =	vld [tilespmem:s15+$0xE680]  }
0x632: {  	v10 =	vmax.f32 v5, v4;
	v4 =	vmin.f32 v5, v4;
	v5 =	vld [tilespmem:s15+$0xE700]  }
0x633: {  	v54 =	vld [tilespmem:s15+$0xE780];
	v10 =	vmax.f32 v10, v6;
	v4 =	vmin.f32 v4, v6  }
0x634: {  	v55 =	vld [tilespmem:s15+$0xEC00];
	v10 =	vmax.f32 v10, v7;
	v4 =	vmin.f32 v4, v7  }
0x635: {  	v56 =	vld [tilespmem:s15+$0xEC80];
	v10 =	vmax.f32 v10, v8;
	v4 =	vmin.f32 v4, v8  }
0x636: {  	v57 =	vld [tilespmem:s15+$0xED00];
	v10 =	vmax.f32 v10, v9;
	v4 =	vmin.f32 v4, v9  }
0x637: {  	v10 =	vmax.f32 v10, v5;
	v4 =	vmin.f32 v4, v5;
	v5 =	vld [tilespmem:s15+$0xED80]  }
0x638: {  	v58 =	vld [tilespmem:s15+$0xEE00];
	v10 =	vmax.f32 v10, v54;
	v4 =	vmin.f32 v4, v54  }
0x639: {  	v59 =	vld [tilespmem:s15+$0xEE80];
	v10 =	vmax.f32 v10, v55;
	v4 =	vmin.f32 v4, v55  }
0x63a: {  	v60 =	vld [tilespmem:s15+$0xEF00];
	s5 =	sadd.s32 @p1 $0x10, s14;
	s6 =	simm.s32 $0x10400;
	v10 =	vmax.f32 v10, v56;
	v4 =	vmin.f32 v4, v56  }
0x63b: {  	v11 =	vld [tilespmem:s15+$0xEF80];
	s6 =	smov.u32 @p1 s5;
	v10 =	vmax.f32 v10, v57;
	v4 =	vmin.f32 v4, v57  }
0x63c: {  	s5 =	sadd.s32 @p1 $0x10, s13;
	v61 =	vmax.f32 v10, v5;
	v4 =	vmin.f32 v4, v5;
	v5 =	vld [tilespmem:s6+$0x0];
	s6 =	simm.s32 $0x10500  }
0x63d: {  	v9 =	vmax.f32 v61, v58;
	v4 =	vmin.f32 v4, v58;
	s6 =	smov.u32 @p1 s5  }
0x63e: {  	v62 =	vmax.f32 v9, v59;
	v4 =	vmin.f32 v4, v59;
	v63 =	vld [tilespmem:s6+$0x0]  }
0x63f: {  	v6 =	vmax.f32 v62, v60;
	v4 =	vmin.f32 v4, v60  }
0x640: {  	v6 =	vmax.f32 v6, v11;
	v4 =	vmin.f32 v4, v11  }
0x641: {  	v6 =	vmul.f32 v6, v5;
	v4 =	vmul.f32 v4, v5  }
0x642: {  	p1 =	por $0x0, $0x0  }
.Ltmp40:
0x643: {  	v5 =	vadd.f32 v63, v6;
	v4 =	vadd.f32 v63, v4;
	(pc) =	sbr.rel @p1 .LBB2_68-.Ltmp40, $4  }
0x644: {  	s30 =	sand.u32 $0x80, s12  }
0x645: {  	s5 =	sadd.s32 s30, s24;
	v4 =	vmax.f32 v5, v4  }
0x646: {  	s2 =	sadd.s32 s2, s5;
	v4 =	vmax.f32 v4, $0.0e+00  }
0x647: {  	[tilespmem:s2+$0x600] =	vst v4  }
0x648: {  	v4 =	vld [tilespmem:s29+$0xF480]  }
0x649: {  	v5 =	vld [tilespmem:s29+$0xF400]  }
0x64a: {  	v6 =	vld [tilespmem:s29+$0xF500]  }
0x64b: {  	v7 =	vld [tilespmem:s29+$0xF580]  }
0x64c: {  	v8 =	vld [tilespmem:s29+$0xF600]  }
0x64d: {  	v9 =	vld [tilespmem:s29+$0xF680]  }
0x64e: {  	v10 =	vmax.f32 v5, v4;
	v4 =	vmin.f32 v5, v4;
	v5 =	vld [tilespmem:s29+$0xF700]  }
0x64f: {  	v54 =	vld [tilespmem:s29+$0xF780];
	v10 =	vmax.f32 v10, v6;
	v4 =	vmin.f32 v4, v6  }
0x650: {  	v55 =	vld [tilespmem:s29+$0xFC00];
	v10 =	vmax.f32 v10, v7;
	v4 =	vmin.f32 v4, v7  }
0x651: {  	v56 =	vld [tilespmem:s29+$0xFC80];
	v10 =	vmax.f32 v10, v8;
	v4 =	vmin.f32 v4, v8  }
0x652: {  	v57 =	vld [tilespmem:s29+$0xFD00];
	v10 =	vmax.f32 v10, v9;
	v4 =	vmin.f32 v4, v9  }
0x653: {  	v10 =	vmax.f32 v10, v5;
	v4 =	vmin.f32 v4, v5;
	v5 =	vld [tilespmem:s29+$0xFD80]  }
0x654: {  	v58 =	vld [tilespmem:s29+$0xFE00];
	v10 =	vmax.f32 v10, v54;
	v4 =	vmin.f32 v4, v54  }
0x655: {  	v59 =	vld [tilespmem:s29+$0xFE80];
	v10 =	vmax.f32 v10, v55;
	v4 =	vmin.f32 v4, v55  }
0x656: {  	v60 =	vld [tilespmem:s29+$0xFF00];
	v10 =	vmax.f32 v10, v56;
	v4 =	vmin.f32 v4, v56  }
0x657: {  	v61 =	vld [tilespmem:s29+$0xFF80];
	v10 =	vmax.f32 v10, v57;
	v4 =	vmin.f32 v4, v57  }
0x658: {  	v10 =	vmax.f32 v10, v5;
	v4 =	vmin.f32 v4, v5;
	v5 =	vld [tilespmem:s26+$0x0]  }
0x659: {  	v10 =	vmax.f32 v10, v58;
	v4 =	vmin.f32 v4, v58  }
0x65a: {  	v63 =	vld [tilespmem:s25+$0x0];
	v62 =	vmax.f32 v10, v59;
	v4 =	vmin.f32 v4, v59  }
0x65b: {  	v6 =	vmax.f32 v62, v60;
	v4 =	vmin.f32 v4, v60  }
0x65c: {  	v6 =	vmax.f32 v6, v61;
	v4 =	vmin.f32 v4, v61  }
0x65d: {  	v6 =	vmul.f32 v6, v5;
	v4 =	vmul.f32 v4, v5  }
0x65e: {  	p1 =	por $0x0, $0x0  }
.Ltmp41:
0x65f: {  	v5 =	vadd.f32 v63, v6;
	v4 =	vadd.f32 v63, v4;
	(pc) =	sbr.rel @p1 .LBB2_70-.Ltmp41, $4  }
0x660: {  	s2 =	sand.u32 $0x80, s31;
	s5 =	simm.s32 $0x80  }
0x661: {  	s13 =	sand.u32 $0x70, s28;
	p0 =	por $0x1, $0x1;
	s2 =	sadd.s32 s2, s24;
	v4 =	vmax.f32 v5, v4  }
0x662: {  	s12 =	simm.s32 $0x10400;
	s6 =	sand.u32 $0x400, s5;
	s2 =	sadd.s32 s0, s2;
	v4 =	vmax.f32 v4, $0.0e+00  }
0x663: {  	s0 =	simm.s32 $0x20;
	s29 =	sor.u32 s13, s6;
	[tilespmem:s2+$0x700] =	vst v4;
	s2 =	simm.s32 $0x10500  }
.LBB2_71:
0x664: {  	p1 =	seq.s32 s0, $0xF0;
	v4 =	vld [tilespmem:s29+$0xF480]  }
0x665: {  	v5 =	vld [tilespmem:s29+$0xF400]  }
0x666: {  	v6 =	vld [tilespmem:s29+$0xF500]  }
0x667: {  	v7 =	vld [tilespmem:s29+$0xF580]  }
0x668: {  	v8 =	vld [tilespmem:s29+$0xF600]  }
0x669: {  	v9 =	vld [tilespmem:s29+$0xF680]  }
0x66a: {  	v10 =	vmax.f32 v5, v4;
	v4 =	vmin.f32 v5, v4;
	v5 =	vld [tilespmem:s29+$0xF700]  }
0x66b: {  	v10 =	vmax.f32 v10, v6;
	v4 =	vmin.f32 v4, v6;
	v6 =	vld [tilespmem:s29+$0xF780]  }
0x66c: {  	v10 =	vmax.f32 v10, v7;
	v4 =	vmin.f32 v4, v7;
	v7 =	vld [tilespmem:s29+$0xFC00]  }
0x66d: {  	v10 =	vmax.f32 v10, v8;
	v4 =	vmin.f32 v4, v8;
	v8 =	vld [tilespmem:s29+$0xFC80]  }
0x66e: {  	v10 =	vmax.f32 v10, v9;
	v4 =	vmin.f32 v4, v9;
	v9 =	vld [tilespmem:s29+$0xFD00]  }
0x66f: {  	v10 =	vmax.f32 v10, v5;
	v4 =	vmin.f32 v4, v5;
	v5 =	vld [tilespmem:s29+$0xFD80]  }
0x670: {  	v10 =	vmax.f32 v10, v6;
	v4 =	vmin.f32 v4, v6;
	v6 =	vld [tilespmem:s29+$0xFE00]  }
0x671: {  	v10 =	vmax.f32 v10, v7;
	v4 =	vmin.f32 v4, v7;
	v7 =	vld [tilespmem:s29+$0xFE80]  }
0x672: {  	v10 =	vmax.f32 v10, v8;
	v4 =	vmin.f32 v4, v8;
	v8 =	vld [tilespmem:s29+$0xFF00]  }
0x673: {  	s12 =	sadd.s32 $0x10, s12;
	v10 =	vmax.f32 v10, v9;
	v4 =	vmin.f32 v4, v9;
	v9 =	vld [tilespmem:s29+$0xFF80]  }
0x674: {  	v10 =	vmax.f32 v10, v5;
	v4 =	vmin.f32 v4, v5;
	v5 =	vld [tilespmem:s12+$0x0]  }
0x675: {  	s2 =	sadd.s32 $0x10, s2;
	v10 =	vmax.f32 v10, v6;
	v4 =	vmin.f32 v4, v6  }
0x676: {  	v6 =	vmax.f32 v10, v7;
	v4 =	vmin.f32 v4, v7;
	v7 =	vld [tilespmem:s2+$0x0]  }
0x677: {  	v6 =	vmax.f32 v6, v8;
	v4 =	vmin.f32 v4, v8  }
0x678: {  	v6 =	vmax.f32 v6, v9;
	v4 =	vmin.f32 v4, v9  }
0x679: {  	v6 =	vmul.f32 v6, v5;
	v4 =	vmul.f32 v4, v5;
	_ =	sdelay $0x1  }
.Ltmp42:
0x67a: {  	v5 =	vadd.f32 v7, v6;
	v4 =	vadd.f32 v7, v4;
	(pc) =	sbr.rel @!p1 .LBB2_71-.Ltmp42, $4  }
0x67b: {  	s6 =	sand.u32 $0x80, s28;
	s28 =	smov.u32 s0  }
0x67c: {  	s5 =	sadd.s32 $0x80, s5;
	s6 =	sadd.s32 s6, s24;
	v4 =	vmax.f32 v5, v4  }
0x67d: {  	s7 =	sand.u32 $0x400, s5;
	s6 =	sadd.s32 s13, s6;
	s13 =	sand.u32 $0x70, s0;
	v4 =	vmax.f32 v4, $0.0e+00  }
0x67e: {  	s0 =	sadd.s32 $0x10, s0;
	s29 =	sor.u32 s13, s7;
	[tilespmem:s6+$0x700] =	vst v4  }
0x67f: {  	s31 =	smov.u32 s28;
	s0 =	smov.u32 s13  }
.LBB2_73:
0x680: {  	v4 =	vld [tilespmem:s29+$0xF480]  }
0x681: {  	v5 =	vld [tilespmem:s29+$0xF400]  }
0x682: {  	v6 =	vld [tilespmem:s29+$0xF500]  }
0x683: {  	v7 =	vld [tilespmem:s29+$0xF580]  }
0x684: {  	v8 =	vld [tilespmem:s29+$0xF600]  }
0x685: {  	v9 =	vld [tilespmem:s29+$0xF680]  }
0x686: {  	v10 =	vmax.f32 v5, v4;
	v4 =	vmin.f32 v5, v4;
	v5 =	vld [tilespmem:s29+$0xF700]  }
0x687: {  	v54 =	vld [tilespmem:s29+$0xF780];
	v10 =	vmax.f32 v10, v6;
	v4 =	vmin.f32 v4, v6  }
0x688: {  	v55 =	vld [tilespmem:s29+$0xFC00];
	v10 =	vmax.f32 v10, v7;
	v4 =	vmin.f32 v4, v7  }
0x689: {  	v56 =	vld [tilespmem:s29+$0xFC80];
	v10 =	vmax.f32 v10, v8;
	v4 =	vmin.f32 v4, v8  }
0x68a: {  	v57 =	vld [tilespmem:s29+$0xFD00];
	v10 =	vmax.f32 v10, v9;
	v4 =	vmin.f32 v4, v9  }
0x68b: {  	v10 =	vmax.f32 v10, v5;
	v4 =	vmin.f32 v4, v5;
	v5 =	vld [tilespmem:s29+$0xFD80]  }
0x68c: {  	v58 =	vld [tilespmem:s29+$0xFE00];
	v10 =	vmax.f32 v10, v54;
	v4 =	vmin.f32 v4, v54  }
0x68d: {  	v59 =	vld [tilespmem:s29+$0xFE80];
	v10 =	vmax.f32 v10, v55;
	v4 =	vmin.f32 v4, v55  }
0x68e: {  	v60 =	vld [tilespmem:s29+$0xFF00];
	s5 =	sadd.s32 @p0 $0x10, s12;
	v10 =	vmax.f32 v10, v56;
	v4 =	vmin.f32 v4, v56  }
0x68f: {  	v61 =	vld [tilespmem:s29+$0xFF80];
	s26 =	smov.u32 @p0 s5;
	v10 =	vmax.f32 v10, v57;
	v4 =	vmin.f32 v4, v57  }
0x690: {  	s2 =	sadd.s32 @p0 $0x10, s2;
	v10 =	vmax.f32 v10, v5;
	v4 =	vmin.f32 v4, v5;
	v5 =	vld [tilespmem:s26+$0x0]  }
0x691: {  	s25 =	smov.u32 @p0 s2;
	v10 =	vmax.f32 v10, v58;
	v4 =	vmin.f32 v4, v58  }
0x692: {  	v63 =	vld [tilespmem:s25+$0x0];
	v62 =	vmax.f32 v10, v59;
	v4 =	vmin.f32 v4, v59  }
0x693: {  	v6 =	vmax.f32 v62, v60;
	v4 =	vmin.f32 v4, v60  }
0x694: {  	v6 =	vmax.f32 v6, v61;
	v4 =	vmin.f32 v4, v61  }
0x695: {  	v6 =	vmul.f32 v6, v5;
	v4 =	vmul.f32 v4, v5;
	_ =	sdelay $0x1  }
0x696: {  	v5 =	vadd.f32 v63, v6;
	v4 =	vadd.f32 v63, v4  }
0x697: {  	s31 =	sand.u32 $0x80, s31  }
0x698: {  	s2 =	sadd.s32 s31, s24;
	v4 =	vmax.f32 v5, v4  }
0x699: {  	s0 =	sadd.s32 s0, s2;
	v4 =	vmax.f32 v4, $0.0e+00  }
0x69a: {  	[tilespmem:s0+$0x700] =	vst v4  }
0x69b: {  	p0 =	seq.s32 s23, $0x4  }
.Ltmp43:
0x69c: {  	_ = 	snop;
	(pc) =	sbr.rel @!p0 .LBB2_3-.Ltmp43, $4  }
.Ltmp44:
0x69d: {  	_ = 	snop;
	(pc) =	sbr.rel @p0 .LBB2_74-.Ltmp44, $4  }
0x69e: {  	_ = 	snop  }
0x69f: {  	_ = 	snop  }
0x6a0: {  	_ = 	snop  }
0x6a1: {  	_ = 	snop  }
.LBB2_12:
.Ltmp45:
0x6a2: {  	(pc) =	sbr.rel .LBB2_17-.Ltmp45, $2  }
0x6a3: {  	_ =	sdelay $0x2  }
0x6a4: {  	s12 =	simm.s32 $0x10400;
	s2 =	simm.s32 $0x10500  }
.LBB2_22:
.Ltmp46:
0x6a5: {  	(pc) =	sbr.rel .LBB2_27-.Ltmp46, $2  }
0x6a6: {  	_ =	sdelay $0x2  }
0x6a7: {  	s13 =	simm.s32 $0x10400;
	s12 =	simm.s32 $0x10500  }
.LBB2_32:
.Ltmp47:
0x6a8: {  	(pc) =	sbr.rel .LBB2_37-.Ltmp47, $2  }
0x6a9: {  	_ =	sdelay $0x2  }
0x6aa: {  	s12 =	simm.s32 $0x10400;
	s0 =	simm.s32 $0x10500  }
.LBB2_48:
.Ltmp48:
0x6ab: {  	(pc) =	sbr.rel .LBB2_53-.Ltmp48, $2  }
0x6ac: {  	_ =	sdelay $0x2  }
0x6ad: {  	s13 =	simm.s32 $0x10400;
	s12 =	simm.s32 $0x10500  }
.LBB2_58:
.Ltmp49:
0x6ae: {  	(pc) =	sbr.rel .LBB2_63-.Ltmp49, $2  }
0x6af: {  	_ =	sdelay $0x2  }
0x6b0: {  	s12 =	simm.s32 $0x10400;
	s0 =	simm.s32 $0x10500  }
.LBB2_68:
.Ltmp50:
0x6b1: {  	(pc) =	sbr.rel .LBB2_73-.Ltmp50, $2  }
0x6b2: {  	_ =	sdelay $0x2  }
0x6b3: {  	s12 =	simm.s32 $0x10400;
	s2 =	simm.s32 $0x10500  }
.LBB2_9:
.Ltmp51:
0x6b4: {  	(pc) =	sbr.rel .LBB2_11-.Ltmp51, $2  }
0x6b5: {  	_ =	sdelay $0x2  }
0x6b6: {  	s14 =	simm.s32 $0x10400;
	s13 =	simm.s32 $0x10500;
	s12 =	simm.s32 $0x10  }
.LBB2_14:
.Ltmp52:
0x6b7: {  	(pc) =	sbr.rel .LBB2_17-.Ltmp52, $3  }
0x6b8: {  	_ =	sdelay $0x1  }
0x6b9: {  	s12 =	simm.s32 $0x10400  }
0x6ba: {  	s2 =	simm.s32 $0x10500;
	s0 =	simm.s32 $0x10;
	s31 =	smov.u32 s13  }
.LBB2_19:
.Ltmp53:
0x6bb: {  	(pc) =	sbr.rel .LBB2_21-.Ltmp53, $2  }
0x6bc: {  	_ =	sdelay $0x2  }
0x6bd: {  	s14 =	simm.s32 $0x10400;
	s13 =	simm.s32 $0x10500;
	s12 =	simm.s32 $0x10  }
.LBB2_24:
.Ltmp54:
0x6be: {  	(pc) =	sbr.rel .LBB2_27-.Ltmp54, $3  }
0x6bf: {  	_ =	sdelay $0x1  }
0x6c0: {  	s13 =	simm.s32 $0x10400  }
0x6c1: {  	s12 =	simm.s32 $0x10500;
	s2 =	simm.s32 $0x10;
	s0 =	smov.u32 s14  }
.LBB2_29:
.Ltmp55:
0x6c2: {  	(pc) =	sbr.rel .LBB2_31-.Ltmp55, $2  }
0x6c3: {  	_ =	sdelay $0x2  }
0x6c4: {  	s14 =	simm.s32 $0x10400;
	s13 =	simm.s32 $0x10500;
	s12 =	simm.s32 $0x10  }
.LBB2_34:
.Ltmp56:
0x6c5: {  	(pc) =	sbr.rel .LBB2_37-.Ltmp56, $3  }
0x6c6: {  	_ =	sdelay $0x1  }
0x6c7: {  	s12 =	simm.s32 $0x10400  }
0x6c8: {  	s0 =	simm.s32 $0x10500;
	s2 =	simm.s32 $0x10;
	s31 =	smov.u32 s13  }
.LBB2_45:
.Ltmp57:
0x6c9: {  	(pc) =	sbr.rel .LBB2_47-.Ltmp57, $2  }
0x6ca: {  	_ =	sdelay $0x2  }
0x6cb: {  	s14 =	simm.s32 $0x10400;
	s13 =	simm.s32 $0x10500;
	s12 =	simm.s32 $0x10  }
.LBB2_50:
.Ltmp58:
0x6cc: {  	(pc) =	sbr.rel .LBB2_53-.Ltmp58, $3  }
0x6cd: {  	_ =	sdelay $0x1  }
0x6ce: {  	s13 =	simm.s32 $0x10400  }
0x6cf: {  	s12 =	simm.s32 $0x10500;
	s2 =	simm.s32 $0x10;
	s0 =	smov.u32 s14  }
.LBB2_55:
.Ltmp59:
0x6d0: {  	(pc) =	sbr.rel .LBB2_57-.Ltmp59, $2  }
0x6d1: {  	_ =	sdelay $0x2  }
0x6d2: {  	s14 =	simm.s32 $0x10400;
	s13 =	simm.s32 $0x10500;
	s12 =	simm.s32 $0x10  }
.LBB2_60:
.Ltmp60:
0x6d3: {  	(pc) =	sbr.rel .LBB2_63-.Ltmp60, $3  }
0x6d4: {  	_ =	sdelay $0x1  }
0x6d5: {  	s12 =	simm.s32 $0x10400  }
0x6d6: {  	s0 =	simm.s32 $0x10500;
	s2 =	simm.s32 $0x10;
	s30 =	smov.u32 s13  }
.LBB2_65:
.Ltmp61:
0x6d7: {  	(pc) =	sbr.rel .LBB2_67-.Ltmp61, $2  }
0x6d8: {  	_ =	sdelay $0x2  }
0x6d9: {  	s14 =	simm.s32 $0x10400;
	s13 =	simm.s32 $0x10500;
	s12 =	simm.s32 $0x10  }
.LBB2_70:
.Ltmp62:
0x6da: {  	(pc) =	sbr.rel .LBB2_73-.Ltmp62, $3  }
0x6db: {  	_ =	sdelay $0x1  }
0x6dc: {  	s12 =	simm.s32 $0x10400  }
0x6dd: {  	s2 =	simm.s32 $0x10500;
	s31 =	simm.s32 $0x10;
	s0 =	smov.u32 s13  }
.LBB2_75:
0x6de: {  	_ =	sfence.sel $0x180000  }
0x6df: {  	[bflag:$0x0] =	sbarrier.arrive $0xFFFF  }
0x6e0: {  	_ =	strace $0x9000004A  }
0x6e1: {  	s0 =	stileid.u32;
	[bflag:$0x2] =	sbarrier.arrive $0xFFFF  }
0x6e2: {  	p0 =	sne.s32 s0, $0x0;
	s0 =	rddreg [dreg:$0x3]  }
0x6e3: {  	s0 =	sadd.s32 @!p0 $0x100000, s0  }
0x6e4: {  	[sflag:s0] =	ssyncadd.tile.s32 @!p0 $0x1;
	_ =	shalt  }
.Lfunc_end2:
_tile_overlayer_lowered:
.L_overlay_start_2:
0x6e5: {  	(tag) =	ssettag $0x2  }
0x6e6: {  	s0 =	rddreg [dreg:$0x0];
	s2 =	stileid.u32  }
0x6e7: {  	s1 =	rddreg [dreg:$0x1];
	p0 =	sne.s32 s2, $0x0  }
0x6e8: {  	s3 =	rddreg [dreg:$0x2];
	[bflag:$0x3] =	sbarrier.arrive $0xFFFF;
	s2 =	simm.s32 @!p0 $0x1C03  }
0x6e9: {  	[timem:s3], [sflag:s2] =	dma.local @!p0 [hbm:s0], s1  }
0x6ea: {  	s0 =	simm.s32 @!p0 $0x3  }
0x6eb: {  	_ =	swait.ge @!p0 [sflag:s0], s1  }
0x6ec: {  	s1 =	ssub.s32 @!p0 $0x0, s1;
	[sflag:s0] =	ssyncset.done @!p0 $0x0  }
0x6ed: {  	[sflag:s0] =	ssyncadd.s32 @!p0 s1  }
0x6ee: {  	[bflag:$0x3] =	sbarrier.arrive $0xFFFF  }
0x6ef: {  	_ =	shalt  }

</sc_bundles>
